<compile_context>
chip_gen: v7x
topology: tpu7x:2x2x1
jax: 0.10.2.dev20260603
libtpu: 0.0.44.dev20260713+nightly
codegen_flags: <defaults>
</compile_context>

<pallas_src>
import functools

import jax
import jax.numpy as jnp
from jax.experimental import pallas as pl
from jax.experimental.pallas import tpu as pltpu
from jax.experimental.pallas import tpu_sc as plsc

_PAIR = 2
_BB = 16


def _dot(a, b):
    return jax.lax.dot_general(a, b, (((1,), (1,)), ((), ())),
                               preferred_element_type=jnp.float32)


def _sq_dists(t, i):
    eps2 = jnp.float32(1e-24)
    K = t.shape[0]
    M = i.shape[0]
    ones_row = jnp.ones((1, t.shape[1]), jnp.float32)
    nt2 = _dot(t * t, ones_row)
    ra = jax.lax.rsqrt(jnp.maximum(nt2, eps2))
    a2 = nt2 * ra * ra
    ni2 = _dot(i * i, ones_row)
    rb = jax.lax.rsqrt(jnp.maximum(ni2, eps2))
    b2 = ni2 * rb * rb
    i2 = i * (-2.0 * rb)
    x = _dot(t, i2)
    pa = jnp.concatenate([a2, jnp.ones((K, 1), jnp.float32)], axis=1)
    pb = jnp.concatenate([jnp.ones((M, 1), jnp.float32), b2], axis=1)
    p = _dot(pa, pb)
    return jnp.maximum(x * ra + p, 0.0)


def _insert(q, v):
    a0, a1, a2, a3 = q
    lo = jnp.minimum(a0, v); v = jnp.maximum(a0, v); a0 = lo
    lo = jnp.minimum(a1, v); v = jnp.maximum(a1, v); a1 = lo
    lo = jnp.minimum(a2, v); v = jnp.maximum(a2, v); a2 = lo
    a3 = jnp.minimum(a3, v)
    return (a0, a1, a2, a3)


def _sort_bitonic4(c0, c1, c2, c3):
    lo02 = jnp.minimum(c0, c2); hi02 = jnp.maximum(c0, c2)
    lo13 = jnp.minimum(c1, c3); hi13 = jnp.maximum(c1, c3)
    return (jnp.minimum(lo02, lo13), jnp.maximum(lo02, lo13),
            jnp.minimum(hi02, hi13), jnp.maximum(hi02, hi13))


def _merge4(a, b):
    c0 = jnp.minimum(a[0], b[3])
    c1 = jnp.minimum(a[1], b[2])
    c2 = jnp.minimum(a[2], b[1])
    c3 = jnp.minimum(a[3], b[0])
    return _sort_bitonic4(c0, c1, c2, c3)


def _insert_pair(q, v1, v2):
    w = jnp.minimum(v1, v2)
    z = jnp.maximum(v1, v2)
    c2 = jnp.minimum(q[2], z)
    c3 = jnp.minimum(q[3], w)
    return _sort_bitonic4(q[0], q[1], c2, c3)


def _cand_kernel(t_ref, i_ref, out_ref):
    K = t_ref.shape[1]
    M = i_ref.shape[1]
    W = _PAIR * M
    nchunks = K // 8
    half = nchunks // 2
    big = jnp.float32(3.0e38)

    for p in range(_BB // _PAIR):
        sqs = [_sq_dists(t_ref[_PAIR * p + j], i_ref[_PAIR * p + j])
               for j in range(_PAIR)]
        sq = jnp.concatenate(sqs, axis=1)

        def chunk(c):
            return jax.lax.slice(sq, (8 * c, 0), (8 * c + 8, W))

        def top4_of(chunks):
            w = jnp.minimum(chunk(chunks[0]), chunk(chunks[1]))
            z = jnp.maximum(chunk(chunks[0]), chunk(chunks[1]))
            q = (w, z, jnp.full((8, W), big), jnp.full((8, W), big))
            rest = chunks[2:]
            for k in range(0, len(rest) - 1, 2):
                q = _insert_pair(q, chunk(rest[k]), chunk(rest[k + 1]))
            if len(rest) % 2:
                q = _insert(q, chunk(rest[-1]))
            return q

        qa = top4_of(list(range(0, half)))
        qb = top4_of(list(range(half, nchunks)))
        q = _merge4(qa, qb)

        for s in (4, 2, 1):
            r = tuple(jnp.roll(x, -s, axis=0) for x in q)
            q = _merge4(q, r)

        for j in range(4):
            out_ref[p, j:j + 1, :] = jnp.sqrt(
                jax.lax.slice(q[j], (0, 0), (1, W)))


def _lowest16(a, b):
    return jax.lax.sort(jnp.minimum(a, jax.lax.rev(b, (0,))))


def _sc_topk_kernel(cand_hbm, out_hbm, buf, obuf):
    info = plsc.get_sparse_core_info()
    nc = info.num_cores
    nw = nc * info.num_subcores
    wid = jax.lax.axis_index("s") * nc + jax.lax.axis_index("c")
    npairs = cand_hbm.shape[0]
    per_w = npairs // nw
    lanes_per_batch = cand_hbm.shape[2] // _PAIR
    mask4 = jax.lax.iota(jnp.int32, 16) < 4

    def body(pp, acc):
        p = wid * per_w + pp
        pltpu.sync_copy(cand_hbm.at[p], buf)
        for h in range(_PAIR):
            qs = []
            for j in range(4):
                qs.append([buf[j, pl.ds(h * lanes_per_batch + o * 16, 16)]
                           for o in range(lanes_per_batch // 16)])
            q = (qs[0][0], qs[1][0], qs[2][0], qs[3][0])
            for o in range(1, len(qs[0])):
                q = _merge4(q, (qs[0][o], qs[1][o], qs[2][o], qs[3][o]))
            u = _lowest16(jax.lax.sort(q[0]), jax.lax.sort(q[1]))
            v = _lowest16(jax.lax.sort(q[2]), jax.lax.sort(q[3]))
            w = _lowest16(u, v)
            acc = acc + jnp.where(mask4, w, 0.0)
        return acc

    acc = jax.lax.fori_loop(0, per_w, body, jnp.zeros((16,), jnp.float32))
    obuf[...] = acc
    pltpu.sync_copy(obuf, out_hbm.at[wid])


def _sc_topk(cand):
    npairs = cand.shape[0]
    mesh = plsc.VectorSubcoreMesh(core_axis_name="c", subcore_axis_name="s")
    nw = mesh.num_cores * mesh.num_subcores
    assert npairs % nw == 0
    return pl.kernel(
        _sc_topk_kernel,
        out_type=jax.ShapeDtypeStruct((nw, 16), jnp.float32),
        mesh=mesh,
        compiler_params=pltpu.CompilerParams(needs_layout_passes=False),
        scratch_types=[
            pltpu.VMEM((4, cand.shape[2]), jnp.float32),
            pltpu.VMEM((16,), jnp.float32),
        ],
    )(cand)


def _cand_stage(tokens, interests):
    B, K, D = tokens.shape
    _, M, _ = interests.shape
    return pl.pallas_call(
        _cand_kernel,
        grid=(B // _BB,),
        in_specs=[
            pl.BlockSpec((_BB, K, D), lambda b: (b, 0, 0)),
            pl.BlockSpec((_BB, M, D), lambda b: (b, 0, 0)),
        ],
        out_specs=pl.BlockSpec((_BB // _PAIR, 4, _PAIR * M),
                               lambda b: (b, 0, 0)),
        out_shape=jax.ShapeDtypeStruct((B // _PAIR, 4, _PAIR * M),
                                       jnp.float32),
    )(tokens, interests)


def kernel(tokens, interests):
    B = tokens.shape[0]
    partials = _sc_topk(_cand_stage(tokens, interests))
    return (jnp.sum(partials) / (B * 4)).astype(jnp.float32)

# --- scband reference (transcript-rebuilt; emitter-appended) ---
"""Pipeline reference for scband-chamfer-loss-84293028151662 (READ-ONLY COPY).

The authoritative reference and input builder live on the scoring server;
editing this copy changes nothing except your own understanding.
"""

import jax, jax.numpy as jnp
import numpy as np


def _normalize(x, eps=1e-12):
    # matches torch F.normalize(p=2, dim=-1): x / max(||x||, eps)
    n = jnp.linalg.norm(x, axis=-1, keepdims=True)
    return x / jnp.maximum(n, eps)


def _cdist(a, b):
    # batched euclidean cdist via ||a||^2 + ||b||^2 - 2 a.b (matmul-dominated, like torch.cdist)
    a2 = jnp.sum(a * a, axis=-1)[:, :, None]
    b2 = jnp.sum(b * b, axis=-1)[:, None, :]
    ab = jnp.einsum('bkd,bmd->bkm', a, b)
    sq = jnp.maximum(a2 + b2 - 2.0 * ab, 0.0)
    return jnp.sqrt(sq)


def setup_inputs(seed: int = 0) -> dict:
    key = jax.random.key(seed)
    k1, k2 = jax.random.split(key)
    tokens = jax.random.normal(k1, (1024, 200, 128), dtype=jnp.float32)
    interests = jax.random.normal(k2, (1024, 64, 128), dtype=jnp.float32)
    return {"tokens": tokens, "interests": interests}


def reference(tokens, interests):
    t = _normalize(tokens)
    i = _normalize(interests)
    dist_matrix = _cdist(t, i)
    B, K, M = dist_matrix.shape
    dist_flat = dist_matrix.reshape(B, K * M)
    # torch .topk(4, largest=False) == 4 smallest -> top_k of negated values
    neg_top, _ = jax.lax.top_k(-dist_flat, 4)
    top2_dist = -neg_top
    total_loss = jnp.mean(top2_dist)
    return total_loss

if __name__ == "__main__":
    import jax
    _d = setup_inputs()
    print(jax.jit(kernel)(*tuple(_d.values())))

</pallas_src>

<mosaic_0001>
#map = affine_map<(d0, d1) -> (0, 0, 0)>
#map1 = affine_map<(d0, d1) -> (0, 0)>
module attributes {stable_mosaic.version = 14 : i64} {
  func.func @_sc_topk_kernel(%arg0: i32, %arg1: i32, %arg2: memref<512x4x128xf32, #tpu.memory_space<hbm>>, %arg3: memref<32x16xf32, #tpu.memory_space<hbm>>, %arg4: memref<4x128xf32, #tpu.memory_space<vmem>>, %arg5: memref<16xf32, #tpu.memory_space<vmem>>) attributes {dimension_semantics = [#tpu.dimension_semantics<core_parallel>, #tpu.dimension_semantics<subcore_parallel>], iteration_bounds = array<i64: 2, 16>, scalar_prefetch = 0 : i64, scratch_operands = 2 : i64, tpu.core_type = #tpu.core_type<sc_vector_subcore>, window_params = [{transform_indices = #map}, {transform_indices = #map1}]} {
    %mul3A = arith.constant 2 : i32
    %mul3A_0 = arith.muli %arg1, %mul3A : i32
    %add3A = arith.addi %mul3A_0, %arg0 : i32
    %iota3A = tpu.iota {dimensions = array<i32: 0>} : vector<16xi32>
    %lt3A = arith.constant 4 : i32
    %lt3A_1 = vector.broadcast %lt3A : i32 to vector<16xi32>
    %lt3A_2 = arith.cmpi slt, %iota3A, %lt3A_1 : vector<16xi32>
    %broadcast_in_dim3A = arith.constant 0.000000e+00 : f32
    %broadcast_in_dim3A_3 = vector.broadcast %broadcast_in_dim3A : f32 to vector<16xf32>
    %scan3A = arith.constant 0 : i32
    %scan3A_4 = arith.constant 16 : i32
    %scan3A_5 = arith.addi %scan3A, %scan3A_4 : i32
    %scan3A_6 = arith.constant 1 : i32
    %scan3A_7 = scf.for %scan3A_10 = %scan3A to %scan3A_5 step %scan3A_6 iter_args(%scan3A_11 = %broadcast_in_dim3A_3) -> (vector<16xf32>)  : i32 {
      %mul3A_12 = arith.constant 16 : i32
      %mul3A_13 = arith.muli %add3A, %mul3A_12 : i32
      %add3A_14 = arith.addi %mul3A_13, %scan3A_10 : i32
      "tpu.region"() ({
        %run_scoped3A = tpu.sem_alloc : memref<!tpu.dma_semaphore, #tpu.memory_space<semaphore_mem>>
        %dma_start3A = arith.constant 0 : i32
        %dma_start3A_308 = arith.constant 0 : i32
        %dma_start3A_309 = tpu.memref_slice %arg2[%add3A_14, %dma_start3A, %dma_start3A_308] : memref<512x4x128xf32, #tpu.memory_space<hbm>> -> memref<1x4x128xf32, #tpu.memory_space<hbm>>
        %dma_start3A_310 = tpu.memref_squeeze %dma_start3A_309 : memref<1x4x128xf32, #tpu.memory_space<hbm>> -> memref<4x128xf32, #tpu.memory_space<hbm>>
        %dma_start3A_311 = arith.constant 0 : i32
        %dma_start3A_312 = arith.constant 0 : i32
        %dma_start3A_313 = tpu.memref_slice %arg2[%add3A_14, %dma_start3A_311, %dma_start3A_312] : memref<512x4x128xf32, #tpu.memory_space<hbm>> -> memref<1x4x128xf32, #tpu.memory_space<hbm>>
        %dma_start3A_314 = tpu.memref_squeeze %dma_start3A_313 : memref<1x4x128xf32, #tpu.memory_space<hbm>> -> memref<4x128xf32, #tpu.memory_space<hbm>>
        tpu.enqueue_dma source(%dma_start3A_314 : memref<4x128xf32, #tpu.memory_space<hbm>>) target(%arg4 : memref<4x128xf32, #tpu.memory_space<vmem>>) target_semaphore(%run_scoped3A : memref<!tpu.dma_semaphore, #tpu.memory_space<semaphore_mem>>)
        %dma_wait3A = arith.constant 0 : i32
        %dma_wait3A_315 = arith.constant 0 : i32
        %dma_wait3A_316 = tpu.memref_slice %arg2[%add3A_14, %dma_wait3A, %dma_wait3A_315] : memref<512x4x128xf32, #tpu.memory_space<hbm>> -> memref<1x4x128xf32, #tpu.memory_space<hbm>>
        %dma_wait3A_317 = tpu.memref_squeeze %dma_wait3A_316 : memref<1x4x128xf32, #tpu.memory_space<hbm>> -> memref<4x128xf32, #tpu.memory_space<hbm>>
        %dma_wait3A_318 = arith.constant 0 : i32
        %dma_wait3A_319 = arith.constant 0 : i32
        %dma_wait3A_320 = tpu.memref_slice %arg2[%add3A_14, %dma_wait3A_318, %dma_wait3A_319] : memref<512x4x128xf32, #tpu.memory_space<hbm>> -> memref<1x4x128xf32, #tpu.memory_space<hbm>>
        %dma_wait3A_321 = tpu.memref_squeeze %dma_wait3A_320 : memref<1x4x128xf32, #tpu.memory_space<hbm>> -> memref<4x128xf32, #tpu.memory_space<hbm>>
        tpu.wait_dma2 semaphore(%run_scoped3A : memref<!tpu.dma_semaphore, #tpu.memory_space<semaphore_mem>>) src(%dma_wait3A_321 : memref<4x128xf32, #tpu.memory_space<hbm>>) dst(%arg4 : memref<4x128xf32, #tpu.memory_space<vmem>>)
        tpu.yield
      }) : () -> ()
      %get3A = arith.constant 0 : i32
      %get3A_15 = arith.index_cast %get3A : i32 to index
      %get3A_16 = arith.constant 0 : index
      %get3A_17 = tpu.vector_load %arg4[%get3A_15, %get3A_16] {strides = array<i32>} : memref<4x128xf32, #tpu.memory_space<vmem>>, vector<16xf32>,
      %get3A_18 = arith.constant 0 : i32
      %get3A_19 = arith.index_cast %get3A_18 : i32 to index
      %get3A_20 = arith.constant 16 : index
      %get3A_21 = tpu.vector_load %arg4[%get3A_19, %get3A_20] {strides = array<i32>} : memref<4x128xf32, #tpu.memory_space<vmem>>, vector<16xf32>,
      %get3A_22 = arith.constant 0 : i32
      %get3A_23 = arith.index_cast %get3A_22 : i32 to index
      %get3A_24 = arith.constant 32 : index
      %get3A_25 = tpu.vector_load %arg4[%get3A_23, %get3A_24] {strides = array<i32>} : memref<4x128xf32, #tpu.memory_space<vmem>>, vector<16xf32>,
      %get3A_26 = arith.constant 0 : i32
      %get3A_27 = arith.index_cast %get3A_26 : i32 to index
      %get3A_28 = arith.constant 48 : index
      %get3A_29 = tpu.vector_load %arg4[%get3A_27, %get3A_28] {strides = array<i32>} : memref<4x128xf32, #tpu.memory_space<vmem>>, vector<16xf32>,
      %get3A_30 = arith.constant 1 : i32
      %get3A_31 = arith.index_cast %get3A_30 : i32 to index
      %get3A_32 = arith.constant 0 : index
      %get3A_33 = tpu.vector_load %arg4[%get3A_31, %get3A_32] {strides = array<i32>} : memref<4x128xf32, #tpu.memory_space<vmem>>, vector<16xf32>,
      %get3A_34 = arith.constant 1 : i32
      %get3A_35 = arith.index_cast %get3A_34 : i32 to index
      %get3A_36 = arith.constant 16 : index
      %get3A_37 = tpu.vector_load %arg4[%get3A_35, %get3A_36] {strides = array<i32>} : memref<4x128xf32, #tpu.memory_space<vmem>>, vector<16xf32>,
      %get3A_38 = arith.constant 1 : i32
      %get3A_39 = arith.index_cast %get3A_38 : i32 to index
      %get3A_40 = arith.constant 32 : index
      %get3A_41 = tpu.vector_load %arg4[%get3A_39, %get3A_40] {strides = array<i32>} : memref<4x128xf32, #tpu.memory_space<vmem>>, vector<16xf32>,
      %get3A_42 = arith.constant 1 : i32
      %get3A_43 = arith.index_cast %get3A_42 : i32 to index
      %get3A_44 = arith.constant 48 : index
      %get3A_45 = tpu.vector_load %arg4[%get3A_43, %get3A_44] {strides = array<i32>} : memref<4x128xf32, #tpu.memory_space<vmem>>, vector<16xf32>,
      %get3A_46 = arith.constant 2 : i32
      %get3A_47 = arith.index_cast %get3A_46 : i32 to index
      %get3A_48 = arith.constant 0 : index
      %get3A_49 = tpu.vector_load %arg4[%get3A_47, %get3A_48] {strides = array<i32>} : memref<4x128xf32, #tpu.memory_space<vmem>>, vector<16xf32>,
      %get3A_50 = arith.constant 2 : i32
      %get3A_51 = arith.index_cast %get3A_50 : i32 to index
      %get3A_52 = arith.constant 16 : index
      %get3A_53 = tpu.vector_load %arg4[%get3A_51, %get3A_52] {strides = array<i32>} : memref<4x128xf32, #tpu.memory_space<vmem>>, vector<16xf32>,
      %get3A_54 = arith.constant 2 : i32
      %get3A_55 = arith.index_cast %get3A_54 : i32 to index
      %get3A_56 = arith.constant 32 : index
      %get3A_57 = tpu.vector_load %arg4[%get3A_55, %get3A_56] {strides = array<i32>} : memref<4x128xf32, #tpu.memory_space<vmem>>, vector<16xf32>,
      %get3A_58 = arith.constant 2 : i32
      %get3A_59 = arith.index_cast %get3A_58 : i32 to index
      %get3A_60 = arith.constant 48 : index
      %get3A_61 = tpu.vector_load %arg4[%get3A_59, %get3A_60] {strides = array<i32>} : memref<4x128xf32, #tpu.memory_space<vmem>>, vector<16xf32>,
      %get3A_62 = arith.constant 3 : i32
      %get3A_63 = arith.index_cast %get3A_62 : i32 to index
      %get3A_64 = arith.constant 0 : index
      %get3A_65 = tpu.vector_load %arg4[%get3A_63, %get3A_64] {strides = array<i32>} : memref<4x128xf32, #tpu.memory_space<vmem>>, vector<16xf32>,
      %get3A_66 = arith.constant 3 : i32
      %get3A_67 = arith.index_cast %get3A_66 : i32 to index
      %get3A_68 = arith.constant 16 : index
      %get3A_69 = tpu.vector_load %arg4[%get3A_67, %get3A_68] {strides = array<i32>} : memref<4x128xf32, #tpu.memory_space<vmem>>, vector<16xf32>,
      %get3A_70 = arith.constant 3 : i32
      %get3A_71 = arith.index_cast %get3A_70 : i32 to index
      %get3A_72 = arith.constant 32 : index
      %get3A_73 = tpu.vector_load %arg4[%get3A_71, %get3A_72] {strides = array<i32>} : memref<4x128xf32, #tpu.memory_space<vmem>>, vector<16xf32>,
      %get3A_74 = arith.constant 3 : i32
      %get3A_75 = arith.index_cast %get3A_74 : i32 to index
      %get3A_76 = arith.constant 48 : index
      %get3A_77 = tpu.vector_load %arg4[%get3A_75, %get3A_76] {strides = array<i32>} : memref<4x128xf32, #tpu.memory_space<vmem>>, vector<16xf32>,
      %min3A = arith.minimumf %get3A_17, %get3A_69 : vector<16xf32>
      %min3A_78 = arith.minimumf %get3A_33, %get3A_53 : vector<16xf32>
      %min3A_79 = arith.minimumf %get3A_49, %get3A_37 : vector<16xf32>
      %min3A_80 = arith.minimumf %get3A_65, %get3A_21 : vector<16xf32>
      %min3A_81 = arith.minimumf %min3A, %min3A_79 : vector<16xf32>
      %max3A = arith.maximumf %min3A, %min3A_79 : vector<16xf32>
      %min3A_82 = arith.minimumf %min3A_78, %min3A_80 : vector<16xf32>
      %max3A_83 = arith.maximumf %min3A_78, %min3A_80 : vector<16xf32>
      %min3A_84 = arith.minimumf %min3A_81, %min3A_82 : vector<16xf32>
      %max3A_85 = arith.maximumf %min3A_81, %min3A_82 : vector<16xf32>
      %min3A_86 = arith.minimumf %max3A, %max3A_83 : vector<16xf32>
      %max3A_87 = arith.maximumf %max3A, %max3A_83 : vector<16xf32>
      %min3A_88 = arith.minimumf %min3A_84, %get3A_73 : vector<16xf32>
      %min3A_89 = arith.minimumf %max3A_85, %get3A_57 : vector<16xf32>
      %min3A_90 = arith.minimumf %min3A_86, %get3A_41 : vector<16xf32>
      %min3A_91 = arith.minimumf %max3A_87, %get3A_25 : vector<16xf32>
      %min3A_92 = arith.minimumf %min3A_88, %min3A_90 : vector<16xf32>
      %max3A_93 = arith.maximumf %min3A_88, %min3A_90 : vector<16xf32>
      %min3A_94 = arith.minimumf %min3A_89, %min3A_91 : vector<16xf32>
      %max3A_95 = arith.maximumf %min3A_89, %min3A_91 : vector<16xf32>
      %min3A_96 = arith.minimumf %min3A_92, %min3A_94 : vector<16xf32>
      %max3A_97 = arith.maximumf %min3A_92, %min3A_94 : vector<16xf32>
      %min3A_98 = arith.minimumf %max3A_93, %max3A_95 : vector<16xf32>
      %max3A_99 = arith.maximumf %max3A_93, %max3A_95 : vector<16xf32>
      %min3A_100 = arith.minimumf %min3A_96, %get3A_77 : vector<16xf32>
      %min3A_101 = arith.minimumf %max3A_97, %get3A_61 : vector<16xf32>
      %min3A_102 = arith.minimumf %min3A_98, %get3A_45 : vector<16xf32>
      %min3A_103 = arith.minimumf %max3A_99, %get3A_29 : vector<16xf32>
      %min3A_104 = arith.minimumf %min3A_100, %min3A_102 : vector<16xf32>
      %max3A_105 = arith.maximumf %min3A_100, %min3A_102 : vector<16xf32>
      %min3A_106 = arith.minimumf %min3A_101, %min3A_103 : vector<16xf32>
      %max3A_107 = arith.maximumf %min3A_101, %min3A_103 : vector<16xf32>
      %min3A_108 = arith.minimumf %min3A_104, %min3A_106 : vector<16xf32>
      %max3A_109 = arith.maximumf %min3A_104, %min3A_106 : vector<16xf32>
      %min3A_110 = arith.minimumf %max3A_105, %max3A_107 : vector<16xf32>
      %max3A_111 = arith.maximumf %max3A_105, %max3A_107 : vector<16xf32>
      %sort3A = arith.constant dense<true> : vector<16xi1>
      %sort3A_112, %sort3A_113, %sort3A_114 = tpu.sort %min3A_108, %min3A_108 masked %sort3A : (vector<16xf32>, vector<16xf32>, vector<16xi1>) -> (vector<16xi1>, vector<16xf32>, vector<16xf32>)
      %sort3A_115 = arith.constant dense<true> : vector<16xi1>
      %sort3A_116, %sort3A_117, %sort3A_118 = tpu.sort %max3A_109, %max3A_109 masked %sort3A_115 : (vector<16xf32>, vector<16xf32>, vector<16xi1>) -> (vector<16xi1>, vector<16xf32>, vector<16xf32>)
      %rev3A = arith.constant 15 : i32
      %rev3A_119 = vector.broadcast %rev3A : i32 to vector<16xi32>
      %rev3A_120 = tpu.iota {dimensions = array<i32: 0>} : vector<16xi32>
      %rev3A_121 = arith.subi %rev3A_119, %rev3A_120 : vector<16xi32>
      %rev3A_122 = tpu.dynamic_gather %sort3A_117[%rev3A_121] in [0] : vector<16xf32>, vector<16xi32> -> vector<16xf32>
      %min3A_123 = arith.minimumf %sort3A_113, %rev3A_122 : vector<16xf32>
      %sort3A_124 = arith.constant dense<true> : vector<16xi1>
      %sort3A_125, %sort3A_126, %sort3A_127 = tpu.sort %min3A_123, %min3A_123 masked %sort3A_124 : (vector<16xf32>, vector<16xf32>, vector<16xi1>) -> (vector<16xi1>, vector<16xf32>, vector<16xf32>)
      %sort3A_128 = arith.constant dense<true> : vector<16xi1>
      %sort3A_129, %sort3A_130, %sort3A_131 = tpu.sort %min3A_110, %min3A_110 masked %sort3A_128 : (vector<16xf32>, vector<16xf32>, vector<16xi1>) -> (vector<16xi1>, vector<16xf32>, vector<16xf32>)
      %sort3A_132 = arith.constant dense<true> : vector<16xi1>
      %sort3A_133, %sort3A_134, %sort3A_135 = tpu.sort %max3A_111, %max3A_111 masked %sort3A_132 : (vector<16xf32>, vector<16xf32>, vector<16xi1>) -> (vector<16xi1>, vector<16xf32>, vector<16xf32>)
      %rev3A_136 = arith.constant 15 : i32
      %rev3A_137 = vector.broadcast %rev3A_136 : i32 to vector<16xi32>
      %rev3A_138 = tpu.iota {dimensions = array<i32: 0>} : vector<16xi32>
      %rev3A_139 = arith.subi %rev3A_137, %rev3A_138 : vector<16xi32>
      %rev3A_140 = tpu.dynamic_gather %sort3A_134[%rev3A_139] in [0] : vector<16xf32>, vector<16xi32> -> vector<16xf32>
      %min3A_141 = arith.minimumf %sort3A_130, %rev3A_140 : vector<16xf32>
      %sort3A_142 = arith.constant dense<true> : vector<16xi1>
      %sort3A_143, %sort3A_144, %sort3A_145 = tpu.sort %min3A_141, %min3A_141 masked %sort3A_142 : (vector<16xf32>, vector<16xf32>, vector<16xi1>) -> (vector<16xi1>, vector<16xf32>, vector<16xf32>)
      %rev3A_146 = arith.constant 15 : i32
      %rev3A_147 = vector.broadcast %rev3A_146 : i32 to vector<16xi32>
      %rev3A_148 = tpu.iota {dimensions = array<i32: 0>} : vector<16xi32>
      %rev3A_149 = arith.subi %rev3A_147, %rev3A_148 : vector<16xi32>
      %rev3A_150 = tpu.dynamic_gather %sort3A_144[%rev3A_149] in [0] : vector<16xf32>, vector<16xi32> -> vector<16xf32>
      %min3A_151 = arith.minimumf %sort3A_126, %rev3A_150 : vector<16xf32>
      %sort3A_152 = arith.constant dense<true> : vector<16xi1>
      %sort3A_153, %sort3A_154, %sort3A_155 = tpu.sort %min3A_151, %min3A_151 masked %sort3A_152 : (vector<16xf32>, vector<16xf32>, vector<16xi1>) -> (vector<16xi1>, vector<16xf32>, vector<16xf32>)
      %jit3A = arith.constant 0.000000e+00 : f32
      %broadcast_in_dim3A_156 = vector.broadcast %jit3A : f32 to vector<16xf32>
      %select_n3A = arith.select %lt3A_2, %sort3A_154, %broadcast_in_dim3A_156 : vector<16xi1>, vector<16xf32>
      %add3A_157 = arith.addf %scan3A_11, %select_n3A : vector<16xf32>
      %get3A_158 = arith.constant 0 : i32
      %get3A_159 = arith.index_cast %get3A_158 : i32 to index
      %get3A_160 = arith.constant 64 : index
      %get3A_161 = tpu.vector_load %arg4[%get3A_159, %get3A_160] {strides = array<i32>} : memref<4x128xf32, #tpu.memory_space<vmem>>, vector<16xf32>,
      %get3A_162 = arith.constant 0 : i32
      %get3A_163 = arith.index_cast %get3A_162 : i32 to index
      %get3A_164 = arith.constant 80 : index
      %get3A_165 = tpu.vector_load %arg4[%get3A_163, %get3A_164] {strides = array<i32>} : memref<4x128xf32, #tpu.memory_space<vmem>>, vector<16xf32>,
      %get3A_166 = arith.constant 0 : i32
      %get3A_167 = arith.index_cast %get3A_166 : i32 to index
      %get3A_168 = arith.constant 96 : index
      %get3A_169 = tpu.vector_load %arg4[%get3A_167, %get3A_168] {strides = array<i32>} : memref<4x128xf32, #tpu.memory_space<vmem>>, vector<16xf32>,
      %get3A_170 = arith.constant 0 : i32
      %get3A_171 = arith.index_cast %get3A_170 : i32 to index
      %get3A_172 = arith.constant 112 : index
      %get3A_173 = tpu.vector_load %arg4[%get3A_171, %get3A_172] {strides = array<i32>} : memref<4x128xf32, #tpu.memory_space<vmem>>, vector<16xf32>,
      %get3A_174 = arith.constant 1 : i32
      %get3A_175 = arith.index_cast %get3A_174 : i32 to index
      %get3A_176 = arith.constant 64 : index
      %get3A_177 = tpu.vector_load %arg4[%get3A_175, %get3A_176] {strides = array<i32>} : memref<4x128xf32, #tpu.memory_space<vmem>>, vector<16xf32>,
      %get3A_178 = arith.constant 1 : i32
      %get3A_179 = arith.index_cast %get3A_178 : i32 to index
      %get3A_180 = arith.constant 80 : index
      %get3A_181 = tpu.vector_load %arg4[%get3A_179, %get3A_180] {strides = array<i32>} : memref<4x128xf32, #tpu.memory_space<vmem>>, vector<16xf32>,
      %get3A_182 = arith.constant 1 : i32
      %get3A_183 = arith.index_cast %get3A_182 : i32 to index
      %get3A_184 = arith.constant 96 : index
      %get3A_185 = tpu.vector_load %arg4[%get3A_183, %get3A_184] {strides = array<i32>} : memref<4x128xf32, #tpu.memory_space<vmem>>, vector<16xf32>,
      %get3A_186 = arith.constant 1 : i32
      %get3A_187 = arith.index_cast %get3A_186 : i32 to index
      %get3A_188 = arith.constant 112 : index
      %get3A_189 = tpu.vector_load %arg4[%get3A_187, %get3A_188] {strides = array<i32>} : memref<4x128xf32, #tpu.memory_space<vmem>>, vector<16xf32>,
      %get3A_190 = arith.constant 2 : i32
      %get3A_191 = arith.index_cast %get3A_190 : i32 to index
      %get3A_192 = arith.constant 64 : index
      %get3A_193 = tpu.vector_load %arg4[%get3A_191, %get3A_192] {strides = array<i32>} : memref<4x128xf32, #tpu.memory_space<vmem>>, vector<16xf32>,
      %get3A_194 = arith.constant 2 : i32
      %get3A_195 = arith.index_cast %get3A_194 : i32 to index
      %get3A_196 = arith.constant 80 : index
      %get3A_197 = tpu.vector_load %arg4[%get3A_195, %get3A_196] {strides = array<i32>} : memref<4x128xf32, #tpu.memory_space<vmem>>, vector<16xf32>,
      %get3A_198 = arith.constant 2 : i32
      %get3A_199 = arith.index_cast %get3A_198 : i32 to index
      %get3A_200 = arith.constant 96 : index
      %get3A_201 = tpu.vector_load %arg4[%get3A_199, %get3A_200] {strides = array<i32>} : memref<4x128xf32, #tpu.memory_space<vmem>>, vector<16xf32>,
      %get3A_202 = arith.constant 2 : i32
      %get3A_203 = arith.index_cast %get3A_202 : i32 to index
      %get3A_204 = arith.constant 112 : index
      %get3A_205 = tpu.vector_load %arg4[%get3A_203, %get3A_204] {strides = array<i32>} : memref<4x128xf32, #tpu.memory_space<vmem>>, vector<16xf32>,
      %get3A_206 = arith.constant 3 : i32
      %get3A_207 = arith.index_cast %get3A_206 : i32 to index
      %get3A_208 = arith.constant 64 : index
      %get3A_209 = tpu.vector_load %arg4[%get3A_207, %get3A_208] {strides = array<i32>} : memref<4x128xf32, #tpu.memory_space<vmem>>, vector<16xf32>,
      %get3A_210 = arith.constant 3 : i32
      %get3A_211 = arith.index_cast %get3A_210 : i32 to index
      %get3A_212 = arith.constant 80 : index
      %get3A_213 = tpu.vector_load %arg4[%get3A_211, %get3A_212] {strides = array<i32>} : memref<4x128xf32, #tpu.memory_space<vmem>>, vector<16xf32>,
      %get3A_214 = arith.constant 3 : i32
      %get3A_215 = arith.index_cast %get3A_214 : i32 to index
      %get3A_216 = arith.constant 96 : index
      %get3A_217 = tpu.vector_load %arg4[%get3A_215, %get3A_216] {strides = array<i32>} : memref<4x128xf32, #tpu.memory_space<vmem>>, vector<16xf32>,
      %get3A_218 = arith.constant 3 : i32
      %get3A_219 = arith.index_cast %get3A_218 : i32 to index
      %get3A_220 = arith.constant 112 : index
      %get3A_221 = tpu.vector_load %arg4[%get3A_219, %get3A_220] {strides = array<i32>} : memref<4x128xf32, #tpu.memory_space<vmem>>, vector<16xf32>,
      %min3A_222 = arith.minimumf %get3A_161, %get3A_213 : vector<16xf32>
      %min3A_223 = arith.minimumf %get3A_177, %get3A_197 : vector<16xf32>
      %min3A_224 = arith.minimumf %get3A_193, %get3A_181 : vector<16xf32>
      %min3A_225 = arith.minimumf %get3A_209, %get3A_165 : vector<16xf32>
      %min3A_226 = arith.minimumf %min3A_222, %min3A_224 : vector<16xf32>
      %max3A_227 = arith.maximumf %min3A_222, %min3A_224 : vector<16xf32>
      %min3A_228 = arith.minimumf %min3A_223, %min3A_225 : vector<16xf32>
      %max3A_229 = arith.maximumf %min3A_223, %min3A_225 : vector<16xf32>
      %min3A_230 = arith.minimumf %min3A_226, %min3A_228 : vector<16xf32>
      %max3A_231 = arith.maximumf %min3A_226, %min3A_228 : vector<16xf32>
      %min3A_232 = arith.minimumf %max3A_227, %max3A_229 : vector<16xf32>
      %max3A_233 = arith.maximumf %max3A_227, %max3A_229 : vector<16xf32>
      %min3A_234 = arith.minimumf %min3A_230, %get3A_217 : vector<16xf32>
      %min3A_235 = arith.minimumf %max3A_231, %get3A_201 : vector<16xf32>
      %min3A_236 = arith.minimumf %min3A_232, %get3A_185 : vector<16xf32>
      %min3A_237 = arith.minimumf %max3A_233, %get3A_169 : vector<16xf32>
      %min3A_238 = arith.minimumf %min3A_234, %min3A_236 : vector<16xf32>
      %max3A_239 = arith.maximumf %min3A_234, %min3A_236 : vector<16xf32>
      %min3A_240 = arith.minimumf %min3A_235, %min3A_237 : vector<16xf32>
      %max3A_241 = arith.maximumf %min3A_235, %min3A_237 : vector<16xf32>
      %min3A_242 = arith.minimumf %min3A_238, %min3A_240 : vector<16xf32>
      %max3A_243 = arith.maximumf %min3A_238, %min3A_240 : vector<16xf32>
      %min3A_244 = arith.minimumf %max3A_239, %max3A_241 : vector<16xf32>
      %max3A_245 = arith.maximumf %max3A_239, %max3A_241 : vector<16xf32>
      %min3A_246 = arith.minimumf %min3A_242, %get3A_221 : vector<16xf32>
      %min3A_247 = arith.minimumf %max3A_243, %get3A_205 : vector<16xf32>
      %min3A_248 = arith.minimumf %min3A_244, %get3A_189 : vector<16xf32>
      %min3A_249 = arith.minimumf %max3A_245, %get3A_173 : vector<16xf32>
      %min3A_250 = arith.minimumf %min3A_246, %min3A_248 : vector<16xf32>
      %max3A_251 = arith.maximumf %min3A_246, %min3A_248 : vector<16xf32>
      %min3A_252 = arith.minimumf %min3A_247, %min3A_249 : vector<16xf32>
      %max3A_253 = arith.maximumf %min3A_247, %min3A_249 : vector<16xf32>
      %min3A_254 = arith.minimumf %min3A_250, %min3A_252 : vector<16xf32>
      %max3A_255 = arith.maximumf %min3A_250, %min3A_252 : vector<16xf32>
      %min3A_256 = arith.minimumf %max3A_251, %max3A_253 : vector<16xf32>
      %max3A_257 = arith.maximumf %max3A_251, %max3A_253 : vector<16xf32>
      %sort3A_258 = arith.constant dense<true> : vector<16xi1>
      %sort3A_259, %sort3A_260, %sort3A_261 = tpu.sort %min3A_254, %min3A_254 masked %sort3A_258 : (vector<16xf32>, vector<16xf32>, vector<16xi1>) -> (vector<16xi1>, vector<16xf32>, vector<16xf32>)
      %sort3A_262 = arith.constant dense<true> : vector<16xi1>
      %sort3A_263, %sort3A_264, %sort3A_265 = tpu.sort %max3A_255, %max3A_255 masked %sort3A_262 : (vector<16xf32>, vector<16xf32>, vector<16xi1>) -> (vector<16xi1>, vector<16xf32>, vector<16xf32>)
      %rev3A_266 = arith.constant 15 : i32
      %rev3A_267 = vector.broadcast %rev3A_266 : i32 to vector<16xi32>
      %rev3A_268 = tpu.iota {dimensions = array<i32: 0>} : vector<16xi32>
      %rev3A_269 = arith.subi %rev3A_267, %rev3A_268 : vector<16xi32>
      %rev3A_270 = tpu.dynamic_gather %sort3A_264[%rev3A_269] in [0] : vector<16xf32>, vector<16xi32> -> vector<16xf32>
      %min3A_271 = arith.minimumf %sort3A_260, %rev3A_270 : vector<16xf32>
      %sort3A_272 = arith.constant dense<true> : vector<16xi1>
      %sort3A_273, %sort3A_274, %sort3A_275 = tpu.sort %min3A_271, %min3A_271 masked %sort3A_272 : (vector<16xf32>, vector<16xf32>, vector<16xi1>) -> (vector<16xi1>, vector<16xf32>, vector<16xf32>)
      %sort3A_276 = arith.constant dense<true> : vector<16xi1>
      %sort3A_277, %sort3A_278, %sort3A_279 = tpu.sort %min3A_256, %min3A_256 masked %sort3A_276 : (vector<16xf32>, vector<16xf32>, vector<16xi1>) -> (vector<16xi1>, vector<16xf32>, vector<16xf32>)
      %sort3A_280 = arith.constant dense<true> : vector<16xi1>
      %sort3A_281, %sort3A_282, %sort3A_283 = tpu.sort %max3A_257, %max3A_257 masked %sort3A_280 : (vector<16xf32>, vector<16xf32>, vector<16xi1>) -> (vector<16xi1>, vector<16xf32>, vector<16xf32>)
      %rev3A_284 = arith.constant 15 : i32
      %rev3A_285 = vector.broadcast %rev3A_284 : i32 to vector<16xi32>
      %rev3A_286 = tpu.iota {dimensions = array<i32: 0>} : vector<16xi32>
      %rev3A_287 = arith.subi %rev3A_285, %rev3A_286 : vector<16xi32>
      %rev3A_288 = tpu.dynamic_gather %sort3A_282[%rev3A_287] in [0] : vector<16xf32>, vector<16xi32> -> vector<16xf32>
      %min3A_289 = arith.minimumf %sort3A_278, %rev3A_288 : vector<16xf32>
      %sort3A_290 = arith.constant dense<true> : vector<16xi1>
      %sort3A_291, %sort3A_292, %sort3A_293 = tpu.sort %min3A_289, %min3A_289 masked %sort3A_290 : (vector<16xf32>, vector<16xf32>, vector<16xi1>) -> (vector<16xi1>, vector<16xf32>, vector<16xf32>)
      %rev3A_294 = arith.constant 15 : i32
      %rev3A_295 = vector.broadcast %rev3A_294 : i32 to vector<16xi32>
      %rev3A_296 = tpu.iota {dimensions = array<i32: 0>} : vector<16xi32>
      %rev3A_297 = arith.subi %rev3A_295, %rev3A_296 : vector<16xi32>
      %rev3A_298 = tpu.dynamic_gather %sort3A_292[%rev3A_297] in [0] : vector<16xf32>, vector<16xi32> -> vector<16xf32>
      %min3A_299 = arith.minimumf %sort3A_274, %rev3A_298 : vector<16xf32>
      %sort3A_300 = arith.constant dense<true> : vector<16xi1>
      %sort3A_301, %sort3A_302, %sort3A_303 = tpu.sort %min3A_299, %min3A_299 masked %sort3A_300 : (vector<16xf32>, vector<16xf32>, vector<16xi1>) -> (vector<16xi1>, vector<16xf32>, vector<16xf32>)
      %jit3A_304 = arith.constant 0.000000e+00 : f32
      %broadcast_in_dim3A_305 = vector.broadcast %jit3A_304 : f32 to vector<16xf32>
      %select_n3A_306 = arith.select %lt3A_2, %sort3A_302, %broadcast_in_dim3A_305 : vector<16xi1>, vector<16xf32>
      %add3A_307 = arith.addf %add3A_157, %select_n3A_306 : vector<16xf32>
      scf.yield %add3A_307 : vector<16xf32>
    }
    %scan3A_8 = arith.constant 16 : i32
    %swap3A = arith.constant 0 : index
    %swap3A_9 = tpu.vector_load %arg5[%swap3A] {strides = array<i32>} : memref<16xf32, #tpu.memory_space<vmem>>, vector<16xf32>,
    tpu.vector_store %arg5[%swap3A], %scan3A_7 {strides = array<i32>} : memref<16xf32, #tpu.memory_space<vmem>>, vector<16xf32>,
    "tpu.region"() ({
      %run_scoped3A = tpu.sem_alloc : memref<!tpu.dma_semaphore, #tpu.memory_space<semaphore_mem>>
      %dma_start3A = arith.constant 0 : i32
      %dma_start3A_10 = tpu.memref_slice %arg3[%add3A, %dma_start3A] : memref<32x16xf32, #tpu.memory_space<hbm>> -> memref<1x16xf32, #tpu.memory_space<hbm>>
      %dma_start3A_11 = tpu.memref_squeeze %dma_start3A_10 : memref<1x16xf32, #tpu.memory_space<hbm>> -> memref<16xf32, #tpu.memory_space<hbm>>
      %dma_start3A_12 = arith.constant 0 : i32
      %dma_start3A_13 = tpu.memref_slice %arg3[%add3A, %dma_start3A_12] : memref<32x16xf32, #tpu.memory_space<hbm>> -> memref<1x16xf32, #tpu.memory_space<hbm>>
      %dma_start3A_14 = tpu.memref_squeeze %dma_start3A_13 : memref<1x16xf32, #tpu.memory_space<hbm>> -> memref<16xf32, #tpu.memory_space<hbm>>
      tpu.enqueue_dma source(%arg5 : memref<16xf32, #tpu.memory_space<vmem>>) target(%dma_start3A_14 : memref<16xf32, #tpu.memory_space<hbm>>) target_semaphore(%run_scoped3A : memref<!tpu.dma_semaphore, #tpu.memory_space<semaphore_mem>>)
      %dma_wait3A = arith.constant 0 : i32
      %dma_wait3A_15 = tpu.memref_slice %arg3[%add3A, %dma_wait3A] : memref<32x16xf32, #tpu.memory_space<hbm>> -> memref<1x16xf32, #tpu.memory_space<hbm>>
      %dma_wait3A_16 = tpu.memref_squeeze %dma_wait3A_15 : memref<1x16xf32, #tpu.memory_space<hbm>> -> memref<16xf32, #tpu.memory_space<hbm>>
      %dma_wait3A_17 = arith.constant 0 : i32
      %dma_wait3A_18 = tpu.memref_slice %arg3[%add3A, %dma_wait3A_17] : memref<32x16xf32, #tpu.memory_space<hbm>> -> memref<1x16xf32, #tpu.memory_space<hbm>>
      %dma_wait3A_19 = tpu.memref_squeeze %dma_wait3A_18 : memref<1x16xf32, #tpu.memory_space<hbm>> -> memref<16xf32, #tpu.memory_space<hbm>>
      tpu.wait_dma2 semaphore(%run_scoped3A : memref<!tpu.dma_semaphore, #tpu.memory_space<semaphore_mem>>) src(%arg5 : memref<16xf32, #tpu.memory_space<vmem>>) dst(%dma_wait3A_19 : memref<16xf32, #tpu.memory_space<hbm>>)
      tpu.yield
    }) : () -> ()
    return
  }
}

module attributes {stable_mosaic.version = 14 : i64} {
  func.func @_cand_kernel(%arg0: i32, %arg1: memref<16x200x128xf32, #tpu.memory_space<vmem>>, %arg2: memref<16x64x128xf32, #tpu.memory_space<vmem>>, %arg3: memref<8x4x128xf32, #tpu.memory_space<vmem>>) attributes {dimension_semantics = [#tpu.dimension_semantics<arbitrary>], iteration_bounds = array<i64: 64>, scalar_prefetch = 0 : i64, scratch_operands = 0 : i64, tpu.core_type = #tpu.core_type<tc>, window_params = [{transform_indices = @transform_0, window_bounds = array<i64: 16, 200, 128>}, {transform_indices = @transform_1, window_bounds = array<i64: 16, 64, 128>}, {transform_indices = @transform_2, window_bounds = array<i64: 8, 4, 128>}]} {
    %get3A = arith.constant 0 : index
    %get3A_0 = arith.constant 0 : index
    %get3A_1 = arith.constant 0 : index
    %get3A_2 = vector.load %arg1[%get3A, %get3A_0, %get3A_1] : memref<16x200x128xf32, #tpu.memory_space<vmem>>, vector<1x200x128xf32>
    %get3A_3 = vector.shape_cast %get3A_2 : vector<1x200x128xf32> to vector<200x128xf32>
    %get3A_4 = arith.constant 0 : index
    %get3A_5 = arith.constant 0 : index
    %get3A_6 = arith.constant 0 : index
    %get3A_7 = vector.load %arg2[%get3A_4, %get3A_5, %get3A_6] : memref<16x64x128xf32, #tpu.memory_space<vmem>>, vector<1x64x128xf32>
    %get3A_8 = vector.shape_cast %get3A_7 : vector<1x64x128xf32> to vector<64x128xf32>
    %broadcast_in_dim3A = arith.constant 1.000000e+00 : f32
    %broadcast_in_dim3A_9 = vector.broadcast %broadcast_in_dim3A : f32 to vector<1x128xf32>
    %mul3A = arith.mulf %get3A_3, %get3A_3 : vector<200x128xf32>
    %dot_general3A = arith.constant dense<0.000000e+00> : vector<200x1xf32>
    %dot_general3A_10 = tpu.matmul %mul3A, %broadcast_in_dim3A_9, %dot_general3A {dimension_numbers = #tpu.dot_dimension_numbers<[1], [1], [0], [0], [0, 0, 1, 0], [], []>, transpose_lhs_hint = false} : vector<200x128xf32>, vector<1x128xf32>, vector<200x1xf32> -> vector<200x1xf32>
    %max3A = arith.constant 1.000000e-24 : f32
    %max3A_11 = vector.broadcast %max3A : f32 to vector<200x1xf32>
    %max3A_12 = arith.maximumf %dot_general3A_10, %max3A_11 : vector<200x1xf32>
    %rsqrt3A = math.rsqrt %max3A_12 : vector<200x1xf32>
    %mul3A_13 = arith.mulf %dot_general3A_10, %rsqrt3A : vector<200x1xf32>
    %mul3A_14 = arith.mulf %mul3A_13, %rsqrt3A : vector<200x1xf32>
    %mul3A_15 = arith.mulf %get3A_8, %get3A_8 : vector<64x128xf32>
    %dot_general3A_16 = arith.constant dense<0.000000e+00> : vector<64x1xf32>
    %dot_general3A_17 = tpu.matmul %mul3A_15, %broadcast_in_dim3A_9, %dot_general3A_16 {dimension_numbers = #tpu.dot_dimension_numbers<[1], [1], [0], [0], [0, 0, 1, 0], [], []>, transpose_lhs_hint = false} : vector<64x128xf32>, vector<1x128xf32>, vector<64x1xf32> -> vector<64x1xf32>
    %max3A_18 = arith.constant 1.000000e-24 : f32
    %max3A_19 = vector.broadcast %max3A_18 : f32 to vector<64x1xf32>
    %max3A_20 = arith.maximumf %dot_general3A_17, %max3A_19 : vector<64x1xf32>
    %rsqrt3A_21 = math.rsqrt %max3A_20 : vector<64x1xf32>
    %mul3A_22 = arith.mulf %dot_general3A_17, %rsqrt3A_21 : vector<64x1xf32>
    %mul3A_23 = arith.mulf %mul3A_22, %rsqrt3A_21 : vector<64x1xf32>
    %mul3A_24 = arith.constant -2.000000e+00 : f32
    %mul3A_25 = vector.broadcast %mul3A_24 : f32 to vector<64x1xf32>
    %mul3A_26 = arith.mulf %mul3A_25, %rsqrt3A_21 : vector<64x1xf32>
    %mul3A_27 = vector.broadcast %mul3A_26 : vector<64x1xf32> to vector<64x128xf32>
    %mul3A_28 = arith.mulf %get3A_8, %mul3A_27 : vector<64x128xf32>
    %dot_general3A_29 = arith.constant dense<0.000000e+00> : vector<200x64xf32>
    %dot_general3A_30 = tpu.matmul %get3A_3, %mul3A_28, %dot_general3A_29 {dimension_numbers = #tpu.dot_dimension_numbers<[1], [1], [0], [0], [0, 0, 1, 0], [], []>, transpose_lhs_hint = false} : vector<200x128xf32>, vector<64x128xf32>, vector<200x64xf32> -> vector<200x64xf32>
    %broadcast_in_dim3A_31 = arith.constant 1.000000e+00 : f32
    %broadcast_in_dim3A_32 = vector.broadcast %broadcast_in_dim3A_31 : f32 to vector<200x1xf32>
    %concatenate3A = tpu.concatenate %mul3A_14, %broadcast_in_dim3A_32 in 1 : vector<200x1xf32>, vector<200x1xf32> -> vector<200x2xf32>
    %broadcast_in_dim3A_33 = arith.constant 1.000000e+00 : f32
    %broadcast_in_dim3A_34 = vector.broadcast %broadcast_in_dim3A_33 : f32 to vector<64x1xf32>
    %concatenate3A_35 = tpu.concatenate %broadcast_in_dim3A_34, %mul3A_23 in 1 : vector<64x1xf32>, vector<64x1xf32> -> vector<64x2xf32>
    %dot_general3A_36 = arith.constant dense<0.000000e+00> : vector<200x64xf32>
    %dot_general3A_37 = tpu.matmul %concatenate3A, %concatenate3A_35, %dot_general3A_36 {dimension_numbers = #tpu.dot_dimension_numbers<[1], [1], [0], [0], [0, 0, 1, 0], [], []>, transpose_lhs_hint = false} : vector<200x2xf32>, vector<64x2xf32>, vector<200x64xf32> -> vector<200x64xf32>
    %mul3A_38 = vector.broadcast %rsqrt3A : vector<200x1xf32> to vector<200x64xf32>
    %mul3A_39 = arith.mulf %dot_general3A_30, %mul3A_38 : vector<200x64xf32>
    %add3A = arith.addf %mul3A_39, %dot_general3A_37 : vector<200x64xf32>
    %max3A_40 = arith.constant 0.000000e+00 : f32
    %max3A_41 = vector.broadcast %max3A_40 : f32 to vector<200x64xf32>
    %max3A_42 = arith.maximumf %add3A, %max3A_41 : vector<200x64xf32>
    %get3A_43 = arith.constant 1 : index
    %get3A_44 = arith.constant 0 : index
    %get3A_45 = arith.constant 0 : index
    %get3A_46 = vector.load %arg1[%get3A_43, %get3A_44, %get3A_45] : memref<16x200x128xf32, #tpu.memory_space<vmem>>, vector<1x200x128xf32>
    %get3A_47 = vector.shape_cast %get3A_46 : vector<1x200x128xf32> to vector<200x128xf32>
    %get3A_48 = arith.constant 1 : index
    %get3A_49 = arith.constant 0 : index
    %get3A_50 = arith.constant 0 : index
    %get3A_51 = vector.load %arg2[%get3A_48, %get3A_49, %get3A_50] : memref<16x64x128xf32, #tpu.memory_space<vmem>>, vector<1x64x128xf32>
    %get3A_52 = vector.shape_cast %get3A_51 : vector<1x64x128xf32> to vector<64x128xf32>
    %broadcast_in_dim3A_53 = arith.constant 1.000000e+00 : f32
    %broadcast_in_dim3A_54 = vector.broadcast %broadcast_in_dim3A_53 : f32 to vector<1x128xf32>
    %mul3A_55 = arith.mulf %get3A_47, %get3A_47 : vector<200x128xf32>
    %dot_general3A_56 = arith.constant dense<0.000000e+00> : vector<200x1xf32>
    %dot_general3A_57 = tpu.matmul %mul3A_55, %broadcast_in_dim3A_54, %dot_general3A_56 {dimension_numbers = #tpu.dot_dimension_numbers<[1], [1], [0], [0], [0, 0, 1, 0], [], []>, transpose_lhs_hint = false} : vector<200x128xf32>, vector<1x128xf32>, vector<200x1xf32> -> vector<200x1xf32>
    %max3A_58 = arith.constant 1.000000e-24 : f32
    %max3A_59 = vector.broadcast %max3A_58 : f32 to vector<200x1xf32>
    %max3A_60 = arith.maximumf %dot_general3A_57, %max3A_59 : vector<200x1xf32>
    %rsqrt3A_61 = math.rsqrt %max3A_60 : vector<200x1xf32>
    %mul3A_62 = arith.mulf %dot_general3A_57, %rsqrt3A_61 : vector<200x1xf32>
    %mul3A_63 = arith.mulf %mul3A_62, %rsqrt3A_61 : vector<200x1xf32>
    %mul3A_64 = arith.mulf %get3A_52, %get3A_52 : vector<64x128xf32>
    %dot_general3A_65 = arith.constant dense<0.000000e+00> : vector<64x1xf32>
    %dot_general3A_66 = tpu.matmul %mul3A_64, %broadcast_in_dim3A_54, %dot_general3A_65 {dimension_numbers = #tpu.dot_dimension_numbers<[1], [1], [0], [0], [0, 0, 1, 0], [], []>, transpose_lhs_hint = false} : vector<64x128xf32>, vector<1x128xf32>, vector<64x1xf32> -> vector<64x1xf32>
    %max3A_67 = arith.constant 1.000000e-24 : f32
    %max3A_68 = vector.broadcast %max3A_67 : f32 to vector<64x1xf32>
    %max3A_69 = arith.maximumf %dot_general3A_66, %max3A_68 : vector<64x1xf32>
    %rsqrt3A_70 = math.rsqrt %max3A_69 : vector<64x1xf32>
    %mul3A_71 = arith.mulf %dot_general3A_66, %rsqrt3A_70 : vector<64x1xf32>
    %mul3A_72 = arith.mulf %mul3A_71, %rsqrt3A_70 : vector<64x1xf32>
    %mul3A_73 = arith.constant -2.000000e+00 : f32
    %mul3A_74 = vector.broadcast %mul3A_73 : f32 to vector<64x1xf32>
    %mul3A_75 = arith.mulf %mul3A_74, %rsqrt3A_70 : vector<64x1xf32>
    %mul3A_76 = vector.broadcast %mul3A_75 : vector<64x1xf32> to vector<64x128xf32>
    %mul3A_77 = arith.mulf %get3A_52, %mul3A_76 : vector<64x128xf32>
    %dot_general3A_78 = arith.constant dense<0.000000e+00> : vector<200x64xf32>
    %dot_general3A_79 = tpu.matmul %get3A_47, %mul3A_77, %dot_general3A_78 {dimension_numbers = #tpu.dot_dimension_numbers<[1], [1], [0], [0], [0, 0, 1, 0], [], []>, transpose_lhs_hint = false} : vector<200x128xf32>, vector<64x128xf32>, vector<200x64xf32> -> vector<200x64xf32>
    %broadcast_in_dim3A_80 = arith.constant 1.000000e+00 : f32
    %broadcast_in_dim3A_81 = vector.broadcast %broadcast_in_dim3A_80 : f32 to vector<200x1xf32>
    %concatenate3A_82 = tpu.concatenate %mul3A_63, %broadcast_in_dim3A_81 in 1 : vector<200x1xf32>, vector<200x1xf32> -> vector<200x2xf32>
    %broadcast_in_dim3A_83 = arith.constant 1.000000e+00 : f32
    %broadcast_in_dim3A_84 = vector.broadcast %broadcast_in_dim3A_83 : f32 to vector<64x1xf32>
    %concatenate3A_85 = tpu.concatenate %broadcast_in_dim3A_84, %mul3A_72 in 1 : vector<64x1xf32>, vector<64x1xf32> -> vector<64x2xf32>
    %dot_general3A_86 = arith.constant dense<0.000000e+00> : vector<200x64xf32>
    %dot_general3A_87 = tpu.matmul %concatenate3A_82, %concatenate3A_85, %dot_general3A_86 {dimension_numbers = #tpu.dot_dimension_numbers<[1], [1], [0], [0], [0, 0, 1, 0], [], []>, transpose_lhs_hint = false} : vector<200x2xf32>, vector<64x2xf32>, vector<200x64xf32> -> vector<200x64xf32>
    %mul3A_88 = vector.broadcast %rsqrt3A_61 : vector<200x1xf32> to vector<200x64xf32>
    %mul3A_89 = arith.mulf %dot_general3A_79, %mul3A_88 : vector<200x64xf32>
    %add3A_90 = arith.addf %mul3A_89, %dot_general3A_87 : vector<200x64xf32>
    %max3A_91 = arith.constant 0.000000e+00 : f32
    %max3A_92 = vector.broadcast %max3A_91 : f32 to vector<200x64xf32>
    %max3A_93 = arith.maximumf %add3A_90, %max3A_92 : vector<200x64xf32>
    %concatenate3A_94 = tpu.concatenate %max3A_42, %max3A_93 in 1 : vector<200x64xf32>, vector<200x64xf32> -> vector<200x128xf32>
    %slice3A = vector.extract_strided_slice %concatenate3A_94 {offsets = [0, 0], sizes = [8, 128], strides = [1, 1]} : vector<200x128xf32> to vector<8x128xf32>
    %slice3A_95 = vector.extract_strided_slice %concatenate3A_94 {offsets = [8, 0], sizes = [8, 128], strides = [1, 1]} : vector<200x128xf32> to vector<8x128xf32>
    %min3A = arith.minimumf %slice3A, %slice3A_95 : vector<8x128xf32>
    %slice3A_96 = vector.extract_strided_slice %concatenate3A_94 {offsets = [0, 0], sizes = [8, 128], strides = [1, 1]} : vector<200x128xf32> to vector<8x128xf32>
    %slice3A_97 = vector.extract_strided_slice %concatenate3A_94 {offsets = [8, 0], sizes = [8, 128], strides = [1, 1]} : vector<200x128xf32> to vector<8x128xf32>
    %max3A_98 = arith.maximumf %slice3A_96, %slice3A_97 : vector<8x128xf32>
    %broadcast_in_dim3A_99 = arith.constant 3.000000e+38 : f32
    %broadcast_in_dim3A_100 = vector.broadcast %broadcast_in_dim3A_99 : f32 to vector<8x128xf32>
    %broadcast_in_dim3A_101 = arith.constant 3.000000e+38 : f32
    %broadcast_in_dim3A_102 = vector.broadcast %broadcast_in_dim3A_101 : f32 to vector<8x128xf32>
    %slice3A_103 = vector.extract_strided_slice %concatenate3A_94 {offsets = [16, 0], sizes = [8, 128], strides = [1, 1]} : vector<200x128xf32> to vector<8x128xf32>
    %slice3A_104 = vector.extract_strided_slice %concatenate3A_94 {offsets = [24, 0], sizes = [8, 128], strides = [1, 1]} : vector<200x128xf32> to vector<8x128xf32>
    %min3A_105 = arith.minimumf %slice3A_103, %slice3A_104 : vector<8x128xf32>
    %max3A_106 = arith.maximumf %slice3A_103, %slice3A_104 : vector<8x128xf32>
    %min3A_107 = arith.minimumf %broadcast_in_dim3A_100, %max3A_106 : vector<8x128xf32>
    %min3A_108 = arith.minimumf %broadcast_in_dim3A_102, %min3A_105 : vector<8x128xf32>
    %min3A_109 = arith.minimumf %min3A, %min3A_107 : vector<8x128xf32>
    %max3A_110 = arith.maximumf %min3A, %min3A_107 : vector<8x128xf32>
    %min3A_111 = arith.minimumf %max3A_98, %min3A_108 : vector<8x128xf32>
    %max3A_112 = arith.maximumf %max3A_98, %min3A_108 : vector<8x128xf32>
    %min3A_113 = arith.minimumf %min3A_109, %min3A_111 : vector<8x128xf32>
    %max3A_114 = arith.maximumf %min3A_109, %min3A_111 : vector<8x128xf32>
    %min3A_115 = arith.minimumf %max3A_110, %max3A_112 : vector<8x128xf32>
    %max3A_116 = arith.maximumf %max3A_110, %max3A_112 : vector<8x128xf32>
    %slice3A_117 = vector.extract_strided_slice %concatenate3A_94 {offsets = [32, 0], sizes = [8, 128], strides = [1, 1]} : vector<200x128xf32> to vector<8x128xf32>
    %slice3A_118 = vector.extract_strided_slice %concatenate3A_94 {offsets = [40, 0], sizes = [8, 128], strides = [1, 1]} : vector<200x128xf32> to vector<8x128xf32>
    %min3A_119 = arith.minimumf %slice3A_117, %slice3A_118 : vector<8x128xf32>
    %max3A_120 = arith.maximumf %slice3A_117, %slice3A_118 : vector<8x128xf32>
    %min3A_121 = arith.minimumf %min3A_115, %max3A_120 : vector<8x128xf32>
    %min3A_122 = arith.minimumf %max3A_116, %min3A_119 : vector<8x128xf32>
    %min3A_123 = arith.minimumf %min3A_113, %min3A_121 : vector<8x128xf32>
    %max3A_124 = arith.maximumf %min3A_113, %min3A_121 : vector<8x128xf32>
    %min3A_125 = arith.minimumf %max3A_114, %min3A_122 : vector<8x128xf32>
    %max3A_126 = arith.maximumf %max3A_114, %min3A_122 : vector<8x128xf32>
    %min3A_127 = arith.minimumf %min3A_123, %min3A_125 : vector<8x128xf32>
    %max3A_128 = arith.maximumf %min3A_123, %min3A_125 : vector<8x128xf32>
    %min3A_129 = arith.minimumf %max3A_124, %max3A_126 : vector<8x128xf32>
    %max3A_130 = arith.maximumf %max3A_124, %max3A_126 : vector<8x128xf32>
    %slice3A_131 = vector.extract_strided_slice %concatenate3A_94 {offsets = [48, 0], sizes = [8, 128], strides = [1, 1]} : vector<200x128xf32> to vector<8x128xf32>
    %slice3A_132 = vector.extract_strided_slice %concatenate3A_94 {offsets = [56, 0], sizes = [8, 128], strides = [1, 1]} : vector<200x128xf32> to vector<8x128xf32>
    %min3A_133 = arith.minimumf %slice3A_131, %slice3A_132 : vector<8x128xf32>
    %max3A_134 = arith.maximumf %slice3A_131, %slice3A_132 : vector<8x128xf32>
    %min3A_135 = arith.minimumf %min3A_129, %max3A_134 : vector<8x128xf32>
    %min3A_136 = arith.minimumf %max3A_130, %min3A_133 : vector<8x128xf32>
    %min3A_137 = arith.minimumf %min3A_127, %min3A_135 : vector<8x128xf32>
    %max3A_138 = arith.maximumf %min3A_127, %min3A_135 : vector<8x128xf32>
    %min3A_139 = arith.minimumf %max3A_128, %min3A_136 : vector<8x128xf32>
    %max3A_140 = arith.maximumf %max3A_128, %min3A_136 : vector<8x128xf32>
    %min3A_141 = arith.minimumf %min3A_137, %min3A_139 : vector<8x128xf32>
    %max3A_142 = arith.maximumf %min3A_137, %min3A_139 : vector<8x128xf32>
    %min3A_143 = arith.minimumf %max3A_138, %max3A_140 : vector<8x128xf32>
    %max3A_144 = arith.maximumf %max3A_138, %max3A_140 : vector<8x128xf32>
    %slice3A_145 = vector.extract_strided_slice %concatenate3A_94 {offsets = [64, 0], sizes = [8, 128], strides = [1, 1]} : vector<200x128xf32> to vector<8x128xf32>
    %slice3A_146 = vector.extract_strided_slice %concatenate3A_94 {offsets = [72, 0], sizes = [8, 128], strides = [1, 1]} : vector<200x128xf32> to vector<8x128xf32>
    %min3A_147 = arith.minimumf %slice3A_145, %slice3A_146 : vector<8x128xf32>
    %max3A_148 = arith.maximumf %slice3A_145, %slice3A_146 : vector<8x128xf32>
    %min3A_149 = arith.minimumf %min3A_143, %max3A_148 : vector<8x128xf32>
    %min3A_150 = arith.minimumf %max3A_144, %min3A_147 : vector<8x128xf32>
    %min3A_151 = arith.minimumf %min3A_141, %min3A_149 : vector<8x128xf32>
    %max3A_152 = arith.maximumf %min3A_141, %min3A_149 : vector<8x128xf32>
    %min3A_153 = arith.minimumf %max3A_142, %min3A_150 : vector<8x128xf32>
    %max3A_154 = arith.maximumf %max3A_142, %min3A_150 : vector<8x128xf32>
    %min3A_155 = arith.minimumf %min3A_151, %min3A_153 : vector<8x128xf32>
    %max3A_156 = arith.maximumf %min3A_151, %min3A_153 : vector<8x128xf32>
    %min3A_157 = arith.minimumf %max3A_152, %max3A_154 : vector<8x128xf32>
    %max3A_158 = arith.maximumf %max3A_152, %max3A_154 : vector<8x128xf32>
    %slice3A_159 = vector.extract_strided_slice %concatenate3A_94 {offsets = [80, 0], sizes = [8, 128], strides = [1, 1]} : vector<200x128xf32> to vector<8x128xf32>
    %slice3A_160 = vector.extract_strided_slice %concatenate3A_94 {offsets = [88, 0], sizes = [8, 128], strides = [1, 1]} : vector<200x128xf32> to vector<8x128xf32>
    %min3A_161 = arith.minimumf %slice3A_159, %slice3A_160 : vector<8x128xf32>
    %max3A_162 = arith.maximumf %slice3A_159, %slice3A_160 : vector<8x128xf32>
    %min3A_163 = arith.minimumf %min3A_157, %max3A_162 : vector<8x128xf32>
    %min3A_164 = arith.minimumf %max3A_158, %min3A_161 : vector<8x128xf32>
    %min3A_165 = arith.minimumf %min3A_155, %min3A_163 : vector<8x128xf32>
    %max3A_166 = arith.maximumf %min3A_155, %min3A_163 : vector<8x128xf32>
    %min3A_167 = arith.minimumf %max3A_156, %min3A_164 : vector<8x128xf32>
    %max3A_168 = arith.maximumf %max3A_156, %min3A_164 : vector<8x128xf32>
    %min3A_169 = arith.minimumf %min3A_165, %min3A_167 : vector<8x128xf32>
    %max3A_170 = arith.maximumf %min3A_165, %min3A_167 : vector<8x128xf32>
    %min3A_171 = arith.minimumf %max3A_166, %max3A_168 : vector<8x128xf32>
    %max3A_172 = arith.maximumf %max3A_166, %max3A_168 : vector<8x128xf32>
    %slice3A_173 = vector.extract_strided_slice %concatenate3A_94 {offsets = [96, 0], sizes = [8, 128], strides = [1, 1]} : vector<200x128xf32> to vector<8x128xf32>
    %slice3A_174 = vector.extract_strided_slice %concatenate3A_94 {offsets = [104, 0], sizes = [8, 128], strides = [1, 1]} : vector<200x128xf32> to vector<8x128xf32>
    %min3A_175 = arith.minimumf %slice3A_173, %slice3A_174 : vector<8x128xf32>
    %slice3A_176 = vector.extract_strided_slice %concatenate3A_94 {offsets = [96, 0], sizes = [8, 128], strides = [1, 1]} : vector<200x128xf32> to vector<8x128xf32>
    %slice3A_177 = vector.extract_strided_slice %concatenate3A_94 {offsets = [104, 0], sizes = [8, 128], strides = [1, 1]} : vector<200x128xf32> to vector<8x128xf32>
    %max3A_178 = arith.maximumf %slice3A_176, %slice3A_177 : vector<8x128xf32>
    %broadcast_in_dim3A_179 = arith.constant 3.000000e+38 : f32
    %broadcast_in_dim3A_180 = vector.broadcast %broadcast_in_dim3A_179 : f32 to vector<8x128xf32>
    %broadcast_in_dim3A_181 = arith.constant 3.000000e+38 : f32
    %broadcast_in_dim3A_182 = vector.broadcast %broadcast_in_dim3A_181 : f32 to vector<8x128xf32>
    %slice3A_183 = vector.extract_strided_slice %concatenate3A_94 {offsets = [112, 0], sizes = [8, 128], strides = [1, 1]} : vector<200x128xf32> to vector<8x128xf32>
    %slice3A_184 = vector.extract_strided_slice %concatenate3A_94 {offsets = [120, 0], sizes = [8, 128], strides = [1, 1]} : vector<200x128xf32> to vector<8x128xf32>
    %min3A_185 = arith.minimumf %slice3A_183, %slice3A_184 : vector<8x128xf32>
    %max3A_186 = arith.maximumf %slice3A_183, %slice3A_184 : vector<8x128xf32>
    %min3A_187 = arith.minimumf %broadcast_in_dim3A_180, %max3A_186 : vector<8x128xf32>
    %min3A_188 = arith.minimumf %broadcast_in_dim3A_182, %min3A_185 : vector<8x128xf32>
    %min3A_189 = arith.minimumf %min3A_175, %min3A_187 : vector<8x128xf32>
    %max3A_190 = arith.maximumf %min3A_175, %min3A_187 : vector<8x128xf32>
    %min3A_191 = arith.minimumf %max3A_178, %min3A_188 : vector<8x128xf32>
    %max3A_192 = arith.maximumf %max3A_178, %min3A_188 : vector<8x128xf32>
    %min3A_193 = arith.minimumf %min3A_189, %min3A_191 : vector<8x128xf32>
    %max3A_194 = arith.maximumf %min3A_189, %min3A_191 : vector<8x128xf32>
    %min3A_195 = arith.minimumf %max3A_190, %max3A_192 : vector<8x128xf32>
    %max3A_196 = arith.maximumf %max3A_190, %max3A_192 : vector<8x128xf32>
    %slice3A_197 = vector.extract_strided_slice %concatenate3A_94 {offsets = [128, 0], sizes = [8, 128], strides = [1, 1]} : vector<200x128xf32> to vector<8x128xf32>
    %slice3A_198 = vector.extract_strided_slice %concatenate3A_94 {offsets = [136, 0], sizes = [8, 128], strides = [1, 1]} : vector<200x128xf32> to vector<8x128xf32>
    %min3A_199 = arith.minimumf %slice3A_197, %slice3A_198 : vector<8x128xf32>
    %max3A_200 = arith.maximumf %slice3A_197, %slice3A_198 : vector<8x128xf32>
    %min3A_201 = arith.minimumf %min3A_195, %max3A_200 : vector<8x128xf32>
    %min3A_202 = arith.minimumf %max3A_196, %min3A_199 : vector<8x128xf32>
    %min3A_203 = arith.minimumf %min3A_193, %min3A_201 : vector<8x128xf32>
    %max3A_204 = arith.maximumf %min3A_193, %min3A_201 : vector<8x128xf32>
    %min3A_205 = arith.minimumf %max3A_194, %min3A_202 : vector<8x128xf32>
    %max3A_206 = arith.maximumf %max3A_194, %min3A_202 : vector<8x128xf32>
    %min3A_207 = arith.minimumf %min3A_203, %min3A_205 : vector<8x128xf32>
    %max3A_208 = arith.maximumf %min3A_203, %min3A_205 : vector<8x128xf32>
    %min3A_209 = arith.minimumf %max3A_204, %max3A_206 : vector<8x128xf32>
    %max3A_210 = arith.maximumf %max3A_204, %max3A_206 : vector<8x128xf32>
    %slice3A_211 = vector.extract_strided_slice %concatenate3A_94 {offsets = [144, 0], sizes = [8, 128], strides = [1, 1]} : vector<200x128xf32> to vector<8x128xf32>
    %slice3A_212 = vector.extract_strided_slice %concatenate3A_94 {offsets = [152, 0], sizes = [8, 128], strides = [1, 1]} : vector<200x128xf32> to vector<8x128xf32>
    %min3A_213 = arith.minimumf %slice3A_211, %slice3A_212 : vector<8x128xf32>
    %max3A_214 = arith.maximumf %slice3A_211, %slice3A_212 : vector<8x128xf32>
    %min3A_215 = arith.minimumf %min3A_209, %max3A_214 : vector<8x128xf32>
    %min3A_216 = arith.minimumf %max3A_210, %min3A_213 : vector<8x128xf32>
    %min3A_217 = arith.minimumf %min3A_207, %min3A_215 : vector<8x128xf32>
    %max3A_218 = arith.maximumf %min3A_207, %min3A_215 : vector<8x128xf32>
    %min3A_219 = arith.minimumf %max3A_208, %min3A_216 : vector<8x128xf32>
    %max3A_220 = arith.maximumf %max3A_208, %min3A_216 : vector<8x128xf32>
    %min3A_221 = arith.minimumf %min3A_217, %min3A_219 : vector<8x128xf32>
    %max3A_222 = arith.maximumf %min3A_217, %min3A_219 : vector<8x128xf32>
    %min3A_223 = arith.minimumf %max3A_218, %max3A_220 : vector<8x128xf32>
    %max3A_224 = arith.maximumf %max3A_218, %max3A_220 : vector<8x128xf32>
    %slice3A_225 = vector.extract_strided_slice %concatenate3A_94 {offsets = [160, 0], sizes = [8, 128], strides = [1, 1]} : vector<200x128xf32> to vector<8x128xf32>
    %slice3A_226 = vector.extract_strided_slice %concatenate3A_94 {offsets = [168, 0], sizes = [8, 128], strides = [1, 1]} : vector<200x128xf32> to vector<8x128xf32>
    %min3A_227 = arith.minimumf %slice3A_225, %slice3A_226 : vector<8x128xf32>
    %max3A_228 = arith.maximumf %slice3A_225, %slice3A_226 : vector<8x128xf32>
    %min3A_229 = arith.minimumf %min3A_223, %max3A_228 : vector<8x128xf32>
    %min3A_230 = arith.minimumf %max3A_224, %min3A_227 : vector<8x128xf32>
    %min3A_231 = arith.minimumf %min3A_221, %min3A_229 : vector<8x128xf32>
    %max3A_232 = arith.maximumf %min3A_221, %min3A_229 : vector<8x128xf32>
    %min3A_233 = arith.minimumf %max3A_222, %min3A_230 : vector<8x128xf32>
    %max3A_234 = arith.maximumf %max3A_222, %min3A_230 : vector<8x128xf32>
    %min3A_235 = arith.minimumf %min3A_231, %min3A_233 : vector<8x128xf32>
    %max3A_236 = arith.maximumf %min3A_231, %min3A_233 : vector<8x128xf32>
    %min3A_237 = arith.minimumf %max3A_232, %max3A_234 : vector<8x128xf32>
    %max3A_238 = arith.maximumf %max3A_232, %max3A_234 : vector<8x128xf32>
    %slice3A_239 = vector.extract_strided_slice %concatenate3A_94 {offsets = [176, 0], sizes = [8, 128], strides = [1, 1]} : vector<200x128xf32> to vector<8x128xf32>
    %slice3A_240 = vector.extract_strided_slice %concatenate3A_94 {offsets = [184, 0], sizes = [8, 128], strides = [1, 1]} : vector<200x128xf32> to vector<8x128xf32>
    %min3A_241 = arith.minimumf %slice3A_239, %slice3A_240 : vector<8x128xf32>
    %max3A_242 = arith.maximumf %slice3A_239, %slice3A_240 : vector<8x128xf32>
    %min3A_243 = arith.minimumf %min3A_237, %max3A_242 : vector<8x128xf32>
    %min3A_244 = arith.minimumf %max3A_238, %min3A_241 : vector<8x128xf32>
    %min3A_245 = arith.minimumf %min3A_235, %min3A_243 : vector<8x128xf32>
    %max3A_246 = arith.maximumf %min3A_235, %min3A_243 : vector<8x128xf32>
    %min3A_247 = arith.minimumf %max3A_236, %min3A_244 : vector<8x128xf32>
    %max3A_248 = arith.maximumf %max3A_236, %min3A_244 : vector<8x128xf32>
    %min3A_249 = arith.minimumf %min3A_245, %min3A_247 : vector<8x128xf32>
    %max3A_250 = arith.maximumf %min3A_245, %min3A_247 : vector<8x128xf32>
    %min3A_251 = arith.minimumf %max3A_246, %max3A_248 : vector<8x128xf32>
    %max3A_252 = arith.maximumf %max3A_246, %max3A_248 : vector<8x128xf32>
    %slice3A_253 = vector.extract_strided_slice %concatenate3A_94 {offsets = [192, 0], sizes = [8, 128], strides = [1, 1]} : vector<200x128xf32> to vector<8x128xf32>
    %min3A_254 = arith.minimumf %min3A_249, %slice3A_253 : vector<8x128xf32>
    %max3A_255 = arith.maximumf %min3A_249, %slice3A_253 : vector<8x128xf32>
    %min3A_256 = arith.minimumf %max3A_250, %max3A_255 : vector<8x128xf32>
    %max3A_257 = arith.maximumf %max3A_250, %max3A_255 : vector<8x128xf32>
    %min3A_258 = arith.minimumf %min3A_251, %max3A_257 : vector<8x128xf32>
    %max3A_259 = arith.maximumf %min3A_251, %max3A_257 : vector<8x128xf32>
    %min3A_260 = arith.minimumf %max3A_252, %max3A_259 : vector<8x128xf32>
    %min3A_261 = arith.minimumf %min3A_169, %min3A_260 : vector<8x128xf32>
    %min3A_262 = arith.minimumf %max3A_170, %min3A_258 : vector<8x128xf32>
    %min3A_263 = arith.minimumf %min3A_171, %min3A_256 : vector<8x128xf32>
    %min3A_264 = arith.minimumf %max3A_172, %min3A_254 : vector<8x128xf32>
    %min3A_265 = arith.minimumf %min3A_261, %min3A_263 : vector<8x128xf32>
    %max3A_266 = arith.maximumf %min3A_261, %min3A_263 : vector<8x128xf32>
    %min3A_267 = arith.minimumf %min3A_262, %min3A_264 : vector<8x128xf32>
    %max3A_268 = arith.maximumf %min3A_262, %min3A_264 : vector<8x128xf32>
    %min3A_269 = arith.minimumf %min3A_265, %min3A_267 : vector<8x128xf32>
    %max3A_270 = arith.maximumf %min3A_265, %min3A_267 : vector<8x128xf32>
    %min3A_271 = arith.minimumf %max3A_266, %max3A_268 : vector<8x128xf32>
    %max3A_272 = arith.maximumf %max3A_266, %max3A_268 : vector<8x128xf32>
    %slice3A_273 = vector.extract_strided_slice %min3A_269 {offsets = [4, 0], sizes = [4, 128], strides = [1, 1]} : vector<8x128xf32> to vector<4x128xf32>
    %slice3A_274 = vector.extract_strided_slice %min3A_269 {offsets = [0, 0], sizes = [4, 128], strides = [1, 1]} : vector<8x128xf32> to vector<4x128xf32>
    %concatenate3A_275 = tpu.concatenate %slice3A_273, %slice3A_274 in 0 : vector<4x128xf32>, vector<4x128xf32> -> vector<8x128xf32>
    %slice3A_276 = vector.extract_strided_slice %max3A_270 {offsets = [4, 0], sizes = [4, 128], strides = [1, 1]} : vector<8x128xf32> to vector<4x128xf32>
    %slice3A_277 = vector.extract_strided_slice %max3A_270 {offsets = [0, 0], sizes = [4, 128], strides = [1, 1]} : vector<8x128xf32> to vector<4x128xf32>
    %concatenate3A_278 = tpu.concatenate %slice3A_276, %slice3A_277 in 0 : vector<4x128xf32>, vector<4x128xf32> -> vector<8x128xf32>
    %slice3A_279 = vector.extract_strided_slice %min3A_271 {offsets = [4, 0], sizes = [4, 128], strides = [1, 1]} : vector<8x128xf32> to vector<4x128xf32>
    %slice3A_280 = vector.extract_strided_slice %min3A_271 {offsets = [0, 0], sizes = [4, 128], strides = [1, 1]} : vector<8x128xf32> to vector<4x128xf32>
    %concatenate3A_281 = tpu.concatenate %slice3A_279, %slice3A_280 in 0 : vector<4x128xf32>, vector<4x128xf32> -> vector<8x128xf32>
    %slice3A_282 = vector.extract_strided_slice %max3A_272 {offsets = [4, 0], sizes = [4, 128], strides = [1, 1]} : vector<8x128xf32> to vector<4x128xf32>
    %slice3A_283 = vector.extract_strided_slice %max3A_272 {offsets = [0, 0], sizes = [4, 128], strides = [1, 1]} : vector<8x128xf32> to vector<4x128xf32>
    %concatenate3A_284 = tpu.concatenate %slice3A_282, %slice3A_283 in 0 : vector<4x128xf32>, vector<4x128xf32> -> vector<8x128xf32>
    %min3A_285 = arith.minimumf %min3A_269, %concatenate3A_284 : vector<8x128xf32>
    %min3A_286 = arith.minimumf %max3A_270, %concatenate3A_281 : vector<8x128xf32>
    %min3A_287 = arith.minimumf %min3A_271, %concatenate3A_278 : vector<8x128xf32>
    %min3A_288 = arith.minimumf %max3A_272, %concatenate3A_275 : vector<8x128xf32>
    %min3A_289 = arith.minimumf %min3A_285, %min3A_287 : vector<8x128xf32>
    %max3A_290 = arith.maximumf %min3A_285, %min3A_287 : vector<8x128xf32>
    %min3A_291 = arith.minimumf %min3A_286, %min3A_288 : vector<8x128xf32>
    %max3A_292 = arith.maximumf %min3A_286, %min3A_288 : vector<8x128xf32>
    %min3A_293 = arith.minimumf %min3A_289, %min3A_291 : vector<8x128xf32>
    %max3A_294 = arith.maximumf %min3A_289, %min3A_291 : vector<8x128xf32>
    %min3A_295 = arith.minimumf %max3A_290, %max3A_292 : vector<8x128xf32>
    %max3A_296 = arith.maximumf %max3A_290, %max3A_292 : vector<8x128xf32>
    %slice3A_297 = vector.extract_strided_slice %min3A_293 {offsets = [2, 0], sizes = [6, 128], strides = [1, 1]} : vector<8x128xf32> to vector<6x128xf32>
    %slice3A_298 = vector.extract_strided_slice %min3A_293 {offsets = [0, 0], sizes = [2, 128], strides = [1, 1]} : vector<8x128xf32> to vector<2x128xf32>
    %concatenate3A_299 = tpu.concatenate %slice3A_297, %slice3A_298 in 0 : vector<6x128xf32>, vector<2x128xf32> -> vector<8x128xf32>
    %slice3A_300 = vector.extract_strided_slice %max3A_294 {offsets = [2, 0], sizes = [6, 128], strides = [1, 1]} : vector<8x128xf32> to vector<6x128xf32>
    %slice3A_301 = vector.extract_strided_slice %max3A_294 {offsets = [0, 0], sizes = [2, 128], strides = [1, 1]} : vector<8x128xf32> to vector<2x128xf32>
    %concatenate3A_302 = tpu.concatenate %slice3A_300, %slice3A_301 in 0 : vector<6x128xf32>, vector<2x128xf32> -> vector<8x128xf32>
    %slice3A_303 = vector.extract_strided_slice %min3A_295 {offsets = [2, 0], sizes = [6, 128], strides = [1, 1]} : vector<8x128xf32> to vector<6x128xf32>
    %slice3A_304 = vector.extract_strided_slice %min3A_295 {offsets = [0, 0], sizes = [2, 128], strides = [1, 1]} : vector<8x128xf32> to vector<2x128xf32>
    %concatenate3A_305 = tpu.concatenate %slice3A_303, %slice3A_304 in 0 : vector<6x128xf32>, vector<2x128xf32> -> vector<8x128xf32>
    %slice3A_306 = vector.extract_strided_slice %max3A_296 {offsets = [2, 0], sizes = [6, 128], strides = [1, 1]} : vector<8x128xf32> to vector<6x128xf32>
    %slice3A_307 = vector.extract_strided_slice %max3A_296 {offsets = [0, 0], sizes = [2, 128], strides = [1, 1]} : vector<8x128xf32> to vector<2x128xf32>
    %concatenate3A_308 = tpu.concatenate %slice3A_306, %slice3A_307 in 0 : vector<6x128xf32>, vector<2x128xf32> -> vector<8x128xf32>
    %min3A_309 = arith.minimumf %min3A_293, %concatenate3A_308 : vector<8x128xf32>
    %min3A_310 = arith.minimumf %max3A_294, %concatenate3A_305 : vector<8x128xf32>
    %min3A_311 = arith.minimumf %min3A_295, %concatenate3A_302 : vector<8x128xf32>
    %min3A_312 = arith.minimumf %max3A_296, %concatenate3A_299 : vector<8x128xf32>
    %min3A_313 = arith.minimumf %min3A_309, %min3A_311 : vector<8x128xf32>
    %max3A_314 = arith.maximumf %min3A_309, %min3A_311 : vector<8x128xf32>
    %min3A_315 = arith.minimumf %min3A_310, %min3A_312 : vector<8x128xf32>
    %max3A_316 = arith.maximumf %min3A_310, %min3A_312 : vector<8x128xf32>
    %min3A_317 = arith.minimumf %min3A_313, %min3A_315 : vector<8x128xf32>
    %max3A_318 = arith.maximumf %min3A_313, %min3A_315 : vector<8x128xf32>
    %min3A_319 = arith.minimumf %max3A_314, %max3A_316 : vector<8x128xf32>
    %max3A_320 = arith.maximumf %max3A_314, %max3A_316 : vector<8x128xf32>
    %slice3A_321 = vector.extract_strided_slice %min3A_317 {offsets = [1, 0], sizes = [7, 128], strides = [1, 1]} : vector<8x128xf32> to vector<7x128xf32>
    %slice3A_322 = vector.extract_strided_slice %min3A_317 {offsets = [0, 0], sizes = [1, 128], strides = [1, 1]} : vector<8x128xf32> to vector<1x128xf32>
    %concatenate3A_323 = tpu.concatenate %slice3A_321, %slice3A_322 in 0 : vector<7x128xf32>, vector<1x128xf32> -> vector<8x128xf32>
    %slice3A_324 = vector.extract_strided_slice %max3A_318 {offsets = [1, 0], sizes = [7, 128], strides = [1, 1]} : vector<8x128xf32> to vector<7x128xf32>
    %slice3A_325 = vector.extract_strided_slice %max3A_318 {offsets = [0, 0], sizes = [1, 128], strides = [1, 1]} : vector<8x128xf32> to vector<1x128xf32>
    %concatenate3A_326 = tpu.concatenate %slice3A_324, %slice3A_325 in 0 : vector<7x128xf32>, vector<1x128xf32> -> vector<8x128xf32>
    %slice3A_327 = vector.extract_strided_slice %min3A_319 {offsets = [1, 0], sizes = [7, 128], strides = [1, 1]} : vector<8x128xf32> to vector<7x128xf32>
    %slice3A_328 = vector.extract_strided_slice %min3A_319 {offsets = [0, 0], sizes = [1, 128], strides = [1, 1]} : vector<8x128xf32> to vector<1x128xf32>
    %concatenate3A_329 = tpu.concatenate %slice3A_327, %slice3A_328 in 0 : vector<7x128xf32>, vector<1x128xf32> -> vector<8x128xf32>
    %slice3A_330 = vector.extract_strided_slice %max3A_320 {offsets = [1, 0], sizes = [7, 128], strides = [1, 1]} : vector<8x128xf32> to vector<7x128xf32>
    %slice3A_331 = vector.extract_strided_slice %max3A_320 {offsets = [0, 0], sizes = [1, 128], strides = [1, 1]} : vector<8x128xf32> to vector<1x128xf32>
    %concatenate3A_332 = tpu.concatenate %slice3A_330, %slice3A_331 in 0 : vector<7x128xf32>, vector<1x128xf32> -> vector<8x128xf32>
    %min3A_333 = arith.minimumf %min3A_317, %concatenate3A_332 : vector<8x128xf32>
    %min3A_334 = arith.minimumf %max3A_318, %concatenate3A_329 : vector<8x128xf32>
    %min3A_335 = arith.minimumf %min3A_319, %concatenate3A_326 : vector<8x128xf32>
    %min3A_336 = arith.minimumf %max3A_320, %concatenate3A_323 : vector<8x128xf32>
    %min3A_337 = arith.minimumf %min3A_333, %min3A_335 : vector<8x128xf32>
    %max3A_338 = arith.maximumf %min3A_333, %min3A_335 : vector<8x128xf32>
    %min3A_339 = arith.minimumf %min3A_334, %min3A_336 : vector<8x128xf32>
    %max3A_340 = arith.maximumf %min3A_334, %min3A_336 : vector<8x128xf32>
    %min3A_341 = arith.minimumf %min3A_337, %min3A_339 : vector<8x128xf32>
    %max3A_342 = arith.maximumf %min3A_337, %min3A_339 : vector<8x128xf32>
    %min3A_343 = arith.minimumf %max3A_338, %max3A_340 : vector<8x128xf32>
    %max3A_344 = arith.maximumf %max3A_338, %max3A_340 : vector<8x128xf32>
    %slice3A_345 = vector.extract_strided_slice %min3A_341 {offsets = [0, 0], sizes = [1, 128], strides = [1, 1]} : vector<8x128xf32> to vector<1x128xf32>
    %sqrt3A = math.sqrt %slice3A_345 : vector<1x128xf32>
    %swap3A = arith.constant 0 : index
    %swap3A_346 = arith.constant 0 : index
    %swap3A_347 = arith.constant 0 : index
    %swap3A_348 = vector.load %arg3[%swap3A, %swap3A_346, %swap3A_347] : memref<8x4x128xf32, #tpu.memory_space<vmem>>, vector<1x1x128xf32>
    %swap3A_349 = vector.shape_cast %swap3A_348 : vector<1x1x128xf32> to vector<1x128xf32>
    %swap3A_350 = vector.shape_cast %sqrt3A : vector<1x128xf32> to vector<1x1x128xf32>
    tpu.vector_store %arg3[%swap3A, %swap3A_346, %swap3A_347], %swap3A_350 {strides = array<i32>} : memref<8x4x128xf32, #tpu.memory_space<vmem>>, vector<1x1x128xf32>,
    %slice3A_351 = vector.extract_strided_slice %max3A_342 {offsets = [0, 0], sizes = [1, 128], strides = [1, 1]} : vector<8x128xf32> to vector<1x128xf32>
    %sqrt3A_352 = math.sqrt %slice3A_351 : vector<1x128xf32>
    %swap3A_353 = arith.constant 0 : index
    %swap3A_354 = arith.constant 1 : index
    %swap3A_355 = arith.constant 0 : index
    %swap3A_356 = vector.load %arg3[%swap3A_353, %swap3A_354, %swap3A_355] : memref<8x4x128xf32, #tpu.memory_space<vmem>>, vector<1x1x128xf32>
    %swap3A_357 = vector.shape_cast %swap3A_356 : vector<1x1x128xf32> to vector<1x128xf32>
    %swap3A_358 = vector.shape_cast %sqrt3A_352 : vector<1x128xf32> to vector<1x1x128xf32>
    tpu.vector_store %arg3[%swap3A_353, %swap3A_354, %swap3A_355], %swap3A_358 {strides = array<i32>} : memref<8x4x128xf32, #tpu.memory_space<vmem>>, vector<1x1x128xf32>,
    %slice3A_359 = vector.extract_strided_slice %min3A_343 {offsets = [0, 0], sizes = [1, 128], strides = [1, 1]} : vector<8x128xf32> to vector<1x128xf32>
    %sqrt3A_360 = math.sqrt %slice3A_359 : vector<1x128xf32>
    %swap3A_361 = arith.constant 0 : index
    %swap3A_362 = arith.constant 2 : index
    %swap3A_363 = arith.constant 0 : index
    %swap3A_364 = vector.load %arg3[%swap3A_361, %swap3A_362, %swap3A_363] : memref<8x4x128xf32, #tpu.memory_space<vmem>>, vector<1x1x128xf32>
    %swap3A_365 = vector.shape_cast %swap3A_364 : vector<1x1x128xf32> to vector<1x128xf32>
    %swap3A_366 = vector.shape_cast %sqrt3A_360 : vector<1x128xf32> to vector<1x1x128xf32>
    tpu.vector_store %arg3[%swap3A_361, %swap3A_362, %swap3A_363], %swap3A_366 {strides = array<i32>} : memref<8x4x128xf32, #tpu.memory_space<vmem>>, vector<1x1x128xf32>,
    %slice3A_367 = vector.extract_strided_slice %max3A_344 {offsets = [0, 0], sizes = [1, 128], strides = [1, 1]} : vector<8x128xf32> to vector<1x128xf32>
    %sqrt3A_368 = math.sqrt %slice3A_367 : vector<1x128xf32>
    %swap3A_369 = arith.constant 0 : index
    %swap3A_370 = arith.constant 3 : index
    %swap3A_371 = arith.constant 0 : index
    %swap3A_372 = vector.load %arg3[%swap3A_369, %swap3A_370, %swap3A_371] : memref<8x4x128xf32, #tpu.memory_space<vmem>>, vector<1x1x128xf32>
    %swap3A_373 = vector.shape_cast %swap3A_372 : vector<1x1x128xf32> to vector<1x128xf32>
    %swap3A_374 = vector.shape_cast %sqrt3A_368 : vector<1x128xf32> to vector<1x1x128xf32>
    tpu.vector_store %arg3[%swap3A_369, %swap3A_370, %swap3A_371], %swap3A_374 {strides = array<i32>} : memref<8x4x128xf32, #tpu.memory_space<vmem>>, vector<1x1x128xf32>,
    %get3A_375 = arith.constant 2 : index
    %get3A_376 = arith.constant 0 : index
    %get3A_377 = arith.constant 0 : index
    %get3A_378 = vector.load %arg1[%get3A_375, %get3A_376, %get3A_377] : memref<16x200x128xf32, #tpu.memory_space<vmem>>, vector<1x200x128xf32>
    %get3A_379 = vector.shape_cast %get3A_378 : vector<1x200x128xf32> to vector<200x128xf32>
    %get3A_380 = arith.constant 2 : index
    %get3A_381 = arith.constant 0 : index
    %get3A_382 = arith.constant 0 : index
    %get3A_383 = vector.load %arg2[%get3A_380, %get3A_381, %get3A_382] : memref<16x64x128xf32, #tpu.memory_space<vmem>>, vector<1x64x128xf32>
    %get3A_384 = vector.shape_cast %get3A_383 : vector<1x64x128xf32> to vector<64x128xf32>
    %broadcast_in_dim3A_385 = arith.constant 1.000000e+00 : f32
    %broadcast_in_dim3A_386 = vector.broadcast %broadcast_in_dim3A_385 : f32 to vector<1x128xf32>
    %mul3A_387 = arith.mulf %get3A_379, %get3A_379 : vector<200x128xf32>
    %dot_general3A_388 = arith.constant dense<0.000000e+00> : vector<200x1xf32>
    %dot_general3A_389 = tpu.matmul %mul3A_387, %broadcast_in_dim3A_386, %dot_general3A_388 {dimension_numbers = #tpu.dot_dimension_numbers<[1], [1], [0], [0], [0, 0, 1, 0], [], []>, transpose_lhs_hint = false} : vector<200x128xf32>, vector<1x128xf32>, vector<200x1xf32> -> vector<200x1xf32>
    %max3A_390 = arith.constant 1.000000e-24 : f32
    %max3A_391 = vector.broadcast %max3A_390 : f32 to vector<200x1xf32>
    %max3A_392 = arith.maximumf %dot_general3A_389, %max3A_391 : vector<200x1xf32>
    %rsqrt3A_393 = math.rsqrt %max3A_392 : vector<200x1xf32>
    %mul3A_394 = arith.mulf %dot_general3A_389, %rsqrt3A_393 : vector<200x1xf32>
    %mul3A_395 = arith.mulf %mul3A_394, %rsqrt3A_393 : vector<200x1xf32>
    %mul3A_396 = arith.mulf %get3A_384, %get3A_384 : vector<64x128xf32>
    %dot_general3A_397 = arith.constant dense<0.000000e+00> : vector<64x1xf32>
    %dot_general3A_398 = tpu.matmul %mul3A_396, %broadcast_in_dim3A_386, %dot_general3A_397 {dimension_numbers = #tpu.dot_dimension_numbers<[1], [1], [0], [0], [0, 0, 1, 0], [], []>, transpose_lhs_hint = false} : vector<64x128xf32>, vector<1x128xf32>, vector<64x1xf32> -> vector<64x1xf32>
    %max3A_399 = arith.constant 1.000000e-24 : f32
    %max3A_400 = vector.broadcast %max3A_399 : f32 to vector<64x1xf32>
    %max3A_401 = arith.maximumf %dot_general3A_398, %max3A_400 : vector<64x1xf32>
    %rsqrt3A_402 = math.rsqrt %max3A_401 : vector<64x1xf32>
    %mul3A_403 = arith.mulf %dot_general3A_398, %rsqrt3A_402 : vector<64x1xf32>
    %mul3A_404 = arith.mulf %mul3A_403, %rsqrt3A_402 : vector<64x1xf32>
    %mul3A_405 = arith.constant -2.000000e+00 : f32
    %mul3A_406 = vector.broadcast %mul3A_405 : f32 to vector<64x1xf32>
    %mul3A_407 = arith.mulf %mul3A_406, %rsqrt3A_402 : vector<64x1xf32>
    %mul3A_408 = vector.broadcast %mul3A_407 : vector<64x1xf32> to vector<64x128xf32>
    %mul3A_409 = arith.mulf %get3A_384, %mul3A_408 : vector<64x128xf32>
    %dot_general3A_410 = arith.constant dense<0.000000e+00> : vector<200x64xf32>
    %dot_general3A_411 = tpu.matmul %get3A_379, %mul3A_409, %dot_general3A_410 {dimension_numbers = #tpu.dot_dimension_numbers<[1], [1], [0], [0], [0, 0, 1, 0], [], []>, transpose_lhs_hint = false} : vector<200x128xf32>, vector<64x128xf32>, vector<200x64xf32> -> vector<200x64xf32>
    %broadcast_in_dim3A_412 = arith.constant 1.000000e+00 : f32
    %broadcast_in_dim3A_413 = vector.broadcast %broadcast_in_dim3A_412 : f32 to vector<200x1xf32>
    %concatenate3A_414 = tpu.concatenate %mul3A_395, %broadcast_in_dim3A_413 in 1 : vector<200x1xf32>, vector<200x1xf32> -> vector<200x2xf32>
    %broadcast_in_dim3A_415 = arith.constant 1.000000e+00 : f32
    %broadcast_in_dim3A_416 = vector.broadcast %broadcast_in_dim3A_415 : f32 to vector<64x1xf32>
    %concatenate3A_417 = tpu.concatenate %broadcast_in_dim3A_416, %mul3A_404 in 1 : vector<64x1xf32>, vector<64x1xf32> -> vector<64x2xf32>
    %dot_general3A_418 = arith.constant dense<0.000000e+00> : vector<200x64xf32>
    %dot_general3A_419 = tpu.matmul %concatenate3A_414, %concatenate3A_417, %dot_general3A_418 {dimension_numbers = #tpu.dot_dimension_numbers<[1], [1], [0], [0], [0, 0, 1, 0], [], []>, transpose_lhs_hint = false} : vector<200x2xf32>, vector<64x2xf32>, vector<200x64xf32> -> vector<200x64xf32>
    %mul3A_420 = vector.broadcast %rsqrt3A_393 : vector<200x1xf32> to vector<200x64xf32>
    %mul3A_421 = arith.mulf %dot_general3A_411, %mul3A_420 : vector<200x64xf32>
    %add3A_422 = arith.addf %mul3A_421, %dot_general3A_419 : vector<200x64xf32>
    %max3A_423 = arith.constant 0.000000e+00 : f32
    %max3A_424 = vector.broadcast %max3A_423 : f32 to vector<200x64xf32>
    %max3A_425 = arith.maximumf %add3A_422, %max3A_424 : vector<200x64xf32>
    %get3A_426 = arith.constant 3 : index
    %get3A_427 = arith.constant 0 : index
    %get3A_428 = arith.constant 0 : index
    %get3A_429 = vector.load %arg1[%get3A_426, %get3A_427, %get3A_428] : memref<16x200x128xf32, #tpu.memory_space<vmem>>, vector<1x200x128xf32>
    %get3A_430 = vector.shape_cast %get3A_429 : vector<1x200x128xf32> to vector<200x128xf32>
    %get3A_431 = arith.constant 3 : index
    %get3A_432 = arith.constant 0 : index
    %get3A_433 = arith.constant 0 : index
    %get3A_434 = vector.load %arg2[%get3A_431, %get3A_432, %get3A_433] : memref<16x64x128xf32, #tpu.memory_space<vmem>>, vector<1x64x128xf32>
    %get3A_435 = vector.shape_cast %get3A_434 : vector<1x64x128xf32> to vector<64x128xf32>
    %broadcast_in_dim3A_436 = arith.constant 1.000000e+00 : f32
    %broadcast_in_dim3A_437 = vector.broadcast %broadcast_in_dim3A_436 : f32 to vector<1x128xf32>
    %mul3A_438 = arith.mulf %get3A_430, %get3A_430 : vector<200x128xf32>
    %dot_general3A_439 = arith.constant dense<0.000000e+00> : vector<200x1xf32>
    %dot_general3A_440 = tpu.matmul %mul3A_438, %broadcast_in_dim3A_437, %dot_general3A_439 {dimension_numbers = #tpu.dot_dimension_numbers<[1], [1], [0], [0], [0, 0, 1, 0], [], []>, transpose_lhs_hint = false} : vector<200x128xf32>, vector<1x128xf32>, vector<200x1xf32> -> vector<200x1xf32>
    %max3A_441 = arith.constant 1.000000e-24 : f32
    %max3A_442 = vector.broadcast %max3A_441 : f32 to vector<200x1xf32>
    %max3A_443 = arith.maximumf %dot_general3A_440, %max3A_442 : vector<200x1xf32>
    %rsqrt3A_444 = math.rsqrt %max3A_443 : vector<200x1xf32>
    %mul3A_445 = arith.mulf %dot_general3A_440, %rsqrt3A_444 : vector<200x1xf32>
    %mul3A_446 = arith.mulf %mul3A_445, %rsqrt3A_444 : vector<200x1xf32>
    %mul3A_447 = arith.mulf %get3A_435, %get3A_435 : vector<64x128xf32>
    %dot_general3A_448 = arith.constant dense<0.000000e+00> : vector<64x1xf32>
    %dot_general3A_449 = tpu.matmul %mul3A_447, %broadcast_in_dim3A_437, %dot_general3A_448 {dimension_numbers = #tpu.dot_dimension_numbers<[1], [1], [0], [0], [0, 0, 1, 0], [], []>, transpose_lhs_hint = false} : vector<64x128xf32>, vector<1x128xf32>, vector<64x1xf32> -> vector<64x1xf32>
    %max3A_450 = arith.constant 1.000000e-24 : f32
    %max3A_451 = vector.broadcast %max3A_450 : f32 to vector<64x1xf32>
    %max3A_452 = arith.maximumf %dot_general3A_449, %max3A_451 : vector<64x1xf32>
    %rsqrt3A_453 = math.rsqrt %max3A_452 : vector<64x1xf32>
    %mul3A_454 = arith.mulf %dot_general3A_449, %rsqrt3A_453 : vector<64x1xf32>
    %mul3A_455 = arith.mulf %mul3A_454, %rsqrt3A_453 : vector<64x1xf32>
    %mul3A_456 = arith.constant -2.000000e+00 : f32
    %mul3A_457 = vector.broadcast %mul3A_456 : f32 to vector<64x1xf32>
    %mul3A_458 = arith.mulf %mul3A_457, %rsqrt3A_453 : vector<64x1xf32>
    %mul3A_459 = vector.broadcast %mul3A_458 : vector<64x1xf32> to vector<64x128xf32>
    %mul3A_460 = arith.mulf %get3A_435, %mul3A_459 : vector<64x128xf32>
    %dot_general3A_461 = arith.constant dense<0.000000e+00> : vector<200x64xf32>
    %dot_general3A_462 = tpu.matmul %get3A_430, %mul3A_460, %dot_general3A_461 {dimension_numbers = #tpu.dot_dimension_numbers<[1], [1], [0], [0], [0, 0, 1, 0], [], []>, transpose_lhs_hint = false} : vector<200x128xf32>, vector<64x128xf32>, vector<200x64xf32> -> vector<200x64xf32>
    %broadcast_in_dim3A_463 = arith.constant 1.000000e+00 : f32
    %broadcast_in_dim3A_464 = vector.broadcast %broadcast_in_dim3A_463 : f32 to vector<200x1xf32>
    %concatenate3A_465 = tpu.concatenate %mul3A_446, %broadcast_in_dim3A_464 in 1 : vector<200x1xf32>, vector<200x1xf32> -> vector<200x2xf32>
    %broadcast_in_dim3A_466 = arith.constant 1.000000e+00 : f32
    %broadcast_in_dim3A_467 = vector.broadcast %broadcast_in_dim3A_466 : f32 to vector<64x1xf32>
    %concatenate3A_468 = tpu.concatenate %broadcast_in_dim3A_467, %mul3A_455 in 1 : vector<64x1xf32>, vector<64x1xf32> -> vector<64x2xf32>
    %dot_general3A_469 = arith.constant dense<0.000000e+00> : vector<200x64xf32>
    %dot_general3A_470 = tpu.matmul %concatenate3A_465, %concatenate3A_468, %dot_general3A_469 {dimension_numbers = #tpu.dot_dimension_numbers<[1], [1], [0], [0], [0, 0, 1, 0], [], []>, transpose_lhs_hint = false} : vector<200x2xf32>, vector<64x2xf32>, vector<200x64xf32> -> vector<200x64xf32>
    %mul3A_471 = vector.broadcast %rsqrt3A_444 : vector<200x1xf32> to vector<200x64xf32>
    %mul3A_472 = arith.mulf %dot_general3A_462, %mul3A_471 : vector<200x64xf32>
    %add3A_473 = arith.addf %mul3A_472, %dot_general3A_470 : vector<200x64xf32>
    %max3A_474 = arith.constant 0.000000e+00 : f32
    %max3A_475 = vector.broadcast %max3A_474 : f32 to vector<200x64xf32>
    %max3A_476 = arith.maximumf %add3A_473, %max3A_475 : vector<200x64xf32>
    %concatenate3A_477 = tpu.concatenate %max3A_425, %max3A_476 in 1 : vector<200x64xf32>, vector<200x64xf32> -> vector<200x128xf32>
    %slice3A_478 = vector.extract_strided_slice %concatenate3A_477 {offsets = [0, 0], sizes = [8, 128], strides = [1, 1]} : vector<200x128xf32> to vector<8x128xf32>
    %slice3A_479 = vector.extract_strided_slice %concatenate3A_477 {offsets = [8, 0], sizes = [8, 128], strides = [1, 1]} : vector<200x128xf32> to vector<8x128xf32>
    %min3A_480 = arith.minimumf %slice3A_478, %slice3A_479 : vector<8x128xf32>
    %slice3A_481 = vector.extract_strided_slice %concatenate3A_477 {offsets = [0, 0], sizes = [8, 128], strides = [1, 1]} : vector<200x128xf32> to vector<8x128xf32>
    %slice3A_482 = vector.extract_strided_slice %concatenate3A_477 {offsets = [8, 0], sizes = [8, 128], strides = [1, 1]} : vector<200x128xf32> to vector<8x128xf32>
    %max3A_483 = arith.maximumf %slice3A_481, %slice3A_482 : vector<8x128xf32>
    %broadcast_in_dim3A_484 = arith.constant 3.000000e+38 : f32
    %broadcast_in_dim3A_485 = vector.broadcast %broadcast_in_dim3A_484 : f32 to vector<8x128xf32>
    %broadcast_in_dim3A_486 = arith.constant 3.000000e+38 : f32
    %broadcast_in_dim3A_487 = vector.broadcast %broadcast_in_dim3A_486 : f32 to vector<8x128xf32>
    %slice3A_488 = vector.extract_strided_slice %concatenate3A_477 {offsets = [16, 0], sizes = [8, 128], strides = [1, 1]} : vector<200x128xf32> to vector<8x128xf32>
    %slice3A_489 = vector.extract_strided_slice %concatenate3A_477 {offsets = [24, 0], sizes = [8, 128], strides = [1, 1]} : vector<200x128xf32> to vector<8x128xf32>
    %min3A_490 = arith.minimumf %slice3A_488, %slice3A_489 : vector<8x128xf32>
    %max3A_491 = arith.maximumf %slice3A_488, %slice3A_489 : vector<8x128xf32>
    %min3A_492 = arith.minimumf %broadcast_in_dim3A_485, %max3A_491 : vector<8x128xf32>
    %min3A_493 = arith.minimumf %broadcast_in_dim3A_487, %min3A_490 : vector<8x128xf32>
    %min3A_494 = arith.minimumf %min3A_480, %min3A_492 : vector<8x128xf32>
    %max3A_495 = arith.maximumf %min3A_480, %min3A_492 : vector<8x128xf32>
    %min3A_496 = arith.minimumf %max3A_483, %min3A_493 : vector<8x128xf32>
    %max3A_497 = arith.maximumf %max3A_483, %min3A_493 : vector<8x128xf32>
    %min3A_498 = arith.minimumf %min3A_494, %min3A_496 : vector<8x128xf32>
    %max3A_499 = arith.maximumf %min3A_494, %min3A_496 : vector<8x128xf32>
    %min3A_500 = arith.minimumf %max3A_495, %max3A_497 : vector<8x128xf32>
    %max3A_501 = arith.maximumf %max3A_495, %max3A_497 : vector<8x128xf32>
    %slice3A_502 = vector.extract_strided_slice %concatenate3A_477 {offsets = [32, 0], sizes = [8, 128], strides = [1, 1]} : vector<200x128xf32> to vector<8x128xf32>
    %slice3A_503 = vector.extract_strided_slice %concatenate3A_477 {offsets = [40, 0], sizes = [8, 128], strides = [1, 1]} : vector<200x128xf32> to vector<8x128xf32>
    %min3A_504 = arith.minimumf %slice3A_502, %slice3A_503 : vector<8x128xf32>
    %max3A_505 = arith.maximumf %slice3A_502, %slice3A_503 : vector<8x128xf32>
    %min3A_506 = arith.minimumf %min3A_500, %max3A_505 : vector<8x128xf32>
    %min3A_507 = arith.minimumf %max3A_501, %min3A_504 : vector<8x128xf32>
    %min3A_508 = arith.minimumf %min3A_498, %min3A_506 : vector<8x128xf32>
    %max3A_509 = arith.maximumf %min3A_498, %min3A_506 : vector<8x128xf32>
    %min3A_510 = arith.minimumf %max3A_499, %min3A_507 : vector<8x128xf32>
    %max3A_511 = arith.maximumf %max3A_499, %min3A_507 : vector<8x128xf32>
    %min3A_512 = arith.minimumf %min3A_508, %min3A_510 : vector<8x128xf32>
    %max3A_513 = arith.maximumf %min3A_508, %min3A_510 : vector<8x128xf32>
    %min3A_514 = arith.minimumf %max3A_509, %max3A_511 : vector<8x128xf32>
    %max3A_515 = arith.maximumf %max3A_509, %max3A_511 : vector<8x128xf32>
    %slice3A_516 = vector.extract_strided_slice %concatenate3A_477 {offsets = [48, 0], sizes = [8, 128], strides = [1, 1]} : vector<200x128xf32> to vector<8x128xf32>
    %slice3A_517 = vector.extract_strided_slice %concatenate3A_477 {offsets = [56, 0], sizes = [8, 128], strides = [1, 1]} : vector<200x128xf32> to vector<8x128xf32>
    %min3A_518 = arith.minimumf %slice3A_516, %slice3A_517 : vector<8x128xf32>
    %max3A_519 = arith.maximumf %slice3A_516, %slice3A_517 : vector<8x128xf32>
    %min3A_520 = arith.minimumf %min3A_514, %max3A_519 : vector<8x128xf32>
    %min3A_521 = arith.minimumf %max3A_515, %min3A_518 : vector<8x128xf32>
    %min3A_522 = arith.minimumf %min3A_512, %min3A_520 : vector<8x128xf32>
    %max3A_523 = arith.maximumf %min3A_512, %min3A_520 : vector<8x128xf32>
    %min3A_524 = arith.minimumf %max3A_513, %min3A_521 : vector<8x128xf32>
    %max3A_525 = arith.maximumf %max3A_513, %min3A_521 : vector<8x128xf32>
    %min3A_526 = arith.minimumf %min3A_522, %min3A_524 : vector<8x128xf32>
    %max3A_527 = arith.maximumf %min3A_522, %min3A_524 : vector<8x128xf32>
    %min3A_528 = arith.minimumf %max3A_523, %max3A_525 : vector<8x128xf32>
    %max3A_529 = arith.maximumf %max3A_523, %max3A_525 : vector<8x128xf32>
    %slice3A_530 = vector.extract_strided_slice %concatenate3A_477 {offsets = [64, 0], sizes = [8, 128], strides = [1, 1]} : vector<200x128xf32> to vector<8x128xf32>
    %slice3A_531 = vector.extract_strided_slice %concatenate3A_477 {offsets = [72, 0], sizes = [8, 128], strides = [1, 1]} : vector<200x128xf32> to vector<8x128xf32>
    %min3A_532 = arith.minimumf %slice3A_530, %slice3A_531 : vector<8x128xf32>
    %max3A_533 = arith.maximumf %slice3A_530, %slice3A_531 : vector<8x128xf32>
    %min3A_534 = arith.minimumf %min3A_528, %max3A_533 : vector<8x128xf32>
    %min3A_535 = arith.minimumf %max3A_529, %min3A_532 : vector<8x128xf32>
    %min3A_536 = arith.minimumf %min3A_526, %min3A_534 : vector<8x128xf32>
    %max3A_537 = arith.maximumf %min3A_526, %min3A_534 : vector<8x128xf32>
    %min3A_538 = arith.minimumf %max3A_527, %min3A_535 : vector<8x128xf32>
    %max3A_539 = arith.maximumf %max3A_527, %min3A_535 : vector<8x128xf32>
    %min3A_540 = arith.minimumf %min3A_536, %min3A_538 : vector<8x128xf32>
    %max3A_541 = arith.maximumf %min3A_536, %min3A_538 : vector<8x128xf32>
    %min3A_542 = arith.minimumf %max3A_537, %max3A_539 : vector<8x128xf32>
    %max3A_543 = arith.maximumf %max3A_537, %max3A_539 : vector<8x128xf32>
    %slice3A_544 = vector.extract_strided_slice %concatenate3A_477 {offsets = [80, 0], sizes = [8, 128], strides = [1, 1]} : vector<200x128xf32> to vector<8x128xf32>
    %slice3A_545 = vector.extract_strided_slice %concatenate3A_477 {offsets = [88, 0], sizes = [8, 128], strides = [1, 1]} : vector<200x128xf32> to vector<8x128xf32>
    %min3A_546 = arith.minimumf %slice3A_544, %slice3A_545 : vector<8x128xf32>
    %max3A_547 = arith.maximumf %slice3A_544, %slice3A_545 : vector<8x128xf32>
    %min3A_548 = arith.minimumf %min3A_542, %max3A_547 : vector<8x128xf32>
    %min3A_549 = arith.minimumf %max3A_543, %min3A_546 : vector<8x128xf32>
    %min3A_550 = arith.minimumf %min3A_540, %min3A_548 : vector<8x128xf32>
    %max3A_551 = arith.maximumf %min3A_540, %min3A_548 : vector<8x128xf32>
    %min3A_552 = arith.minimumf %max3A_541, %min3A_549 : vector<8x128xf32>
    %max3A_553 = arith.maximumf %max3A_541, %min3A_549 : vector<8x128xf32>
    %min3A_554 = arith.minimumf %min3A_550, %min3A_552 : vector<8x128xf32>
    %max3A_555 = arith.maximumf %min3A_550, %min3A_552 : vector<8x128xf32>
    %min3A_556 = arith.minimumf %max3A_551, %max3A_553 : vector<8x128xf32>
    %max3A_557 = arith.maximumf %max3A_551, %max3A_553 : vector<8x128xf32>
    %slice3A_558 = vector.extract_strided_slice %concatenate3A_477 {offsets = [96, 0], sizes = [8, 128], strides = [1, 1]} : vector<200x128xf32> to vector<8x128xf32>
    %slice3A_559 = vector.extract_strided_slice %concatenate3A_477 {offsets = [104, 0], sizes = [8, 128], strides = [1, 1]} : vector<200x128xf32> to vector<8x128xf32>
    %min3A_560 = arith.minimumf %slice3A_558, %slice3A_559 : vector<8x128xf32>
    %slice3A_561 = vector.extract_strided_slice %concatenate3A_477 {offsets = [96, 0], sizes = [8, 128], strides = [1, 1]} : vector<200x128xf32> to vector<8x128xf32>
    %slice3A_562 = vector.extract_strided_slice %concatenate3A_477 {offsets = [104, 0], sizes = [8, 128], strides = [1, 1]} : vector<200x128xf32> to vector<8x128xf32>
    %max3A_563 = arith.maximumf %slice3A_561, %slice3A_562 : vector<8x128xf32>
    %broadcast_in_dim3A_564 = arith.constant 3.000000e+38 : f32
    %broadcast_in_dim3A_565 = vector.broadcast %broadcast_in_dim3A_564 : f32 to vector<8x128xf32>
    %broadcast_in_dim3A_566 = arith.constant 3.000000e+38 : f32
    %broadcast_in_dim3A_567 = vector.broadcast %broadcast_in_dim3A_566 : f32 to vector<8x128xf32>
    %slice3A_568 = vector.extract_strided_slice %concatenate3A_477 {offsets = [112, 0], sizes = [8, 128], strides = [1, 1]} : vector<200x128xf32> to vector<8x128xf32>
    %slice3A_569 = vector.extract_strided_slice %concatenate3A_477 {offsets = [120, 0], sizes = [8, 128], strides = [1, 1]} : vector<200x128xf32> to vector<8x128xf32>
    %min3A_570 = arith.minimumf %slice3A_568, %slice3A_569 : vector<8x128xf32>
    %max3A_571 = arith.maximumf %slice3A_568, %slice3A_569 : vector<8x128xf32>
    %min3A_572 = arith.minimumf %broadcast_in_dim3A_565, %max3A_571 : vector<8x128xf32>
    %min3A_573 = arith.minimumf %broadcast_in_dim3A_567, %min3A_570 : vector<8x128xf32>
    %min3A_574 = arith.minimumf %min3A_560, %min3A_572 : vector<8x128xf32>
    %max3A_575 = arith.maximumf %min3A_560, %min3A_572 : vector<8x128xf32>
    %min3A_576 = arith.minimumf %max3A_563, %min3A_573 : vector<8x128xf32>
    %max3A_577 = arith.maximumf %max3A_563, %min3A_573 : vector<8x128xf32>
    %min3A_578 = arith.minimumf %min3A_574, %min3A_576 : vector<8x128xf32>
    %max3A_579 = arith.maximumf %min3A_574, %min3A_576 : vector<8x128xf32>
    %min3A_580 = arith.minimumf %max3A_575, %max3A_577 : vector<8x128xf32>
    %max3A_581 = arith.maximumf %max3A_575, %max3A_577 : vector<8x128xf32>
    %slice3A_582 = vector.extract_strided_slice %concatenate3A_477 {offsets = [128, 0], sizes = [8, 128], strides = [1, 1]} : vector<200x128xf32> to vector<8x128xf32>
    %slice3A_583 = vector.extract_strided_slice %concatenate3A_477 {offsets = [136, 0], sizes = [8, 128], strides = [1, 1]} : vector<200x128xf32> to vector<8x128xf32>
    %min3A_584 = arith.minimumf %slice3A_582, %slice3A_583 : vector<8x128xf32>
    %max3A_585 = arith.maximumf %slice3A_582, %slice3A_583 : vector<8x128xf32>
    %min3A_586 = arith.minimumf %min3A_580, %max3A_585 : vector<8x128xf32>
    %min3A_587 = arith.minimumf %max3A_581, %min3A_584 : vector<8x128xf32>
    %min3A_588 = arith.minimumf %min3A_578, %min3A_586 : vector<8x128xf32>
    %max3A_589 = arith.maximumf %min3A_578, %min3A_586 : vector<8x128xf32>
    %min3A_590 = arith.minimumf %max3A_579, %min3A_587 : vector<8x128xf32>
    %max3A_591 = arith.maximumf %max3A_579, %min3A_587 : vector<8x128xf32>
    %min3A_592 = arith.minimumf %min3A_588, %min3A_590 : vector<8x128xf32>
    %max3A_593 = arith.maximumf %min3A_588, %min3A_590 : vector<8x128xf32>
    %min3A_594 = arith.minimumf %max3A_589, %max3A_591 : vector<8x128xf32>
    %max3A_595 = arith.maximumf %max3A_589, %max3A_591 : vector<8x128xf32>
    %slice3A_596 = vector.extract_strided_slice %concatenate3A_477 {offsets = [144, 0], sizes = [8, 128], strides = [1, 1]} : vector<200x128xf32> to vector<8x128xf32>
    %slice3A_597 = vector.extract_strided_slice %concatenate3A_477 {offsets = [152, 0], sizes = [8, 128], strides = [1, 1]} : vector<200x128xf32> to vector<8x128xf32>
    %min3A_598 = arith.minimumf %slice3A_596, %slice3A_597 : vector<8x128xf32>
    %max3A_599 = arith.maximumf %slice3A_596, %slice3A_597 : vector<8x128xf32>
    %min3A_600 = arith.minimumf %min3A_594, %max3A_599 : vector<8x128xf32>
    %min3A_601 = arith.minimumf %max3A_595, %min3A_598 : vector<8x128xf32>
    %min3A_602 = arith.minimumf %min3A_592, %min3A_600 : vector<8x128xf32>
    %max3A_603 = arith.maximumf %min3A_592, %min3A_600 : vector<8x128xf32>
    %min3A_604 = arith.minimumf %max3A_593, %min3A_601 : vector<8x128xf32>
    %max3A_605 = arith.maximumf %max3A_593, %min3A_601 : vector<8x128xf32>
    %min3A_606 = arith.minimumf %min3A_602, %min3A_604 : vector<8x128xf32>
    %max3A_607 = arith.maximumf %min3A_602, %min3A_604 : vector<8x128xf32>
    %min3A_608 = arith.minimumf %max3A_603, %max3A_605 : vector<8x128xf32>
    %max3A_609 = arith.maximumf %max3A_603, %max3A_605 : vector<8x128xf32>
    %slice3A_610 = vector.extract_strided_slice %concatenate3A_477 {offsets = [160, 0], sizes = [8, 128], strides = [1, 1]} : vector<200x128xf32> to vector<8x128xf32>
    %slice3A_611 = vector.extract_strided_slice %concatenate3A_477 {offsets = [168, 0], sizes = [8, 128], strides = [1, 1]} : vector<200x128xf32> to vector<8x128xf32>
    %min3A_612 = arith.minimumf %slice3A_610, %slice3A_611 : vector<8x128xf32>
    %max3A_613 = arith.maximumf %slice3A_610, %slice3A_611 : vector<8x128xf32>
    %min3A_614 = arith.minimumf %min3A_608, %max3A_613 : vector<8x128xf32>
    %min3A_615 = arith.minimumf %max3A_609, %min3A_612 : vector<8x128xf32>
    %min3A_616 = arith.minimumf %min3A_606, %min3A_614 : vector<8x128xf32>
    %max3A_617 = arith.maximumf %min3A_606, %min3A_614 : vector<8x128xf32>
    %min3A_618 = arith.minimumf %max3A_607, %min3A_615 : vector<8x128xf32>
    %max3A_619 = arith.maximumf %max3A_607, %min3A_615 : vector<8x128xf32>
    %min3A_620 = arith.minimumf %min3A_616, %min3A_618 : vector<8x128xf32>
    %max3A_621 = arith.maximumf %min3A_616, %min3A_618 : vector<8x128xf32>
    %min3A_622 = arith.minimumf %max3A_617, %max3A_619 : vector<8x128xf32>
    %max3A_623 = arith.maximumf %max3A_617, %max3A_619 : vector<8x128xf32>
    %slice3A_624 = vector.extract_strided_slice %concatenate3A_477 {offsets = [176, 0], sizes = [8, 128], strides = [1, 1]} : vector<200x128xf32> to vector<8x128xf32>
    %slice3A_625 = vector.extract_strided_slice %concatenate3A_477 {offsets = [184, 0], sizes = [8, 128], strides = [1, 1]} : vector<200x128xf32> to vector<8x128xf32>
    %min3A_626 = arith.minimumf %slice3A_624, %slice3A_625 : vector<8x128xf32>
    %max3A_627 = arith.maximumf %slice3A_624, %slice3A_625 : vector<8x128xf32>
    %min3A_628 = arith.minimumf %min3A_622, %max3A_627 : vector<8x128xf32>
    %min3A_629 = arith.minimumf %max3A_623, %min3A_626 : vector<8x128xf32>
    %min3A_630 = arith.minimumf %min3A_620, %min3A_628 : vector<8x128xf32>
    %max3A_631 = arith.maximumf %min3A_620, %min3A_628 : vector<8x128xf32>
    %min3A_632 = arith.minimumf %max3A_621, %min3A_629 : vector<8x128xf32>
    %max3A_633 = arith.maximumf %max3A_621, %min3A_629 : vector<8x128xf32>
    %min3A_634 = arith.minimumf %min3A_630, %min3A_632 : vector<8x128xf32>
    %max3A_635 = arith.maximumf %min3A_630, %min3A_632 : vector<8x128xf32>
    %min3A_636 = arith.minimumf %max3A_631, %max3A_633 : vector<8x128xf32>
    %max3A_637 = arith.maximumf %max3A_631, %max3A_633 : vector<8x128xf32>
    %slice3A_638 = vector.extract_strided_slice %concatenate3A_477 {offsets = [192, 0], sizes = [8, 128], strides = [1, 1]} : vector<200x128xf32> to vector<8x128xf32>
    %min3A_639 = arith.minimumf %min3A_634, %slice3A_638 : vector<8x128xf32>
    %max3A_640 = arith.maximumf %min3A_634, %slice3A_638 : vector<8x128xf32>
    %min3A_641 = arith.minimumf %max3A_635, %max3A_640 : vector<8x128xf32>
    %max3A_642 = arith.maximumf %max3A_635, %max3A_640 : vector<8x128xf32>
    %min3A_643 = arith.minimumf %min3A_636, %max3A_642 : vector<8x128xf32>
    %max3A_644 = arith.maximumf %min3A_636, %max3A_642 : vector<8x128xf32>
    %min3A_645 = arith.minimumf %max3A_637, %max3A_644 : vector<8x128xf32>
    %min3A_646 = arith.minimumf %min3A_554, %min3A_645 : vector<8x128xf32>
    %min3A_647 = arith.minimumf %max3A_555, %min3A_643 : vector<8x128xf32>
    %min3A_648 = arith.minimumf %min3A_556, %min3A_641 : vector<8x128xf32>
    %min3A_649 = arith.minimumf %max3A_557, %min3A_639 : vector<8x128xf32>
    %min3A_650 = arith.minimumf %min3A_646, %min3A_648 : vector<8x128xf32>
    %max3A_651 = arith.maximumf %min3A_646, %min3A_648 : vector<8x128xf32>
    %min3A_652 = arith.minimumf %min3A_647, %min3A_649 : vector<8x128xf32>
    %max3A_653 = arith.maximumf %min3A_647, %min3A_649 : vector<8x128xf32>
    %min3A_654 = arith.minimumf %min3A_650, %min3A_652 : vector<8x128xf32>
    %max3A_655 = arith.maximumf %min3A_650, %min3A_652 : vector<8x128xf32>
    %min3A_656 = arith.minimumf %max3A_651, %max3A_653 : vector<8x128xf32>
    %max3A_657 = arith.maximumf %max3A_651, %max3A_653 : vector<8x128xf32>
    %slice3A_658 = vector.extract_strided_slice %min3A_654 {offsets = [4, 0], sizes = [4, 128], strides = [1, 1]} : vector<8x128xf32> to vector<4x128xf32>
    %slice3A_659 = vector.extract_strided_slice %min3A_654 {offsets = [0, 0], sizes = [4, 128], strides = [1, 1]} : vector<8x128xf32> to vector<4x128xf32>
    %concatenate3A_660 = tpu.concatenate %slice3A_658, %slice3A_659 in 0 : vector<4x128xf32>, vector<4x128xf32> -> vector<8x128xf32>
    %slice3A_661 = vector.extract_strided_slice %max3A_655 {offsets = [4, 0], sizes = [4, 128], strides = [1, 1]} : vector<8x128xf32> to vector<4x128xf32>
    %slice3A_662 = vector.extract_strided_slice %max3A_655 {offsets = [0, 0], sizes = [4, 128], strides = [1, 1]} : vector<8x128xf32> to vector<4x128xf32>
    %concatenate3A_663 = tpu.concatenate %slice3A_661, %slice3A_662 in 0 : vector<4x128xf32>, vector<4x128xf32> -> vector<8x128xf32>
    %slice3A_664 = vector.extract_strided_slice %min3A_656 {offsets = [4, 0], sizes = [4, 128], strides = [1, 1]} : vector<8x128xf32> to vector<4x128xf32>
    %slice3A_665 = vector.extract_strided_slice %min3A_656 {offsets = [0, 0], sizes = [4, 128], strides = [1, 1]} : vector<8x128xf32> to vector<4x128xf32>
    %concatenate3A_666 = tpu.concatenate %slice3A_664, %slice3A_665 in 0 : vector<4x128xf32>, vector<4x128xf32> -> vector<8x128xf32>
    %slice3A_667 = vector.extract_strided_slice %max3A_657 {offsets = [4, 0], sizes = [4, 128], strides = [1, 1]} : vector<8x128xf32> to vector<4x128xf32>
    %slice3A_668 = vector.extract_strided_slice %max3A_657 {offsets = [0, 0], sizes = [4, 128], strides = [1, 1]} : vector<8x128xf32> to vector<4x128xf32>
    %concatenate3A_669 = tpu.concatenate %slice3A_667, %slice3A_668 in 0 : vector<4x128xf32>, vector<4x128xf32> -> vector<8x128xf32>
    %min3A_670 = arith.minimumf %min3A_654, %concatenate3A_669 : vector<8x128xf32>
    %min3A_671 = arith.minimumf %max3A_655, %concatenate3A_666 : vector<8x128xf32>
    %min3A_672 = arith.minimumf %min3A_656, %concatenate3A_663 : vector<8x128xf32>
    %min3A_673 = arith.minimumf %max3A_657, %concatenate3A_660 : vector<8x128xf32>
    %min3A_674 = arith.minimumf %min3A_670, %min3A_672 : vector<8x128xf32>
    %max3A_675 = arith.maximumf %min3A_670, %min3A_672 : vector<8x128xf32>
    %min3A_676 = arith.minimumf %min3A_671, %min3A_673 : vector<8x128xf32>
    %max3A_677 = arith.maximumf %min3A_671, %min3A_673 : vector<8x128xf32>
    %min3A_678 = arith.minimumf %min3A_674, %min3A_676 : vector<8x128xf32>
    %max3A_679 = arith.maximumf %min3A_674, %min3A_676 : vector<8x128xf32>
    %min3A_680 = arith.minimumf %max3A_675, %max3A_677 : vector<8x128xf32>
    %max3A_681 = arith.maximumf %max3A_675, %max3A_677 : vector<8x128xf32>
    %slice3A_682 = vector.extract_strided_slice %min3A_678 {offsets = [2, 0], sizes = [6, 128], strides = [1, 1]} : vector<8x128xf32> to vector<6x128xf32>
    %slice3A_683 = vector.extract_strided_slice %min3A_678 {offsets = [0, 0], sizes = [2, 128], strides = [1, 1]} : vector<8x128xf32> to vector<2x128xf32>
    %concatenate3A_684 = tpu.concatenate %slice3A_682, %slice3A_683 in 0 : vector<6x128xf32>, vector<2x128xf32> -> vector<8x128xf32>
    %slice3A_685 = vector.extract_strided_slice %max3A_679 {offsets = [2, 0], sizes = [6, 128], strides = [1, 1]} : vector<8x128xf32> to vector<6x128xf32>
    %slice3A_686 = vector.extract_strided_slice %max3A_679 {offsets = [0, 0], sizes = [2, 128], strides = [1, 1]} : vector<8x128xf32> to vector<2x128xf32>
    %concatenate3A_687 = tpu.concatenate %slice3A_685, %slice3A_686 in 0 : vector<6x128xf32>, vector<2x128xf32> -> vector<8x128xf32>
    %slice3A_688 = vector.extract_strided_slice %min3A_680 {offsets = [2, 0], sizes = [6, 128], strides = [1, 1]} : vector<8x128xf32> to vector<6x128xf32>
    %slice3A_689 = vector.extract_strided_slice %min3A_680 {offsets = [0, 0], sizes = [2, 128], strides = [1, 1]} : vector<8x128xf32> to vector<2x128xf32>
    %concatenate3A_690 = tpu.concatenate %slice3A_688, %slice3A_689 in 0 : vector<6x128xf32>, vector<2x128xf32> -> vector<8x128xf32>
    %slice3A_691 = vector.extract_strided_slice %max3A_681 {offsets = [2, 0], sizes = [6, 128], strides = [1, 1]} : vector<8x128xf32> to vector<6x128xf32>
    %slice3A_692 = vector.extract_strided_slice %max3A_681 {offsets = [0, 0], sizes = [2, 128], strides = [1, 1]} : vector<8x128xf32> to vector<2x128xf32>
    %concatenate3A_693 = tpu.concatenate %slice3A_691, %slice3A_692 in 0 : vector<6x128xf32>, vector<2x128xf32> -> vector<8x128xf32>
    %min3A_694 = arith.minimumf %min3A_678, %concatenate3A_693 : vector<8x128xf32>
    %min3A_695 = arith.minimumf %max3A_679, %concatenate3A_690 : vector<8x128xf32>
    %min3A_696 = arith.minimumf %min3A_680, %concatenate3A_687 : vector<8x128xf32>
    %min3A_697 = arith.minimumf %max3A_681, %concatenate3A_684 : vector<8x128xf32>
    %min3A_698 = arith.minimumf %min3A_694, %min3A_696 : vector<8x128xf32>
    %max3A_699 = arith.maximumf %min3A_694, %min3A_696 : vector<8x128xf32>
    %min3A_700 = arith.minimumf %min3A_695, %min3A_697 : vector<8x128xf32>
    %max3A_701 = arith.maximumf %min3A_695, %min3A_697 : vector<8x128xf32>
    %min3A_702 = arith.minimumf %min3A_698, %min3A_700 : vector<8x128xf32>
    %max3A_703 = arith.maximumf %min3A_698, %min3A_700 : vector<8x128xf32>
    %min3A_704 = arith.minimumf %max3A_699, %max3A_701 : vector<8x128xf32>
    %max3A_705 = arith.maximumf %max3A_699, %max3A_701 : vector<8x128xf32>
    %slice3A_706 = vector.extract_strided_slice %min3A_702 {offsets = [1, 0], sizes = [7, 128], strides = [1, 1]} : vector<8x128xf32> to vector<7x128xf32>
    %slice3A_707 = vector.extract_strided_slice %min3A_702 {offsets = [0, 0], sizes = [1, 128], strides = [1, 1]} : vector<8x128xf32> to vector<1x128xf32>
    %concatenate3A_708 = tpu.concatenate %slice3A_706, %slice3A_707 in 0 : vector<7x128xf32>, vector<1x128xf32> -> vector<8x128xf32>
    %slice3A_709 = vector.extract_strided_slice %max3A_703 {offsets = [1, 0], sizes = [7, 128], strides = [1, 1]} : vector<8x128xf32> to vector<7x128xf32>
    %slice3A_710 = vector.extract_strided_slice %max3A_703 {offsets = [0, 0], sizes = [1, 128], strides = [1, 1]} : vector<8x128xf32> to vector<1x128xf32>
    %concatenate3A_711 = tpu.concatenate %slice3A_709, %slice3A_710 in 0 : vector<7x128xf32>, vector<1x128xf32> -> vector<8x128xf32>
    %slice3A_712 = vector.extract_strided_slice %min3A_704 {offsets = [1, 0], sizes = [7, 128], strides = [1, 1]} : vector<8x128xf32> to vector<7x128xf32>
    %slice3A_713 = vector.extract_strided_slice %min3A_704 {offsets = [0, 0], sizes = [1, 128], strides = [1, 1]} : vector<8x128xf32> to vector<1x128xf32>
    %concatenate3A_714 = tpu.concatenate %slice3A_712, %slice3A_713 in 0 : vector<7x128xf32>, vector<1x128xf32> -> vector<8x128xf32>
    %slice3A_715 = vector.extract_strided_slice %max3A_705 {offsets = [1, 0], sizes = [7, 128], strides = [1, 1]} : vector<8x128xf32> to vector<7x128xf32>
    %slice3A_716 = vector.extract_strided_slice %max3A_705 {offsets = [0, 0], sizes = [1, 128], strides = [1, 1]} : vector<8x128xf32> to vector<1x128xf32>
    %concatenate3A_717 = tpu.concatenate %slice3A_715, %slice3A_716 in 0 : vector<7x128xf32>, vector<1x128xf32> -> vector<8x128xf32>
    %min3A_718 = arith.minimumf %min3A_702, %concatenate3A_717 : vector<8x128xf32>
    %min3A_719 = arith.minimumf %max3A_703, %concatenate3A_714 : vector<8x128xf32>
    %min3A_720 = arith.minimumf %min3A_704, %concatenate3A_711 : vector<8x128xf32>
    %min3A_721 = arith.minimumf %max3A_705, %concatenate3A_708 : vector<8x128xf32>
    %min3A_722 = arith.minimumf %min3A_718, %min3A_720 : vector<8x128xf32>
    %max3A_723 = arith.maximumf %min3A_718, %min3A_720 : vector<8x128xf32>
    %min3A_724 = arith.minimumf %min3A_719, %min3A_721 : vector<8x128xf32>
    %max3A_725 = arith.maximumf %min3A_719, %min3A_721 : vector<8x128xf32>
    %min3A_726 = arith.minimumf %min3A_722, %min3A_724 : vector<8x128xf32>
    %max3A_727 = arith.maximumf %min3A_722, %min3A_724 : vector<8x128xf32>
    %min3A_728 = arith.minimumf %max3A_723, %max3A_725 : vector<8x128xf32>
    %max3A_729 = arith.maximumf %max3A_723, %max3A_725 : vector<8x128xf32>
    %slice3A_730 = vector.extract_strided_slice %min3A_726 {offsets = [0, 0], sizes = [1, 128], strides = [1, 1]} : vector<8x128xf32> to vector<1x128xf32>
    %sqrt3A_731 = math.sqrt %slice3A_730 : vector<1x128xf32>
    %swap3A_732 = arith.constant 1 : index
    %swap3A_733 = arith.constant 0 : index
    %swap3A_734 = arith.constant 0 : index
    %swap3A_735 = vector.load %arg3[%swap3A_732, %swap3A_733, %swap3A_734] : memref<8x4x128xf32, #tpu.memory_space<vmem>>, vector<1x1x128xf32>
    %swap3A_736 = vector.shape_cast %swap3A_735 : vector<1x1x128xf32> to vector<1x128xf32>
    %swap3A_737 = vector.shape_cast %sqrt3A_731 : vector<1x128xf32> to vector<1x1x128xf32>
    tpu.vector_store %arg3[%swap3A_732, %swap3A_733, %swap3A_734], %swap3A_737 {strides = array<i32>} : memref<8x4x128xf32, #tpu.memory_space<vmem>>, vector<1x1x128xf32>,
    %slice3A_738 = vector.extract_strided_slice %max3A_727 {offsets = [0, 0], sizes = [1, 128], strides = [1, 1]} : vector<8x128xf32> to vector<1x128xf32>
    %sqrt3A_739 = math.sqrt %slice3A_738 : vector<1x128xf32>
    %swap3A_740 = arith.constant 1 : index
    %swap3A_741 = arith.constant 1 : index
    %swap3A_742 = arith.constant 0 : index
    %swap3A_743 = vector.load %arg3[%swap3A_740, %swap3A_741, %swap3A_742] : memref<8x4x128xf32, #tpu.memory_space<vmem>>, vector<1x1x128xf32>
    %swap3A_744 = vector.shape_cast %swap3A_743 : vector<1x1x128xf32> to vector<1x128xf32>
    %swap3A_745 = vector.shape_cast %sqrt3A_739 : vector<1x128xf32> to vector<1x1x128xf32>
    tpu.vector_store %arg3[%swap3A_740, %swap3A_741, %swap3A_742], %swap3A_745 {strides = array<i32>} : memref<8x4x128xf32, #tpu.memory_space<vmem>>, vector<1x1x128xf32>,
    %slice3A_746 = vector.extract_strided_slice %min3A_728 {offsets = [0, 0], sizes = [1, 128], strides = [1, 1]} : vector<8x128xf32> to vector<1x128xf32>
    %sqrt3A_747 = math.sqrt %slice3A_746 : vector<1x128xf32>
    %swap3A_748 = arith.constant 1 : index
    %swap3A_749 = arith.constant 2 : index
    %swap3A_750 = arith.constant 0 : index
    %swap3A_751 = vector.load %arg3[%swap3A_748, %swap3A_749, %swap3A_750] : memref<8x4x128xf32, #tpu.memory_space<vmem>>, vector<1x1x128xf32>
    %swap3A_752 = vector.shape_cast %swap3A_751 : vector<1x1x128xf32> to vector<1x128xf32>
    %swap3A_753 = vector.shape_cast %sqrt3A_747 : vector<1x128xf32> to vector<1x1x128xf32>
    tpu.vector_store %arg3[%swap3A_748, %swap3A_749, %swap3A_750], %swap3A_753 {strides = array<i32>} : memref<8x4x128xf32, #tpu.memory_space<vmem>>, vector<1x1x128xf32>,
    %slice3A_754 = vector.extract_strided_slice %max3A_729 {offsets = [0, 0], sizes = [1, 128], strides = [1, 1]} : vector<8x128xf32> to vector<1x128xf32>
    %sqrt3A_755 = math.sqrt %slice3A_754 : vector<1x128xf32>
    %swap3A_756 = arith.constant 1 : index
    %swap3A_757 = arith.constant 3 : index
    %swap3A_758 = arith.constant 0 : index
    %swap3A_759 = vector.load %arg3[%swap3A_756, %swap3A_757, %swap3A_758] : memref<8x4x128xf32, #tpu.memory_space<vmem>>, vector<1x1x128xf32>
    %swap3A_760 = vector.shape_cast %swap3A_759 : vector<1x1x128xf32> to vector<1x128xf32>
    %swap3A_761 = vector.shape_cast %sqrt3A_755 : vector<1x128xf32> to vector<1x1x128xf32>
    tpu.vector_store %arg3[%swap3A_756, %swap3A_757, %swap3A_758], %swap3A_761 {strides = array<i32>} : memref<8x4x128xf32, #tpu.memory_space<vmem>>, vector<1x1x128xf32>,
    %get3A_762 = arith.constant 4 : index
    %get3A_763 = arith.constant 0 : index
    %get3A_764 = arith.constant 0 : index
    %get3A_765 = vector.load %arg1[%get3A_762, %get3A_763, %get3A_764] : memref<16x200x128xf32, #tpu.memory_space<vmem>>, vector<1x200x128xf32>
    %get3A_766 = vector.shape_cast %get3A_765 : vector<1x200x128xf32> to vector<200x128xf32>
    %get3A_767 = arith.constant 4 : index
    %get3A_768 = arith.constant 0 : index
    %get3A_769 = arith.constant 0 : index
    %get3A_770 = vector.load %arg2[%get3A_767, %get3A_768, %get3A_769] : memref<16x64x128xf32, #tpu.memory_space<vmem>>, vector<1x64x128xf32>
    %get3A_771 = vector.shape_cast %get3A_770 : vector<1x64x128xf32> to vector<64x128xf32>
    %broadcast_in_dim3A_772 = arith.constant 1.000000e+00 : f32
    %broadcast_in_dim3A_773 = vector.broadcast %broadcast_in_dim3A_772 : f32 to vector<1x128xf32>
    %mul3A_774 = arith.mulf %get3A_766, %get3A_766 : vector<200x128xf32>
    %dot_general3A_775 = arith.constant dense<0.000000e+00> : vector<200x1xf32>
    %dot_general3A_776 = tpu.matmul %mul3A_774, %broadcast_in_dim3A_773, %dot_general3A_775 {dimension_numbers = #tpu.dot_dimension_numbers<[1], [1], [0], [0], [0, 0, 1, 0], [], []>, transpose_lhs_hint = false} : vector<200x128xf32>, vector<1x128xf32>, vector<200x1xf32> -> vector<200x1xf32>
    %max3A_777 = arith.constant 1.000000e-24 : f32
    %max3A_778 = vector.broadcast %max3A_777 : f32 to vector<200x1xf32>
    %max3A_779 = arith.maximumf %dot_general3A_776, %max3A_778 : vector<200x1xf32>
    %rsqrt3A_780 = math.rsqrt %max3A_779 : vector<200x1xf32>
    %mul3A_781 = arith.mulf %dot_general3A_776, %rsqrt3A_780 : vector<200x1xf32>
    %mul3A_782 = arith.mulf %mul3A_781, %rsqrt3A_780 : vector<200x1xf32>
    %mul3A_783 = arith.mulf %get3A_771, %get3A_771 : vector<64x128xf32>
    %dot_general3A_784 = arith.constant dense<0.000000e+00> : vector<64x1xf32>
    %dot_general3A_785 = tpu.matmul %mul3A_783, %broadcast_in_dim3A_773, %dot_general3A_784 {dimension_numbers = #tpu.dot_dimension_numbers<[1], [1], [0], [0], [0, 0, 1, 0], [], []>, transpose_lhs_hint = false} : vector<64x128xf32>, vector<1x128xf32>, vector<64x1xf32> -> vector<64x1xf32>
    %max3A_786 = arith.constant 1.000000e-24 : f32
    %max3A_787 = vector.broadcast %max3A_786 : f32 to vector<64x1xf32>
    %max3A_788 = arith.maximumf %dot_general3A_785, %max3A_787 : vector<64x1xf32>
    %rsqrt3A_789 = math.rsqrt %max3A_788 : vector<64x1xf32>
    %mul3A_790 = arith.mulf %dot_general3A_785, %rsqrt3A_789 : vector<64x1xf32>
    %mul3A_791 = arith.mulf %mul3A_790, %rsqrt3A_789 : vector<64x1xf32>
    %mul3A_792 = arith.constant -2.000000e+00 : f32
    %mul3A_793 = vector.broadcast %mul3A_792 : f32 to vector<64x1xf32>
    %mul3A_794 = arith.mulf %mul3A_793, %rsqrt3A_789 : vector<64x1xf32>
    %mul3A_795 = vector.broadcast %mul3A_794 : vector<64x1xf32> to vector<64x128xf32>
    %mul3A_796 = arith.mulf %get3A_771, %mul3A_795 : vector<64x128xf32>
    %dot_general3A_797 = arith.constant dense<0.000000e+00> : vector<200x64xf32>
    %dot_general3A_798 = tpu.matmul %get3A_766, %mul3A_796, %dot_general3A_797 {dimension_numbers = #tpu.dot_dimension_numbers<[1], [1], [0], [0], [0, 0, 1, 0], [], []>, transpose_lhs_hint = false} : vector<200x128xf32>, vector<64x128xf32>, vector<200x64xf32> -> vector<200x64xf32>
    %broadcast_in_dim3A_799 = arith.constant 1.000000e+00 : f32
    %broadcast_in_dim3A_800 = vector.broadcast %broadcast_in_dim3A_799 : f32 to vector<200x1xf32>
    %concatenate3A_801 = tpu.concatenate %mul3A_782, %broadcast_in_dim3A_800 in 1 : vector<200x1xf32>, vector<200x1xf32> -> vector<200x2xf32>
    %broadcast_in_dim3A_802 = arith.constant 1.000000e+00 : f32
    %broadcast_in_dim3A_803 = vector.broadcast %broadcast_in_dim3A_802 : f32 to vector<64x1xf32>
    %concatenate3A_804 = tpu.concatenate %broadcast_in_dim3A_803, %mul3A_791 in 1 : vector<64x1xf32>, vector<64x1xf32> -> vector<64x2xf32>
    %dot_general3A_805 = arith.constant dense<0.000000e+00> : vector<200x64xf32>
    %dot_general3A_806 = tpu.matmul %concatenate3A_801, %concatenate3A_804, %dot_general3A_805 {dimension_numbers = #tpu.dot_dimension_numbers<[1], [1], [0], [0], [0, 0, 1, 0], [], []>, transpose_lhs_hint = false} : vector<200x2xf32>, vector<64x2xf32>, vector<200x64xf32> -> vector<200x64xf32>
    %mul3A_807 = vector.broadcast %rsqrt3A_780 : vector<200x1xf32> to vector<200x64xf32>
    %mul3A_808 = arith.mulf %dot_general3A_798, %mul3A_807 : vector<200x64xf32>
    %add3A_809 = arith.addf %mul3A_808, %dot_general3A_806 : vector<200x64xf32>
    %max3A_810 = arith.constant 0.000000e+00 : f32
    %max3A_811 = vector.broadcast %max3A_810 : f32 to vector<200x64xf32>
    %max3A_812 = arith.maximumf %add3A_809, %max3A_811 : vector<200x64xf32>
    %get3A_813 = arith.constant 5 : index
    %get3A_814 = arith.constant 0 : index
    %get3A_815 = arith.constant 0 : index
    %get3A_816 = vector.load %arg1[%get3A_813, %get3A_814, %get3A_815] : memref<16x200x128xf32, #tpu.memory_space<vmem>>, vector<1x200x128xf32>
    %get3A_817 = vector.shape_cast %get3A_816 : vector<1x200x128xf32> to vector<200x128xf32>
    %get3A_818 = arith.constant 5 : index
    %get3A_819 = arith.constant 0 : index
    %get3A_820 = arith.constant 0 : index
    %get3A_821 = vector.load %arg2[%get3A_818, %get3A_819, %get3A_820] : memref<16x64x128xf32, #tpu.memory_space<vmem>>, vector<1x64x128xf32>
    %get3A_822 = vector.shape_cast %get3A_821 : vector<1x64x128xf32> to vector<64x128xf32>
    %broadcast_in_dim3A_823 = arith.constant 1.000000e+00 : f32
    %broadcast_in_dim3A_824 = vector.broadcast %broadcast_in_dim3A_823 : f32 to vector<1x128xf32>
    %mul3A_825 = arith.mulf %get3A_817, %get3A_817 : vector<200x128xf32>
    %dot_general3A_826 = arith.constant dense<0.000000e+00> : vector<200x1xf32>
    %dot_general3A_827 = tpu.matmul %mul3A_825, %broadcast_in_dim3A_824, %dot_general3A_826 {dimension_numbers = #tpu.dot_dimension_numbers<[1], [1], [0], [0], [0, 0, 1, 0], [], []>, transpose_lhs_hint = false} : vector<200x128xf32>, vector<1x128xf32>, vector<200x1xf32> -> vector<200x1xf32>
    %max3A_828 = arith.constant 1.000000e-24 : f32
    %max3A_829 = vector.broadcast %max3A_828 : f32 to vector<200x1xf32>
    %max3A_830 = arith.maximumf %dot_general3A_827, %max3A_829 : vector<200x1xf32>
    %rsqrt3A_831 = math.rsqrt %max3A_830 : vector<200x1xf32>
    %mul3A_832 = arith.mulf %dot_general3A_827, %rsqrt3A_831 : vector<200x1xf32>
    %mul3A_833 = arith.mulf %mul3A_832, %rsqrt3A_831 : vector<200x1xf32>
    %mul3A_834 = arith.mulf %get3A_822, %get3A_822 : vector<64x128xf32>
    %dot_general3A_835 = arith.constant dense<0.000000e+00> : vector<64x1xf32>
    %dot_general3A_836 = tpu.matmul %mul3A_834, %broadcast_in_dim3A_824, %dot_general3A_835 {dimension_numbers = #tpu.dot_dimension_numbers<[1], [1], [0], [0], [0, 0, 1, 0], [], []>, transpose_lhs_hint = false} : vector<64x128xf32>, vector<1x128xf32>, vector<64x1xf32> -> vector<64x1xf32>
    %max3A_837 = arith.constant 1.000000e-24 : f32
    %max3A_838 = vector.broadcast %max3A_837 : f32 to vector<64x1xf32>
    %max3A_839 = arith.maximumf %dot_general3A_836, %max3A_838 : vector<64x1xf32>
    %rsqrt3A_840 = math.rsqrt %max3A_839 : vector<64x1xf32>
    %mul3A_841 = arith.mulf %dot_general3A_836, %rsqrt3A_840 : vector<64x1xf32>
    %mul3A_842 = arith.mulf %mul3A_841, %rsqrt3A_840 : vector<64x1xf32>
    %mul3A_843 = arith.constant -2.000000e+00 : f32
    %mul3A_844 = vector.broadcast %mul3A_843 : f32 to vector<64x1xf32>
    %mul3A_845 = arith.mulf %mul3A_844, %rsqrt3A_840 : vector<64x1xf32>
    %mul3A_846 = vector.broadcast %mul3A_845 : vector<64x1xf32> to vector<64x128xf32>
    %mul3A_847 = arith.mulf %get3A_822, %mul3A_846 : vector<64x128xf32>
    %dot_general3A_848 = arith.constant dense<0.000000e+00> : vector<200x64xf32>
    %dot_general3A_849 = tpu.matmul %get3A_817, %mul3A_847, %dot_general3A_848 {dimension_numbers = #tpu.dot_dimension_numbers<[1], [1], [0], [0], [0, 0, 1, 0], [], []>, transpose_lhs_hint = false} : vector<200x128xf32>, vector<64x128xf32>, vector<200x64xf32> -> vector<200x64xf32>
    %broadcast_in_dim3A_850 = arith.constant 1.000000e+00 : f32
    %broadcast_in_dim3A_851 = vector.broadcast %broadcast_in_dim3A_850 : f32 to vector<200x1xf32>
    %concatenate3A_852 = tpu.concatenate %mul3A_833, %broadcast_in_dim3A_851 in 1 : vector<200x1xf32>, vector<200x1xf32> -> vector<200x2xf32>
    %broadcast_in_dim3A_853 = arith.constant 1.000000e+00 : f32
    %broadcast_in_dim3A_854 = vector.broadcast %broadcast_in_dim3A_853 : f32 to vector<64x1xf32>
    %concatenate3A_855 = tpu.concatenate %broadcast_in_dim3A_854, %mul3A_842 in 1 : vector<64x1xf32>, vector<64x1xf32> -> vector<64x2xf32>
    %dot_general3A_856 = arith.constant dense<0.000000e+00> : vector<200x64xf32>
    %dot_general3A_857 = tpu.matmul %concatenate3A_852, %concatenate3A_855, %dot_general3A_856 {dimension_numbers = #tpu.dot_dimension_numbers<[1], [1], [0], [0], [0, 0, 1, 0], [], []>, transpose_lhs_hint = false} : vector<200x2xf32>, vector<64x2xf32>, vector<200x64xf32> -> vector<200x64xf32>
    %mul3A_858 = vector.broadcast %rsqrt3A_831 : vector<200x1xf32> to vector<200x64xf32>
    %mul3A_859 = arith.mulf %dot_general3A_849, %mul3A_858 : vector<200x64xf32>
    %add3A_860 = arith.addf %mul3A_859, %dot_general3A_857 : vector<200x64xf32>
    %max3A_861 = arith.constant 0.000000e+00 : f32
    %max3A_862 = vector.broadcast %max3A_861 : f32 to vector<200x64xf32>
    %max3A_863 = arith.maximumf %add3A_860, %max3A_862 : vector<200x64xf32>
    %concatenate3A_864 = tpu.concatenate %max3A_812, %max3A_863 in 1 : vector<200x64xf32>, vector<200x64xf32> -> vector<200x128xf32>
    %slice3A_865 = vector.extract_strided_slice %concatenate3A_864 {offsets = [0, 0], sizes = [8, 128], strides = [1, 1]} : vector<200x128xf32> to vector<8x128xf32>
    %slice3A_866 = vector.extract_strided_slice %concatenate3A_864 {offsets = [8, 0], sizes = [8, 128], strides = [1, 1]} : vector<200x128xf32> to vector<8x128xf32>
    %min3A_867 = arith.minimumf %slice3A_865, %slice3A_866 : vector<8x128xf32>
    %slice3A_868 = vector.extract_strided_slice %concatenate3A_864 {offsets = [0, 0], sizes = [8, 128], strides = [1, 1]} : vector<200x128xf32> to vector<8x128xf32>
    %slice3A_869 = vector.extract_strided_slice %concatenate3A_864 {offsets = [8, 0], sizes = [8, 128], strides = [1, 1]} : vector<200x128xf32> to vector<8x128xf32>
    %max3A_870 = arith.maximumf %slice3A_868, %slice3A_869 : vector<8x128xf32>
    %broadcast_in_dim3A_871 = arith.constant 3.000000e+38 : f32
    %broadcast_in_dim3A_872 = vector.broadcast %broadcast_in_dim3A_871 : f32 to vector<8x128xf32>
    %broadcast_in_dim3A_873 = arith.constant 3.000000e+38 : f32
    %broadcast_in_dim3A_874 = vector.broadcast %broadcast_in_dim3A_873 : f32 to vector<8x128xf32>
    %slice3A_875 = vector.extract_strided_slice %concatenate3A_864 {offsets = [16, 0], sizes = [8, 128], strides = [1, 1]} : vector<200x128xf32> to vector<8x128xf32>
    %slice3A_876 = vector.extract_strided_slice %concatenate3A_864 {offsets = [24, 0], sizes = [8, 128], strides = [1, 1]} : vector<200x128xf32> to vector<8x128xf32>
    %min3A_877 = arith.minimumf %slice3A_875, %slice3A_876 : vector<8x128xf32>
    %max3A_878 = arith.maximumf %slice3A_875, %slice3A_876 : vector<8x128xf32>
    %min3A_879 = arith.minimumf %broadcast_in_dim3A_872, %max3A_878 : vector<8x128xf32>
    %min3A_880 = arith.minimumf %broadcast_in_dim3A_874, %min3A_877 : vector<8x128xf32>
    %min3A_881 = arith.minimumf %min3A_867, %min3A_879 : vector<8x128xf32>
    %max3A_882 = arith.maximumf %min3A_867, %min3A_879 : vector<8x128xf32>
    %min3A_883 = arith.minimumf %max3A_870, %min3A_880 : vector<8x128xf32>
    %max3A_884 = arith.maximumf %max3A_870, %min3A_880 : vector<8x128xf32>
    %min3A_885 = arith.minimumf %min3A_881, %min3A_883 : vector<8x128xf32>
    %max3A_886 = arith.maximumf %min3A_881, %min3A_883 : vector<8x128xf32>
    %min3A_887 = arith.minimumf %max3A_882, %max3A_884 : vector<8x128xf32>
    %max3A_888 = arith.maximumf %max3A_882, %max3A_884 : vector<8x128xf32>
    %slice3A_889 = vector.extract_strided_slice %concatenate3A_864 {offsets = [32, 0], sizes = [8, 128], strides = [1, 1]} : vector<200x128xf32> to vector<8x128xf32>
    %slice3A_890 = vector.extract_strided_slice %concatenate3A_864 {offsets = [40, 0], sizes = [8, 128], strides = [1, 1]} : vector<200x128xf32> to vector<8x128xf32>
    %min3A_891 = arith.minimumf %slice3A_889, %slice3A_890 : vector<8x128xf32>
    %max3A_892 = arith.maximumf %slice3A_889, %slice3A_890 : vector<8x128xf32>
    %min3A_893 = arith.minimumf %min3A_887, %max3A_892 : vector<8x128xf32>
    %min3A_894 = arith.minimumf %max3A_888, %min3A_891 : vector<8x128xf32>
    %min3A_895 = arith.minimumf %min3A_885, %min3A_893 : vector<8x128xf32>
    %max3A_896 = arith.maximumf %min3A_885, %min3A_893 : vector<8x128xf32>
    %min3A_897 = arith.minimumf %max3A_886, %min3A_894 : vector<8x128xf32>
    %max3A_898 = arith.maximumf %max3A_886, %min3A_894 : vector<8x128xf32>
    %min3A_899 = arith.minimumf %min3A_895, %min3A_897 : vector<8x128xf32>
    %max3A_900 = arith.maximumf %min3A_895, %min3A_897 : vector<8x128xf32>
    %min3A_901 = arith.minimumf %max3A_896, %max3A_898 : vector<8x128xf32>
    %max3A_902 = arith.maximumf %max3A_896, %max3A_898 : vector<8x128xf32>
    %slice3A_903 = vector.extract_strided_slice %concatenate3A_864 {offsets = [48, 0], sizes = [8, 128], strides = [1, 1]} : vector<200x128xf32> to vector<8x128xf32>
    %slice3A_904 = vector.extract_strided_slice %concatenate3A_864 {offsets = [56, 0], sizes = [8, 128], strides = [1, 1]} : vector<200x128xf32> to vector<8x128xf32>
    %min3A_905 = arith.minimumf %slice3A_903, %slice3A_904 : vector<8x128xf32>
    %max3A_906 = arith.maximumf %slice3A_903, %slice3A_904 : vector<8x128xf32>
    %min3A_907 = arith.minimumf %min3A_901, %max3A_906 : vector<8x128xf32>
    %min3A_908 = arith.minimumf %max3A_902, %min3A_905 : vector<8x128xf32>
    %min3A_909 = arith.minimumf %min3A_899, %min3A_907 : vector<8x128xf32>
    %max3A_910 = arith.maximumf %min3A_899, %min3A_907 : vector<8x128xf32>
    %min3A_911 = arith.minimumf %max3A_900, %min3A_908 : vector<8x128xf32>
    %max3A_912 = arith.maximumf %max3A_900, %min3A_908 : vector<8x128xf32>
    %min3A_913 = arith.minimumf %min3A_909, %min3A_911 : vector<8x128xf32>
    %max3A_914 = arith.maximumf %min3A_909, %min3A_911 : vector<8x128xf32>
    %min3A_915 = arith.minimumf %max3A_910, %max3A_912 : vector<8x128xf32>
    %max3A_916 = arith.maximumf %max3A_910, %max3A_912 : vector<8x128xf32>
    %slice3A_917 = vector.extract_strided_slice %concatenate3A_864 {offsets = [64, 0], sizes = [8, 128], strides = [1, 1]} : vector<200x128xf32> to vector<8x128xf32>
    %slice3A_918 = vector.extract_strided_slice %concatenate3A_864 {offsets = [72, 0], sizes = [8, 128], strides = [1, 1]} : vector<200x128xf32> to vector<8x128xf32>
    %min3A_919 = arith.minimumf %slice3A_917, %slice3A_918 : vector<8x128xf32>
    %max3A_920 = arith.maximumf %slice3A_917, %slice3A_918 : vector<8x128xf32>
    %min3A_921 = arith.minimumf %min3A_915, %max3A_920 : vector<8x128xf32>
    %min3A_922 = arith.minimumf %max3A_916, %min3A_919 : vector<8x128xf32>
    %min3A_923 = arith.minimumf %min3A_913, %min3A_921 : vector<8x128xf32>
    %max3A_924 = arith.maximumf %min3A_913, %min3A_921 : vector<8x128xf32>
    %min3A_925 = arith.minimumf %max3A_914, %min3A_922 : vector<8x128xf32>
    %max3A_926 = arith.maximumf %max3A_914, %min3A_922 : vector<8x128xf32>
    %min3A_927 = arith.minimumf %min3A_923, %min3A_925 : vector<8x128xf32>
    %max3A_928 = arith.maximumf %min3A_923, %min3A_925 : vector<8x128xf32>
    %min3A_929 = arith.minimumf %max3A_924, %max3A_926 : vector<8x128xf32>
    %max3A_930 = arith.maximumf %max3A_924, %max3A_926 : vector<8x128xf32>
    %slice3A_931 = vector.extract_strided_slice %concatenate3A_864 {offsets = [80, 0], sizes = [8, 128], strides = [1, 1]} : vector<200x128xf32> to vector<8x128xf32>
    %slice3A_932 = vector.extract_strided_slice %concatenate3A_864 {offsets = [88, 0], sizes = [8, 128], strides = [1, 1]} : vector<200x128xf32> to vector<8x128xf32>
    %min3A_933 = arith.minimumf %slice3A_931, %slice3A_932 : vector<8x128xf32>
    %max3A_934 = arith.maximumf %slice3A_931, %slice3A_932 : vector<8x128xf32>
    %min3A_935 = arith.minimumf %min3A_929, %max3A_934 : vector<8x128xf32>
    %min3A_936 = arith.minimumf %max3A_930, %min3A_933 : vector<8x128xf32>
    %min3A_937 = arith.minimumf %min3A_927, %min3A_935 : vector<8x128xf32>
    %max3A_938 = arith.maximumf %min3A_927, %min3A_935 : vector<8x128xf32>
    %min3A_939 = arith.minimumf %max3A_928, %min3A_936 : vector<8x128xf32>
    %max3A_940 = arith.maximumf %max3A_928, %min3A_936 : vector<8x128xf32>
    %min3A_941 = arith.minimumf %min3A_937, %min3A_939 : vector<8x128xf32>
    %max3A_942 = arith.maximumf %min3A_937, %min3A_939 : vector<8x128xf32>
    %min3A_943 = arith.minimumf %max3A_938, %max3A_940 : vector<8x128xf32>
    %max3A_944 = arith.maximumf %max3A_938, %max3A_940 : vector<8x128xf32>
    %slice3A_945 = vector.extract_strided_slice %concatenate3A_864 {offsets = [96, 0], sizes = [8, 128], strides = [1, 1]} : vector<200x128xf32> to vector<8x128xf32>
    %slice3A_946 = vector.extract_strided_slice %concatenate3A_864 {offsets = [104, 0], sizes = [8, 128], strides = [1, 1]} : vector<200x128xf32> to vector<8x128xf32>
    %min3A_947 = arith.minimumf %slice3A_945, %slice3A_946 : vector<8x128xf32>
    %slice3A_948 = vector.extract_strided_slice %concatenate3A_864 {offsets = [96, 0], sizes = [8, 128], strides = [1, 1]} : vector<200x128xf32> to vector<8x128xf32>
    %slice3A_949 = vector.extract_strided_slice %concatenate3A_864 {offsets = [104, 0], sizes = [8, 128], strides = [1, 1]} : vector<200x128xf32> to vector<8x128xf32>
    %max3A_950 = arith.maximumf %slice3A_948, %slice3A_949 : vector<8x128xf32>
    %broadcast_in_dim3A_951 = arith.constant 3.000000e+38 : f32
    %broadcast_in_dim3A_952 = vector.broadcast %broadcast_in_dim3A_951 : f32 to vector<8x128xf32>
    %broadcast_in_dim3A_953 = arith.constant 3.000000e+38 : f32
    %broadcast_in_dim3A_954 = vector.broadcast %broadcast_in_dim3A_953 : f32 to vector<8x128xf32>
    %slice3A_955 = vector.extract_strided_slice %concatenate3A_864 {offsets = [112, 0], sizes = [8, 128], strides = [1, 1]} : vector<200x128xf32> to vector<8x128xf32>
    %slice3A_956 = vector.extract_strided_slice %concatenate3A_864 {offsets = [120, 0], sizes = [8, 128], strides = [1, 1]} : vector<200x128xf32> to vector<8x128xf32>
    %min3A_957 = arith.minimumf %slice3A_955, %slice3A_956 : vector<8x128xf32>
    %max3A_958 = arith.maximumf %slice3A_955, %slice3A_956 : vector<8x128xf32>
    %min3A_959 = arith.minimumf %broadcast_in_dim3A_952, %max3A_958 : vector<8x128xf32>
    %min3A_960 = arith.minimumf %broadcast_in_dim3A_954, %min3A_957 : vector<8x128xf32>
    %min3A_961 = arith.minimumf %min3A_947, %min3A_959 : vector<8x128xf32>
    %max3A_962 = arith.maximumf %min3A_947, %min3A_959 : vector<8x128xf32>
    %min3A_963 = arith.minimumf %max3A_950, %min3A_960 : vector<8x128xf32>
    %max3A_964 = arith.maximumf %max3A_950, %min3A_960 : vector<8x128xf32>
    %min3A_965 = arith.minimumf %min3A_961, %min3A_963 : vector<8x128xf32>
    %max3A_966 = arith.maximumf %min3A_961, %min3A_963 : vector<8x128xf32>
    %min3A_967 = arith.minimumf %max3A_962, %max3A_964 : vector<8x128xf32>
    %max3A_968 = arith.maximumf %max3A_962, %max3A_964 : vector<8x128xf32>
    %slice3A_969 = vector.extract_strided_slice %concatenate3A_864 {offsets = [128, 0], sizes = [8, 128], strides = [1, 1]} : vector<200x128xf32> to vector<8x128xf32>
    %slice3A_970 = vector.extract_strided_slice %concatenate3A_864 {offsets = [136, 0], sizes = [8, 128], strides = [1, 1]} : vector<200x128xf32> to vector<8x128xf32>
    %min3A_971 = arith.minimumf %slice3A_969, %slice3A_970 : vector<8x128xf32>
    %max3A_972 = arith.maximumf %slice3A_969, %slice3A_970 : vector<8x128xf32>
    %min3A_973 = arith.minimumf %min3A_967, %max3A_972 : vector<8x128xf32>
    %min3A_974 = arith.minimumf %max3A_968, %min3A_971 : vector<8x128xf32>
    %min3A_975 = arith.minimumf %min3A_965, %min3A_973 : vector<8x128xf32>
    %max3A_976 = arith.maximumf %min3A_965, %min3A_973 : vector<8x128xf32>
    %min3A_977 = arith.minimumf %max3A_966, %min3A_974 : vector<8x128xf32>
    %max3A_978 = arith.maximumf %max3A_966, %min3A_974 : vector<8x128xf32>
    %min3A_979 = arith.minimumf %min3A_975, %min3A_977 : vector<8x128xf32>
    %max3A_980 = arith.maximumf %min3A_975, %min3A_977 : vector<8x128xf32>
    %min3A_981 = arith.minimumf %max3A_976, %max3A_978 : vector<8x128xf32>
    %max3A_982 = arith.maximumf %max3A_976, %max3A_978 : vector<8x128xf32>
    %slice3A_983 = vector.extract_strided_slice %concatenate3A_864 {offsets = [144, 0], sizes = [8, 128], strides = [1, 1]} : vector<200x128xf32> to vector<8x128xf32>
    %slice3A_984 = vector.extract_strided_slice %concatenate3A_864 {offsets = [152, 0], sizes = [8, 128], strides = [1, 1]} : vector<200x128xf32> to vector<8x128xf32>
    %min3A_985 = arith.minimumf %slice3A_983, %slice3A_984 : vector<8x128xf32>
    %max3A_986 = arith.maximumf %slice3A_983, %slice3A_984 : vector<8x128xf32>
    %min3A_987 = arith.minimumf %min3A_981, %max3A_986 : vector<8x128xf32>
    %min3A_988 = arith.minimumf %max3A_982, %min3A_985 : vector<8x128xf32>
    %min3A_989 = arith.minimumf %min3A_979, %min3A_987 : vector<8x128xf32>
    %max3A_990 = arith.maximumf %min3A_979, %min3A_987 : vector<8x128xf32>
    %min3A_991 = arith.minimumf %max3A_980, %min3A_988 : vector<8x128xf32>
    %max3A_992 = arith.maximumf %max3A_980, %min3A_988 : vector<8x128xf32>
    %min3A_993 = arith.minimumf %min3A_989, %min3A_991 : vector<8x128xf32>
    %max3A_994 = arith.maximumf %min3A_989, %min3A_991 : vector<8x128xf32>
    %min3A_995 = arith.minimumf %max3A_990, %max3A_992 : vector<8x128xf32>
    %max3A_996 = arith.maximumf %max3A_990, %max3A_992 : vector<8x128xf32>
    %slice3A_997 = vector.extract_strided_slice %concatenate3A_864 {offsets = [160, 0], sizes = [8, 128], strides = [1, 1]} : vector<200x128xf32> to vector<8x128xf32>
    %slice3A_998 = vector.extract_strided_slice %concatenate3A_864 {offsets = [168, 0], sizes = [8, 128], strides = [1, 1]} : vector<200x128xf32> to vector<8x128xf32>
    %min3A_999 = arith.minimumf %slice3A_997, %slice3A_998 : vector<8x128xf32>
    %max3A_1000 = arith.maximumf %slice3A_997, %slice3A_998 : vector<8x128xf32>
    %min3A_1001 = arith.minimumf %min3A_995, %max3A_1000 : vector<8x128xf32>
    %min3A_1002 = arith.minimumf %max3A_996, %min3A_999 : vector<8x128xf32>
    %min3A_1003 = arith.minimumf %min3A_993, %min3A_1001 : vector<8x128xf32>
    %max3A_1004 = arith.maximumf %min3A_993, %min3A_1001 : vector<8x128xf32>
    %min3A_1005 = arith.minimumf %max3A_994, %min3A_1002 : vector<8x128xf32>
    %max3A_1006 = arith.maximumf %max3A_994, %min3A_1002 : vector<8x128xf32>
    %min3A_1007 = arith.minimumf %min3A_1003, %min3A_1005 : vector<8x128xf32>
    %max3A_1008 = arith.maximumf %min3A_1003, %min3A_1005 : vector<8x128xf32>
    %min3A_1009 = arith.minimumf %max3A_1004, %max3A_1006 : vector<8x128xf32>
    %max3A_1010 = arith.maximumf %max3A_1004, %max3A_1006 : vector<8x128xf32>
    %slice3A_1011 = vector.extract_strided_slice %concatenate3A_864 {offsets = [176, 0], sizes = [8, 128], strides = [1, 1]} : vector<200x128xf32> to vector<8x128xf32>
    %slice3A_1012 = vector.extract_strided_slice %concatenate3A_864 {offsets = [184, 0], sizes = [8, 128], strides = [1, 1]} : vector<200x128xf32> to vector<8x128xf32>
    %min3A_1013 = arith.minimumf %slice3A_1011, %slice3A_1012 : vector<8x128xf32>
    %max3A_1014 = arith.maximumf %slice3A_1011, %slice3A_1012 : vector<8x128xf32>
    %min3A_1015 = arith.minimumf %min3A_1009, %max3A_1014 : vector<8x128xf32>
    %min3A_1016 = arith.minimumf %max3A_1010, %min3A_1013 : vector<8x128xf32>
    %min3A_1017 = arith.minimumf %min3A_1007, %min3A_1015 : vector<8x128xf32>
    %max3A_1018 = arith.maximumf %min3A_1007, %min3A_1015 : vector<8x128xf32>
    %min3A_1019 = arith.minimumf %max3A_1008, %min3A_1016 : vector<8x128xf32>
    %max3A_1020 = arith.maximumf %max3A_1008, %min3A_1016 : vector<8x128xf32>
    %min3A_1021 = arith.minimumf %min3A_1017, %min3A_1019 : vector<8x128xf32>
    %max3A_1022 = arith.maximumf %min3A_1017, %min3A_1019 : vector<8x128xf32>
    %min3A_1023 = arith.minimumf %max3A_1018, %max3A_1020 : vector<8x128xf32>
    %max3A_1024 = arith.maximumf %max3A_1018, %max3A_1020 : vector<8x128xf32>
    %slice3A_1025 = vector.extract_strided_slice %concatenate3A_864 {offsets = [192, 0], sizes = [8, 128], strides = [1, 1]} : vector<200x128xf32> to vector<8x128xf32>
    %min3A_1026 = arith.minimumf %min3A_1021, %slice3A_1025 : vector<8x128xf32>
    %max3A_1027 = arith.maximumf %min3A_1021, %slice3A_1025 : vector<8x128xf32>
    %min3A_1028 = arith.minimumf %max3A_1022, %max3A_1027 : vector<8x128xf32>
    %max3A_1029 = arith.maximumf %max3A_1022, %max3A_1027 : vector<8x128xf32>
    %min3A_1030 = arith.minimumf %min3A_1023, %max3A_1029 : vector<8x128xf32>
    %max3A_1031 = arith.maximumf %min3A_1023, %max3A_1029 : vector<8x128xf32>
    %min3A_1032 = arith.minimumf %max3A_1024, %max3A_1031 : vector<8x128xf32>
    %min3A_1033 = arith.minimumf %min3A_941, %min3A_1032 : vector<8x128xf32>
    %min3A_1034 = arith.minimumf %max3A_942, %min3A_1030 : vector<8x128xf32>
    %min3A_1035 = arith.minimumf %min3A_943, %min3A_1028 : vector<8x128xf32>
    %min3A_1036 = arith.minimumf %max3A_944, %min3A_1026 : vector<8x128xf32>
    %min3A_1037 = arith.minimumf %min3A_1033, %min3A_1035 : vector<8x128xf32>
    %max3A_1038 = arith.maximumf %min3A_1033, %min3A_1035 : vector<8x128xf32>
    %min3A_1039 = arith.minimumf %min3A_1034, %min3A_1036 : vector<8x128xf32>
    %max3A_1040 = arith.maximumf %min3A_1034, %min3A_1036 : vector<8x128xf32>
    %min3A_1041 = arith.minimumf %min3A_1037, %min3A_1039 : vector<8x128xf32>
    %max3A_1042 = arith.maximumf %min3A_1037, %min3A_1039 : vector<8x128xf32>
    %min3A_1043 = arith.minimumf %max3A_1038, %max3A_1040 : vector<8x128xf32>
    %max3A_1044 = arith.maximumf %max3A_1038, %max3A_1040 : vector<8x128xf32>
    %slice3A_1045 = vector.extract_strided_slice %min3A_1041 {offsets = [4, 0], sizes = [4, 128], strides = [1, 1]} : vector<8x128xf32> to vector<4x128xf32>
    %slice3A_1046 = vector.extract_strided_slice %min3A_1041 {offsets = [0, 0], sizes = [4, 128], strides = [1, 1]} : vector<8x128xf32> to vector<4x128xf32>
    %concatenate3A_1047 = tpu.concatenate %slice3A_1045, %slice3A_1046 in 0 : vector<4x128xf32>, vector<4x128xf32> -> vector<8x128xf32>
    %slice3A_1048 = vector.extract_strided_slice %max3A_1042 {offsets = [4, 0], sizes = [4, 128], strides = [1, 1]} : vector<8x128xf32> to vector<4x128xf32>
    %slice3A_1049 = vector.extract_strided_slice %max3A_1042 {offsets = [0, 0], sizes = [4, 128], strides = [1, 1]} : vector<8x128xf32> to vector<4x128xf32>
    %concatenate3A_1050 = tpu.concatenate %slice3A_1048, %slice3A_1049 in 0 : vector<4x128xf32>, vector<4x128xf32> -> vector<8x128xf32>
    %slice3A_1051 = vector.extract_strided_slice %min3A_1043 {offsets = [4, 0], sizes = [4, 128], strides = [1, 1]} : vector<8x128xf32> to vector<4x128xf32>
    %slice3A_1052 = vector.extract_strided_slice %min3A_1043 {offsets = [0, 0], sizes = [4, 128], strides = [1, 1]} : vector<8x128xf32> to vector<4x128xf32>
    %concatenate3A_1053 = tpu.concatenate %slice3A_1051, %slice3A_1052 in 0 : vector<4x128xf32>, vector<4x128xf32> -> vector<8x128xf32>
    %slice3A_1054 = vector.extract_strided_slice %max3A_1044 {offsets = [4, 0], sizes = [4, 128], strides = [1, 1]} : vector<8x128xf32> to vector<4x128xf32>
    %slice3A_1055 = vector.extract_strided_slice %max3A_1044 {offsets = [0, 0], sizes = [4, 128], strides = [1, 1]} : vector<8x128xf32> to vector<4x128xf32>
    %concatenate3A_1056 = tpu.concatenate %slice3A_1054, %slice3A_1055 in 0 : vector<4x128xf32>, vector<4x128xf32> -> vector<8x128xf32>
    %min3A_1057 = arith.minimumf %min3A_1041, %concatenate3A_1056 : vector<8x128xf32>
    %min3A_1058 = arith.minimumf %max3A_1042, %concatenate3A_1053 : vector<8x128xf32>
    %min3A_1059 = arith.minimumf %min3A_1043, %concatenate3A_1050 : vector<8x128xf32>
    %min3A_1060 = arith.minimumf %max3A_1044, %concatenate3A_1047 : vector<8x128xf32>
    %min3A_1061 = arith.minimumf %min3A_1057, %min3A_1059 : vector<8x128xf32>
    %max3A_1062 = arith.maximumf %min3A_1057, %min3A_1059 : vector<8x128xf32>
    %min3A_1063 = arith.minimumf %min3A_1058, %min3A_1060 : vector<8x128xf32>
    %max3A_1064 = arith.maximumf %min3A_1058, %min3A_1060 : vector<8x128xf32>
    %min3A_1065 = arith.minimumf %min3A_1061, %min3A_1063 : vector<8x128xf32>
    %max3A_1066 = arith.maximumf %min3A_1061, %min3A_1063 : vector<8x128xf32>
    %min3A_1067 = arith.minimumf %max3A_1062, %max3A_1064 : vector<8x128xf32>
    %max3A_1068 = arith.maximumf %max3A_1062, %max3A_1064 : vector<8x128xf32>
    %slice3A_1069 = vector.extract_strided_slice %min3A_1065 {offsets = [2, 0], sizes = [6, 128], strides = [1, 1]} : vector<8x128xf32> to vector<6x128xf32>
    %slice3A_1070 = vector.extract_strided_slice %min3A_1065 {offsets = [0, 0], sizes = [2, 128], strides = [1, 1]} : vector<8x128xf32> to vector<2x128xf32>
    %concatenate3A_1071 = tpu.concatenate %slice3A_1069, %slice3A_1070 in 0 : vector<6x128xf32>, vector<2x128xf32> -> vector<8x128xf32>
    %slice3A_1072 = vector.extract_strided_slice %max3A_1066 {offsets = [2, 0], sizes = [6, 128], strides = [1, 1]} : vector<8x128xf32> to vector<6x128xf32>
    %slice3A_1073 = vector.extract_strided_slice %max3A_1066 {offsets = [0, 0], sizes = [2, 128], strides = [1, 1]} : vector<8x128xf32> to vector<2x128xf32>
    %concatenate3A_1074 = tpu.concatenate %slice3A_1072, %slice3A_1073 in 0 : vector<6x128xf32>, vector<2x128xf32> -> vector<8x128xf32>
    %slice3A_1075 = vector.extract_strided_slice %min3A_1067 {offsets = [2, 0], sizes = [6, 128], strides = [1, 1]} : vector<8x128xf32> to vector<6x128xf32>
    %slice3A_1076 = vector.extract_strided_slice %min3A_1067 {offsets = [0, 0], sizes = [2, 128], strides = [1, 1]} : vector<8x128xf32> to vector<2x128xf32>
    %concatenate3A_1077 = tpu.concatenate %slice3A_1075, %slice3A_1076 in 0 : vector<6x128xf32>, vector<2x128xf32> -> vector<8x128xf32>
    %slice3A_1078 = vector.extract_strided_slice %max3A_1068 {offsets = [2, 0], sizes = [6, 128], strides = [1, 1]} : vector<8x128xf32> to vector<6x128xf32>
    %slice3A_1079 = vector.extract_strided_slice %max3A_1068 {offsets = [0, 0], sizes = [2, 128], strides = [1, 1]} : vector<8x128xf32> to vector<2x128xf32>
    %concatenate3A_1080 = tpu.concatenate %slice3A_1078, %slice3A_1079 in 0 : vector<6x128xf32>, vector<2x128xf32> -> vector<8x128xf32>
    %min3A_1081 = arith.minimumf %min3A_1065, %concatenate3A_1080 : vector<8x128xf32>
    %min3A_1082 = arith.minimumf %max3A_1066, %concatenate3A_1077 : vector<8x128xf32>
    %min3A_1083 = arith.minimumf %min3A_1067, %concatenate3A_1074 : vector<8x128xf32>
    %min3A_1084 = arith.minimumf %max3A_1068, %concatenate3A_1071 : vector<8x128xf32>
    %min3A_1085 = arith.minimumf %min3A_1081, %min3A_1083 : vector<8x128xf32>
    %max3A_1086 = arith.maximumf %min3A_1081, %min3A_1083 : vector<8x128xf32>
    %min3A_1087 = arith.minimumf %min3A_1082, %min3A_1084 : vector<8x128xf32>
    %max3A_1088 = arith.maximumf %min3A_1082, %min3A_1084 : vector<8x128xf32>
    %min3A_1089 = arith.minimumf %min3A_1085, %min3A_1087 : vector<8x128xf32>
    %max3A_1090 = arith.maximumf %min3A_1085, %min3A_1087 : vector<8x128xf32>
    %min3A_1091 = arith.minimumf %max3A_1086, %max3A_1088 : vector<8x128xf32>
    %max3A_1092 = arith.maximumf %max3A_1086, %max3A_1088 : vector<8x128xf32>
    %slice3A_1093 = vector.extract_strided_slice %min3A_1089 {offsets = [1, 0], sizes = [7, 128], strides = [1, 1]} : vector<8x128xf32> to vector<7x128xf32>
    %slice3A_1094 = vector.extract_strided_slice %min3A_1089 {offsets = [0, 0], sizes = [1, 128], strides = [1, 1]} : vector<8x128xf32> to vector<1x128xf32>
    %concatenate3A_1095 = tpu.concatenate %slice3A_1093, %slice3A_1094 in 0 : vector<7x128xf32>, vector<1x128xf32> -> vector<8x128xf32>
    %slice3A_1096 = vector.extract_strided_slice %max3A_1090 {offsets = [1, 0], sizes = [7, 128], strides = [1, 1]} : vector<8x128xf32> to vector<7x128xf32>
    %slice3A_1097 = vector.extract_strided_slice %max3A_1090 {offsets = [0, 0], sizes = [1, 128], strides = [1, 1]} : vector<8x128xf32> to vector<1x128xf32>
    %concatenate3A_1098 = tpu.concatenate %slice3A_1096, %slice3A_1097 in 0 : vector<7x128xf32>, vector<1x128xf32> -> vector<8x128xf32>
    %slice3A_1099 = vector.extract_strided_slice %min3A_1091 {offsets = [1, 0], sizes = [7, 128], strides = [1, 1]} : vector<8x128xf32> to vector<7x128xf32>
    %slice3A_1100 = vector.extract_strided_slice %min3A_1091 {offsets = [0, 0], sizes = [1, 128], strides = [1, 1]} : vector<8x128xf32> to vector<1x128xf32>
    %concatenate3A_1101 = tpu.concatenate %slice3A_1099, %slice3A_1100 in 0 : vector<7x128xf32>, vector<1x128xf32> -> vector<8x128xf32>
    %slice3A_1102 = vector.extract_strided_slice %max3A_1092 {offsets = [1, 0], sizes = [7, 128], strides = [1, 1]} : vector<8x128xf32> to vector<7x128xf32>
    %slice3A_1103 = vector.extract_strided_slice %max3A_1092 {offsets = [0, 0], sizes = [1, 128], strides = [1, 1]} : vector<8x128xf32> to vector<1x128xf32>
    %concatenate3A_1104 = tpu.concatenate %slice3A_1102, %slice3A_1103 in 0 : vector<7x128xf32>, vector<1x128xf32> -> vector<8x128xf32>
    %min3A_1105 = arith.minimumf %min3A_1089, %concatenate3A_1104 : vector<8x128xf32>
    %min3A_1106 = arith.minimumf %max3A_1090, %concatenate3A_1101 : vector<8x128xf32>
    %min3A_1107 = arith.minimumf %min3A_1091, %concatenate3A_1098 : vector<8x128xf32>
    %min3A_1108 = arith.minimumf %max3A_1092, %concatenate3A_1095 : vector<8x128xf32>
    %min3A_1109 = arith.minimumf %min3A_1105, %min3A_1107 : vector<8x128xf32>
    %max3A_1110 = arith.maximumf %min3A_1105, %min3A_1107 : vector<8x128xf32>
    %min3A_1111 = arith.minimumf %min3A_1106, %min3A_1108 : vector<8x128xf32>
    %max3A_1112 = arith.maximumf %min3A_1106, %min3A_1108 : vector<8x128xf32>
    %min3A_1113 = arith.minimumf %min3A_1109, %min3A_1111 : vector<8x128xf32>
    %max3A_1114 = arith.maximumf %min3A_1109, %min3A_1111 : vector<8x128xf32>
    %min3A_1115 = arith.minimumf %max3A_1110, %max3A_1112 : vector<8x128xf32>
    %max3A_1116 = arith.maximumf %max3A_1110, %max3A_1112 : vector<8x128xf32>
    %slice3A_1117 = vector.extract_strided_slice %min3A_1113 {offsets = [0, 0], sizes = [1, 128], strides = [1, 1]} : vector<8x128xf32> to vector<1x128xf32>
    %sqrt3A_1118 = math.sqrt %slice3A_1117 : vector<1x128xf32>
    %swap3A_1119 = arith.constant 2 : index
    %swap3A_1120 = arith.constant 0 : index
    %swap3A_1121 = arith.constant 0 : index
    %swap3A_1122 = vector.load %arg3[%swap3A_1119, %swap3A_1120, %swap3A_1121] : memref<8x4x128xf32, #tpu.memory_space<vmem>>, vector<1x1x128xf32>
    %swap3A_1123 = vector.shape_cast %swap3A_1122 : vector<1x1x128xf32> to vector<1x128xf32>
    %swap3A_1124 = vector.shape_cast %sqrt3A_1118 : vector<1x128xf32> to vector<1x1x128xf32>
    tpu.vector_store %arg3[%swap3A_1119, %swap3A_1120, %swap3A_1121], %swap3A_1124 {strides = array<i32>} : memref<8x4x128xf32, #tpu.memory_space<vmem>>, vector<1x1x128xf32>,
    %slice3A_1125 = vector.extract_strided_slice %max3A_1114 {offsets = [0, 0], sizes = [1, 128], strides = [1, 1]} : vector<8x128xf32> to vector<1x128xf32>
    %sqrt3A_1126 = math.sqrt %slice3A_1125 : vector<1x128xf32>
    %swap3A_1127 = arith.constant 2 : index
    %swap3A_1128 = arith.constant 1 : index
    %swap3A_1129 = arith.constant 0 : index
    %swap3A_1130 = vector.load %arg3[%swap3A_1127, %swap3A_1128, %swap3A_1129] : memref<8x4x128xf32, #tpu.memory_space<vmem>>, vector<1x1x128xf32>
    %swap3A_1131 = vector.shape_cast %swap3A_1130 : vector<1x1x128xf32> to vector<1x128xf32>
    %swap3A_1132 = vector.shape_cast %sqrt3A_1126 : vector<1x128xf32> to vector<1x1x128xf32>
    tpu.vector_store %arg3[%swap3A_1127, %swap3A_1128, %swap3A_1129], %swap3A_1132 {strides = array<i32>} : memref<8x4x128xf32, #tpu.memory_space<vmem>>, vector<1x1x128xf32>,
    %slice3A_1133 = vector.extract_strided_slice %min3A_1115 {offsets = [0, 0], sizes = [1, 128], strides = [1, 1]} : vector<8x128xf32> to vector<1x128xf32>
    %sqrt3A_1134 = math.sqrt %slice3A_1133 : vector<1x128xf32>
    %swap3A_1135 = arith.constant 2 : index
    %swap3A_1136 = arith.constant 2 : index
    %swap3A_1137 = arith.constant 0 : index
    %swap3A_1138 = vector.load %arg3[%swap3A_1135, %swap3A_1136, %swap3A_1137] : memref<8x4x128xf32, #tpu.memory_space<vmem>>, vector<1x1x128xf32>
    %swap3A_1139 = vector.shape_cast %swap3A_1138 : vector<1x1x128xf32> to vector<1x128xf32>
    %swap3A_1140 = vector.shape_cast %sqrt3A_1134 : vector<1x128xf32> to vector<1x1x128xf32>
    tpu.vector_store %arg3[%swap3A_1135, %swap3A_1136, %swap3A_1137], %swap3A_1140 {strides = array<i32>} : memref<8x4x128xf32, #tpu.memory_space<vmem>>, vector<1x1x128xf32>,
    %slice3A_1141 = vector.extract_strided_slice %max3A_1116 {offsets = [0, 0], sizes = [1, 128], strides = [1, 1]} : vector<8x128xf32> to vector<1x128xf32>
    %sqrt3A_1142 = math.sqrt %slice3A_1141 : vector<1x128xf32>
    %swap3A_1143 = arith.constant 2 : index
    %swap3A_1144 = arith.constant 3 : index
    %swap3A_1145 = arith.constant 0 : index
    %swap3A_1146 = vector.load %arg3[%swap3A_1143, %swap3A_1144, %swap3A_1145] : memref<8x4x128xf32, #tpu.memory_space<vmem>>, vector<1x1x128xf32>
    %swap3A_1147 = vector.shape_cast %swap3A_1146 : vector<1x1x128xf32> to vector<1x128xf32>
    %swap3A_1148 = vector.shape_cast %sqrt3A_1142 : vector<1x128xf32> to vector<1x1x128xf32>
    tpu.vector_store %arg3[%swap3A_1143, %swap3A_1144, %swap3A_1145], %swap3A_1148 {strides = array<i32>} : memref<8x4x128xf32, #tpu.memory_space<vmem>>, vector<1x1x128xf32>,
    %get3A_1149 = arith.constant 6 : index
    %get3A_1150 = arith.constant 0 : index
    %get3A_1151 = arith.constant 0 : index
    %get3A_1152 = vector.load %arg1[%get3A_1149, %get3A_1150, %get3A_1151] : memref<16x200x128xf32, #tpu.memory_space<vmem>>, vector<1x200x128xf32>
    %get3A_1153 = vector.shape_cast %get3A_1152 : vector<1x200x128xf32> to vector<200x128xf32>
    %get3A_1154 = arith.constant 6 : index
    %get3A_1155 = arith.constant 0 : index
    %get3A_1156 = arith.constant 0 : index
    %get3A_1157 = vector.load %arg2[%get3A_1154, %get3A_1155, %get3A_1156] : memref<16x64x128xf32, #tpu.memory_space<vmem>>, vector<1x64x128xf32>
    %get3A_1158 = vector.shape_cast %get3A_1157 : vector<1x64x128xf32> to vector<64x128xf32>
    %broadcast_in_dim3A_1159 = arith.constant 1.000000e+00 : f32
    %broadcast_in_dim3A_1160 = vector.broadcast %broadcast_in_dim3A_1159 : f32 to vector<1x128xf32>
    %mul3A_1161 = arith.mulf %get3A_1153, %get3A_1153 : vector<200x128xf32>
    %dot_general3A_1162 = arith.constant dense<0.000000e+00> : vector<200x1xf32>
    %dot_general3A_1163 = tpu.matmul %mul3A_1161, %broadcast_in_dim3A_1160, %dot_general3A_1162 {dimension_numbers = #tpu.dot_dimension_numbers<[1], [1], [0], [0], [0, 0, 1, 0], [], []>, transpose_lhs_hint = false} : vector<200x128xf32>, vector<1x128xf32>, vector<200x1xf32> -> vector<200x1xf32>
    %max3A_1164 = arith.constant 1.000000e-24 : f32
    %max3A_1165 = vector.broadcast %max3A_1164 : f32 to vector<200x1xf32>
    %max3A_1166 = arith.maximumf %dot_general3A_1163, %max3A_1165 : vector<200x1xf32>
    %rsqrt3A_1167 = math.rsqrt %max3A_1166 : vector<200x1xf32>
    %mul3A_1168 = arith.mulf %dot_general3A_1163, %rsqrt3A_1167 : vector<200x1xf32>
    %mul3A_1169 = arith.mulf %mul3A_1168, %rsqrt3A_1167 : vector<200x1xf32>
    %mul3A_1170 = arith.mulf %get3A_1158, %get3A_1158 : vector<64x128xf32>
    %dot_general3A_1171 = arith.constant dense<0.000000e+00> : vector<64x1xf32>
    %dot_general3A_1172 = tpu.matmul %mul3A_1170, %broadcast_in_dim3A_1160, %dot_general3A_1171 {dimension_numbers = #tpu.dot_dimension_numbers<[1], [1], [0], [0], [0, 0, 1, 0], [], []>, transpose_lhs_hint = false} : vector<64x128xf32>, vector<1x128xf32>, vector<64x1xf32> -> vector<64x1xf32>
    %max3A_1173 = arith.constant 1.000000e-24 : f32
    %max3A_1174 = vector.broadcast %max3A_1173 : f32 to vector<64x1xf32>
    %max3A_1175 = arith.maximumf %dot_general3A_1172, %max3A_1174 : vector<64x1xf32>
    %rsqrt3A_1176 = math.rsqrt %max3A_1175 : vector<64x1xf32>
    %mul3A_1177 = arith.mulf %dot_general3A_1172, %rsqrt3A_1176 : vector<64x1xf32>
    %mul3A_1178 = arith.mulf %mul3A_1177, %rsqrt3A_1176 : vector<64x1xf32>
    %mul3A_1179 = arith.constant -2.000000e+00 : f32
    %mul3A_1180 = vector.broadcast %mul3A_1179 : f32 to vector<64x1xf32>
    %mul3A_1181 = arith.mulf %mul3A_1180, %rsqrt3A_1176 : vector<64x1xf32>
    %mul3A_1182 = vector.broadcast %mul3A_1181 : vector<64x1xf32> to vector<64x128xf32>
    %mul3A_1183 = arith.mulf %get3A_1158, %mul3A_1182 : vector<64x128xf32>
    %dot_general3A_1184 = arith.constant dense<0.000000e+00> : vector<200x64xf32>
    %dot_general3A_1185 = tpu.matmul %get3A_1153, %mul3A_1183, %dot_general3A_1184 {dimension_numbers = #tpu.dot_dimension_numbers<[1], [1], [0], [0], [0, 0, 1, 0], [], []>, transpose_lhs_hint = false} : vector<200x128xf32>, vector<64x128xf32>, vector<200x64xf32> -> vector<200x64xf32>
    %broadcast_in_dim3A_1186 = arith.constant 1.000000e+00 : f32
    %broadcast_in_dim3A_1187 = vector.broadcast %broadcast_in_dim3A_1186 : f32 to vector<200x1xf32>
    %concatenate3A_1188 = tpu.concatenate %mul3A_1169, %broadcast_in_dim3A_1187 in 1 : vector<200x1xf32>, vector<200x1xf32> -> vector<200x2xf32>
    %broadcast_in_dim3A_1189 = arith.constant 1.000000e+00 : f32
    %broadcast_in_dim3A_1190 = vector.broadcast %broadcast_in_dim3A_1189 : f32 to vector<64x1xf32>
    %concatenate3A_1191 = tpu.concatenate %broadcast_in_dim3A_1190, %mul3A_1178 in 1 : vector<64x1xf32>, vector<64x1xf32> -> vector<64x2xf32>
    %dot_general3A_1192 = arith.constant dense<0.000000e+00> : vector<200x64xf32>
    %dot_general3A_1193 = tpu.matmul %concatenate3A_1188, %concatenate3A_1191, %dot_general3A_1192 {dimension_numbers = #tpu.dot_dimension_numbers<[1], [1], [0], [0], [0, 0, 1, 0], [], []>, transpose_lhs_hint = false} : vector<200x2xf32>, vector<64x2xf32>, vector<200x64xf32> -> vector<200x64xf32>
    %mul3A_1194 = vector.broadcast %rsqrt3A_1167 : vector<200x1xf32> to vector<200x64xf32>
    %mul3A_1195 = arith.mulf %dot_general3A_1185, %mul3A_1194 : vector<200x64xf32>
    %add3A_1196 = arith.addf %mul3A_1195, %dot_general3A_1193 : vector<200x64xf32>
    %max3A_1197 = arith.constant 0.000000e+00 : f32
    %max3A_1198 = vector.broadcast %max3A_1197 : f32 to vector<200x64xf32>
    %max3A_1199 = arith.maximumf %add3A_1196, %max3A_1198 : vector<200x64xf32>
    %get3A_1200 = arith.constant 7 : index
    %get3A_1201 = arith.constant 0 : index
    %get3A_1202 = arith.constant 0 : index
    %get3A_1203 = vector.load %arg1[%get3A_1200, %get3A_1201, %get3A_1202] : memref<16x200x128xf32, #tpu.memory_space<vmem>>, vector<1x200x128xf32>
    %get3A_1204 = vector.shape_cast %get3A_1203 : vector<1x200x128xf32> to vector<200x128xf32>
    %get3A_1205 = arith.constant 7 : index
    %get3A_1206 = arith.constant 0 : index
    %get3A_1207 = arith.constant 0 : index
    %get3A_1208 = vector.load %arg2[%get3A_1205, %get3A_1206, %get3A_1207] : memref<16x64x128xf32, #tpu.memory_space<vmem>>, vector<1x64x128xf32>
    %get3A_1209 = vector.shape_cast %get3A_1208 : vector<1x64x128xf32> to vector<64x128xf32>
    %broadcast_in_dim3A_1210 = arith.constant 1.000000e+00 : f32
    %broadcast_in_dim3A_1211 = vector.broadcast %broadcast_in_dim3A_1210 : f32 to vector<1x128xf32>
    %mul3A_1212 = arith.mulf %get3A_1204, %get3A_1204 : vector<200x128xf32>
    %dot_general3A_1213 = arith.constant dense<0.000000e+00> : vector<200x1xf32>
    %dot_general3A_1214 = tpu.matmul %mul3A_1212, %broadcast_in_dim3A_1211, %dot_general3A_1213 {dimension_numbers = #tpu.dot_dimension_numbers<[1], [1], [0], [0], [0, 0, 1, 0], [], []>, transpose_lhs_hint = false} : vector<200x128xf32>, vector<1x128xf32>, vector<200x1xf32> -> vector<200x1xf32>
    %max3A_1215 = arith.constant 1.000000e-24 : f32
    %max3A_1216 = vector.broadcast %max3A_1215 : f32 to vector<200x1xf32>
    %max3A_1217 = arith.maximumf %dot_general3A_1214, %max3A_1216 : vector<200x1xf32>
    %rsqrt3A_1218 = math.rsqrt %max3A_1217 : vector<200x1xf32>
    %mul3A_1219 = arith.mulf %dot_general3A_1214, %rsqrt3A_1218 : vector<200x1xf32>
    %mul3A_1220 = arith.mulf %mul3A_1219, %rsqrt3A_1218 : vector<200x1xf32>
    %mul3A_1221 = arith.mulf %get3A_1209, %get3A_1209 : vector<64x128xf32>
    %dot_general3A_1222 = arith.constant dense<0.000000e+00> : vector<64x1xf32>
    %dot_general3A_1223 = tpu.matmul %mul3A_1221, %broadcast_in_dim3A_1211, %dot_general3A_1222 {dimension_numbers = #tpu.dot_dimension_numbers<[1], [1], [0], [0], [0, 0, 1, 0], [], []>, transpose_lhs_hint = false} : vector<64x128xf32>, vector<1x128xf32>, vector<64x1xf32> -> vector<64x1xf32>
    %max3A_1224 = arith.constant 1.000000e-24 : f32
    %max3A_1225 = vector.broadcast %max3A_1224 : f32 to vector<64x1xf32>
    %max3A_1226 = arith.maximumf %dot_general3A_1223, %max3A_1225 : vector<64x1xf32>
    %rsqrt3A_1227 = math.rsqrt %max3A_1226 : vector<64x1xf32>
    %mul3A_1228 = arith.mulf %dot_general3A_1223, %rsqrt3A_1227 : vector<64x1xf32>
    %mul3A_1229 = arith.mulf %mul3A_1228, %rsqrt3A_1227 : vector<64x1xf32>
    %mul3A_1230 = arith.constant -2.000000e+00 : f32
    %mul3A_1231 = vector.broadcast %mul3A_1230 : f32 to vector<64x1xf32>
    %mul3A_1232 = arith.mulf %mul3A_1231, %rsqrt3A_1227 : vector<64x1xf32>
    %mul3A_1233 = vector.broadcast %mul3A_1232 : vector<64x1xf32> to vector<64x128xf32>
    %mul3A_1234 = arith.mulf %get3A_1209, %mul3A_1233 : vector<64x128xf32>
    %dot_general3A_1235 = arith.constant dense<0.000000e+00> : vector<200x64xf32>
    %dot_general3A_1236 = tpu.matmul %get3A_1204, %mul3A_1234, %dot_general3A_1235 {dimension_numbers = #tpu.dot_dimension_numbers<[1], [1], [0], [0], [0, 0, 1, 0], [], []>, transpose_lhs_hint = false} : vector<200x128xf32>, vector<64x128xf32>, vector<200x64xf32> -> vector<200x64xf32>
    %broadcast_in_dim3A_1237 = arith.constant 1.000000e+00 : f32
    %broadcast_in_dim3A_1238 = vector.broadcast %broadcast_in_dim3A_1237 : f32 to vector<200x1xf32>
    %concatenate3A_1239 = tpu.concatenate %mul3A_1220, %broadcast_in_dim3A_1238 in 1 : vector<200x1xf32>, vector<200x1xf32> -> vector<200x2xf32>
    %broadcast_in_dim3A_1240 = arith.constant 1.000000e+00 : f32
    %broadcast_in_dim3A_1241 = vector.broadcast %broadcast_in_dim3A_1240 : f32 to vector<64x1xf32>
    %concatenate3A_1242 = tpu.concatenate %broadcast_in_dim3A_1241, %mul3A_1229 in 1 : vector<64x1xf32>, vector<64x1xf32> -> vector<64x2xf32>
    %dot_general3A_1243 = arith.constant dense<0.000000e+00> : vector<200x64xf32>
    %dot_general3A_1244 = tpu.matmul %concatenate3A_1239, %concatenate3A_1242, %dot_general3A_1243 {dimension_numbers = #tpu.dot_dimension_numbers<[1], [1], [0], [0], [0, 0, 1, 0], [], []>, transpose_lhs_hint = false} : vector<200x2xf32>, vector<64x2xf32>, vector<200x64xf32> -> vector<200x64xf32>
    %mul3A_1245 = vector.broadcast %rsqrt3A_1218 : vector<200x1xf32> to vector<200x64xf32>
    %mul3A_1246 = arith.mulf %dot_general3A_1236, %mul3A_1245 : vector<200x64xf32>
    %add3A_1247 = arith.addf %mul3A_1246, %dot_general3A_1244 : vector<200x64xf32>
    %max3A_1248 = arith.constant 0.000000e+00 : f32
    %max3A_1249 = vector.broadcast %max3A_1248 : f32 to vector<200x64xf32>
    %max3A_1250 = arith.maximumf %add3A_1247, %max3A_1249 : vector<200x64xf32>
    %concatenate3A_1251 = tpu.concatenate %max3A_1199, %max3A_1250 in 1 : vector<200x64xf32>, vector<200x64xf32> -> vector<200x128xf32>
    %slice3A_1252 = vector.extract_strided_slice %concatenate3A_1251 {offsets = [0, 0], sizes = [8, 128], strides = [1, 1]} : vector<200x128xf32> to vector<8x128xf32>
    %slice3A_1253 = vector.extract_strided_slice %concatenate3A_1251 {offsets = [8, 0], sizes = [8, 128], strides = [1, 1]} : vector<200x128xf32> to vector<8x128xf32>
    %min3A_1254 = arith.minimumf %slice3A_1252, %slice3A_1253 : vector<8x128xf32>
    %slice3A_1255 = vector.extract_strided_slice %concatenate3A_1251 {offsets = [0, 0], sizes = [8, 128], strides = [1, 1]} : vector<200x128xf32> to vector<8x128xf32>
    %slice3A_1256 = vector.extract_strided_slice %concatenate3A_1251 {offsets = [8, 0], sizes = [8, 128], strides = [1, 1]} : vector<200x128xf32> to vector<8x128xf32>
    %max3A_1257 = arith.maximumf %slice3A_1255, %slice3A_1256 : vector<8x128xf32>
    %broadcast_in_dim3A_1258 = arith.constant 3.000000e+38 : f32
    %broadcast_in_dim3A_1259 = vector.broadcast %broadcast_in_dim3A_1258 : f32 to vector<8x128xf32>
    %broadcast_in_dim3A_1260 = arith.constant 3.000000e+38 : f32
    %broadcast_in_dim3A_1261 = vector.broadcast %broadcast_in_dim3A_1260 : f32 to vector<8x128xf32>
    %slice3A_1262 = vector.extract_strided_slice %concatenate3A_1251 {offsets = [16, 0], sizes = [8, 128], strides = [1, 1]} : vector<200x128xf32> to vector<8x128xf32>
    %slice3A_1263 = vector.extract_strided_slice %concatenate3A_1251 {offsets = [24, 0], sizes = [8, 128], strides = [1, 1]} : vector<200x128xf32> to vector<8x128xf32>
    %min3A_1264 = arith.minimumf %slice3A_1262, %slice3A_1263 : vector<8x128xf32>
    %max3A_1265 = arith.maximumf %slice3A_1262, %slice3A_1263 : vector<8x128xf32>
    %min3A_1266 = arith.minimumf %broadcast_in_dim3A_1259, %max3A_1265 : vector<8x128xf32>
    %min3A_1267 = arith.minimumf %broadcast_in_dim3A_1261, %min3A_1264 : vector<8x128xf32>
    %min3A_1268 = arith.minimumf %min3A_1254, %min3A_1266 : vector<8x128xf32>
    %max3A_1269 = arith.maximumf %min3A_1254, %min3A_1266 : vector<8x128xf32>
    %min3A_1270 = arith.minimumf %max3A_1257, %min3A_1267 : vector<8x128xf32>
    %max3A_1271 = arith.maximumf %max3A_1257, %min3A_1267 : vector<8x128xf32>
    %min3A_1272 = arith.minimumf %min3A_1268, %min3A_1270 : vector<8x128xf32>
    %max3A_1273 = arith.maximumf %min3A_1268, %min3A_1270 : vector<8x128xf32>
    %min3A_1274 = arith.minimumf %max3A_1269, %max3A_1271 : vector<8x128xf32>
    %max3A_1275 = arith.maximumf %max3A_1269, %max3A_1271 : vector<8x128xf32>
    %slice3A_1276 = vector.extract_strided_slice %concatenate3A_1251 {offsets = [32, 0], sizes = [8, 128], strides = [1, 1]} : vector<200x128xf32> to vector<8x128xf32>
    %slice3A_1277 = vector.extract_strided_slice %concatenate3A_1251 {offsets = [40, 0], sizes = [8, 128], strides = [1, 1]} : vector<200x128xf32> to vector<8x128xf32>
    %min3A_1278 = arith.minimumf %slice3A_1276, %slice3A_1277 : vector<8x128xf32>
    %max3A_1279 = arith.maximumf %slice3A_1276, %slice3A_1277 : vector<8x128xf32>
    %min3A_1280 = arith.minimumf %min3A_1274, %max3A_1279 : vector<8x128xf32>
    %min3A_1281 = arith.minimumf %max3A_1275, %min3A_1278 : vector<8x128xf32>
    %min3A_1282 = arith.minimumf %min3A_1272, %min3A_1280 : vector<8x128xf32>
    %max3A_1283 = arith.maximumf %min3A_1272, %min3A_1280 : vector<8x128xf32>
    %min3A_1284 = arith.minimumf %max3A_1273, %min3A_1281 : vector<8x128xf32>
    %max3A_1285 = arith.maximumf %max3A_1273, %min3A_1281 : vector<8x128xf32>
    %min3A_1286 = arith.minimumf %min3A_1282, %min3A_1284 : vector<8x128xf32>
    %max3A_1287 = arith.maximumf %min3A_1282, %min3A_1284 : vector<8x128xf32>
    %min3A_1288 = arith.minimumf %max3A_1283, %max3A_1285 : vector<8x128xf32>
    %max3A_1289 = arith.maximumf %max3A_1283, %max3A_1285 : vector<8x128xf32>
    %slice3A_1290 = vector.extract_strided_slice %concatenate3A_1251 {offsets = [48, 0], sizes = [8, 128], strides = [1, 1]} : vector<200x128xf32> to vector<8x128xf32>
    %slice3A_1291 = vector.extract_strided_slice %concatenate3A_1251 {offsets = [56, 0], sizes = [8, 128], strides = [1, 1]} : vector<200x128xf32> to vector<8x128xf32>
    %min3A_1292 = arith.minimumf %slice3A_1290, %slice3A_1291 : vector<8x128xf32>
    %max3A_1293 = arith.maximumf %slice3A_1290, %slice3A_1291 : vector<8x128xf32>
    %min3A_1294 = arith.minimumf %min3A_1288, %max3A_1293 : vector<8x128xf32>
    %min3A_1295 = arith.minimumf %max3A_1289, %min3A_1292 : vector<8x128xf32>
    %min3A_1296 = arith.minimumf %min3A_1286, %min3A_1294 : vector<8x128xf32>
    %max3A_1297 = arith.maximumf %min3A_1286, %min3A_1294 : vector<8x128xf32>
    %min3A_1298 = arith.minimumf %max3A_1287, %min3A_1295 : vector<8x128xf32>
    %max3A_1299 = arith.maximumf %max3A_1287, %min3A_1295 : vector<8x128xf32>
    %min3A_1300 = arith.minimumf %min3A_1296, %min3A_1298 : vector<8x128xf32>
    %max3A_1301 = arith.maximumf %min3A_1296, %min3A_1298 : vector<8x128xf32>
    %min3A_1302 = arith.minimumf %max3A_1297, %max3A_1299 : vector<8x128xf32>
    %max3A_1303 = arith.maximumf %max3A_1297, %max3A_1299 : vector<8x128xf32>
    %slice3A_1304 = vector.extract_strided_slice %concatenate3A_1251 {offsets = [64, 0], sizes = [8, 128], strides = [1, 1]} : vector<200x128xf32> to vector<8x128xf32>
    %slice3A_1305 = vector.extract_strided_slice %concatenate3A_1251 {offsets = [72, 0], sizes = [8, 128], strides = [1, 1]} : vector<200x128xf32> to vector<8x128xf32>
    %min3A_1306 = arith.minimumf %slice3A_1304, %slice3A_1305 : vector<8x128xf32>
    %max3A_1307 = arith.maximumf %slice3A_1304, %slice3A_1305 : vector<8x128xf32>
    %min3A_1308 = arith.minimumf %min3A_1302, %max3A_1307 : vector<8x128xf32>
    %min3A_1309 = arith.minimumf %max3A_1303, %min3A_1306 : vector<8x128xf32>
    %min3A_1310 = arith.minimumf %min3A_1300, %min3A_1308 : vector<8x128xf32>
    %max3A_1311 = arith.maximumf %min3A_1300, %min3A_1308 : vector<8x128xf32>
    %min3A_1312 = arith.minimumf %max3A_1301, %min3A_1309 : vector<8x128xf32>
    %max3A_1313 = arith.maximumf %max3A_1301, %min3A_1309 : vector<8x128xf32>
    %min3A_1314 = arith.minimumf %min3A_1310, %min3A_1312 : vector<8x128xf32>
    %max3A_1315 = arith.maximumf %min3A_1310, %min3A_1312 : vector<8x128xf32>
    %min3A_1316 = arith.minimumf %max3A_1311, %max3A_1313 : vector<8x128xf32>
    %max3A_1317 = arith.maximumf %max3A_1311, %max3A_1313 : vector<8x128xf32>
    %slice3A_1318 = vector.extract_strided_slice %concatenate3A_1251 {offsets = [80, 0], sizes = [8, 128], strides = [1, 1]} : vector<200x128xf32> to vector<8x128xf32>
    %slice3A_1319 = vector.extract_strided_slice %concatenate3A_1251 {offsets = [88, 0], sizes = [8, 128], strides = [1, 1]} : vector<200x128xf32> to vector<8x128xf32>
    %min3A_1320 = arith.minimumf %slice3A_1318, %slice3A_1319 : vector<8x128xf32>
    %max3A_1321 = arith.maximumf %slice3A_1318, %slice3A_1319 : vector<8x128xf32>
    %min3A_1322 = arith.minimumf %min3A_1316, %max3A_1321 : vector<8x128xf32>
    %min3A_1323 = arith.minimumf %max3A_1317, %min3A_1320 : vector<8x128xf32>
    %min3A_1324 = arith.minimumf %min3A_1314, %min3A_1322 : vector<8x128xf32>
    %max3A_1325 = arith.maximumf %min3A_1314, %min3A_1322 : vector<8x128xf32>
    %min3A_1326 = arith.minimumf %max3A_1315, %min3A_1323 : vector<8x128xf32>
    %max3A_1327 = arith.maximumf %max3A_1315, %min3A_1323 : vector<8x128xf32>
    %min3A_1328 = arith.minimumf %min3A_1324, %min3A_1326 : vector<8x128xf32>
    %max3A_1329 = arith.maximumf %min3A_1324, %min3A_1326 : vector<8x128xf32>
    %min3A_1330 = arith.minimumf %max3A_1325, %max3A_1327 : vector<8x128xf32>
    %max3A_1331 = arith.maximumf %max3A_1325, %max3A_1327 : vector<8x128xf32>
    %slice3A_1332 = vector.extract_strided_slice %concatenate3A_1251 {offsets = [96, 0], sizes = [8, 128], strides = [1, 1]} : vector<200x128xf32> to vector<8x128xf32>
    %slice3A_1333 = vector.extract_strided_slice %concatenate3A_1251 {offsets = [104, 0], sizes = [8, 128], strides = [1, 1]} : vector<200x128xf32> to vector<8x128xf32>
    %min3A_1334 = arith.minimumf %slice3A_1332, %slice3A_1333 : vector<8x128xf32>
    %slice3A_1335 = vector.extract_strided_slice %concatenate3A_1251 {offsets = [96, 0], sizes = [8, 128], strides = [1, 1]} : vector<200x128xf32> to vector<8x128xf32>
    %slice3A_1336 = vector.extract_strided_slice %concatenate3A_1251 {offsets = [104, 0], sizes = [8, 128], strides = [1, 1]} : vector<200x128xf32> to vector<8x128xf32>
    %max3A_1337 = arith.maximumf %slice3A_1335, %slice3A_1336 : vector<8x128xf32>
    %broadcast_in_dim3A_1338 = arith.constant 3.000000e+38 : f32
    %broadcast_in_dim3A_1339 = vector.broadcast %broadcast_in_dim3A_1338 : f32 to vector<8x128xf32>
    %broadcast_in_dim3A_1340 = arith.constant 3.000000e+38 : f32
    %broadcast_in_dim3A_1341 = vector.broadcast %broadcast_in_dim3A_1340 : f32 to vector<8x128xf32>
    %slice3A_1342 = vector.extract_strided_slice %concatenate3A_1251 {offsets = [112, 0], sizes = [8, 128], strides = [1, 1]} : vector<200x128xf32> to vector<8x128xf32>
    %slice3A_1343 = vector.extract_strided_slice %concatenate3A_1251 {offsets = [120, 0], sizes = [8, 128], strides = [1, 1]} : vector<200x128xf32> to vector<8x128xf32>
    %min3A_1344 = arith.minimumf %slice3A_1342, %slice3A_1343 : vector<8x128xf32>
    %max3A_1345 = arith.maximumf %slice3A_1342, %slice3A_1343 : vector<8x128xf32>
    %min3A_1346 = arith.minimumf %broadcast_in_dim3A_1339, %max3A_1345 : vector<8x128xf32>
    %min3A_1347 = arith.minimumf %broadcast_in_dim3A_1341, %min3A_1344 : vector<8x128xf32>
    %min3A_1348 = arith.minimumf %min3A_1334, %min3A_1346 : vector<8x128xf32>
    %max3A_1349 = arith.maximumf %min3A_1334, %min3A_1346 : vector<8x128xf32>
    %min3A_1350 = arith.minimumf %max3A_1337, %min3A_1347 : vector<8x128xf32>
    %max3A_1351 = arith.maximumf %max3A_1337, %min3A_1347 : vector<8x128xf32>
    %min3A_1352 = arith.minimumf %min3A_1348, %min3A_1350 : vector<8x128xf32>
    %max3A_1353 = arith.maximumf %min3A_1348, %min3A_1350 : vector<8x128xf32>
    %min3A_1354 = arith.minimumf %max3A_1349, %max3A_1351 : vector<8x128xf32>
    %max3A_1355 = arith.maximumf %max3A_1349, %max3A_1351 : vector<8x128xf32>
    %slice3A_1356 = vector.extract_strided_slice %concatenate3A_1251 {offsets = [128, 0], sizes = [8, 128], strides = [1, 1]} : vector<200x128xf32> to vector<8x128xf32>
    %slice3A_1357 = vector.extract_strided_slice %concatenate3A_1251 {offsets = [136, 0], sizes = [8, 128], strides = [1, 1]} : vector<200x128xf32> to vector<8x128xf32>
    %min3A_1358 = arith.minimumf %slice3A_1356, %slice3A_1357 : vector<8x128xf32>
    %max3A_1359 = arith.maximumf %slice3A_1356, %slice3A_1357 : vector<8x128xf32>
    %min3A_1360 = arith.minimumf %min3A_1354, %max3A_1359 : vector<8x128xf32>
    %min3A_1361 = arith.minimumf %max3A_1355, %min3A_1358 : vector<8x128xf32>
    %min3A_1362 = arith.minimumf %min3A_1352, %min3A_1360 : vector<8x128xf32>
    %max3A_1363 = arith.maximumf %min3A_1352, %min3A_1360 : vector<8x128xf32>
    %min3A_1364 = arith.minimumf %max3A_1353, %min3A_1361 : vector<8x128xf32>
    %max3A_1365 = arith.maximumf %max3A_1353, %min3A_1361 : vector<8x128xf32>
    %min3A_1366 = arith.minimumf %min3A_1362, %min3A_1364 : vector<8x128xf32>
    %max3A_1367 = arith.maximumf %min3A_1362, %min3A_1364 : vector<8x128xf32>
    %min3A_1368 = arith.minimumf %max3A_1363, %max3A_1365 : vector<8x128xf32>
    %max3A_1369 = arith.maximumf %max3A_1363, %max3A_1365 : vector<8x128xf32>
    %slice3A_1370 = vector.extract_strided_slice %concatenate3A_1251 {offsets = [144, 0], sizes = [8, 128], strides = [1, 1]} : vector<200x128xf32> to vector<8x128xf32>
    %slice3A_1371 = vector.extract_strided_slice %concatenate3A_1251 {offsets = [152, 0], sizes = [8, 128], strides = [1, 1]} : vector<200x128xf32> to vector<8x128xf32>
    %min3A_1372 = arith.minimumf %slice3A_1370, %slice3A_1371 : vector<8x128xf32>
    %max3A_1373 = arith.maximumf %slice3A_1370, %slice3A_1371 : vector<8x128xf32>
    %min3A_1374 = arith.minimumf %min3A_1368, %max3A_1373 : vector<8x128xf32>
    %min3A_1375 = arith.minimumf %max3A_1369, %min3A_1372 : vector<8x128xf32>
    %min3A_1376 = arith.minimumf %min3A_1366, %min3A_1374 : vector<8x128xf32>
    %max3A_1377 = arith.maximumf %min3A_1366, %min3A_1374 : vector<8x128xf32>
    %min3A_1378 = arith.minimumf %max3A_1367, %min3A_1375 : vector<8x128xf32>
    %max3A_1379 = arith.maximumf %max3A_1367, %min3A_1375 : vector<8x128xf32>
    %min3A_1380 = arith.minimumf %min3A_1376, %min3A_1378 : vector<8x128xf32>
    %max3A_1381 = arith.maximumf %min3A_1376, %min3A_1378 : vector<8x128xf32>
    %min3A_1382 = arith.minimumf %max3A_1377, %max3A_1379 : vector<8x128xf32>
    %max3A_1383 = arith.maximumf %max3A_1377, %max3A_1379 : vector<8x128xf32>
    %slice3A_1384 = vector.extract_strided_slice %concatenate3A_1251 {offsets = [160, 0], sizes = [8, 128], strides = [1, 1]} : vector<200x128xf32> to vector<8x128xf32>
    %slice3A_1385 = vector.extract_strided_slice %concatenate3A_1251 {offsets = [168, 0], sizes = [8, 128], strides = [1, 1]} : vector<200x128xf32> to vector<8x128xf32>
    %min3A_1386 = arith.minimumf %slice3A_1384, %slice3A_1385 : vector<8x128xf32>
    %max3A_1387 = arith.maximumf %slice3A_1384, %slice3A_1385 : vector<8x128xf32>
    %min3A_1388 = arith.minimumf %min3A_1382, %max3A_1387 : vector<8x128xf32>
    %min3A_1389 = arith.minimumf %max3A_1383, %min3A_1386 : vector<8x128xf32>
    %min3A_1390 = arith.minimumf %min3A_1380, %min3A_1388 : vector<8x128xf32>
    %max3A_1391 = arith.maximumf %min3A_1380, %min3A_1388 : vector<8x128xf32>
    %min3A_1392 = arith.minimumf %max3A_1381, %min3A_1389 : vector<8x128xf32>
    %max3A_1393 = arith.maximumf %max3A_1381, %min3A_1389 : vector<8x128xf32>
    %min3A_1394 = arith.minimumf %min3A_1390, %min3A_1392 : vector<8x128xf32>
    %max3A_1395 = arith.maximumf %min3A_1390, %min3A_1392 : vector<8x128xf32>
    %min3A_1396 = arith.minimumf %max3A_1391, %max3A_1393 : vector<8x128xf32>
    %max3A_1397 = arith.maximumf %max3A_1391, %max3A_1393 : vector<8x128xf32>
    %slice3A_1398 = vector.extract_strided_slice %concatenate3A_1251 {offsets = [176, 0], sizes = [8, 128], strides = [1, 1]} : vector<200x128xf32> to vector<8x128xf32>
    %slice3A_1399 = vector.extract_strided_slice %concatenate3A_1251 {offsets = [184, 0], sizes = [8, 128], strides = [1, 1]} : vector<200x128xf32> to vector<8x128xf32>
    %min3A_1400 = arith.minimumf %slice3A_1398, %slice3A_1399 : vector<8x128xf32>
    %max3A_1401 = arith.maximumf %slice3A_1398, %slice3A_1399 : vector<8x128xf32>
    %min3A_1402 = arith.minimumf %min3A_1396, %max3A_1401 : vector<8x128xf32>
    %min3A_1403 = arith.minimumf %max3A_1397, %min3A_1400 : vector<8x128xf32>
    %min3A_1404 = arith.minimumf %min3A_1394, %min3A_1402 : vector<8x128xf32>
    %max3A_1405 = arith.maximumf %min3A_1394, %min3A_1402 : vector<8x128xf32>
    %min3A_1406 = arith.minimumf %max3A_1395, %min3A_1403 : vector<8x128xf32>
    %max3A_1407 = arith.maximumf %max3A_1395, %min3A_1403 : vector<8x128xf32>
    %min3A_1408 = arith.minimumf %min3A_1404, %min3A_1406 : vector<8x128xf32>
    %max3A_1409 = arith.maximumf %min3A_1404, %min3A_1406 : vector<8x128xf32>
    %min3A_1410 = arith.minimumf %max3A_1405, %max3A_1407 : vector<8x128xf32>
    %max3A_1411 = arith.maximumf %max3A_1405, %max3A_1407 : vector<8x128xf32>
    %slice3A_1412 = vector.extract_strided_slice %concatenate3A_1251 {offsets = [192, 0], sizes = [8, 128], strides = [1, 1]} : vector<200x128xf32> to vector<8x128xf32>
    %min3A_1413 = arith.minimumf %min3A_1408, %slice3A_1412 : vector<8x128xf32>
    %max3A_1414 = arith.maximumf %min3A_1408, %slice3A_1412 : vector<8x128xf32>
    %min3A_1415 = arith.minimumf %max3A_1409, %max3A_1414 : vector<8x128xf32>
    %max3A_1416 = arith.maximumf %max3A_1409, %max3A_1414 : vector<8x128xf32>
    %min3A_1417 = arith.minimumf %min3A_1410, %max3A_1416 : vector<8x128xf32>
    %max3A_1418 = arith.maximumf %min3A_1410, %max3A_1416 : vector<8x128xf32>
    %min3A_1419 = arith.minimumf %max3A_1411, %max3A_1418 : vector<8x128xf32>
    %min3A_1420 = arith.minimumf %min3A_1328, %min3A_1419 : vector<8x128xf32>
    %min3A_1421 = arith.minimumf %max3A_1329, %min3A_1417 : vector<8x128xf32>
    %min3A_1422 = arith.minimumf %min3A_1330, %min3A_1415 : vector<8x128xf32>
    %min3A_1423 = arith.minimumf %max3A_1331, %min3A_1413 : vector<8x128xf32>
    %min3A_1424 = arith.minimumf %min3A_1420, %min3A_1422 : vector<8x128xf32>
    %max3A_1425 = arith.maximumf %min3A_1420, %min3A_1422 : vector<8x128xf32>
    %min3A_1426 = arith.minimumf %min3A_1421, %min3A_1423 : vector<8x128xf32>
    %max3A_1427 = arith.maximumf %min3A_1421, %min3A_1423 : vector<8x128xf32>
    %min3A_1428 = arith.minimumf %min3A_1424, %min3A_1426 : vector<8x128xf32>
    %max3A_1429 = arith.maximumf %min3A_1424, %min3A_1426 : vector<8x128xf32>
    %min3A_1430 = arith.minimumf %max3A_1425, %max3A_1427 : vector<8x128xf32>
    %max3A_1431 = arith.maximumf %max3A_1425, %max3A_1427 : vector<8x128xf32>
    %slice3A_1432 = vector.extract_strided_slice %min3A_1428 {offsets = [4, 0], sizes = [4, 128], strides = [1, 1]} : vector<8x128xf32> to vector<4x128xf32>
    %slice3A_1433 = vector.extract_strided_slice %min3A_1428 {offsets = [0, 0], sizes = [4, 128], strides = [1, 1]} : vector<8x128xf32> to vector<4x128xf32>
    %concatenate3A_1434 = tpu.concatenate %slice3A_1432, %slice3A_1433 in 0 : vector<4x128xf32>, vector<4x128xf32> -> vector<8x128xf32>
    %slice3A_1435 = vector.extract_strided_slice %max3A_1429 {offsets = [4, 0], sizes = [4, 128], strides = [1, 1]} : vector<8x128xf32> to vector<4x128xf32>
    %slice3A_1436 = vector.extract_strided_slice %max3A_1429 {offsets = [0, 0], sizes = [4, 128], strides = [1, 1]} : vector<8x128xf32> to vector<4x128xf32>
    %concatenate3A_1437 = tpu.concatenate %slice3A_1435, %slice3A_1436 in 0 : vector<4x128xf32>, vector<4x128xf32> -> vector<8x128xf32>
    %slice3A_1438 = vector.extract_strided_slice %min3A_1430 {offsets = [4, 0], sizes = [4, 128], strides = [1, 1]} : vector<8x128xf32> to vector<4x128xf32>
    %slice3A_1439 = vector.extract_strided_slice %min3A_1430 {offsets = [0, 0], sizes = [4, 128], strides = [1, 1]} : vector<8x128xf32> to vector<4x128xf32>
    %concatenate3A_1440 = tpu.concatenate %slice3A_1438, %slice3A_1439 in 0 : vector<4x128xf32>, vector<4x128xf32> -> vector<8x128xf32>
    %slice3A_1441 = vector.extract_strided_slice %max3A_1431 {offsets = [4, 0], sizes = [4, 128], strides = [1, 1]} : vector<8x128xf32> to vector<4x128xf32>
    %slice3A_1442 = vector.extract_strided_slice %max3A_1431 {offsets = [0, 0], sizes = [4, 128], strides = [1, 1]} : vector<8x128xf32> to vector<4x128xf32>
    %concatenate3A_1443 = tpu.concatenate %slice3A_1441, %slice3A_1442 in 0 : vector<4x128xf32>, vector<4x128xf32> -> vector<8x128xf32>
    %min3A_1444 = arith.minimumf %min3A_1428, %concatenate3A_1443 : vector<8x128xf32>
    %min3A_1445 = arith.minimumf %max3A_1429, %concatenate3A_1440 : vector<8x128xf32>
    %min3A_1446 = arith.minimumf %min3A_1430, %concatenate3A_1437 : vector<8x128xf32>
    %min3A_1447 = arith.minimumf %max3A_1431, %concatenate3A_1434 : vector<8x128xf32>
    %min3A_1448 = arith.minimumf %min3A_1444, %min3A_1446 : vector<8x128xf32>
    %max3A_1449 = arith.maximumf %min3A_1444, %min3A_1446 : vector<8x128xf32>
    %min3A_1450 = arith.minimumf %min3A_1445, %min3A_1447 : vector<8x128xf32>
    %max3A_1451 = arith.maximumf %min3A_1445, %min3A_1447 : vector<8x128xf32>
    %min3A_1452 = arith.minimumf %min3A_1448, %min3A_1450 : vector<8x128xf32>
    %max3A_1453 = arith.maximumf %min3A_1448, %min3A_1450 : vector<8x128xf32>
    %min3A_1454 = arith.minimumf %max3A_1449, %max3A_1451 : vector<8x128xf32>
    %max3A_1455 = arith.maximumf %max3A_1449, %max3A_1451 : vector<8x128xf32>
    %slice3A_1456 = vector.extract_strided_slice %min3A_1452 {offsets = [2, 0], sizes = [6, 128], strides = [1, 1]} : vector<8x128xf32> to vector<6x128xf32>
    %slice3A_1457 = vector.extract_strided_slice %min3A_1452 {offsets = [0, 0], sizes = [2, 128], strides = [1, 1]} : vector<8x128xf32> to vector<2x128xf32>
    %concatenate3A_1458 = tpu.concatenate %slice3A_1456, %slice3A_1457 in 0 : vector<6x128xf32>, vector<2x128xf32> -> vector<8x128xf32>
    %slice3A_1459 = vector.extract_strided_slice %max3A_1453 {offsets = [2, 0], sizes = [6, 128], strides = [1, 1]} : vector<8x128xf32> to vector<6x128xf32>
    %slice3A_1460 = vector.extract_strided_slice %max3A_1453 {offsets = [0, 0], sizes = [2, 128], strides = [1, 1]} : vector<8x128xf32> to vector<2x128xf32>
    %concatenate3A_1461 = tpu.concatenate %slice3A_1459, %slice3A_1460 in 0 : vector<6x128xf32>, vector<2x128xf32> -> vector<8x128xf32>
    %slice3A_1462 = vector.extract_strided_slice %min3A_1454 {offsets = [2, 0], sizes = [6, 128], strides = [1, 1]} : vector<8x128xf32> to vector<6x128xf32>
    %slice3A_1463 = vector.extract_strided_slice %min3A_1454 {offsets = [0, 0], sizes = [2, 128], strides = [1, 1]} : vector<8x128xf32> to vector<2x128xf32>
    %concatenate3A_1464 = tpu.concatenate %slice3A_1462, %slice3A_1463 in 0 : vector<6x128xf32>, vector<2x128xf32> -> vector<8x128xf32>
    %slice3A_1465 = vector.extract_strided_slice %max3A_1455 {offsets = [2, 0], sizes = [6, 128], strides = [1, 1]} : vector<8x128xf32> to vector<6x128xf32>
    %slice3A_1466 = vector.extract_strided_slice %max3A_1455 {offsets = [0, 0], sizes = [2, 128], strides = [1, 1]} : vector<8x128xf32> to vector<2x128xf32>
    %concatenate3A_1467 = tpu.concatenate %slice3A_1465, %slice3A_1466 in 0 : vector<6x128xf32>, vector<2x128xf32> -> vector<8x128xf32>
    %min3A_1468 = arith.minimumf %min3A_1452, %concatenate3A_1467 : vector<8x128xf32>
    %min3A_1469 = arith.minimumf %max3A_1453, %concatenate3A_1464 : vector<8x128xf32>
    %min3A_1470 = arith.minimumf %min3A_1454, %concatenate3A_1461 : vector<8x128xf32>
    %min3A_1471 = arith.minimumf %max3A_1455, %concatenate3A_1458 : vector<8x128xf32>
    %min3A_1472 = arith.minimumf %min3A_1468, %min3A_1470 : vector<8x128xf32>
    %max3A_1473 = arith.maximumf %min3A_1468, %min3A_1470 : vector<8x128xf32>
    %min3A_1474 = arith.minimumf %min3A_1469, %min3A_1471 : vector<8x128xf32>
    %max3A_1475 = arith.maximumf %min3A_1469, %min3A_1471 : vector<8x128xf32>
    %min3A_1476 = arith.minimumf %min3A_1472, %min3A_1474 : vector<8x128xf32>
    %max3A_1477 = arith.maximumf %min3A_1472, %min3A_1474 : vector<8x128xf32>
    %min3A_1478 = arith.minimumf %max3A_1473, %max3A_1475 : vector<8x128xf32>
    %max3A_1479 = arith.maximumf %max3A_1473, %max3A_1475 : vector<8x128xf32>
    %slice3A_1480 = vector.extract_strided_slice %min3A_1476 {offsets = [1, 0], sizes = [7, 128], strides = [1, 1]} : vector<8x128xf32> to vector<7x128xf32>
    %slice3A_1481 = vector.extract_strided_slice %min3A_1476 {offsets = [0, 0], sizes = [1, 128], strides = [1, 1]} : vector<8x128xf32> to vector<1x128xf32>
    %concatenate3A_1482 = tpu.concatenate %slice3A_1480, %slice3A_1481 in 0 : vector<7x128xf32>, vector<1x128xf32> -> vector<8x128xf32>
    %slice3A_1483 = vector.extract_strided_slice %max3A_1477 {offsets = [1, 0], sizes = [7, 128], strides = [1, 1]} : vector<8x128xf32> to vector<7x128xf32>
    %slice3A_1484 = vector.extract_strided_slice %max3A_1477 {offsets = [0, 0], sizes = [1, 128], strides = [1, 1]} : vector<8x128xf32> to vector<1x128xf32>
    %concatenate3A_1485 = tpu.concatenate %slice3A_1483, %slice3A_1484 in 0 : vector<7x128xf32>, vector<1x128xf32> -> vector<8x128xf32>
    %slice3A_1486 = vector.extract_strided_slice %min3A_1478 {offsets = [1, 0], sizes = [7, 128], strides = [1, 1]} : vector<8x128xf32> to vector<7x128xf32>
    %slice3A_1487 = vector.extract_strided_slice %min3A_1478 {offsets = [0, 0], sizes = [1, 128], strides = [1, 1]} : vector<8x128xf32> to vector<1x128xf32>
    %concatenate3A_1488 = tpu.concatenate %slice3A_1486, %slice3A_1487 in 0 : vector<7x128xf32>, vector<1x128xf32> -> vector<8x128xf32>
    %slice3A_1489 = vector.extract_strided_slice %max3A_1479 {offsets = [1, 0], sizes = [7, 128], strides = [1, 1]} : vector<8x128xf32> to vector<7x128xf32>
    %slice3A_1490 = vector.extract_strided_slice %max3A_1479 {offsets = [0, 0], sizes = [1, 128], strides = [1, 1]} : vector<8x128xf32> to vector<1x128xf32>
    %concatenate3A_1491 = tpu.concatenate %slice3A_1489, %slice3A_1490 in 0 : vector<7x128xf32>, vector<1x128xf32> -> vector<8x128xf32>
    %min3A_1492 = arith.minimumf %min3A_1476, %concatenate3A_1491 : vector<8x128xf32>
    %min3A_1493 = arith.minimumf %max3A_1477, %concatenate3A_1488 : vector<8x128xf32>
    %min3A_1494 = arith.minimumf %min3A_1478, %concatenate3A_1485 : vector<8x128xf32>
    %min3A_1495 = arith.minimumf %max3A_1479, %concatenate3A_1482 : vector<8x128xf32>
    %min3A_1496 = arith.minimumf %min3A_1492, %min3A_1494 : vector<8x128xf32>
    %max3A_1497 = arith.maximumf %min3A_1492, %min3A_1494 : vector<8x128xf32>
    %min3A_1498 = arith.minimumf %min3A_1493, %min3A_1495 : vector<8x128xf32>
    %max3A_1499 = arith.maximumf %min3A_1493, %min3A_1495 : vector<8x128xf32>
    %min3A_1500 = arith.minimumf %min3A_1496, %min3A_1498 : vector<8x128xf32>
    %max3A_1501 = arith.maximumf %min3A_1496, %min3A_1498 : vector<8x128xf32>
    %min3A_1502 = arith.minimumf %max3A_1497, %max3A_1499 : vector<8x128xf32>
    %max3A_1503 = arith.maximumf %max3A_1497, %max3A_1499 : vector<8x128xf32>
    %slice3A_1504 = vector.extract_strided_slice %min3A_1500 {offsets = [0, 0], sizes = [1, 128], strides = [1, 1]} : vector<8x128xf32> to vector<1x128xf32>
    %sqrt3A_1505 = math.sqrt %slice3A_1504 : vector<1x128xf32>
    %swap3A_1506 = arith.constant 3 : index
    %swap3A_1507 = arith.constant 0 : index
    %swap3A_1508 = arith.constant 0 : index
    %swap3A_1509 = vector.load %arg3[%swap3A_1506, %swap3A_1507, %swap3A_1508] : memref<8x4x128xf32, #tpu.memory_space<vmem>>, vector<1x1x128xf32>
    %swap3A_1510 = vector.shape_cast %swap3A_1509 : vector<1x1x128xf32> to vector<1x128xf32>
    %swap3A_1511 = vector.shape_cast %sqrt3A_1505 : vector<1x128xf32> to vector<1x1x128xf32>
    tpu.vector_store %arg3[%swap3A_1506, %swap3A_1507, %swap3A_1508], %swap3A_1511 {strides = array<i32>} : memref<8x4x128xf32, #tpu.memory_space<vmem>>, vector<1x1x128xf32>,
    %slice3A_1512 = vector.extract_strided_slice %max3A_1501 {offsets = [0, 0], sizes = [1, 128], strides = [1, 1]} : vector<8x128xf32> to vector<1x128xf32>
    %sqrt3A_1513 = math.sqrt %slice3A_1512 : vector<1x128xf32>
    %swap3A_1514 = arith.constant 3 : index
    %swap3A_1515 = arith.constant 1 : index
    %swap3A_1516 = arith.constant 0 : index
    %swap3A_1517 = vector.load %arg3[%swap3A_1514, %swap3A_1515, %swap3A_1516] : memref<8x4x128xf32, #tpu.memory_space<vmem>>, vector<1x1x128xf32>
    %swap3A_1518 = vector.shape_cast %swap3A_1517 : vector<1x1x128xf32> to vector<1x128xf32>
    %swap3A_1519 = vector.shape_cast %sqrt3A_1513 : vector<1x128xf32> to vector<1x1x128xf32>
    tpu.vector_store %arg3[%swap3A_1514, %swap3A_1515, %swap3A_1516], %swap3A_1519 {strides = array<i32>} : memref<8x4x128xf32, #tpu.memory_space<vmem>>, vector<1x1x128xf32>,
    %slice3A_1520 = vector.extract_strided_slice %min3A_1502 {offsets = [0, 0], sizes = [1, 128], strides = [1, 1]} : vector<8x128xf32> to vector<1x128xf32>
    %sqrt3A_1521 = math.sqrt %slice3A_1520 : vector<1x128xf32>
    %swap3A_1522 = arith.constant 3 : index
    %swap3A_1523 = arith.constant 2 : index
    %swap3A_1524 = arith.constant 0 : index
    %swap3A_1525 = vector.load %arg3[%swap3A_1522, %swap3A_1523, %swap3A_1524] : memref<8x4x128xf32, #tpu.memory_space<vmem>>, vector<1x1x128xf32>
    %swap3A_1526 = vector.shape_cast %swap3A_1525 : vector<1x1x128xf32> to vector<1x128xf32>
    %swap3A_1527 = vector.shape_cast %sqrt3A_1521 : vector<1x128xf32> to vector<1x1x128xf32>
    tpu.vector_store %arg3[%swap3A_1522, %swap3A_1523, %swap3A_1524], %swap3A_1527 {strides = array<i32>} : memref<8x4x128xf32, #tpu.memory_space<vmem>>, vector<1x1x128xf32>,
    %slice3A_1528 = vector.extract_strided_slice %max3A_1503 {offsets = [0, 0], sizes = [1, 128], strides = [1, 1]} : vector<8x128xf32> to vector<1x128xf32>
    %sqrt3A_1529 = math.sqrt %slice3A_1528 : vector<1x128xf32>
    %swap3A_1530 = arith.constant 3 : index
    %swap3A_1531 = arith.constant 3 : index
    %swap3A_1532 = arith.constant 0 : index
    %swap3A_1533 = vector.load %arg3[%swap3A_1530, %swap3A_1531, %swap3A_1532] : memref<8x4x128xf32, #tpu.memory_space<vmem>>, vector<1x1x128xf32>
    %swap3A_1534 = vector.shape_cast %swap3A_1533 : vector<1x1x128xf32> to vector<1x128xf32>
    %swap3A_1535 = vector.shape_cast %sqrt3A_1529 : vector<1x128xf32> to vector<1x1x128xf32>
    tpu.vector_store %arg3[%swap3A_1530, %swap3A_1531, %swap3A_1532], %swap3A_1535 {strides = array<i32>} : memref<8x4x128xf32, #tpu.memory_space<vmem>>, vector<1x1x128xf32>,
    %get3A_1536 = arith.constant 8 : index
    %get3A_1537 = arith.constant 0 : index
    %get3A_1538 = arith.constant 0 : index
    %get3A_1539 = vector.load %arg1[%get3A_1536, %get3A_1537, %get3A_1538] : memref<16x200x128xf32, #tpu.memory_space<vmem>>, vector<1x200x128xf32>
    %get3A_1540 = vector.shape_cast %get3A_1539 : vector<1x200x128xf32> to vector<200x128xf32>
    %get3A_1541 = arith.constant 8 : index
    %get3A_1542 = arith.constant 0 : index
    %get3A_1543 = arith.constant 0 : index
    %get3A_1544 = vector.load %arg2[%get3A_1541, %get3A_1542, %get3A_1543] : memref<16x64x128xf32, #tpu.memory_space<vmem>>, vector<1x64x128xf32>
    %get3A_1545 = vector.shape_cast %get3A_1544 : vector<1x64x128xf32> to vector<64x128xf32>
    %broadcast_in_dim3A_1546 = arith.constant 1.000000e+00 : f32
    %broadcast_in_dim3A_1547 = vector.broadcast %broadcast_in_dim3A_1546 : f32 to vector<1x128xf32>
    %mul3A_1548 = arith.mulf %get3A_1540, %get3A_1540 : vector<200x128xf32>
    %dot_general3A_1549 = arith.constant dense<0.000000e+00> : vector<200x1xf32>
    %dot_general3A_1550 = tpu.matmul %mul3A_1548, %broadcast_in_dim3A_1547, %dot_general3A_1549 {dimension_numbers = #tpu.dot_dimension_numbers<[1], [1], [0], [0], [0, 0, 1, 0], [], []>, transpose_lhs_hint = false} : vector<200x128xf32>, vector<1x128xf32>, vector<200x1xf32> -> vector<200x1xf32>
    %max3A_1551 = arith.constant 1.000000e-24 : f32
    %max3A_1552 = vector.broadcast %max3A_1551 : f32 to vector<200x1xf32>
    %max3A_1553 = arith.maximumf %dot_general3A_1550, %max3A_1552 : vector<200x1xf32>
    %rsqrt3A_1554 = math.rsqrt %max3A_1553 : vector<200x1xf32>
    %mul3A_1555 = arith.mulf %dot_general3A_1550, %rsqrt3A_1554 : vector<200x1xf32>
    %mul3A_1556 = arith.mulf %mul3A_1555, %rsqrt3A_1554 : vector<200x1xf32>
    %mul3A_1557 = arith.mulf %get3A_1545, %get3A_1545 : vector<64x128xf32>
    %dot_general3A_1558 = arith.constant dense<0.000000e+00> : vector<64x1xf32>
    %dot_general3A_1559 = tpu.matmul %mul3A_1557, %broadcast_in_dim3A_1547, %dot_general3A_1558 {dimension_numbers = #tpu.dot_dimension_numbers<[1], [1], [0], [0], [0, 0, 1, 0], [], []>, transpose_lhs_hint = false} : vector<64x128xf32>, vector<1x128xf32>, vector<64x1xf32> -> vector<64x1xf32>
    %max3A_1560 = arith.constant 1.000000e-24 : f32
    %max3A_1561 = vector.broadcast %max3A_1560 : f32 to vector<64x1xf32>
    %max3A_1562 = arith.maximumf %dot_general3A_1559, %max3A_1561 : vector<64x1xf32>
    %rsqrt3A_1563 = math.rsqrt %max3A_1562 : vector<64x1xf32>
    %mul3A_1564 = arith.mulf %dot_general3A_1559, %rsqrt3A_1563 : vector<64x1xf32>
    %mul3A_1565 = arith.mulf %mul3A_1564, %rsqrt3A_1563 : vector<64x1xf32>
    %mul3A_1566 = arith.constant -2.000000e+00 : f32
    %mul3A_1567 = vector.broadcast %mul3A_1566 : f32 to vector<64x1xf32>
    %mul3A_1568 = arith.mulf %mul3A_1567, %rsqrt3A_1563 : vector<64x1xf32>
    %mul3A_1569 = vector.broadcast %mul3A_1568 : vector<64x1xf32> to vector<64x128xf32>
    %mul3A_1570 = arith.mulf %get3A_1545, %mul3A_1569 : vector<64x128xf32>
    %dot_general3A_1571 = arith.constant dense<0.000000e+00> : vector<200x64xf32>
    %dot_general3A_1572 = tpu.matmul %get3A_1540, %mul3A_1570, %dot_general3A_1571 {dimension_numbers = #tpu.dot_dimension_numbers<[1], [1], [0], [0], [0, 0, 1, 0], [], []>, transpose_lhs_hint = false} : vector<200x128xf32>, vector<64x128xf32>, vector<200x64xf32> -> vector<200x64xf32>
    %broadcast_in_dim3A_1573 = arith.constant 1.000000e+00 : f32
    %broadcast_in_dim3A_1574 = vector.broadcast %broadcast_in_dim3A_1573 : f32 to vector<200x1xf32>
    %concatenate3A_1575 = tpu.concatenate %mul3A_1556, %broadcast_in_dim3A_1574 in 1 : vector<200x1xf32>, vector<200x1xf32> -> vector<200x2xf32>
    %broadcast_in_dim3A_1576 = arith.constant 1.000000e+00 : f32
    %broadcast_in_dim3A_1577 = vector.broadcast %broadcast_in_dim3A_1576 : f32 to vector<64x1xf32>
    %concatenate3A_1578 = tpu.concatenate %broadcast_in_dim3A_1577, %mul3A_1565 in 1 : vector<64x1xf32>, vector<64x1xf32> -> vector<64x2xf32>
    %dot_general3A_1579 = arith.constant dense<0.000000e+00> : vector<200x64xf32>
    %dot_general3A_1580 = tpu.matmul %concatenate3A_1575, %concatenate3A_1578, %dot_general3A_1579 {dimension_numbers = #tpu.dot_dimension_numbers<[1], [1], [0], [0], [0, 0, 1, 0], [], []>, transpose_lhs_hint = false} : vector<200x2xf32>, vector<64x2xf32>, vector<200x64xf32> -> vector<200x64xf32>
    %mul3A_1581 = vector.broadcast %rsqrt3A_1554 : vector<200x1xf32> to vector<200x64xf32>
    %mul3A_1582 = arith.mulf %dot_general3A_1572, %mul3A_1581 : vector<200x64xf32>
    %add3A_1583 = arith.addf %mul3A_1582, %dot_general3A_1580 : vector<200x64xf32>
    %max3A_1584 = arith.constant 0.000000e+00 : f32
    %max3A_1585 = vector.broadcast %max3A_1584 : f32 to vector<200x64xf32>
    %max3A_1586 = arith.maximumf %add3A_1583, %max3A_1585 : vector<200x64xf32>
    %get3A_1587 = arith.constant 9 : index
    %get3A_1588 = arith.constant 0 : index
    %get3A_1589 = arith.constant 0 : index
    %get3A_1590 = vector.load %arg1[%get3A_1587, %get3A_1588, %get3A_1589] : memref<16x200x128xf32, #tpu.memory_space<vmem>>, vector<1x200x128xf32>
    %get3A_1591 = vector.shape_cast %get3A_1590 : vector<1x200x128xf32> to vector<200x128xf32>
    %get3A_1592 = arith.constant 9 : index
    %get3A_1593 = arith.constant 0 : index
    %get3A_1594 = arith.constant 0 : index
    %get3A_1595 = vector.load %arg2[%get3A_1592, %get3A_1593, %get3A_1594] : memref<16x64x128xf32, #tpu.memory_space<vmem>>, vector<1x64x128xf32>
    %get3A_1596 = vector.shape_cast %get3A_1595 : vector<1x64x128xf32> to vector<64x128xf32>
    %broadcast_in_dim3A_1597 = arith.constant 1.000000e+00 : f32
    %broadcast_in_dim3A_1598 = vector.broadcast %broadcast_in_dim3A_1597 : f32 to vector<1x128xf32>
    %mul3A_1599 = arith.mulf %get3A_1591, %get3A_1591 : vector<200x128xf32>
    %dot_general3A_1600 = arith.constant dense<0.000000e+00> : vector<200x1xf32>
    %dot_general3A_1601 = tpu.matmul %mul3A_1599, %broadcast_in_dim3A_1598, %dot_general3A_1600 {dimension_numbers = #tpu.dot_dimension_numbers<[1], [1], [0], [0], [0, 0, 1, 0], [], []>, transpose_lhs_hint = false} : vector<200x128xf32>, vector<1x128xf32>, vector<200x1xf32> -> vector<200x1xf32>
    %max3A_1602 = arith.constant 1.000000e-24 : f32
    %max3A_1603 = vector.broadcast %max3A_1602 : f32 to vector<200x1xf32>
    %max3A_1604 = arith.maximumf %dot_general3A_1601, %max3A_1603 : vector<200x1xf32>
    %rsqrt3A_1605 = math.rsqrt %max3A_1604 : vector<200x1xf32>
    %mul3A_1606 = arith.mulf %dot_general3A_1601, %rsqrt3A_1605 : vector<200x1xf32>
    %mul3A_1607 = arith.mulf %mul3A_1606, %rsqrt3A_1605 : vector<200x1xf32>
    %mul3A_1608 = arith.mulf %get3A_1596, %get3A_1596 : vector<64x128xf32>
    %dot_general3A_1609 = arith.constant dense<0.000000e+00> : vector<64x1xf32>
    %dot_general3A_1610 = tpu.matmul %mul3A_1608, %broadcast_in_dim3A_1598, %dot_general3A_1609 {dimension_numbers = #tpu.dot_dimension_numbers<[1], [1], [0], [0], [0, 0, 1, 0], [], []>, transpose_lhs_hint = false} : vector<64x128xf32>, vector<1x128xf32>, vector<64x1xf32> -> vector<64x1xf32>
    %max3A_1611 = arith.constant 1.000000e-24 : f32
    %max3A_1612 = vector.broadcast %max3A_1611 : f32 to vector<64x1xf32>
    %max3A_1613 = arith.maximumf %dot_general3A_1610, %max3A_1612 : vector<64x1xf32>
    %rsqrt3A_1614 = math.rsqrt %max3A_1613 : vector<64x1xf32>
    %mul3A_1615 = arith.mulf %dot_general3A_1610, %rsqrt3A_1614 : vector<64x1xf32>
    %mul3A_1616 = arith.mulf %mul3A_1615, %rsqrt3A_1614 : vector<64x1xf32>
    %mul3A_1617 = arith.constant -2.000000e+00 : f32
    %mul3A_1618 = vector.broadcast %mul3A_1617 : f32 to vector<64x1xf32>
    %mul3A_1619 = arith.mulf %mul3A_1618, %rsqrt3A_1614 : vector<64x1xf32>
    %mul3A_1620 = vector.broadcast %mul3A_1619 : vector<64x1xf32> to vector<64x128xf32>
    %mul3A_1621 = arith.mulf %get3A_1596, %mul3A_1620 : vector<64x128xf32>
    %dot_general3A_1622 = arith.constant dense<0.000000e+00> : vector<200x64xf32>
    %dot_general3A_1623 = tpu.matmul %get3A_1591, %mul3A_1621, %dot_general3A_1622 {dimension_numbers = #tpu.dot_dimension_numbers<[1], [1], [0], [0], [0, 0, 1, 0], [], []>, transpose_lhs_hint = false} : vector<200x128xf32>, vector<64x128xf32>, vector<200x64xf32> -> vector<200x64xf32>
    %broadcast_in_dim3A_1624 = arith.constant 1.000000e+00 : f32
    %broadcast_in_dim3A_1625 = vector.broadcast %broadcast_in_dim3A_1624 : f32 to vector<200x1xf32>
    %concatenate3A_1626 = tpu.concatenate %mul3A_1607, %broadcast_in_dim3A_1625 in 1 : vector<200x1xf32>, vector<200x1xf32> -> vector<200x2xf32>
    %broadcast_in_dim3A_1627 = arith.constant 1.000000e+00 : f32
    %broadcast_in_dim3A_1628 = vector.broadcast %broadcast_in_dim3A_1627 : f32 to vector<64x1xf32>
    %concatenate3A_1629 = tpu.concatenate %broadcast_in_dim3A_1628, %mul3A_1616 in 1 : vector<64x1xf32>, vector<64x1xf32> -> vector<64x2xf32>
    %dot_general3A_1630 = arith.constant dense<0.000000e+00> : vector<200x64xf32>
    %dot_general3A_1631 = tpu.matmul %concatenate3A_1626, %concatenate3A_1629, %dot_general3A_1630 {dimension_numbers = #tpu.dot_dimension_numbers<[1], [1], [0], [0], [0, 0, 1, 0], [], []>, transpose_lhs_hint = false} : vector<200x2xf32>, vector<64x2xf32>, vector<200x64xf32> -> vector<200x64xf32>
    %mul3A_1632 = vector.broadcast %rsqrt3A_1605 : vector<200x1xf32> to vector<200x64xf32>
    %mul3A_1633 = arith.mulf %dot_general3A_1623, %mul3A_1632 : vector<200x64xf32>
    %add3A_1634 = arith.addf %mul3A_1633, %dot_general3A_1631 : vector<200x64xf32>
    %max3A_1635 = arith.constant 0.000000e+00 : f32
    %max3A_1636 = vector.broadcast %max3A_1635 : f32 to vector<200x64xf32>
    %max3A_1637 = arith.maximumf %add3A_1634, %max3A_1636 : vector<200x64xf32>
    %concatenate3A_1638 = tpu.concatenate %max3A_1586, %max3A_1637 in 1 : vector<200x64xf32>, vector<200x64xf32> -> vector<200x128xf32>
    %slice3A_1639 = vector.extract_strided_slice %concatenate3A_1638 {offsets = [0, 0], sizes = [8, 128], strides = [1, 1]} : vector<200x128xf32> to vector<8x128xf32>
    %slice3A_1640 = vector.extract_strided_slice %concatenate3A_1638 {offsets = [8, 0], sizes = [8, 128], strides = [1, 1]} : vector<200x128xf32> to vector<8x128xf32>
    %min3A_1641 = arith.minimumf %slice3A_1639, %slice3A_1640 : vector<8x128xf32>
    %slice3A_1642 = vector.extract_strided_slice %concatenate3A_1638 {offsets = [0, 0], sizes = [8, 128], strides = [1, 1]} : vector<200x128xf32> to vector<8x128xf32>
    %slice3A_1643 = vector.extract_strided_slice %concatenate3A_1638 {offsets = [8, 0], sizes = [8, 128], strides = [1, 1]} : vector<200x128xf32> to vector<8x128xf32>
    %max3A_1644 = arith.maximumf %slice3A_1642, %slice3A_1643 : vector<8x128xf32>
    %broadcast_in_dim3A_1645 = arith.constant 3.000000e+38 : f32
    %broadcast_in_dim3A_1646 = vector.broadcast %broadcast_in_dim3A_1645 : f32 to vector<8x128xf32>
    %broadcast_in_dim3A_1647 = arith.constant 3.000000e+38 : f32
    %broadcast_in_dim3A_1648 = vector.broadcast %broadcast_in_dim3A_1647 : f32 to vector<8x128xf32>
    %slice3A_1649 = vector.extract_strided_slice %concatenate3A_1638 {offsets = [16, 0], sizes = [8, 128], strides = [1, 1]} : vector<200x128xf32> to vector<8x128xf32>
    %slice3A_1650 = vector.extract_strided_slice %concatenate3A_1638 {offsets = [24, 0], sizes = [8, 128], strides = [1, 1]} : vector<200x128xf32> to vector<8x128xf32>
    %min3A_1651 = arith.minimumf %slice3A_1649, %slice3A_1650 : vector<8x128xf32>
    %max3A_1652 = arith.maximumf %slice3A_1649, %slice3A_1650 : vector<8x128xf32>
    %min3A_1653 = arith.minimumf %broadcast_in_dim3A_1646, %max3A_1652 : vector<8x128xf32>
    %min3A_1654 = arith.minimumf %broadcast_in_dim3A_1648, %min3A_1651 : vector<8x128xf32>
    %min3A_1655 = arith.minimumf %min3A_1641, %min3A_1653 : vector<8x128xf32>
    %max3A_1656 = arith.maximumf %min3A_1641, %min3A_1653 : vector<8x128xf32>
    %min3A_1657 = arith.minimumf %max3A_1644, %min3A_1654 : vector<8x128xf32>
    %max3A_1658 = arith.maximumf %max3A_1644, %min3A_1654 : vector<8x128xf32>
    %min3A_1659 = arith.minimumf %min3A_1655, %min3A_1657 : vector<8x128xf32>
    %max3A_1660 = arith.maximumf %min3A_1655, %min3A_1657 : vector<8x128xf32>
    %min3A_1661 = arith.minimumf %max3A_1656, %max3A_1658 : vector<8x128xf32>
    %max3A_1662 = arith.maximumf %max3A_1656, %max3A_1658 : vector<8x128xf32>
    %slice3A_1663 = vector.extract_strided_slice %concatenate3A_1638 {offsets = [32, 0], sizes = [8, 128], strides = [1, 1]} : vector<200x128xf32> to vector<8x128xf32>
    %slice3A_1664 = vector.extract_strided_slice %concatenate3A_1638 {offsets = [40, 0], sizes = [8, 128], strides = [1, 1]} : vector<200x128xf32> to vector<8x128xf32>
    %min3A_1665 = arith.minimumf %slice3A_1663, %slice3A_1664 : vector<8x128xf32>
    %max3A_1666 = arith.maximumf %slice3A_1663, %slice3A_1664 : vector<8x128xf32>
    %min3A_1667 = arith.minimumf %min3A_1661, %max3A_1666 : vector<8x128xf32>
    %min3A_1668 = arith.minimumf %max3A_1662, %min3A_1665 : vector<8x128xf32>
    %min3A_1669 = arith.minimumf %min3A_1659, %min3A_1667 : vector<8x128xf32>
    %max3A_1670 = arith.maximumf %min3A_1659, %min3A_1667 : vector<8x128xf32>
    %min3A_1671 = arith.minimumf %max3A_1660, %min3A_1668 : vector<8x128xf32>
    %max3A_1672 = arith.maximumf %max3A_1660, %min3A_1668 : vector<8x128xf32>
    %min3A_1673 = arith.minimumf %min3A_1669, %min3A_1671 : vector<8x128xf32>
    %max3A_1674 = arith.maximumf %min3A_1669, %min3A_1671 : vector<8x128xf32>
    %min3A_1675 = arith.minimumf %max3A_1670, %max3A_1672 : vector<8x128xf32>
    %max3A_1676 = arith.maximumf %max3A_1670, %max3A_1672 : vector<8x128xf32>
    %slice3A_1677 = vector.extract_strided_slice %concatenate3A_1638 {offsets = [48, 0], sizes = [8, 128], strides = [1, 1]} : vector<200x128xf32> to vector<8x128xf32>
    %slice3A_1678 = vector.extract_strided_slice %concatenate3A_1638 {offsets = [56, 0], sizes = [8, 128], strides = [1, 1]} : vector<200x128xf32> to vector<8x128xf32>
    %min3A_1679 = arith.minimumf %slice3A_1677, %slice3A_1678 : vector<8x128xf32>
    %max3A_1680 = arith.maximumf %slice3A_1677, %slice3A_1678 : vector<8x128xf32>
    %min3A_1681 = arith.minimumf %min3A_1675, %max3A_1680 : vector<8x128xf32>
    %min3A_1682 = arith.minimumf %max3A_1676, %min3A_1679 : vector<8x128xf32>
    %min3A_1683 = arith.minimumf %min3A_1673, %min3A_1681 : vector<8x128xf32>
    %max3A_1684 = arith.maximumf %min3A_1673, %min3A_1681 : vector<8x128xf32>
    %min3A_1685 = arith.minimumf %max3A_1674, %min3A_1682 : vector<8x128xf32>
    %max3A_1686 = arith.maximumf %max3A_1674, %min3A_1682 : vector<8x128xf32>
    %min3A_1687 = arith.minimumf %min3A_1683, %min3A_1685 : vector<8x128xf32>
    %max3A_1688 = arith.maximumf %min3A_1683, %min3A_1685 : vector<8x128xf32>
    %min3A_1689 = arith.minimumf %max3A_1684, %max3A_1686 : vector<8x128xf32>
    %max3A_1690 = arith.maximumf %max3A_1684, %max3A_1686 : vector<8x128xf32>
    %slice3A_1691 = vector.extract_strided_slice %concatenate3A_1638 {offsets = [64, 0], sizes = [8, 128], strides = [1, 1]} : vector<200x128xf32> to vector<8x128xf32>
    %slice3A_1692 = vector.extract_strided_slice %concatenate3A_1638 {offsets = [72, 0], sizes = [8, 128], strides = [1, 1]} : vector<200x128xf32> to vector<8x128xf32>
    %min3A_1693 = arith.minimumf %slice3A_1691, %slice3A_1692 : vector<8x128xf32>
    %max3A_1694 = arith.maximumf %slice3A_1691, %slice3A_1692 : vector<8x128xf32>
    %min3A_1695 = arith.minimumf %min3A_1689, %max3A_1694 : vector<8x128xf32>
    %min3A_1696 = arith.minimumf %max3A_1690, %min3A_1693 : vector<8x128xf32>
    %min3A_1697 = arith.minimumf %min3A_1687, %min3A_1695 : vector<8x128xf32>
    %max3A_1698 = arith.maximumf %min3A_1687, %min3A_1695 : vector<8x128xf32>
    %min3A_1699 = arith.minimumf %max3A_1688, %min3A_1696 : vector<8x128xf32>
    %max3A_1700 = arith.maximumf %max3A_1688, %min3A_1696 : vector<8x128xf32>
    %min3A_1701 = arith.minimumf %min3A_1697, %min3A_1699 : vector<8x128xf32>
    %max3A_1702 = arith.maximumf %min3A_1697, %min3A_1699 : vector<8x128xf32>
    %min3A_1703 = arith.minimumf %max3A_1698, %max3A_1700 : vector<8x128xf32>
    %max3A_1704 = arith.maximumf %max3A_1698, %max3A_1700 : vector<8x128xf32>
    %slice3A_1705 = vector.extract_strided_slice %concatenate3A_1638 {offsets = [80, 0], sizes = [8, 128], strides = [1, 1]} : vector<200x128xf32> to vector<8x128xf32>
    %slice3A_1706 = vector.extract_strided_slice %concatenate3A_1638 {offsets = [88, 0], sizes = [8, 128], strides = [1, 1]} : vector<200x128xf32> to vector<8x128xf32>
    %min3A_1707 = arith.minimumf %slice3A_1705, %slice3A_1706 : vector<8x128xf32>
    %max3A_1708 = arith.maximumf %slice3A_1705, %slice3A_1706 : vector<8x128xf32>
    %min3A_1709 = arith.minimumf %min3A_1703, %max3A_1708 : vector<8x128xf32>
    %min3A_1710 = arith.minimumf %max3A_1704, %min3A_1707 : vector<8x128xf32>
    %min3A_1711 = arith.minimumf %min3A_1701, %min3A_1709 : vector<8x128xf32>
    %max3A_1712 = arith.maximumf %min3A_1701, %min3A_1709 : vector<8x128xf32>
    %min3A_1713 = arith.minimumf %max3A_1702, %min3A_1710 : vector<8x128xf32>
    %max3A_1714 = arith.maximumf %max3A_1702, %min3A_1710 : vector<8x128xf32>
    %min3A_1715 = arith.minimumf %min3A_1711, %min3A_1713 : vector<8x128xf32>
    %max3A_1716 = arith.maximumf %min3A_1711, %min3A_1713 : vector<8x128xf32>
    %min3A_1717 = arith.minimumf %max3A_1712, %max3A_1714 : vector<8x128xf32>
    %max3A_1718 = arith.maximumf %max3A_1712, %max3A_1714 : vector<8x128xf32>
    %slice3A_1719 = vector.extract_strided_slice %concatenate3A_1638 {offsets = [96, 0], sizes = [8, 128], strides = [1, 1]} : vector<200x128xf32> to vector<8x128xf32>
    %slice3A_1720 = vector.extract_strided_slice %concatenate3A_1638 {offsets = [104, 0], sizes = [8, 128], strides = [1, 1]} : vector<200x128xf32> to vector<8x128xf32>
    %min3A_1721 = arith.minimumf %slice3A_1719, %slice3A_1720 : vector<8x128xf32>
    %slice3A_1722 = vector.extract_strided_slice %concatenate3A_1638 {offsets = [96, 0], sizes = [8, 128], strides = [1, 1]} : vector<200x128xf32> to vector<8x128xf32>
    %slice3A_1723 = vector.extract_strided_slice %concatenate3A_1638 {offsets = [104, 0], sizes = [8, 128], strides = [1, 1]} : vector<200x128xf32> to vector<8x128xf32>
    %max3A_1724 = arith.maximumf %slice3A_1722, %slice3A_1723 : vector<8x128xf32>
    %broadcast_in_dim3A_1725 = arith.constant 3.000000e+38 : f32
    %broadcast_in_dim3A_1726 = vector.broadcast %broadcast_in_dim3A_1725 : f32 to vector<8x128xf32>
    %broadcast_in_dim3A_1727 = arith.constant 3.000000e+38 : f32
    %broadcast_in_dim3A_1728 = vector.broadcast %broadcast_in_dim3A_1727 : f32 to vector<8x128xf32>
    %slice3A_1729 = vector.extract_strided_slice %concatenate3A_1638 {offsets = [112, 0], sizes = [8, 128], strides = [1, 1]} : vector<200x128xf32> to vector<8x128xf32>
    %slice3A_1730 = vector.extract_strided_slice %concatenate3A_1638 {offsets = [120, 0], sizes = [8, 128], strides = [1, 1]} : vector<200x128xf32> to vector<8x128xf32>
    %min3A_1731 = arith.minimumf %slice3A_1729, %slice3A_1730 : vector<8x128xf32>
    %max3A_1732 = arith.maximumf %slice3A_1729, %slice3A_1730 : vector<8x128xf32>
    %min3A_1733 = arith.minimumf %broadcast_in_dim3A_1726, %max3A_1732 : vector<8x128xf32>
    %min3A_1734 = arith.minimumf %broadcast_in_dim3A_1728, %min3A_1731 : vector<8x128xf32>
    %min3A_1735 = arith.minimumf %min3A_1721, %min3A_1733 : vector<8x128xf32>
    %max3A_1736 = arith.maximumf %min3A_1721, %min3A_1733 : vector<8x128xf32>
    %min3A_1737 = arith.minimumf %max3A_1724, %min3A_1734 : vector<8x128xf32>
    %max3A_1738 = arith.maximumf %max3A_1724, %min3A_1734 : vector<8x128xf32>
    %min3A_1739 = arith.minimumf %min3A_1735, %min3A_1737 : vector<8x128xf32>
    %max3A_1740 = arith.maximumf %min3A_1735, %min3A_1737 : vector<8x128xf32>
    %min3A_1741 = arith.minimumf %max3A_1736, %max3A_1738 : vector<8x128xf32>
    %max3A_1742 = arith.maximumf %max3A_1736, %max3A_1738 : vector<8x128xf32>
    %slice3A_1743 = vector.extract_strided_slice %concatenate3A_1638 {offsets = [128, 0], sizes = [8, 128], strides = [1, 1]} : vector<200x128xf32> to vector<8x128xf32>
    %slice3A_1744 = vector.extract_strided_slice %concatenate3A_1638 {offsets = [136, 0], sizes = [8, 128], strides = [1, 1]} : vector<200x128xf32> to vector<8x128xf32>
    %min3A_1745 = arith.minimumf %slice3A_1743, %slice3A_1744 : vector<8x128xf32>
    %max3A_1746 = arith.maximumf %slice3A_1743, %slice3A_1744 : vector<8x128xf32>
    %min3A_1747 = arith.minimumf %min3A_1741, %max3A_1746 : vector<8x128xf32>
    %min3A_1748 = arith.minimumf %max3A_1742, %min3A_1745 : vector<8x128xf32>
    %min3A_1749 = arith.minimumf %min3A_1739, %min3A_1747 : vector<8x128xf32>
    %max3A_1750 = arith.maximumf %min3A_1739, %min3A_1747 : vector<8x128xf32>
    %min3A_1751 = arith.minimumf %max3A_1740, %min3A_1748 : vector<8x128xf32>
    %max3A_1752 = arith.maximumf %max3A_1740, %min3A_1748 : vector<8x128xf32>
    %min3A_1753 = arith.minimumf %min3A_1749, %min3A_1751 : vector<8x128xf32>
    %max3A_1754 = arith.maximumf %min3A_1749, %min3A_1751 : vector<8x128xf32>
    %min3A_1755 = arith.minimumf %max3A_1750, %max3A_1752 : vector<8x128xf32>
    %max3A_1756 = arith.maximumf %max3A_1750, %max3A_1752 : vector<8x128xf32>
    %slice3A_1757 = vector.extract_strided_slice %concatenate3A_1638 {offsets = [144, 0], sizes = [8, 128], strides = [1, 1]} : vector<200x128xf32> to vector<8x128xf32>
    %slice3A_1758 = vector.extract_strided_slice %concatenate3A_1638 {offsets = [152, 0], sizes = [8, 128], strides = [1, 1]} : vector<200x128xf32> to vector<8x128xf32>
    %min3A_1759 = arith.minimumf %slice3A_1757, %slice3A_1758 : vector<8x128xf32>
    %max3A_1760 = arith.maximumf %slice3A_1757, %slice3A_1758 : vector<8x128xf32>
    %min3A_1761 = arith.minimumf %min3A_1755, %max3A_1760 : vector<8x128xf32>
    %min3A_1762 = arith.minimumf %max3A_1756, %min3A_1759 : vector<8x128xf32>
    %min3A_1763 = arith.minimumf %min3A_1753, %min3A_1761 : vector<8x128xf32>
    %max3A_1764 = arith.maximumf %min3A_1753, %min3A_1761 : vector<8x128xf32>
    %min3A_1765 = arith.minimumf %max3A_1754, %min3A_1762 : vector<8x128xf32>
    %max3A_1766 = arith.maximumf %max3A_1754, %min3A_1762 : vector<8x128xf32>
    %min3A_1767 = arith.minimumf %min3A_1763, %min3A_1765 : vector<8x128xf32>
    %max3A_1768 = arith.maximumf %min3A_1763, %min3A_1765 : vector<8x128xf32>
    %min3A_1769 = arith.minimumf %max3A_1764, %max3A_1766 : vector<8x128xf32>
    %max3A_1770 = arith.maximumf %max3A_1764, %max3A_1766 : vector<8x128xf32>
    %slice3A_1771 = vector.extract_strided_slice %concatenate3A_1638 {offsets = [160, 0], sizes = [8, 128], strides = [1, 1]} : vector<200x128xf32> to vector<8x128xf32>
    %slice3A_1772 = vector.extract_strided_slice %concatenate3A_1638 {offsets = [168, 0], sizes = [8, 128], strides = [1, 1]} : vector<200x128xf32> to vector<8x128xf32>
    %min3A_1773 = arith.minimumf %slice3A_1771, %slice3A_1772 : vector<8x128xf32>
    %max3A_1774 = arith.maximumf %slice3A_1771, %slice3A_1772 : vector<8x128xf32>
    %min3A_1775 = arith.minimumf %min3A_1769, %max3A_1774 : vector<8x128xf32>
    %min3A_1776 = arith.minimumf %max3A_1770, %min3A_1773 : vector<8x128xf32>
    %min3A_1777 = arith.minimumf %min3A_1767, %min3A_1775 : vector<8x128xf32>
    %max3A_1778 = arith.maximumf %min3A_1767, %min3A_1775 : vector<8x128xf32>
    %min3A_1779 = arith.minimumf %max3A_1768, %min3A_1776 : vector<8x128xf32>
    %max3A_1780 = arith.maximumf %max3A_1768, %min3A_1776 : vector<8x128xf32>
    %min3A_1781 = arith.minimumf %min3A_1777, %min3A_1779 : vector<8x128xf32>
    %max3A_1782 = arith.maximumf %min3A_1777, %min3A_1779 : vector<8x128xf32>
    %min3A_1783 = arith.minimumf %max3A_1778, %max3A_1780 : vector<8x128xf32>
    %max3A_1784 = arith.maximumf %max3A_1778, %max3A_1780 : vector<8x128xf32>
    %slice3A_1785 = vector.extract_strided_slice %concatenate3A_1638 {offsets = [176, 0], sizes = [8, 128], strides = [1, 1]} : vector<200x128xf32> to vector<8x128xf32>
    %slice3A_1786 = vector.extract_strided_slice %concatenate3A_1638 {offsets = [184, 0], sizes = [8, 128], strides = [1, 1]} : vector<200x128xf32> to vector<8x128xf32>
    %min3A_1787 = arith.minimumf %slice3A_1785, %slice3A_1786 : vector<8x128xf32>
    %max3A_1788 = arith.maximumf %slice3A_1785, %slice3A_1786 : vector<8x128xf32>
    %min3A_1789 = arith.minimumf %min3A_1783, %max3A_1788 : vector<8x128xf32>
    %min3A_1790 = arith.minimumf %max3A_1784, %min3A_1787 : vector<8x128xf32>
    %min3A_1791 = arith.minimumf %min3A_1781, %min3A_1789 : vector<8x128xf32>
    %max3A_1792 = arith.maximumf %min3A_1781, %min3A_1789 : vector<8x128xf32>
    %min3A_1793 = arith.minimumf %max3A_1782, %min3A_1790 : vector<8x128xf32>
    %max3A_1794 = arith.maximumf %max3A_1782, %min3A_1790 : vector<8x128xf32>
    %min3A_1795 = arith.minimumf %min3A_1791, %min3A_1793 : vector<8x128xf32>
    %max3A_1796 = arith.maximumf %min3A_1791, %min3A_1793 : vector<8x128xf32>
    %min3A_1797 = arith.minimumf %max3A_1792, %max3A_1794 : vector<8x128xf32>
    %max3A_1798 = arith.maximumf %max3A_1792, %max3A_1794 : vector<8x128xf32>
    %slice3A_1799 = vector.extract_strided_slice %concatenate3A_1638 {offsets = [192, 0], sizes = [8, 128], strides = [1, 1]} : vector<200x128xf32> to vector<8x128xf32>
    %min3A_1800 = arith.minimumf %min3A_1795, %slice3A_1799 : vector<8x128xf32>
    %max3A_1801 = arith.maximumf %min3A_1795, %slice3A_1799 : vector<8x128xf32>
    %min3A_1802 = arith.minimumf %max3A_1796, %max3A_1801 : vector<8x128xf32>
    %max3A_1803 = arith.maximumf %max3A_1796, %max3A_1801 : vector<8x128xf32>
    %min3A_1804 = arith.minimumf %min3A_1797, %max3A_1803 : vector<8x128xf32>
    %max3A_1805 = arith.maximumf %min3A_1797, %max3A_1803 : vector<8x128xf32>
    %min3A_1806 = arith.minimumf %max3A_1798, %max3A_1805 : vector<8x128xf32>
    %min3A_1807 = arith.minimumf %min3A_1715, %min3A_1806 : vector<8x128xf32>
    %min3A_1808 = arith.minimumf %max3A_1716, %min3A_1804 : vector<8x128xf32>
    %min3A_1809 = arith.minimumf %min3A_1717, %min3A_1802 : vector<8x128xf32>
    %min3A_1810 = arith.minimumf %max3A_1718, %min3A_1800 : vector<8x128xf32>
    %min3A_1811 = arith.minimumf %min3A_1807, %min3A_1809 : vector<8x128xf32>
    %max3A_1812 = arith.maximumf %min3A_1807, %min3A_1809 : vector<8x128xf32>
    %min3A_1813 = arith.minimumf %min3A_1808, %min3A_1810 : vector<8x128xf32>
    %max3A_1814 = arith.maximumf %min3A_1808, %min3A_1810 : vector<8x128xf32>
    %min3A_1815 = arith.minimumf %min3A_1811, %min3A_1813 : vector<8x128xf32>
    %max3A_1816 = arith.maximumf %min3A_1811, %min3A_1813 : vector<8x128xf32>
    %min3A_1817 = arith.minimumf %max3A_1812, %max3A_1814 : vector<8x128xf32>
    %max3A_1818 = arith.maximumf %max3A_1812, %max3A_1814 : vector<8x128xf32>
    %slice3A_1819 = vector.extract_strided_slice %min3A_1815 {offsets = [4, 0], sizes = [4, 128], strides = [1, 1]} : vector<8x128xf32> to vector<4x128xf32>
    %slice3A_1820 = vector.extract_strided_slice %min3A_1815 {offsets = [0, 0], sizes = [4, 128], strides = [1, 1]} : vector<8x128xf32> to vector<4x128xf32>
    %concatenate3A_1821 = tpu.concatenate %slice3A_1819, %slice3A_1820 in 0 : vector<4x128xf32>, vector<4x128xf32> -> vector<8x128xf32>
    %slice3A_1822 = vector.extract_strided_slice %max3A_1816 {offsets = [4, 0], sizes = [4, 128], strides = [1, 1]} : vector<8x128xf32> to vector<4x128xf32>
    %slice3A_1823 = vector.extract_strided_slice %max3A_1816 {offsets = [0, 0], sizes = [4, 128], strides = [1, 1]} : vector<8x128xf32> to vector<4x128xf32>
    %concatenate3A_1824 = tpu.concatenate %slice3A_1822, %slice3A_1823 in 0 : vector<4x128xf32>, vector<4x128xf32> -> vector<8x128xf32>
    %slice3A_1825 = vector.extract_strided_slice %min3A_1817 {offsets = [4, 0], sizes = [4, 128], strides = [1, 1]} : vector<8x128xf32> to vector<4x128xf32>
    %slice3A_1826 = vector.extract_strided_slice %min3A_1817 {offsets = [0, 0], sizes = [4, 128], strides = [1, 1]} : vector<8x128xf32> to vector<4x128xf32>
    %concatenate3A_1827 = tpu.concatenate %slice3A_1825, %slice3A_1826 in 0 : vector<4x128xf32>, vector<4x128xf32> -> vector<8x128xf32>
    %slice3A_1828 = vector.extract_strided_slice %max3A_1818 {offsets = [4, 0], sizes = [4, 128], strides = [1, 1]} : vector<8x128xf32> to vector<4x128xf32>
    %slice3A_1829 = vector.extract_strided_slice %max3A_1818 {offsets = [0, 0], sizes = [4, 128], strides = [1, 1]} : vector<8x128xf32> to vector<4x128xf32>
    %concatenate3A_1830 = tpu.concatenate %slice3A_1828, %slice3A_1829 in 0 : vector<4x128xf32>, vector<4x128xf32> -> vector<8x128xf32>
    %min3A_1831 = arith.minimumf %min3A_1815, %concatenate3A_1830 : vector<8x128xf32>
    %min3A_1832 = arith.minimumf %max3A_1816, %concatenate3A_1827 : vector<8x128xf32>
    %min3A_1833 = arith.minimumf %min3A_1817, %concatenate3A_1824 : vector<8x128xf32>
    %min3A_1834 = arith.minimumf %max3A_1818, %concatenate3A_1821 : vector<8x128xf32>
    %min3A_1835 = arith.minimumf %min3A_1831, %min3A_1833 : vector<8x128xf32>
    %max3A_1836 = arith.maximumf %min3A_1831, %min3A_1833 : vector<8x128xf32>
    %min3A_1837 = arith.minimumf %min3A_1832, %min3A_1834 : vector<8x128xf32>
    %max3A_1838 = arith.maximumf %min3A_1832, %min3A_1834 : vector<8x128xf32>
    %min3A_1839 = arith.minimumf %min3A_1835, %min3A_1837 : vector<8x128xf32>
    %max3A_1840 = arith.maximumf %min3A_1835, %min3A_1837 : vector<8x128xf32>
    %min3A_1841 = arith.minimumf %max3A_1836, %max3A_1838 : vector<8x128xf32>
    %max3A_1842 = arith.maximumf %max3A_1836, %max3A_1838 : vector<8x128xf32>
    %slice3A_1843 = vector.extract_strided_slice %min3A_1839 {offsets = [2, 0], sizes = [6, 128], strides = [1, 1]} : vector<8x128xf32> to vector<6x128xf32>
    %slice3A_1844 = vector.extract_strided_slice %min3A_1839 {offsets = [0, 0], sizes = [2, 128], strides = [1, 1]} : vector<8x128xf32> to vector<2x128xf32>
    %concatenate3A_1845 = tpu.concatenate %slice3A_1843, %slice3A_1844 in 0 : vector<6x128xf32>, vector<2x128xf32> -> vector<8x128xf32>
    %slice3A_1846 = vector.extract_strided_slice %max3A_1840 {offsets = [2, 0], sizes = [6, 128], strides = [1, 1]} : vector<8x128xf32> to vector<6x128xf32>
    %slice3A_1847 = vector.extract_strided_slice %max3A_1840 {offsets = [0, 0], sizes = [2, 128], strides = [1, 1]} : vector<8x128xf32> to vector<2x128xf32>
    %concatenate3A_1848 = tpu.concatenate %slice3A_1846, %slice3A_1847 in 0 : vector<6x128xf32>, vector<2x128xf32> -> vector<8x128xf32>
    %slice3A_1849 = vector.extract_strided_slice %min3A_1841 {offsets = [2, 0], sizes = [6, 128], strides = [1, 1]} : vector<8x128xf32> to vector<6x128xf32>
    %slice3A_1850 = vector.extract_strided_slice %min3A_1841 {offsets = [0, 0], sizes = [2, 128], strides = [1, 1]} : vector<8x128xf32> to vector<2x128xf32>
    %concatenate3A_1851 = tpu.concatenate %slice3A_1849, %slice3A_1850 in 0 : vector<6x128xf32>, vector<2x128xf32> -> vector<8x128xf32>
    %slice3A_1852 = vector.extract_strided_slice %max3A_1842 {offsets = [2, 0], sizes = [6, 128], strides = [1, 1]} : vector<8x128xf32> to vector<6x128xf32>
    %slice3A_1853 = vector.extract_strided_slice %max3A_1842 {offsets = [0, 0], sizes = [2, 128], strides = [1, 1]} : vector<8x128xf32> to vector<2x128xf32>
    %concatenate3A_1854 = tpu.concatenate %slice3A_1852, %slice3A_1853 in 0 : vector<6x128xf32>, vector<2x128xf32> -> vector<8x128xf32>
    %min3A_1855 = arith.minimumf %min3A_1839, %concatenate3A_1854 : vector<8x128xf32>
    %min3A_1856 = arith.minimumf %max3A_1840, %concatenate3A_1851 : vector<8x128xf32>
    %min3A_1857 = arith.minimumf %min3A_1841, %concatenate3A_1848 : vector<8x128xf32>
    %min3A_1858 = arith.minimumf %max3A_1842, %concatenate3A_1845 : vector<8x128xf32>
    %min3A_1859 = arith.minimumf %min3A_1855, %min3A_1857 : vector<8x128xf32>
    %max3A_1860 = arith.maximumf %min3A_1855, %min3A_1857 : vector<8x128xf32>
    %min3A_1861 = arith.minimumf %min3A_1856, %min3A_1858 : vector<8x128xf32>
    %max3A_1862 = arith.maximumf %min3A_1856, %min3A_1858 : vector<8x128xf32>
    %min3A_1863 = arith.minimumf %min3A_1859, %min3A_1861 : vector<8x128xf32>
    %max3A_1864 = arith.maximumf %min3A_1859, %min3A_1861 : vector<8x128xf32>
    %min3A_1865 = arith.minimumf %max3A_1860, %max3A_1862 : vector<8x128xf32>
    %max3A_1866 = arith.maximumf %max3A_1860, %max3A_1862 : vector<8x128xf32>
    %slice3A_1867 = vector.extract_strided_slice %min3A_1863 {offsets = [1, 0], sizes = [7, 128], strides = [1, 1]} : vector<8x128xf32> to vector<7x128xf32>
    %slice3A_1868 = vector.extract_strided_slice %min3A_1863 {offsets = [0, 0], sizes = [1, 128], strides = [1, 1]} : vector<8x128xf32> to vector<1x128xf32>
    %concatenate3A_1869 = tpu.concatenate %slice3A_1867, %slice3A_1868 in 0 : vector<7x128xf32>, vector<1x128xf32> -> vector<8x128xf32>
    %slice3A_1870 = vector.extract_strided_slice %max3A_1864 {offsets = [1, 0], sizes = [7, 128], strides = [1, 1]} : vector<8x128xf32> to vector<7x128xf32>
    %slice3A_1871 = vector.extract_strided_slice %max3A_1864 {offsets = [0, 0], sizes = [1, 128], strides = [1, 1]} : vector<8x128xf32> to vector<1x128xf32>
    %concatenate3A_1872 = tpu.concatenate %slice3A_1870, %slice3A_1871 in 0 : vector<7x128xf32>, vector<1x128xf32> -> vector<8x128xf32>
    %slice3A_1873 = vector.extract_strided_slice %min3A_1865 {offsets = [1, 0], sizes = [7, 128], strides = [1, 1]} : vector<8x128xf32> to vector<7x128xf32>
    %slice3A_1874 = vector.extract_strided_slice %min3A_1865 {offsets = [0, 0], sizes = [1, 128], strides = [1, 1]} : vector<8x128xf32> to vector<1x128xf32>
    %concatenate3A_1875 = tpu.concatenate %slice3A_1873, %slice3A_1874 in 0 : vector<7x128xf32>, vector<1x128xf32> -> vector<8x128xf32>
    %slice3A_1876 = vector.extract_strided_slice %max3A_1866 {offsets = [1, 0], sizes = [7, 128], strides = [1, 1]} : vector<8x128xf32> to vector<7x128xf32>
    %slice3A_1877 = vector.extract_strided_slice %max3A_1866 {offsets = [0, 0], sizes = [1, 128], strides = [1, 1]} : vector<8x128xf32> to vector<1x128xf32>
    %concatenate3A_1878 = tpu.concatenate %slice3A_1876, %slice3A_1877 in 0 : vector<7x128xf32>, vector<1x128xf32> -> vector<8x128xf32>
    %min3A_1879 = arith.minimumf %min3A_1863, %concatenate3A_1878 : vector<8x128xf32>
    %min3A_1880 = arith.minimumf %max3A_1864, %concatenate3A_1875 : vector<8x128xf32>
    %min3A_1881 = arith.minimumf %min3A_1865, %concatenate3A_1872 : vector<8x128xf32>
    %min3A_1882 = arith.minimumf %max3A_1866, %concatenate3A_1869 : vector<8x128xf32>
    %min3A_1883 = arith.minimumf %min3A_1879, %min3A_1881 : vector<8x128xf32>
    %max3A_1884 = arith.maximumf %min3A_1879, %min3A_1881 : vector<8x128xf32>
    %min3A_1885 = arith.minimumf %min3A_1880, %min3A_1882 : vector<8x128xf32>
    %max3A_1886 = arith.maximumf %min3A_1880, %min3A_1882 : vector<8x128xf32>
    %min3A_1887 = arith.minimumf %min3A_1883, %min3A_1885 : vector<8x128xf32>
    %max3A_1888 = arith.maximumf %min3A_1883, %min3A_1885 : vector<8x128xf32>
    %min3A_1889 = arith.minimumf %max3A_1884, %max3A_1886 : vector<8x128xf32>
    %max3A_1890 = arith.maximumf %max3A_1884, %max3A_1886 : vector<8x128xf32>
    %slice3A_1891 = vector.extract_strided_slice %min3A_1887 {offsets = [0, 0], sizes = [1, 128], strides = [1, 1]} : vector<8x128xf32> to vector<1x128xf32>
    %sqrt3A_1892 = math.sqrt %slice3A_1891 : vector<1x128xf32>
    %swap3A_1893 = arith.constant 4 : index
    %swap3A_1894 = arith.constant 0 : index
    %swap3A_1895 = arith.constant 0 : index
    %swap3A_1896 = vector.load %arg3[%swap3A_1893, %swap3A_1894, %swap3A_1895] : memref<8x4x128xf32, #tpu.memory_space<vmem>>, vector<1x1x128xf32>
    %swap3A_1897 = vector.shape_cast %swap3A_1896 : vector<1x1x128xf32> to vector<1x128xf32>
    %swap3A_1898 = vector.shape_cast %sqrt3A_1892 : vector<1x128xf32> to vector<1x1x128xf32>
    tpu.vector_store %arg3[%swap3A_1893, %swap3A_1894, %swap3A_1895], %swap3A_1898 {strides = array<i32>} : memref<8x4x128xf32, #tpu.memory_space<vmem>>, vector<1x1x128xf32>,
    %slice3A_1899 = vector.extract_strided_slice %max3A_1888 {offsets = [0, 0], sizes = [1, 128], strides = [1, 1]} : vector<8x128xf32> to vector<1x128xf32>
    %sqrt3A_1900 = math.sqrt %slice3A_1899 : vector<1x128xf32>
    %swap3A_1901 = arith.constant 4 : index
    %swap3A_1902 = arith.constant 1 : index
    %swap3A_1903 = arith.constant 0 : index
    %swap3A_1904 = vector.load %arg3[%swap3A_1901, %swap3A_1902, %swap3A_1903] : memref<8x4x128xf32, #tpu.memory_space<vmem>>, vector<1x1x128xf32>
    %swap3A_1905 = vector.shape_cast %swap3A_1904 : vector<1x1x128xf32> to vector<1x128xf32>
    %swap3A_1906 = vector.shape_cast %sqrt3A_1900 : vector<1x128xf32> to vector<1x1x128xf32>
    tpu.vector_store %arg3[%swap3A_1901, %swap3A_1902, %swap3A_1903], %swap3A_1906 {strides = array<i32>} : memref<8x4x128xf32, #tpu.memory_space<vmem>>, vector<1x1x128xf32>,
    %slice3A_1907 = vector.extract_strided_slice %min3A_1889 {offsets = [0, 0], sizes = [1, 128], strides = [1, 1]} : vector<8x128xf32> to vector<1x128xf32>
    %sqrt3A_1908 = math.sqrt %slice3A_1907 : vector<1x128xf32>
    %swap3A_1909 = arith.constant 4 : index
    %swap3A_1910 = arith.constant 2 : index
    %swap3A_1911 = arith.constant 0 : index
    %swap3A_1912 = vector.load %arg3[%swap3A_1909, %swap3A_1910, %swap3A_1911] : memref<8x4x128xf32, #tpu.memory_space<vmem>>, vector<1x1x128xf32>
    %swap3A_1913 = vector.shape_cast %swap3A_1912 : vector<1x1x128xf32> to vector<1x128xf32>
    %swap3A_1914 = vector.shape_cast %sqrt3A_1908 : vector<1x128xf32> to vector<1x1x128xf32>
    tpu.vector_store %arg3[%swap3A_1909, %swap3A_1910, %swap3A_1911], %swap3A_1914 {strides = array<i32>} : memref<8x4x128xf32, #tpu.memory_space<vmem>>, vector<1x1x128xf32>,
    %slice3A_1915 = vector.extract_strided_slice %max3A_1890 {offsets = [0, 0], sizes = [1, 128], strides = [1, 1]} : vector<8x128xf32> to vector<1x128xf32>
    %sqrt3A_1916 = math.sqrt %slice3A_1915 : vector<1x128xf32>
    %swap3A_1917 = arith.constant 4 : index
    %swap3A_1918 = arith.constant 3 : index
    %swap3A_1919 = arith.constant 0 : index
    %swap3A_1920 = vector.load %arg3[%swap3A_1917, %swap3A_1918, %swap3A_1919] : memref<8x4x128xf32, #tpu.memory_space<vmem>>, vector<1x1x128xf32>
    %swap3A_1921 = vector.shape_cast %swap3A_1920 : vector<1x1x128xf32> to vector<1x128xf32>
    %swap3A_1922 = vector.shape_cast %sqrt3A_1916 : vector<1x128xf32> to vector<1x1x128xf32>
    tpu.vector_store %arg3[%swap3A_1917, %swap3A_1918, %swap3A_1919], %swap3A_1922 {strides = array<i32>} : memref<8x4x128xf32, #tpu.memory_space<vmem>>, vector<1x1x128xf32>,
    %get3A_1923 = arith.constant 10 : index
    %get3A_1924 = arith.constant 0 : index
    %get3A_1925 = arith.constant 0 : index
    %get3A_1926 = vector.load %arg1[%get3A_1923, %get3A_1924, %get3A_1925] : memref<16x200x128xf32, #tpu.memory_space<vmem>>, vector<1x200x128xf32>
    %get3A_1927 = vector.shape_cast %get3A_1926 : vector<1x200x128xf32> to vector<200x128xf32>
    %get3A_1928 = arith.constant 10 : index
    %get3A_1929 = arith.constant 0 : index
    %get3A_1930 = arith.constant 0 : index
    %get3A_1931 = vector.load %arg2[%get3A_1928, %get3A_1929, %get3A_1930] : memref<16x64x128xf32, #tpu.memory_space<vmem>>, vector<1x64x128xf32>
    %get3A_1932 = vector.shape_cast %get3A_1931 : vector<1x64x128xf32> to vector<64x128xf32>
    %broadcast_in_dim3A_1933 = arith.constant 1.000000e+00 : f32
    %broadcast_in_dim3A_1934 = vector.broadcast %broadcast_in_dim3A_1933 : f32 to vector<1x128xf32>
    %mul3A_1935 = arith.mulf %get3A_1927, %get3A_1927 : vector<200x128xf32>
    %dot_general3A_1936 = arith.constant dense<0.000000e+00> : vector<200x1xf32>
    %dot_general3A_1937 = tpu.matmul %mul3A_1935, %broadcast_in_dim3A_1934, %dot_general3A_1936 {dimension_numbers = #tpu.dot_dimension_numbers<[1], [1], [0], [0], [0, 0, 1, 0], [], []>, transpose_lhs_hint = false} : vector<200x128xf32>, vector<1x128xf32>, vector<200x1xf32> -> vector<200x1xf32>
    %max3A_1938 = arith.constant 1.000000e-24 : f32
    %max3A_1939 = vector.broadcast %max3A_1938 : f32 to vector<200x1xf32>
    %max3A_1940 = arith.maximumf %dot_general3A_1937, %max3A_1939 : vector<200x1xf32>
    %rsqrt3A_1941 = math.rsqrt %max3A_1940 : vector<200x1xf32>
    %mul3A_1942 = arith.mulf %dot_general3A_1937, %rsqrt3A_1941 : vector<200x1xf32>
    %mul3A_1943 = arith.mulf %mul3A_1942, %rsqrt3A_1941 : vector<200x1xf32>
    %mul3A_1944 = arith.mulf %get3A_1932, %get3A_1932 : vector<64x128xf32>
    %dot_general3A_1945 = arith.constant dense<0.000000e+00> : vector<64x1xf32>
    %dot_general3A_1946 = tpu.matmul %mul3A_1944, %broadcast_in_dim3A_1934, %dot_general3A_1945 {dimension_numbers = #tpu.dot_dimension_numbers<[1], [1], [0], [0], [0, 0, 1, 0], [], []>, transpose_lhs_hint = false} : vector<64x128xf32>, vector<1x128xf32>, vector<64x1xf32> -> vector<64x1xf32>
    %max3A_1947 = arith.constant 1.000000e-24 : f32
    %max3A_1948 = vector.broadcast %max3A_1947 : f32 to vector<64x1xf32>
    %max3A_1949 = arith.maximumf %dot_general3A_1946, %max3A_1948 : vector<64x1xf32>
    %rsqrt3A_1950 = math.rsqrt %max3A_1949 : vector<64x1xf32>
    %mul3A_1951 = arith.mulf %dot_general3A_1946, %rsqrt3A_1950 : vector<64x1xf32>
    %mul3A_1952 = arith.mulf %mul3A_1951, %rsqrt3A_1950 : vector<64x1xf32>
    %mul3A_1953 = arith.constant -2.000000e+00 : f32
    %mul3A_1954 = vector.broadcast %mul3A_1953 : f32 to vector<64x1xf32>
    %mul3A_1955 = arith.mulf %mul3A_1954, %rsqrt3A_1950 : vector<64x1xf32>
    %mul3A_1956 = vector.broadcast %mul3A_1955 : vector<64x1xf32> to vector<64x128xf32>
    %mul3A_1957 = arith.mulf %get3A_1932, %mul3A_1956 : vector<64x128xf32>
    %dot_general3A_1958 = arith.constant dense<0.000000e+00> : vector<200x64xf32>
    %dot_general3A_1959 = tpu.matmul %get3A_1927, %mul3A_1957, %dot_general3A_1958 {dimension_numbers = #tpu.dot_dimension_numbers<[1], [1], [0], [0], [0, 0, 1, 0], [], []>, transpose_lhs_hint = false} : vector<200x128xf32>, vector<64x128xf32>, vector<200x64xf32> -> vector<200x64xf32>
    %broadcast_in_dim3A_1960 = arith.constant 1.000000e+00 : f32
    %broadcast_in_dim3A_1961 = vector.broadcast %broadcast_in_dim3A_1960 : f32 to vector<200x1xf32>
    %concatenate3A_1962 = tpu.concatenate %mul3A_1943, %broadcast_in_dim3A_1961 in 1 : vector<200x1xf32>, vector<200x1xf32> -> vector<200x2xf32>
    %broadcast_in_dim3A_1963 = arith.constant 1.000000e+00 : f32
    %broadcast_in_dim3A_1964 = vector.broadcast %broadcast_in_dim3A_1963 : f32 to vector<64x1xf32>
    %concatenate3A_1965 = tpu.concatenate %broadcast_in_dim3A_1964, %mul3A_1952 in 1 : vector<64x1xf32>, vector<64x1xf32> -> vector<64x2xf32>
    %dot_general3A_1966 = arith.constant dense<0.000000e+00> : vector<200x64xf32>
    %dot_general3A_1967 = tpu.matmul %concatenate3A_1962, %concatenate3A_1965, %dot_general3A_1966 {dimension_numbers = #tpu.dot_dimension_numbers<[1], [1], [0], [0], [0, 0, 1, 0], [], []>, transpose_lhs_hint = false} : vector<200x2xf32>, vector<64x2xf32>, vector<200x64xf32> -> vector<200x64xf32>
    %mul3A_1968 = vector.broadcast %rsqrt3A_1941 : vector<200x1xf32> to vector<200x64xf32>
    %mul3A_1969 = arith.mulf %dot_general3A_1959, %mul3A_1968 : vector<200x64xf32>
    %add3A_1970 = arith.addf %mul3A_1969, %dot_general3A_1967 : vector<200x64xf32>
    %max3A_1971 = arith.constant 0.000000e+00 : f32
    %max3A_1972 = vector.broadcast %max3A_1971 : f32 to vector<200x64xf32>
    %max3A_1973 = arith.maximumf %add3A_1970, %max3A_1972 : vector<200x64xf32>
    %get3A_1974 = arith.constant 11 : index
    %get3A_1975 = arith.constant 0 : index
    %get3A_1976 = arith.constant 0 : index
    %get3A_1977 = vector.load %arg1[%get3A_1974, %get3A_1975, %get3A_1976] : memref<16x200x128xf32, #tpu.memory_space<vmem>>, vector<1x200x128xf32>
    %get3A_1978 = vector.shape_cast %get3A_1977 : vector<1x200x128xf32> to vector<200x128xf32>
    %get3A_1979 = arith.constant 11 : index
    %get3A_1980 = arith.constant 0 : index
    %get3A_1981 = arith.constant 0 : index
    %get3A_1982 = vector.load %arg2[%get3A_1979, %get3A_1980, %get3A_1981] : memref<16x64x128xf32, #tpu.memory_space<vmem>>, vector<1x64x128xf32>
    %get3A_1983 = vector.shape_cast %get3A_1982 : vector<1x64x128xf32> to vector<64x128xf32>
    %broadcast_in_dim3A_1984 = arith.constant 1.000000e+00 : f32
    %broadcast_in_dim3A_1985 = vector.broadcast %broadcast_in_dim3A_1984 : f32 to vector<1x128xf32>
    %mul3A_1986 = arith.mulf %get3A_1978, %get3A_1978 : vector<200x128xf32>
    %dot_general3A_1987 = arith.constant dense<0.000000e+00> : vector<200x1xf32>
    %dot_general3A_1988 = tpu.matmul %mul3A_1986, %broadcast_in_dim3A_1985, %dot_general3A_1987 {dimension_numbers = #tpu.dot_dimension_numbers<[1], [1], [0], [0], [0, 0, 1, 0], [], []>, transpose_lhs_hint = false} : vector<200x128xf32>, vector<1x128xf32>, vector<200x1xf32> -> vector<200x1xf32>
    %max3A_1989 = arith.constant 1.000000e-24 : f32
    %max3A_1990 = vector.broadcast %max3A_1989 : f32 to vector<200x1xf32>
    %max3A_1991 = arith.maximumf %dot_general3A_1988, %max3A_1990 : vector<200x1xf32>
    %rsqrt3A_1992 = math.rsqrt %max3A_1991 : vector<200x1xf32>
    %mul3A_1993 = arith.mulf %dot_general3A_1988, %rsqrt3A_1992 : vector<200x1xf32>
    %mul3A_1994 = arith.mulf %mul3A_1993, %rsqrt3A_1992 : vector<200x1xf32>
    %mul3A_1995 = arith.mulf %get3A_1983, %get3A_1983 : vector<64x128xf32>
    %dot_general3A_1996 = arith.constant dense<0.000000e+00> : vector<64x1xf32>
    %dot_general3A_1997 = tpu.matmul %mul3A_1995, %broadcast_in_dim3A_1985, %dot_general3A_1996 {dimension_numbers = #tpu.dot_dimension_numbers<[1], [1], [0], [0], [0, 0, 1, 0], [], []>, transpose_lhs_hint = false} : vector<64x128xf32>, vector<1x128xf32>, vector<64x1xf32> -> vector<64x1xf32>
    %max3A_1998 = arith.constant 1.000000e-24 : f32
    %max3A_1999 = vector.broadcast %max3A_1998 : f32 to vector<64x1xf32>
    %max3A_2000 = arith.maximumf %dot_general3A_1997, %max3A_1999 : vector<64x1xf32>
    %rsqrt3A_2001 = math.rsqrt %max3A_2000 : vector<64x1xf32>
    %mul3A_2002 = arith.mulf %dot_general3A_1997, %rsqrt3A_2001 : vector<64x1xf32>
    %mul3A_2003 = arith.mulf %mul3A_2002, %rsqrt3A_2001 : vector<64x1xf32>
    %mul3A_2004 = arith.constant -2.000000e+00 : f32
    %mul3A_2005 = vector.broadcast %mul3A_2004 : f32 to vector<64x1xf32>
    %mul3A_2006 = arith.mulf %mul3A_2005, %rsqrt3A_2001 : vector<64x1xf32>
    %mul3A_2007 = vector.broadcast %mul3A_2006 : vector<64x1xf32> to vector<64x128xf32>
    %mul3A_2008 = arith.mulf %get3A_1983, %mul3A_2007 : vector<64x128xf32>
    %dot_general3A_2009 = arith.constant dense<0.000000e+00> : vector<200x64xf32>
    %dot_general3A_2010 = tpu.matmul %get3A_1978, %mul3A_2008, %dot_general3A_2009 {dimension_numbers = #tpu.dot_dimension_numbers<[1], [1], [0], [0], [0, 0, 1, 0], [], []>, transpose_lhs_hint = false} : vector<200x128xf32>, vector<64x128xf32>, vector<200x64xf32> -> vector<200x64xf32>
    %broadcast_in_dim3A_2011 = arith.constant 1.000000e+00 : f32
    %broadcast_in_dim3A_2012 = vector.broadcast %broadcast_in_dim3A_2011 : f32 to vector<200x1xf32>
    %concatenate3A_2013 = tpu.concatenate %mul3A_1994, %broadcast_in_dim3A_2012 in 1 : vector<200x1xf32>, vector<200x1xf32> -> vector<200x2xf32>
    %broadcast_in_dim3A_2014 = arith.constant 1.000000e+00 : f32
    %broadcast_in_dim3A_2015 = vector.broadcast %broadcast_in_dim3A_2014 : f32 to vector<64x1xf32>
    %concatenate3A_2016 = tpu.concatenate %broadcast_in_dim3A_2015, %mul3A_2003 in 1 : vector<64x1xf32>, vector<64x1xf32> -> vector<64x2xf32>
    %dot_general3A_2017 = arith.constant dense<0.000000e+00> : vector<200x64xf32>
    %dot_general3A_2018 = tpu.matmul %concatenate3A_2013, %concatenate3A_2016, %dot_general3A_2017 {dimension_numbers = #tpu.dot_dimension_numbers<[1], [1], [0], [0], [0, 0, 1, 0], [], []>, transpose_lhs_hint = false} : vector<200x2xf32>, vector<64x2xf32>, vector<200x64xf32> -> vector<200x64xf32>
    %mul3A_2019 = vector.broadcast %rsqrt3A_1992 : vector<200x1xf32> to vector<200x64xf32>
    %mul3A_2020 = arith.mulf %dot_general3A_2010, %mul3A_2019 : vector<200x64xf32>
    %add3A_2021 = arith.addf %mul3A_2020, %dot_general3A_2018 : vector<200x64xf32>
    %max3A_2022 = arith.constant 0.000000e+00 : f32
    %max3A_2023 = vector.broadcast %max3A_2022 : f32 to vector<200x64xf32>
    %max3A_2024 = arith.maximumf %add3A_2021, %max3A_2023 : vector<200x64xf32>
    %concatenate3A_2025 = tpu.concatenate %max3A_1973, %max3A_2024 in 1 : vector<200x64xf32>, vector<200x64xf32> -> vector<200x128xf32>
    %slice3A_2026 = vector.extract_strided_slice %concatenate3A_2025 {offsets = [0, 0], sizes = [8, 128], strides = [1, 1]} : vector<200x128xf32> to vector<8x128xf32>
    %slice3A_2027 = vector.extract_strided_slice %concatenate3A_2025 {offsets = [8, 0], sizes = [8, 128], strides = [1, 1]} : vector<200x128xf32> to vector<8x128xf32>
    %min3A_2028 = arith.minimumf %slice3A_2026, %slice3A_2027 : vector<8x128xf32>
    %slice3A_2029 = vector.extract_strided_slice %concatenate3A_2025 {offsets = [0, 0], sizes = [8, 128], strides = [1, 1]} : vector<200x128xf32> to vector<8x128xf32>
    %slice3A_2030 = vector.extract_strided_slice %concatenate3A_2025 {offsets = [8, 0], sizes = [8, 128], strides = [1, 1]} : vector<200x128xf32> to vector<8x128xf32>
    %max3A_2031 = arith.maximumf %slice3A_2029, %slice3A_2030 : vector<8x128xf32>
    %broadcast_in_dim3A_2032 = arith.constant 3.000000e+38 : f32
    %broadcast_in_dim3A_2033 = vector.broadcast %broadcast_in_dim3A_2032 : f32 to vector<8x128xf32>
    %broadcast_in_dim3A_2034 = arith.constant 3.000000e+38 : f32
    %broadcast_in_dim3A_2035 = vector.broadcast %broadcast_in_dim3A_2034 : f32 to vector<8x128xf32>
    %slice3A_2036 = vector.extract_strided_slice %concatenate3A_2025 {offsets = [16, 0], sizes = [8, 128], strides = [1, 1]} : vector<200x128xf32> to vector<8x128xf32>
    %slice3A_2037 = vector.extract_strided_slice %concatenate3A_2025 {offsets = [24, 0], sizes = [8, 128], strides = [1, 1]} : vector<200x128xf32> to vector<8x128xf32>
    %min3A_2038 = arith.minimumf %slice3A_2036, %slice3A_2037 : vector<8x128xf32>
    %max3A_2039 = arith.maximumf %slice3A_2036, %slice3A_2037 : vector<8x128xf32>
    %min3A_2040 = arith.minimumf %broadcast_in_dim3A_2033, %max3A_2039 : vector<8x128xf32>
    %min3A_2041 = arith.minimumf %broadcast_in_dim3A_2035, %min3A_2038 : vector<8x128xf32>
    %min3A_2042 = arith.minimumf %min3A_2028, %min3A_2040 : vector<8x128xf32>
    %max3A_2043 = arith.maximumf %min3A_2028, %min3A_2040 : vector<8x128xf32>
    %min3A_2044 = arith.minimumf %max3A_2031, %min3A_2041 : vector<8x128xf32>
    %max3A_2045 = arith.maximumf %max3A_2031, %min3A_2041 : vector<8x128xf32>
    %min3A_2046 = arith.minimumf %min3A_2042, %min3A_2044 : vector<8x128xf32>
    %max3A_2047 = arith.maximumf %min3A_2042, %min3A_2044 : vector<8x128xf32>
    %min3A_2048 = arith.minimumf %max3A_2043, %max3A_2045 : vector<8x128xf32>
    %max3A_2049 = arith.maximumf %max3A_2043, %max3A_2045 : vector<8x128xf32>
    %slice3A_2050 = vector.extract_strided_slice %concatenate3A_2025 {offsets = [32, 0], sizes = [8, 128], strides = [1, 1]} : vector<200x128xf32> to vector<8x128xf32>
    %slice3A_2051 = vector.extract_strided_slice %concatenate3A_2025 {offsets = [40, 0], sizes = [8, 128], strides = [1, 1]} : vector<200x128xf32> to vector<8x128xf32>
    %min3A_2052 = arith.minimumf %slice3A_2050, %slice3A_2051 : vector<8x128xf32>
    %max3A_2053 = arith.maximumf %slice3A_2050, %slice3A_2051 : vector<8x128xf32>
    %min3A_2054 = arith.minimumf %min3A_2048, %max3A_2053 : vector<8x128xf32>
    %min3A_2055 = arith.minimumf %max3A_2049, %min3A_2052 : vector<8x128xf32>
    %min3A_2056 = arith.minimumf %min3A_2046, %min3A_2054 : vector<8x128xf32>
    %max3A_2057 = arith.maximumf %min3A_2046, %min3A_2054 : vector<8x128xf32>
    %min3A_2058 = arith.minimumf %max3A_2047, %min3A_2055 : vector<8x128xf32>
    %max3A_2059 = arith.maximumf %max3A_2047, %min3A_2055 : vector<8x128xf32>
    %min3A_2060 = arith.minimumf %min3A_2056, %min3A_2058 : vector<8x128xf32>
    %max3A_2061 = arith.maximumf %min3A_2056, %min3A_2058 : vector<8x128xf32>
    %min3A_2062 = arith.minimumf %max3A_2057, %max3A_2059 : vector<8x128xf32>
    %max3A_2063 = arith.maximumf %max3A_2057, %max3A_2059 : vector<8x128xf32>
    %slice3A_2064 = vector.extract_strided_slice %concatenate3A_2025 {offsets = [48, 0], sizes = [8, 128], strides = [1, 1]} : vector<200x128xf32> to vector<8x128xf32>
    %slice3A_2065 = vector.extract_strided_slice %concatenate3A_2025 {offsets = [56, 0], sizes = [8, 128], strides = [1, 1]} : vector<200x128xf32> to vector<8x128xf32>
    %min3A_2066 = arith.minimumf %slice3A_2064, %slice3A_2065 : vector<8x128xf32>
    %max3A_2067 = arith.maximumf %slice3A_2064, %slice3A_2065 : vector<8x128xf32>
    %min3A_2068 = arith.minimumf %min3A_2062, %max3A_2067 : vector<8x128xf32>
    %min3A_2069 = arith.minimumf %max3A_2063, %min3A_2066 : vector<8x128xf32>
    %min3A_2070 = arith.minimumf %min3A_2060, %min3A_2068 : vector<8x128xf32>
    %max3A_2071 = arith.maximumf %min3A_2060, %min3A_2068 : vector<8x128xf32>
    %min3A_2072 = arith.minimumf %max3A_2061, %min3A_2069 : vector<8x128xf32>
    %max3A_2073 = arith.maximumf %max3A_2061, %min3A_2069 : vector<8x128xf32>
    %min3A_2074 = arith.minimumf %min3A_2070, %min3A_2072 : vector<8x128xf32>
    %max3A_2075 = arith.maximumf %min3A_2070, %min3A_2072 : vector<8x128xf32>
    %min3A_2076 = arith.minimumf %max3A_2071, %max3A_2073 : vector<8x128xf32>
    %max3A_2077 = arith.maximumf %max3A_2071, %max3A_2073 : vector<8x128xf32>
    %slice3A_2078 = vector.extract_strided_slice %concatenate3A_2025 {offsets = [64, 0], sizes = [8, 128], strides = [1, 1]} : vector<200x128xf32> to vector<8x128xf32>
    %slice3A_2079 = vector.extract_strided_slice %concatenate3A_2025 {offsets = [72, 0], sizes = [8, 128], strides = [1, 1]} : vector<200x128xf32> to vector<8x128xf32>
    %min3A_2080 = arith.minimumf %slice3A_2078, %slice3A_2079 : vector<8x128xf32>
    %max3A_2081 = arith.maximumf %slice3A_2078, %slice3A_2079 : vector<8x128xf32>
    %min3A_2082 = arith.minimumf %min3A_2076, %max3A_2081 : vector<8x128xf32>
    %min3A_2083 = arith.minimumf %max3A_2077, %min3A_2080 : vector<8x128xf32>
    %min3A_2084 = arith.minimumf %min3A_2074, %min3A_2082 : vector<8x128xf32>
    %max3A_2085 = arith.maximumf %min3A_2074, %min3A_2082 : vector<8x128xf32>
    %min3A_2086 = arith.minimumf %max3A_2075, %min3A_2083 : vector<8x128xf32>
    %max3A_2087 = arith.maximumf %max3A_2075, %min3A_2083 : vector<8x128xf32>
    %min3A_2088 = arith.minimumf %min3A_2084, %min3A_2086 : vector<8x128xf32>
    %max3A_2089 = arith.maximumf %min3A_2084, %min3A_2086 : vector<8x128xf32>
    %min3A_2090 = arith.minimumf %max3A_2085, %max3A_2087 : vector<8x128xf32>
    %max3A_2091 = arith.maximumf %max3A_2085, %max3A_2087 : vector<8x128xf32>
    %slice3A_2092 = vector.extract_strided_slice %concatenate3A_2025 {offsets = [80, 0], sizes = [8, 128], strides = [1, 1]} : vector<200x128xf32> to vector<8x128xf32>
    %slice3A_2093 = vector.extract_strided_slice %concatenate3A_2025 {offsets = [88, 0], sizes = [8, 128], strides = [1, 1]} : vector<200x128xf32> to vector<8x128xf32>
    %min3A_2094 = arith.minimumf %slice3A_2092, %slice3A_2093 : vector<8x128xf32>
    %max3A_2095 = arith.maximumf %slice3A_2092, %slice3A_2093 : vector<8x128xf32>
    %min3A_2096 = arith.minimumf %min3A_2090, %max3A_2095 : vector<8x128xf32>
    %min3A_2097 = arith.minimumf %max3A_2091, %min3A_2094 : vector<8x128xf32>
    %min3A_2098 = arith.minimumf %min3A_2088, %min3A_2096 : vector<8x128xf32>
    %max3A_2099 = arith.maximumf %min3A_2088, %min3A_2096 : vector<8x128xf32>
    %min3A_2100 = arith.minimumf %max3A_2089, %min3A_2097 : vector<8x128xf32>
    %max3A_2101 = arith.maximumf %max3A_2089, %min3A_2097 : vector<8x128xf32>
    %min3A_2102 = arith.minimumf %min3A_2098, %min3A_2100 : vector<8x128xf32>
    %max3A_2103 = arith.maximumf %min3A_2098, %min3A_2100 : vector<8x128xf32>
    %min3A_2104 = arith.minimumf %max3A_2099, %max3A_2101 : vector<8x128xf32>
    %max3A_2105 = arith.maximumf %max3A_2099, %max3A_2101 : vector<8x128xf32>
    %slice3A_2106 = vector.extract_strided_slice %concatenate3A_2025 {offsets = [96, 0], sizes = [8, 128], strides = [1, 1]} : vector<200x128xf32> to vector<8x128xf32>
    %slice3A_2107 = vector.extract_strided_slice %concatenate3A_2025 {offsets = [104, 0], sizes = [8, 128], strides = [1, 1]} : vector<200x128xf32> to vector<8x128xf32>
    %min3A_2108 = arith.minimumf %slice3A_2106, %slice3A_2107 : vector<8x128xf32>
    %slice3A_2109 = vector.extract_strided_slice %concatenate3A_2025 {offsets = [96, 0], sizes = [8, 128], strides = [1, 1]} : vector<200x128xf32> to vector<8x128xf32>
    %slice3A_2110 = vector.extract_strided_slice %concatenate3A_2025 {offsets = [104, 0], sizes = [8, 128], strides = [1, 1]} : vector<200x128xf32> to vector<8x128xf32>
    %max3A_2111 = arith.maximumf %slice3A_2109, %slice3A_2110 : vector<8x128xf32>
    %broadcast_in_dim3A_2112 = arith.constant 3.000000e+38 : f32
    %broadcast_in_dim3A_2113 = vector.broadcast %broadcast_in_dim3A_2112 : f32 to vector<8x128xf32>
    %broadcast_in_dim3A_2114 = arith.constant 3.000000e+38 : f32
    %broadcast_in_dim3A_2115 = vector.broadcast %broadcast_in_dim3A_2114 : f32 to vector<8x128xf32>
    %slice3A_2116 = vector.extract_strided_slice %concatenate3A_2025 {offsets = [112, 0], sizes = [8, 128], strides = [1, 1]} : vector<200x128xf32> to vector<8x128xf32>
    %slice3A_2117 = vector.extract_strided_slice %concatenate3A_2025 {offsets = [120, 0], sizes = [8, 128], strides = [1, 1]} : vector<200x128xf32> to vector<8x128xf32>
    %min3A_2118 = arith.minimumf %slice3A_2116, %slice3A_2117 : vector<8x128xf32>
    %max3A_2119 = arith.maximumf %slice3A_2116, %slice3A_2117 : vector<8x128xf32>
    %min3A_2120 = arith.minimumf %broadcast_in_dim3A_2113, %max3A_2119 : vector<8x128xf32>
    %min3A_2121 = arith.minimumf %broadcast_in_dim3A_2115, %min3A_2118 : vector<8x128xf32>
    %min3A_2122 = arith.minimumf %min3A_2108, %min3A_2120 : vector<8x128xf32>
    %max3A_2123 = arith.maximumf %min3A_2108, %min3A_2120 : vector<8x128xf32>
    %min3A_2124 = arith.minimumf %max3A_2111, %min3A_2121 : vector<8x128xf32>
    %max3A_2125 = arith.maximumf %max3A_2111, %min3A_2121 : vector<8x128xf32>
    %min3A_2126 = arith.minimumf %min3A_2122, %min3A_2124 : vector<8x128xf32>
    %max3A_2127 = arith.maximumf %min3A_2122, %min3A_2124 : vector<8x128xf32>
    %min3A_2128 = arith.minimumf %max3A_2123, %max3A_2125 : vector<8x128xf32>
    %max3A_2129 = arith.maximumf %max3A_2123, %max3A_2125 : vector<8x128xf32>
    %slice3A_2130 = vector.extract_strided_slice %concatenate3A_2025 {offsets = [128, 0], sizes = [8, 128], strides = [1, 1]} : vector<200x128xf32> to vector<8x128xf32>
    %slice3A_2131 = vector.extract_strided_slice %concatenate3A_2025 {offsets = [136, 0], sizes = [8, 128], strides = [1, 1]} : vector<200x128xf32> to vector<8x128xf32>
    %min3A_2132 = arith.minimumf %slice3A_2130, %slice3A_2131 : vector<8x128xf32>
    %max3A_2133 = arith.maximumf %slice3A_2130, %slice3A_2131 : vector<8x128xf32>
    %min3A_2134 = arith.minimumf %min3A_2128, %max3A_2133 : vector<8x128xf32>
    %min3A_2135 = arith.minimumf %max3A_2129, %min3A_2132 : vector<8x128xf32>
    %min3A_2136 = arith.minimumf %min3A_2126, %min3A_2134 : vector<8x128xf32>
    %max3A_2137 = arith.maximumf %min3A_2126, %min3A_2134 : vector<8x128xf32>
    %min3A_2138 = arith.minimumf %max3A_2127, %min3A_2135 : vector<8x128xf32>
    %max3A_2139 = arith.maximumf %max3A_2127, %min3A_2135 : vector<8x128xf32>
    %min3A_2140 = arith.minimumf %min3A_2136, %min3A_2138 : vector<8x128xf32>
    %max3A_2141 = arith.maximumf %min3A_2136, %min3A_2138 : vector<8x128xf32>
    %min3A_2142 = arith.minimumf %max3A_2137, %max3A_2139 : vector<8x128xf32>
    %max3A_2143 = arith.maximumf %max3A_2137, %max3A_2139 : vector<8x128xf32>
    %slice3A_2144 = vector.extract_strided_slice %concatenate3A_2025 {offsets = [144, 0], sizes = [8, 128], strides = [1, 1]} : vector<200x128xf32> to vector<8x128xf32>
    %slice3A_2145 = vector.extract_strided_slice %concatenate3A_2025 {offsets = [152, 0], sizes = [8, 128], strides = [1, 1]} : vector<200x128xf32> to vector<8x128xf32>
    %min3A_2146 = arith.minimumf %slice3A_2144, %slice3A_2145 : vector<8x128xf32>
    %max3A_2147 = arith.maximumf %slice3A_2144, %slice3A_2145 : vector<8x128xf32>
    %min3A_2148 = arith.minimumf %min3A_2142, %max3A_2147 : vector<8x128xf32>
    %min3A_2149 = arith.minimumf %max3A_2143, %min3A_2146 : vector<8x128xf32>
    %min3A_2150 = arith.minimumf %min3A_2140, %min3A_2148 : vector<8x128xf32>
    %max3A_2151 = arith.maximumf %min3A_2140, %min3A_2148 : vector<8x128xf32>
    %min3A_2152 = arith.minimumf %max3A_2141, %min3A_2149 : vector<8x128xf32>
    %max3A_2153 = arith.maximumf %max3A_2141, %min3A_2149 : vector<8x128xf32>
    %min3A_2154 = arith.minimumf %min3A_2150, %min3A_2152 : vector<8x128xf32>
    %max3A_2155 = arith.maximumf %min3A_2150, %min3A_2152 : vector<8x128xf32>
    %min3A_2156 = arith.minimumf %max3A_2151, %max3A_2153 : vector<8x128xf32>
    %max3A_2157 = arith.maximumf %max3A_2151, %max3A_2153 : vector<8x128xf32>
    %slice3A_2158 = vector.extract_strided_slice %concatenate3A_2025 {offsets = [160, 0], sizes = [8, 128], strides = [1, 1]} : vector<200x128xf32> to vector<8x128xf32>
    %slice3A_2159 = vector.extract_strided_slice %concatenate3A_2025 {offsets = [168, 0], sizes = [8, 128], strides = [1, 1]} : vector<200x128xf32> to vector<8x128xf32>
    %min3A_2160 = arith.minimumf %slice3A_2158, %slice3A_2159 : vector<8x128xf32>
    %max3A_2161 = arith.maximumf %slice3A_2158, %slice3A_2159 : vector<8x128xf32>
    %min3A_2162 = arith.minimumf %min3A_2156, %max3A_2161 : vector<8x128xf32>
    %min3A_2163 = arith.minimumf %max3A_2157, %min3A_2160 : vector<8x128xf32>
    %min3A_2164 = arith.minimumf %min3A_2154, %min3A_2162 : vector<8x128xf32>
    %max3A_2165 = arith.maximumf %min3A_2154, %min3A_2162 : vector<8x128xf32>
    %min3A_2166 = arith.minimumf %max3A_2155, %min3A_2163 : vector<8x128xf32>
    %max3A_2167 = arith.maximumf %max3A_2155, %min3A_2163 : vector<8x128xf32>
    %min3A_2168 = arith.minimumf %min3A_2164, %min3A_2166 : vector<8x128xf32>
    %max3A_2169 = arith.maximumf %min3A_2164, %min3A_2166 : vector<8x128xf32>
    %min3A_2170 = arith.minimumf %max3A_2165, %max3A_2167 : vector<8x128xf32>
    %max3A_2171 = arith.maximumf %max3A_2165, %max3A_2167 : vector<8x128xf32>
    %slice3A_2172 = vector.extract_strided_slice %concatenate3A_2025 {offsets = [176, 0], sizes = [8, 128], strides = [1, 1]} : vector<200x128xf32> to vector<8x128xf32>
    %slice3A_2173 = vector.extract_strided_slice %concatenate3A_2025 {offsets = [184, 0], sizes = [8, 128], strides = [1, 1]} : vector<200x128xf32> to vector<8x128xf32>
    %min3A_2174 = arith.minimumf %slice3A_2172, %slice3A_2173 : vector<8x128xf32>
    %max3A_2175 = arith.maximumf %slice3A_2172, %slice3A_2173 : vector<8x128xf32>
    %min3A_2176 = arith.minimumf %min3A_2170, %max3A_2175 : vector<8x128xf32>
    %min3A_2177 = arith.minimumf %max3A_2171, %min3A_2174 : vector<8x128xf32>
    %min3A_2178 = arith.minimumf %min3A_2168, %min3A_2176 : vector<8x128xf32>
    %max3A_2179 = arith.maximumf %min3A_2168, %min3A_2176 : vector<8x128xf32>
    %min3A_2180 = arith.minimumf %max3A_2169, %min3A_2177 : vector<8x128xf32>
    %max3A_2181 = arith.maximumf %max3A_2169, %min3A_2177 : vector<8x128xf32>
    %min3A_2182 = arith.minimumf %min3A_2178, %min3A_2180 : vector<8x128xf32>
    %max3A_2183 = arith.maximumf %min3A_2178, %min3A_2180 : vector<8x128xf32>
    %min3A_2184 = arith.minimumf %max3A_2179, %max3A_2181 : vector<8x128xf32>
    %max3A_2185 = arith.maximumf %max3A_2179, %max3A_2181 : vector<8x128xf32>
    %slice3A_2186 = vector.extract_strided_slice %concatenate3A_2025 {offsets = [192, 0], sizes = [8, 128], strides = [1, 1]} : vector<200x128xf32> to vector<8x128xf32>
    %min3A_2187 = arith.minimumf %min3A_2182, %slice3A_2186 : vector<8x128xf32>
    %max3A_2188 = arith.maximumf %min3A_2182, %slice3A_2186 : vector<8x128xf32>
    %min3A_2189 = arith.minimumf %max3A_2183, %max3A_2188 : vector<8x128xf32>
    %max3A_2190 = arith.maximumf %max3A_2183, %max3A_2188 : vector<8x128xf32>
    %min3A_2191 = arith.minimumf %min3A_2184, %max3A_2190 : vector<8x128xf32>
    %max3A_2192 = arith.maximumf %min3A_2184, %max3A_2190 : vector<8x128xf32>
    %min3A_2193 = arith.minimumf %max3A_2185, %max3A_2192 : vector<8x128xf32>
    %min3A_2194 = arith.minimumf %min3A_2102, %min3A_2193 : vector<8x128xf32>
    %min3A_2195 = arith.minimumf %max3A_2103, %min3A_2191 : vector<8x128xf32>
    %min3A_2196 = arith.minimumf %min3A_2104, %min3A_2189 : vector<8x128xf32>
    %min3A_2197 = arith.minimumf %max3A_2105, %min3A_2187 : vector<8x128xf32>
    %min3A_2198 = arith.minimumf %min3A_2194, %min3A_2196 : vector<8x128xf32>
    %max3A_2199 = arith.maximumf %min3A_2194, %min3A_2196 : vector<8x128xf32>
    %min3A_2200 = arith.minimumf %min3A_2195, %min3A_2197 : vector<8x128xf32>
    %max3A_2201 = arith.maximumf %min3A_2195, %min3A_2197 : vector<8x128xf32>
    %min3A_2202 = arith.minimumf %min3A_2198, %min3A_2200 : vector<8x128xf32>
    %max3A_2203 = arith.maximumf %min3A_2198, %min3A_2200 : vector<8x128xf32>
    %min3A_2204 = arith.minimumf %max3A_2199, %max3A_2201 : vector<8x128xf32>
    %max3A_2205 = arith.maximumf %max3A_2199, %max3A_2201 : vector<8x128xf32>
    %slice3A_2206 = vector.extract_strided_slice %min3A_2202 {offsets = [4, 0], sizes = [4, 128], strides = [1, 1]} : vector<8x128xf32> to vector<4x128xf32>
    %slice3A_2207 = vector.extract_strided_slice %min3A_2202 {offsets = [0, 0], sizes = [4, 128], strides = [1, 1]} : vector<8x128xf32> to vector<4x128xf32>
    %concatenate3A_2208 = tpu.concatenate %slice3A_2206, %slice3A_2207 in 0 : vector<4x128xf32>, vector<4x128xf32> -> vector<8x128xf32>
    %slice3A_2209 = vector.extract_strided_slice %max3A_2203 {offsets = [4, 0], sizes = [4, 128], strides = [1, 1]} : vector<8x128xf32> to vector<4x128xf32>
    %slice3A_2210 = vector.extract_strided_slice %max3A_2203 {offsets = [0, 0], sizes = [4, 128], strides = [1, 1]} : vector<8x128xf32> to vector<4x128xf32>
    %concatenate3A_2211 = tpu.concatenate %slice3A_2209, %slice3A_2210 in 0 : vector<4x128xf32>, vector<4x128xf32> -> vector<8x128xf32>
    %slice3A_2212 = vector.extract_strided_slice %min3A_2204 {offsets = [4, 0], sizes = [4, 128], strides = [1, 1]} : vector<8x128xf32> to vector<4x128xf32>
    %slice3A_2213 = vector.extract_strided_slice %min3A_2204 {offsets = [0, 0], sizes = [4, 128], strides = [1, 1]} : vector<8x128xf32> to vector<4x128xf32>
    %concatenate3A_2214 = tpu.concatenate %slice3A_2212, %slice3A_2213 in 0 : vector<4x128xf32>, vector<4x128xf32> -> vector<8x128xf32>
    %slice3A_2215 = vector.extract_strided_slice %max3A_2205 {offsets = [4, 0], sizes = [4, 128], strides = [1, 1]} : vector<8x128xf32> to vector<4x128xf32>
    %slice3A_2216 = vector.extract_strided_slice %max3A_2205 {offsets = [0, 0], sizes = [4, 128], strides = [1, 1]} : vector<8x128xf32> to vector<4x128xf32>
    %concatenate3A_2217 = tpu.concatenate %slice3A_2215, %slice3A_2216 in 0 : vector<4x128xf32>, vector<4x128xf32> -> vector<8x128xf32>
    %min3A_2218 = arith.minimumf %min3A_2202, %concatenate3A_2217 : vector<8x128xf32>
    %min3A_2219 = arith.minimumf %max3A_2203, %concatenate3A_2214 : vector<8x128xf32>
    %min3A_2220 = arith.minimumf %min3A_2204, %concatenate3A_2211 : vector<8x128xf32>
    %min3A_2221 = arith.minimumf %max3A_2205, %concatenate3A_2208 : vector<8x128xf32>
    %min3A_2222 = arith.minimumf %min3A_2218, %min3A_2220 : vector<8x128xf32>
    %max3A_2223 = arith.maximumf %min3A_2218, %min3A_2220 : vector<8x128xf32>
    %min3A_2224 = arith.minimumf %min3A_2219, %min3A_2221 : vector<8x128xf32>
    %max3A_2225 = arith.maximumf %min3A_2219, %min3A_2221 : vector<8x128xf32>
    %min3A_2226 = arith.minimumf %min3A_2222, %min3A_2224 : vector<8x128xf32>
    %max3A_2227 = arith.maximumf %min3A_2222, %min3A_2224 : vector<8x128xf32>
    %min3A_2228 = arith.minimumf %max3A_2223, %max3A_2225 : vector<8x128xf32>
    %max3A_2229 = arith.maximumf %max3A_2223, %max3A_2225 : vector<8x128xf32>
    %slice3A_2230 = vector.extract_strided_slice %min3A_2226 {offsets = [2, 0], sizes = [6, 128], strides = [1, 1]} : vector<8x128xf32> to vector<6x128xf32>
    %slice3A_2231 = vector.extract_strided_slice %min3A_2226 {offsets = [0, 0], sizes = [2, 128], strides = [1, 1]} : vector<8x128xf32> to vector<2x128xf32>
    %concatenate3A_2232 = tpu.concatenate %slice3A_2230, %slice3A_2231 in 0 : vector<6x128xf32>, vector<2x128xf32> -> vector<8x128xf32>
    %slice3A_2233 = vector.extract_strided_slice %max3A_2227 {offsets = [2, 0], sizes = [6, 128], strides = [1, 1]} : vector<8x128xf32> to vector<6x128xf32>
    %slice3A_2234 = vector.extract_strided_slice %max3A_2227 {offsets = [0, 0], sizes = [2, 128], strides = [1, 1]} : vector<8x128xf32> to vector<2x128xf32>
    %concatenate3A_2235 = tpu.concatenate %slice3A_2233, %slice3A_2234 in 0 : vector<6x128xf32>, vector<2x128xf32> -> vector<8x128xf32>
    %slice3A_2236 = vector.extract_strided_slice %min3A_2228 {offsets = [2, 0], sizes = [6, 128], strides = [1, 1]} : vector<8x128xf32> to vector<6x128xf32>
    %slice3A_2237 = vector.extract_strided_slice %min3A_2228 {offsets = [0, 0], sizes = [2, 128], strides = [1, 1]} : vector<8x128xf32> to vector<2x128xf32>
    %concatenate3A_2238 = tpu.concatenate %slice3A_2236, %slice3A_2237 in 0 : vector<6x128xf32>, vector<2x128xf32> -> vector<8x128xf32>
    %slice3A_2239 = vector.extract_strided_slice %max3A_2229 {offsets = [2, 0], sizes = [6, 128], strides = [1, 1]} : vector<8x128xf32> to vector<6x128xf32>
    %slice3A_2240 = vector.extract_strided_slice %max3A_2229 {offsets = [0, 0], sizes = [2, 128], strides = [1, 1]} : vector<8x128xf32> to vector<2x128xf32>
    %concatenate3A_2241 = tpu.concatenate %slice3A_2239, %slice3A_2240 in 0 : vector<6x128xf32>, vector<2x128xf32> -> vector<8x128xf32>
    %min3A_2242 = arith.minimumf %min3A_2226, %concatenate3A_2241 : vector<8x128xf32>
    %min3A_2243 = arith.minimumf %max3A_2227, %concatenate3A_2238 : vector<8x128xf32>
    %min3A_2244 = arith.minimumf %min3A_2228, %concatenate3A_2235 : vector<8x128xf32>
    %min3A_2245 = arith.minimumf %max3A_2229, %concatenate3A_2232 : vector<8x128xf32>
    %min3A_2246 = arith.minimumf %min3A_2242, %min3A_2244 : vector<8x128xf32>
    %max3A_2247 = arith.maximumf %min3A_2242, %min3A_2244 : vector<8x128xf32>
    %min3A_2248 = arith.minimumf %min3A_2243, %min3A_2245 : vector<8x128xf32>
    %max3A_2249 = arith.maximumf %min3A_2243, %min3A_2245 : vector<8x128xf32>
    %min3A_2250 = arith.minimumf %min3A_2246, %min3A_2248 : vector<8x128xf32>
    %max3A_2251 = arith.maximumf %min3A_2246, %min3A_2248 : vector<8x128xf32>
    %min3A_2252 = arith.minimumf %max3A_2247, %max3A_2249 : vector<8x128xf32>
    %max3A_2253 = arith.maximumf %max3A_2247, %max3A_2249 : vector<8x128xf32>
    %slice3A_2254 = vector.extract_strided_slice %min3A_2250 {offsets = [1, 0], sizes = [7, 128], strides = [1, 1]} : vector<8x128xf32> to vector<7x128xf32>
    %slice3A_2255 = vector.extract_strided_slice %min3A_2250 {offsets = [0, 0], sizes = [1, 128], strides = [1, 1]} : vector<8x128xf32> to vector<1x128xf32>
    %concatenate3A_2256 = tpu.concatenate %slice3A_2254, %slice3A_2255 in 0 : vector<7x128xf32>, vector<1x128xf32> -> vector<8x128xf32>
    %slice3A_2257 = vector.extract_strided_slice %max3A_2251 {offsets = [1, 0], sizes = [7, 128], strides = [1, 1]} : vector<8x128xf32> to vector<7x128xf32>
    %slice3A_2258 = vector.extract_strided_slice %max3A_2251 {offsets = [0, 0], sizes = [1, 128], strides = [1, 1]} : vector<8x128xf32> to vector<1x128xf32>
    %concatenate3A_2259 = tpu.concatenate %slice3A_2257, %slice3A_2258 in 0 : vector<7x128xf32>, vector<1x128xf32> -> vector<8x128xf32>
    %slice3A_2260 = vector.extract_strided_slice %min3A_2252 {offsets = [1, 0], sizes = [7, 128], strides = [1, 1]} : vector<8x128xf32> to vector<7x128xf32>
    %slice3A_2261 = vector.extract_strided_slice %min3A_2252 {offsets = [0, 0], sizes = [1, 128], strides = [1, 1]} : vector<8x128xf32> to vector<1x128xf32>
    %concatenate3A_2262 = tpu.concatenate %slice3A_2260, %slice3A_2261 in 0 : vector<7x128xf32>, vector<1x128xf32> -> vector<8x128xf32>
    %slice3A_2263 = vector.extract_strided_slice %max3A_2253 {offsets = [1, 0], sizes = [7, 128], strides = [1, 1]} : vector<8x128xf32> to vector<7x128xf32>
    %slice3A_2264 = vector.extract_strided_slice %max3A_2253 {offsets = [0, 0], sizes = [1, 128], strides = [1, 1]} : vector<8x128xf32> to vector<1x128xf32>
    %concatenate3A_2265 = tpu.concatenate %slice3A_2263, %slice3A_2264 in 0 : vector<7x128xf32>, vector<1x128xf32> -> vector<8x128xf32>
    %min3A_2266 = arith.minimumf %min3A_2250, %concatenate3A_2265 : vector<8x128xf32>
    %min3A_2267 = arith.minimumf %max3A_2251, %concatenate3A_2262 : vector<8x128xf32>
    %min3A_2268 = arith.minimumf %min3A_2252, %concatenate3A_2259 : vector<8x128xf32>
    %min3A_2269 = arith.minimumf %max3A_2253, %concatenate3A_2256 : vector<8x128xf32>
    %min3A_2270 = arith.minimumf %min3A_2266, %min3A_2268 : vector<8x128xf32>
    %max3A_2271 = arith.maximumf %min3A_2266, %min3A_2268 : vector<8x128xf32>
    %min3A_2272 = arith.minimumf %min3A_2267, %min3A_2269 : vector<8x128xf32>
    %max3A_2273 = arith.maximumf %min3A_2267, %min3A_2269 : vector<8x128xf32>
    %min3A_2274 = arith.minimumf %min3A_2270, %min3A_2272 : vector<8x128xf32>
    %max3A_2275 = arith.maximumf %min3A_2270, %min3A_2272 : vector<8x128xf32>
    %min3A_2276 = arith.minimumf %max3A_2271, %max3A_2273 : vector<8x128xf32>
    %max3A_2277 = arith.maximumf %max3A_2271, %max3A_2273 : vector<8x128xf32>
    %slice3A_2278 = vector.extract_strided_slice %min3A_2274 {offsets = [0, 0], sizes = [1, 128], strides = [1, 1]} : vector<8x128xf32> to vector<1x128xf32>
    %sqrt3A_2279 = math.sqrt %slice3A_2278 : vector<1x128xf32>
    %swap3A_2280 = arith.constant 5 : index
    %swap3A_2281 = arith.constant 0 : index
    %swap3A_2282 = arith.constant 0 : index
    %swap3A_2283 = vector.load %arg3[%swap3A_2280, %swap3A_2281, %swap3A_2282] : memref<8x4x128xf32, #tpu.memory_space<vmem>>, vector<1x1x128xf32>
    %swap3A_2284 = vector.shape_cast %swap3A_2283 : vector<1x1x128xf32> to vector<1x128xf32>
    %swap3A_2285 = vector.shape_cast %sqrt3A_2279 : vector<1x128xf32> to vector<1x1x128xf32>
    tpu.vector_store %arg3[%swap3A_2280, %swap3A_2281, %swap3A_2282], %swap3A_2285 {strides = array<i32>} : memref<8x4x128xf32, #tpu.memory_space<vmem>>, vector<1x1x128xf32>,
    %slice3A_2286 = vector.extract_strided_slice %max3A_2275 {offsets = [0, 0], sizes = [1, 128], strides = [1, 1]} : vector<8x128xf32> to vector<1x128xf32>
    %sqrt3A_2287 = math.sqrt %slice3A_2286 : vector<1x128xf32>
    %swap3A_2288 = arith.constant 5 : index
    %swap3A_2289 = arith.constant 1 : index
    %swap3A_2290 = arith.constant 0 : index
    %swap3A_2291 = vector.load %arg3[%swap3A_2288, %swap3A_2289, %swap3A_2290] : memref<8x4x128xf32, #tpu.memory_space<vmem>>, vector<1x1x128xf32>
    %swap3A_2292 = vector.shape_cast %swap3A_2291 : vector<1x1x128xf32> to vector<1x128xf32>
    %swap3A_2293 = vector.shape_cast %sqrt3A_2287 : vector<1x128xf32> to vector<1x1x128xf32>
    tpu.vector_store %arg3[%swap3A_2288, %swap3A_2289, %swap3A_2290], %swap3A_2293 {strides = array<i32>} : memref<8x4x128xf32, #tpu.memory_space<vmem>>, vector<1x1x128xf32>,
    %slice3A_2294 = vector.extract_strided_slice %min3A_2276 {offsets = [0, 0], sizes = [1, 128], strides = [1, 1]} : vector<8x128xf32> to vector<1x128xf32>
    %sqrt3A_2295 = math.sqrt %slice3A_2294 : vector<1x128xf32>
    %swap3A_2296 = arith.constant 5 : index
    %swap3A_2297 = arith.constant 2 : index
    %swap3A_2298 = arith.constant 0 : index
    %swap3A_2299 = vector.load %arg3[%swap3A_2296, %swap3A_2297, %swap3A_2298] : memref<8x4x128xf32, #tpu.memory_space<vmem>>, vector<1x1x128xf32>
    %swap3A_2300 = vector.shape_cast %swap3A_2299 : vector<1x1x128xf32> to vector<1x128xf32>
    %swap3A_2301 = vector.shape_cast %sqrt3A_2295 : vector<1x128xf32> to vector<1x1x128xf32>
    tpu.vector_store %arg3[%swap3A_2296, %swap3A_2297, %swap3A_2298], %swap3A_2301 {strides = array<i32>} : memref<8x4x128xf32, #tpu.memory_space<vmem>>, vector<1x1x128xf32>,
    %slice3A_2302 = vector.extract_strided_slice %max3A_2277 {offsets = [0, 0], sizes = [1, 128], strides = [1, 1]} : vector<8x128xf32> to vector<1x128xf32>
    %sqrt3A_2303 = math.sqrt %slice3A_2302 : vector<1x128xf32>
    %swap3A_2304 = arith.constant 5 : index
    %swap3A_2305 = arith.constant 3 : index
    %swap3A_2306 = arith.constant 0 : index
    %swap3A_2307 = vector.load %arg3[%swap3A_2304, %swap3A_2305, %swap3A_2306] : memref<8x4x128xf32, #tpu.memory_space<vmem>>, vector<1x1x128xf32>
    %swap3A_2308 = vector.shape_cast %swap3A_2307 : vector<1x1x128xf32> to vector<1x128xf32>
    %swap3A_2309 = vector.shape_cast %sqrt3A_2303 : vector<1x128xf32> to vector<1x1x128xf32>
    tpu.vector_store %arg3[%swap3A_2304, %swap3A_2305, %swap3A_2306], %swap3A_2309 {strides = array<i32>} : memref<8x4x128xf32, #tpu.memory_space<vmem>>, vector<1x1x128xf32>,
    %get3A_2310 = arith.constant 12 : index
    %get3A_2311 = arith.constant 0 : index
    %get3A_2312 = arith.constant 0 : index
    %get3A_2313 = vector.load %arg1[%get3A_2310, %get3A_2311, %get3A_2312] : memref<16x200x128xf32, #tpu.memory_space<vmem>>, vector<1x200x128xf32>
    %get3A_2314 = vector.shape_cast %get3A_2313 : vector<1x200x128xf32> to vector<200x128xf32>
    %get3A_2315 = arith.constant 12 : index
    %get3A_2316 = arith.constant 0 : index
    %get3A_2317 = arith.constant 0 : index
    %get3A_2318 = vector.load %arg2[%get3A_2315, %get3A_2316, %get3A_2317] : memref<16x64x128xf32, #tpu.memory_space<vmem>>, vector<1x64x128xf32>
    %get3A_2319 = vector.shape_cast %get3A_2318 : vector<1x64x128xf32> to vector<64x128xf32>
    %broadcast_in_dim3A_2320 = arith.constant 1.000000e+00 : f32
    %broadcast_in_dim3A_2321 = vector.broadcast %broadcast_in_dim3A_2320 : f32 to vector<1x128xf32>
    %mul3A_2322 = arith.mulf %get3A_2314, %get3A_2314 : vector<200x128xf32>
    %dot_general3A_2323 = arith.constant dense<0.000000e+00> : vector<200x1xf32>
    %dot_general3A_2324 = tpu.matmul %mul3A_2322, %broadcast_in_dim3A_2321, %dot_general3A_2323 {dimension_numbers = #tpu.dot_dimension_numbers<[1], [1], [0], [0], [0, 0, 1, 0], [], []>, transpose_lhs_hint = false} : vector<200x128xf32>, vector<1x128xf32>, vector<200x1xf32> -> vector<200x1xf32>
    %max3A_2325 = arith.constant 1.000000e-24 : f32
    %max3A_2326 = vector.broadcast %max3A_2325 : f32 to vector<200x1xf32>
    %max3A_2327 = arith.maximumf %dot_general3A_2324, %max3A_2326 : vector<200x1xf32>
    %rsqrt3A_2328 = math.rsqrt %max3A_2327 : vector<200x1xf32>
    %mul3A_2329 = arith.mulf %dot_general3A_2324, %rsqrt3A_2328 : vector<200x1xf32>
    %mul3A_2330 = arith.mulf %mul3A_2329, %rsqrt3A_2328 : vector<200x1xf32>
    %mul3A_2331 = arith.mulf %get3A_2319, %get3A_2319 : vector<64x128xf32>
    %dot_general3A_2332 = arith.constant dense<0.000000e+00> : vector<64x1xf32>
    %dot_general3A_2333 = tpu.matmul %mul3A_2331, %broadcast_in_dim3A_2321, %dot_general3A_2332 {dimension_numbers = #tpu.dot_dimension_numbers<[1], [1], [0], [0], [0, 0, 1, 0], [], []>, transpose_lhs_hint = false} : vector<64x128xf32>, vector<1x128xf32>, vector<64x1xf32> -> vector<64x1xf32>
    %max3A_2334 = arith.constant 1.000000e-24 : f32
    %max3A_2335 = vector.broadcast %max3A_2334 : f32 to vector<64x1xf32>
    %max3A_2336 = arith.maximumf %dot_general3A_2333, %max3A_2335 : vector<64x1xf32>
    %rsqrt3A_2337 = math.rsqrt %max3A_2336 : vector<64x1xf32>
    %mul3A_2338 = arith.mulf %dot_general3A_2333, %rsqrt3A_2337 : vector<64x1xf32>
    %mul3A_2339 = arith.mulf %mul3A_2338, %rsqrt3A_2337 : vector<64x1xf32>
    %mul3A_2340 = arith.constant -2.000000e+00 : f32
    %mul3A_2341 = vector.broadcast %mul3A_2340 : f32 to vector<64x1xf32>
    %mul3A_2342 = arith.mulf %mul3A_2341, %rsqrt3A_2337 : vector<64x1xf32>
    %mul3A_2343 = vector.broadcast %mul3A_2342 : vector<64x1xf32> to vector<64x128xf32>
    %mul3A_2344 = arith.mulf %get3A_2319, %mul3A_2343 : vector<64x128xf32>
    %dot_general3A_2345 = arith.constant dense<0.000000e+00> : vector<200x64xf32>
    %dot_general3A_2346 = tpu.matmul %get3A_2314, %mul3A_2344, %dot_general3A_2345 {dimension_numbers = #tpu.dot_dimension_numbers<[1], [1], [0], [0], [0, 0, 1, 0], [], []>, transpose_lhs_hint = false} : vector<200x128xf32>, vector<64x128xf32>, vector<200x64xf32> -> vector<200x64xf32>
    %broadcast_in_dim3A_2347 = arith.constant 1.000000e+00 : f32
    %broadcast_in_dim3A_2348 = vector.broadcast %broadcast_in_dim3A_2347 : f32 to vector<200x1xf32>
    %concatenate3A_2349 = tpu.concatenate %mul3A_2330, %broadcast_in_dim3A_2348 in 1 : vector<200x1xf32>, vector<200x1xf32> -> vector<200x2xf32>
    %broadcast_in_dim3A_2350 = arith.constant 1.000000e+00 : f32
    %broadcast_in_dim3A_2351 = vector.broadcast %broadcast_in_dim3A_2350 : f32 to vector<64x1xf32>
    %concatenate3A_2352 = tpu.concatenate %broadcast_in_dim3A_2351, %mul3A_2339 in 1 : vector<64x1xf32>, vector<64x1xf32> -> vector<64x2xf32>
    %dot_general3A_2353 = arith.constant dense<0.000000e+00> : vector<200x64xf32>
    %dot_general3A_2354 = tpu.matmul %concatenate3A_2349, %concatenate3A_2352, %dot_general3A_2353 {dimension_numbers = #tpu.dot_dimension_numbers<[1], [1], [0], [0], [0, 0, 1, 0], [], []>, transpose_lhs_hint = false} : vector<200x2xf32>, vector<64x2xf32>, vector<200x64xf32> -> vector<200x64xf32>
    %mul3A_2355 = vector.broadcast %rsqrt3A_2328 : vector<200x1xf32> to vector<200x64xf32>
    %mul3A_2356 = arith.mulf %dot_general3A_2346, %mul3A_2355 : vector<200x64xf32>
    %add3A_2357 = arith.addf %mul3A_2356, %dot_general3A_2354 : vector<200x64xf32>
    %max3A_2358 = arith.constant 0.000000e+00 : f32
    %max3A_2359 = vector.broadcast %max3A_2358 : f32 to vector<200x64xf32>
    %max3A_2360 = arith.maximumf %add3A_2357, %max3A_2359 : vector<200x64xf32>
    %get3A_2361 = arith.constant 13 : index
    %get3A_2362 = arith.constant 0 : index
    %get3A_2363 = arith.constant 0 : index
    %get3A_2364 = vector.load %arg1[%get3A_2361, %get3A_2362, %get3A_2363] : memref<16x200x128xf32, #tpu.memory_space<vmem>>, vector<1x200x128xf32>
    %get3A_2365 = vector.shape_cast %get3A_2364 : vector<1x200x128xf32> to vector<200x128xf32>
    %get3A_2366 = arith.constant 13 : index
    %get3A_2367 = arith.constant 0 : index
    %get3A_2368 = arith.constant 0 : index
    %get3A_2369 = vector.load %arg2[%get3A_2366, %get3A_2367, %get3A_2368] : memref<16x64x128xf32, #tpu.memory_space<vmem>>, vector<1x64x128xf32>
    %get3A_2370 = vector.shape_cast %get3A_2369 : vector<1x64x128xf32> to vector<64x128xf32>
    %broadcast_in_dim3A_2371 = arith.constant 1.000000e+00 : f32
    %broadcast_in_dim3A_2372 = vector.broadcast %broadcast_in_dim3A_2371 : f32 to vector<1x128xf32>
    %mul3A_2373 = arith.mulf %get3A_2365, %get3A_2365 : vector<200x128xf32>
    %dot_general3A_2374 = arith.constant dense<0.000000e+00> : vector<200x1xf32>
    %dot_general3A_2375 = tpu.matmul %mul3A_2373, %broadcast_in_dim3A_2372, %dot_general3A_2374 {dimension_numbers = #tpu.dot_dimension_numbers<[1], [1], [0], [0], [0, 0, 1, 0], [], []>, transpose_lhs_hint = false} : vector<200x128xf32>, vector<1x128xf32>, vector<200x1xf32> -> vector<200x1xf32>
    %max3A_2376 = arith.constant 1.000000e-24 : f32
    %max3A_2377 = vector.broadcast %max3A_2376 : f32 to vector<200x1xf32>
    %max3A_2378 = arith.maximumf %dot_general3A_2375, %max3A_2377 : vector<200x1xf32>
    %rsqrt3A_2379 = math.rsqrt %max3A_2378 : vector<200x1xf32>
    %mul3A_2380 = arith.mulf %dot_general3A_2375, %rsqrt3A_2379 : vector<200x1xf32>
    %mul3A_2381 = arith.mulf %mul3A_2380, %rsqrt3A_2379 : vector<200x1xf32>
    %mul3A_2382 = arith.mulf %get3A_2370, %get3A_2370 : vector<64x128xf32>
    %dot_general3A_2383 = arith.constant dense<0.000000e+00> : vector<64x1xf32>
    %dot_general3A_2384 = tpu.matmul %mul3A_2382, %broadcast_in_dim3A_2372, %dot_general3A_2383 {dimension_numbers = #tpu.dot_dimension_numbers<[1], [1], [0], [0], [0, 0, 1, 0], [], []>, transpose_lhs_hint = false} : vector<64x128xf32>, vector<1x128xf32>, vector<64x1xf32> -> vector<64x1xf32>
    %max3A_2385 = arith.constant 1.000000e-24 : f32
    %max3A_2386 = vector.broadcast %max3A_2385 : f32 to vector<64x1xf32>
    %max3A_2387 = arith.maximumf %dot_general3A_2384, %max3A_2386 : vector<64x1xf32>
    %rsqrt3A_2388 = math.rsqrt %max3A_2387 : vector<64x1xf32>
    %mul3A_2389 = arith.mulf %dot_general3A_2384, %rsqrt3A_2388 : vector<64x1xf32>
    %mul3A_2390 = arith.mulf %mul3A_2389, %rsqrt3A_2388 : vector<64x1xf32>
    %mul3A_2391 = arith.constant -2.000000e+00 : f32
    %mul3A_2392 = vector.broadcast %mul3A_2391 : f32 to vector<64x1xf32>
    %mul3A_2393 = arith.mulf %mul3A_2392, %rsqrt3A_2388 : vector<64x1xf32>
    %mul3A_2394 = vector.broadcast %mul3A_2393 : vector<64x1xf32> to vector<64x128xf32>
    %mul3A_2395 = arith.mulf %get3A_2370, %mul3A_2394 : vector<64x128xf32>
    %dot_general3A_2396 = arith.constant dense<0.000000e+00> : vector<200x64xf32>
    %dot_general3A_2397 = tpu.matmul %get3A_2365, %mul3A_2395, %dot_general3A_2396 {dimension_numbers = #tpu.dot_dimension_numbers<[1], [1], [0], [0], [0, 0, 1, 0], [], []>, transpose_lhs_hint = false} : vector<200x128xf32>, vector<64x128xf32>, vector<200x64xf32> -> vector<200x64xf32>
    %broadcast_in_dim3A_2398 = arith.constant 1.000000e+00 : f32
    %broadcast_in_dim3A_2399 = vector.broadcast %broadcast_in_dim3A_2398 : f32 to vector<200x1xf32>
    %concatenate3A_2400 = tpu.concatenate %mul3A_2381, %broadcast_in_dim3A_2399 in 1 : vector<200x1xf32>, vector<200x1xf32> -> vector<200x2xf32>
    %broadcast_in_dim3A_2401 = arith.constant 1.000000e+00 : f32
    %broadcast_in_dim3A_2402 = vector.broadcast %broadcast_in_dim3A_2401 : f32 to vector<64x1xf32>
    %concatenate3A_2403 = tpu.concatenate %broadcast_in_dim3A_2402, %mul3A_2390 in 1 : vector<64x1xf32>, vector<64x1xf32> -> vector<64x2xf32>
    %dot_general3A_2404 = arith.constant dense<0.000000e+00> : vector<200x64xf32>
    %dot_general3A_2405 = tpu.matmul %concatenate3A_2400, %concatenate3A_2403, %dot_general3A_2404 {dimension_numbers = #tpu.dot_dimension_numbers<[1], [1], [0], [0], [0, 0, 1, 0], [], []>, transpose_lhs_hint = false} : vector<200x2xf32>, vector<64x2xf32>, vector<200x64xf32> -> vector<200x64xf32>
    %mul3A_2406 = vector.broadcast %rsqrt3A_2379 : vector<200x1xf32> to vector<200x64xf32>
    %mul3A_2407 = arith.mulf %dot_general3A_2397, %mul3A_2406 : vector<200x64xf32>
    %add3A_2408 = arith.addf %mul3A_2407, %dot_general3A_2405 : vector<200x64xf32>
    %max3A_2409 = arith.constant 0.000000e+00 : f32
    %max3A_2410 = vector.broadcast %max3A_2409 : f32 to vector<200x64xf32>
    %max3A_2411 = arith.maximumf %add3A_2408, %max3A_2410 : vector<200x64xf32>
    %concatenate3A_2412 = tpu.concatenate %max3A_2360, %max3A_2411 in 1 : vector<200x64xf32>, vector<200x64xf32> -> vector<200x128xf32>
    %slice3A_2413 = vector.extract_strided_slice %concatenate3A_2412 {offsets = [0, 0], sizes = [8, 128], strides = [1, 1]} : vector<200x128xf32> to vector<8x128xf32>
    %slice3A_2414 = vector.extract_strided_slice %concatenate3A_2412 {offsets = [8, 0], sizes = [8, 128], strides = [1, 1]} : vector<200x128xf32> to vector<8x128xf32>
    %min3A_2415 = arith.minimumf %slice3A_2413, %slice3A_2414 : vector<8x128xf32>
    %slice3A_2416 = vector.extract_strided_slice %concatenate3A_2412 {offsets = [0, 0], sizes = [8, 128], strides = [1, 1]} : vector<200x128xf32> to vector<8x128xf32>
    %slice3A_2417 = vector.extract_strided_slice %concatenate3A_2412 {offsets = [8, 0], sizes = [8, 128], strides = [1, 1]} : vector<200x128xf32> to vector<8x128xf32>
    %max3A_2418 = arith.maximumf %slice3A_2416, %slice3A_2417 : vector<8x128xf32>
    %broadcast_in_dim3A_2419 = arith.constant 3.000000e+38 : f32
    %broadcast_in_dim3A_2420 = vector.broadcast %broadcast_in_dim3A_2419 : f32 to vector<8x128xf32>
    %broadcast_in_dim3A_2421 = arith.constant 3.000000e+38 : f32
    %broadcast_in_dim3A_2422 = vector.broadcast %broadcast_in_dim3A_2421 : f32 to vector<8x128xf32>
    %slice3A_2423 = vector.extract_strided_slice %concatenate3A_2412 {offsets = [16, 0], sizes = [8, 128], strides = [1, 1]} : vector<200x128xf32> to vector<8x128xf32>
    %slice3A_2424 = vector.extract_strided_slice %concatenate3A_2412 {offsets = [24, 0], sizes = [8, 128], strides = [1, 1]} : vector<200x128xf32> to vector<8x128xf32>
    %min3A_2425 = arith.minimumf %slice3A_2423, %slice3A_2424 : vector<8x128xf32>
    %max3A_2426 = arith.maximumf %slice3A_2423, %slice3A_2424 : vector<8x128xf32>
    %min3A_2427 = arith.minimumf %broadcast_in_dim3A_2420, %max3A_2426 : vector<8x128xf32>
    %min3A_2428 = arith.minimumf %broadcast_in_dim3A_2422, %min3A_2425 : vector<8x128xf32>
    %min3A_2429 = arith.minimumf %min3A_2415, %min3A_2427 : vector<8x128xf32>
    %max3A_2430 = arith.maximumf %min3A_2415, %min3A_2427 : vector<8x128xf32>
    %min3A_2431 = arith.minimumf %max3A_2418, %min3A_2428 : vector<8x128xf32>
    %max3A_2432 = arith.maximumf %max3A_2418, %min3A_2428 : vector<8x128xf32>
    %min3A_2433 = arith.minimumf %min3A_2429, %min3A_2431 : vector<8x128xf32>
    %max3A_2434 = arith.maximumf %min3A_2429, %min3A_2431 : vector<8x128xf32>
    %min3A_2435 = arith.minimumf %max3A_2430, %max3A_2432 : vector<8x128xf32>
    %max3A_2436 = arith.maximumf %max3A_2430, %max3A_2432 : vector<8x128xf32>
    %slice3A_2437 = vector.extract_strided_slice %concatenate3A_2412 {offsets = [32, 0], sizes = [8, 128], strides = [1, 1]} : vector<200x128xf32> to vector<8x128xf32>
    %slice3A_2438 = vector.extract_strided_slice %concatenate3A_2412 {offsets = [40, 0], sizes = [8, 128], strides = [1, 1]} : vector<200x128xf32> to vector<8x128xf32>
    %min3A_2439 = arith.minimumf %slice3A_2437, %slice3A_2438 : vector<8x128xf32>
    %max3A_2440 = arith.maximumf %slice3A_2437, %slice3A_2438 : vector<8x128xf32>
    %min3A_2441 = arith.minimumf %min3A_2435, %max3A_2440 : vector<8x128xf32>
    %min3A_2442 = arith.minimumf %max3A_2436, %min3A_2439 : vector<8x128xf32>
    %min3A_2443 = arith.minimumf %min3A_2433, %min3A_2441 : vector<8x128xf32>
    %max3A_2444 = arith.maximumf %min3A_2433, %min3A_2441 : vector<8x128xf32>
    %min3A_2445 = arith.minimumf %max3A_2434, %min3A_2442 : vector<8x128xf32>
    %max3A_2446 = arith.maximumf %max3A_2434, %min3A_2442 : vector<8x128xf32>
    %min3A_2447 = arith.minimumf %min3A_2443, %min3A_2445 : vector<8x128xf32>
    %max3A_2448 = arith.maximumf %min3A_2443, %min3A_2445 : vector<8x128xf32>
    %min3A_2449 = arith.minimumf %max3A_2444, %max3A_2446 : vector<8x128xf32>
    %max3A_2450 = arith.maximumf %max3A_2444, %max3A_2446 : vector<8x128xf32>
    %slice3A_2451 = vector.extract_strided_slice %concatenate3A_2412 {offsets = [48, 0], sizes = [8, 128], strides = [1, 1]} : vector<200x128xf32> to vector<8x128xf32>
    %slice3A_2452 = vector.extract_strided_slice %concatenate3A_2412 {offsets = [56, 0], sizes = [8, 128], strides = [1, 1]} : vector<200x128xf32> to vector<8x128xf32>
    %min3A_2453 = arith.minimumf %slice3A_2451, %slice3A_2452 : vector<8x128xf32>
    %max3A_2454 = arith.maximumf %slice3A_2451, %slice3A_2452 : vector<8x128xf32>
    %min3A_2455 = arith.minimumf %min3A_2449, %max3A_2454 : vector<8x128xf32>
    %min3A_2456 = arith.minimumf %max3A_2450, %min3A_2453 : vector<8x128xf32>
    %min3A_2457 = arith.minimumf %min3A_2447, %min3A_2455 : vector<8x128xf32>
    %max3A_2458 = arith.maximumf %min3A_2447, %min3A_2455 : vector<8x128xf32>
    %min3A_2459 = arith.minimumf %max3A_2448, %min3A_2456 : vector<8x128xf32>
    %max3A_2460 = arith.maximumf %max3A_2448, %min3A_2456 : vector<8x128xf32>
    %min3A_2461 = arith.minimumf %min3A_2457, %min3A_2459 : vector<8x128xf32>
    %max3A_2462 = arith.maximumf %min3A_2457, %min3A_2459 : vector<8x128xf32>
    %min3A_2463 = arith.minimumf %max3A_2458, %max3A_2460 : vector<8x128xf32>
    %max3A_2464 = arith.maximumf %max3A_2458, %max3A_2460 : vector<8x128xf32>
    %slice3A_2465 = vector.extract_strided_slice %concatenate3A_2412 {offsets = [64, 0], sizes = [8, 128], strides = [1, 1]} : vector<200x128xf32> to vector<8x128xf32>
    %slice3A_2466 = vector.extract_strided_slice %concatenate3A_2412 {offsets = [72, 0], sizes = [8, 128], strides = [1, 1]} : vector<200x128xf32> to vector<8x128xf32>
    %min3A_2467 = arith.minimumf %slice3A_2465, %slice3A_2466 : vector<8x128xf32>
    %max3A_2468 = arith.maximumf %slice3A_2465, %slice3A_2466 : vector<8x128xf32>
    %min3A_2469 = arith.minimumf %min3A_2463, %max3A_2468 : vector<8x128xf32>
    %min3A_2470 = arith.minimumf %max3A_2464, %min3A_2467 : vector<8x128xf32>
    %min3A_2471 = arith.minimumf %min3A_2461, %min3A_2469 : vector<8x128xf32>
    %max3A_2472 = arith.maximumf %min3A_2461, %min3A_2469 : vector<8x128xf32>
    %min3A_2473 = arith.minimumf %max3A_2462, %min3A_2470 : vector<8x128xf32>
    %max3A_2474 = arith.maximumf %max3A_2462, %min3A_2470 : vector<8x128xf32>
    %min3A_2475 = arith.minimumf %min3A_2471, %min3A_2473 : vector<8x128xf32>
    %max3A_2476 = arith.maximumf %min3A_2471, %min3A_2473 : vector<8x128xf32>
    %min3A_2477 = arith.minimumf %max3A_2472, %max3A_2474 : vector<8x128xf32>
    %max3A_2478 = arith.maximumf %max3A_2472, %max3A_2474 : vector<8x128xf32>
    %slice3A_2479 = vector.extract_strided_slice %concatenate3A_2412 {offsets = [80, 0], sizes = [8, 128], strides = [1, 1]} : vector<200x128xf32> to vector<8x128xf32>
    %slice3A_2480 = vector.extract_strided_slice %concatenate3A_2412 {offsets = [88, 0], sizes = [8, 128], strides = [1, 1]} : vector<200x128xf32> to vector<8x128xf32>
    %min3A_2481 = arith.minimumf %slice3A_2479, %slice3A_2480 : vector<8x128xf32>
    %max3A_2482 = arith.maximumf %slice3A_2479, %slice3A_2480 : vector<8x128xf32>
    %min3A_2483 = arith.minimumf %min3A_2477, %max3A_2482 : vector<8x128xf32>
    %min3A_2484 = arith.minimumf %max3A_2478, %min3A_2481 : vector<8x128xf32>
    %min3A_2485 = arith.minimumf %min3A_2475, %min3A_2483 : vector<8x128xf32>
    %max3A_2486 = arith.maximumf %min3A_2475, %min3A_2483 : vector<8x128xf32>
    %min3A_2487 = arith.minimumf %max3A_2476, %min3A_2484 : vector<8x128xf32>
    %max3A_2488 = arith.maximumf %max3A_2476, %min3A_2484 : vector<8x128xf32>
    %min3A_2489 = arith.minimumf %min3A_2485, %min3A_2487 : vector<8x128xf32>
    %max3A_2490 = arith.maximumf %min3A_2485, %min3A_2487 : vector<8x128xf32>
    %min3A_2491 = arith.minimumf %max3A_2486, %max3A_2488 : vector<8x128xf32>
    %max3A_2492 = arith.maximumf %max3A_2486, %max3A_2488 : vector<8x128xf32>
    %slice3A_2493 = vector.extract_strided_slice %concatenate3A_2412 {offsets = [96, 0], sizes = [8, 128], strides = [1, 1]} : vector<200x128xf32> to vector<8x128xf32>
    %slice3A_2494 = vector.extract_strided_slice %concatenate3A_2412 {offsets = [104, 0], sizes = [8, 128], strides = [1, 1]} : vector<200x128xf32> to vector<8x128xf32>
    %min3A_2495 = arith.minimumf %slice3A_2493, %slice3A_2494 : vector<8x128xf32>
    %slice3A_2496 = vector.extract_strided_slice %concatenate3A_2412 {offsets = [96, 0], sizes = [8, 128], strides = [1, 1]} : vector<200x128xf32> to vector<8x128xf32>
    %slice3A_2497 = vector.extract_strided_slice %concatenate3A_2412 {offsets = [104, 0], sizes = [8, 128], strides = [1, 1]} : vector<200x128xf32> to vector<8x128xf32>
    %max3A_2498 = arith.maximumf %slice3A_2496, %slice3A_2497 : vector<8x128xf32>
    %broadcast_in_dim3A_2499 = arith.constant 3.000000e+38 : f32
    %broadcast_in_dim3A_2500 = vector.broadcast %broadcast_in_dim3A_2499 : f32 to vector<8x128xf32>
    %broadcast_in_dim3A_2501 = arith.constant 3.000000e+38 : f32
    %broadcast_in_dim3A_2502 = vector.broadcast %broadcast_in_dim3A_2501 : f32 to vector<8x128xf32>
    %slice3A_2503 = vector.extract_strided_slice %concatenate3A_2412 {offsets = [112, 0], sizes = [8, 128], strides = [1, 1]} : vector<200x128xf32> to vector<8x128xf32>
    %slice3A_2504 = vector.extract_strided_slice %concatenate3A_2412 {offsets = [120, 0], sizes = [8, 128], strides = [1, 1]} : vector<200x128xf32> to vector<8x128xf32>
    %min3A_2505 = arith.minimumf %slice3A_2503, %slice3A_2504 : vector<8x128xf32>
    %max3A_2506 = arith.maximumf %slice3A_2503, %slice3A_2504 : vector<8x128xf32>
    %min3A_2507 = arith.minimumf %broadcast_in_dim3A_2500, %max3A_2506 : vector<8x128xf32>
    %min3A_2508 = arith.minimumf %broadcast_in_dim3A_2502, %min3A_2505 : vector<8x128xf32>
    %min3A_2509 = arith.minimumf %min3A_2495, %min3A_2507 : vector<8x128xf32>
    %max3A_2510 = arith.maximumf %min3A_2495, %min3A_2507 : vector<8x128xf32>
    %min3A_2511 = arith.minimumf %max3A_2498, %min3A_2508 : vector<8x128xf32>
    %max3A_2512 = arith.maximumf %max3A_2498, %min3A_2508 : vector<8x128xf32>
    %min3A_2513 = arith.minimumf %min3A_2509, %min3A_2511 : vector<8x128xf32>
    %max3A_2514 = arith.maximumf %min3A_2509, %min3A_2511 : vector<8x128xf32>
    %min3A_2515 = arith.minimumf %max3A_2510, %max3A_2512 : vector<8x128xf32>
    %max3A_2516 = arith.maximumf %max3A_2510, %max3A_2512 : vector<8x128xf32>
    %slice3A_2517 = vector.extract_strided_slice %concatenate3A_2412 {offsets = [128, 0], sizes = [8, 128], strides = [1, 1]} : vector<200x128xf32> to vector<8x128xf32>
    %slice3A_2518 = vector.extract_strided_slice %concatenate3A_2412 {offsets = [136, 0], sizes = [8, 128], strides = [1, 1]} : vector<200x128xf32> to vector<8x128xf32>
    %min3A_2519 = arith.minimumf %slice3A_2517, %slice3A_2518 : vector<8x128xf32>
    %max3A_2520 = arith.maximumf %slice3A_2517, %slice3A_2518 : vector<8x128xf32>
    %min3A_2521 = arith.minimumf %min3A_2515, %max3A_2520 : vector<8x128xf32>
    %min3A_2522 = arith.minimumf %max3A_2516, %min3A_2519 : vector<8x128xf32>
    %min3A_2523 = arith.minimumf %min3A_2513, %min3A_2521 : vector<8x128xf32>
    %max3A_2524 = arith.maximumf %min3A_2513, %min3A_2521 : vector<8x128xf32>
    %min3A_2525 = arith.minimumf %max3A_2514, %min3A_2522 : vector<8x128xf32>
    %max3A_2526 = arith.maximumf %max3A_2514, %min3A_2522 : vector<8x128xf32>
    %min3A_2527 = arith.minimumf %min3A_2523, %min3A_2525 : vector<8x128xf32>
    %max3A_2528 = arith.maximumf %min3A_2523, %min3A_2525 : vector<8x128xf32>
    %min3A_2529 = arith.minimumf %max3A_2524, %max3A_2526 : vector<8x128xf32>
    %max3A_2530 = arith.maximumf %max3A_2524, %max3A_2526 : vector<8x128xf32>
    %slice3A_2531 = vector.extract_strided_slice %concatenate3A_2412 {offsets = [144, 0], sizes = [8, 128], strides = [1, 1]} : vector<200x128xf32> to vector<8x128xf32>
    %slice3A_2532 = vector.extract_strided_slice %concatenate3A_2412 {offsets = [152, 0], sizes = [8, 128], strides = [1, 1]} : vector<200x128xf32> to vector<8x128xf32>
    %min3A_2533 = arith.minimumf %slice3A_2531, %slice3A_2532 : vector<8x128xf32>
    %max3A_2534 = arith.maximumf %slice3A_2531, %slice3A_2532 : vector<8x128xf32>
    %min3A_2535 = arith.minimumf %min3A_2529, %max3A_2534 : vector<8x128xf32>
    %min3A_2536 = arith.minimumf %max3A_2530, %min3A_2533 : vector<8x128xf32>
    %min3A_2537 = arith.minimumf %min3A_2527, %min3A_2535 : vector<8x128xf32>
    %max3A_2538 = arith.maximumf %min3A_2527, %min3A_2535 : vector<8x128xf32>
    %min3A_2539 = arith.minimumf %max3A_2528, %min3A_2536 : vector<8x128xf32>
    %max3A_2540 = arith.maximumf %max3A_2528, %min3A_2536 : vector<8x128xf32>
    %min3A_2541 = arith.minimumf %min3A_2537, %min3A_2539 : vector<8x128xf32>
    %max3A_2542 = arith.maximumf %min3A_2537, %min3A_2539 : vector<8x128xf32>
    %min3A_2543 = arith.minimumf %max3A_2538, %max3A_2540 : vector<8x128xf32>
    %max3A_2544 = arith.maximumf %max3A_2538, %max3A_2540 : vector<8x128xf32>
    %slice3A_2545 = vector.extract_strided_slice %concatenate3A_2412 {offsets = [160, 0], sizes = [8, 128], strides = [1, 1]} : vector<200x128xf32> to vector<8x128xf32>
    %slice3A_2546 = vector.extract_strided_slice %concatenate3A_2412 {offsets = [168, 0], sizes = [8, 128], strides = [1, 1]} : vector<200x128xf32> to vector<8x128xf32>
    %min3A_2547 = arith.minimumf %slice3A_2545, %slice3A_2546 : vector<8x128xf32>
    %max3A_2548 = arith.maximumf %slice3A_2545, %slice3A_2546 : vector<8x128xf32>
    %min3A_2549 = arith.minimumf %min3A_2543, %max3A_2548 : vector<8x128xf32>
    %min3A_2550 = arith.minimumf %max3A_2544, %min3A_2547 : vector<8x128xf32>
    %min3A_2551 = arith.minimumf %min3A_2541, %min3A_2549 : vector<8x128xf32>
    %max3A_2552 = arith.maximumf %min3A_2541, %min3A_2549 : vector<8x128xf32>
    %min3A_2553 = arith.minimumf %max3A_2542, %min3A_2550 : vector<8x128xf32>
    %max3A_2554 = arith.maximumf %max3A_2542, %min3A_2550 : vector<8x128xf32>
    %min3A_2555 = arith.minimumf %min3A_2551, %min3A_2553 : vector<8x128xf32>
    %max3A_2556 = arith.maximumf %min3A_2551, %min3A_2553 : vector<8x128xf32>
    %min3A_2557 = arith.minimumf %max3A_2552, %max3A_2554 : vector<8x128xf32>
    %max3A_2558 = arith.maximumf %max3A_2552, %max3A_2554 : vector<8x128xf32>
    %slice3A_2559 = vector.extract_strided_slice %concatenate3A_2412 {offsets = [176, 0], sizes = [8, 128], strides = [1, 1]} : vector<200x128xf32> to vector<8x128xf32>
    %slice3A_2560 = vector.extract_strided_slice %concatenate3A_2412 {offsets = [184, 0], sizes = [8, 128], strides = [1, 1]} : vector<200x128xf32> to vector<8x128xf32>
    %min3A_2561 = arith.minimumf %slice3A_2559, %slice3A_2560 : vector<8x128xf32>
    %max3A_2562 = arith.maximumf %slice3A_2559, %slice3A_2560 : vector<8x128xf32>
    %min3A_2563 = arith.minimumf %min3A_2557, %max3A_2562 : vector<8x128xf32>
    %min3A_2564 = arith.minimumf %max3A_2558, %min3A_2561 : vector<8x128xf32>
    %min3A_2565 = arith.minimumf %min3A_2555, %min3A_2563 : vector<8x128xf32>
    %max3A_2566 = arith.maximumf %min3A_2555, %min3A_2563 : vector<8x128xf32>
    %min3A_2567 = arith.minimumf %max3A_2556, %min3A_2564 : vector<8x128xf32>
    %max3A_2568 = arith.maximumf %max3A_2556, %min3A_2564 : vector<8x128xf32>
    %min3A_2569 = arith.minimumf %min3A_2565, %min3A_2567 : vector<8x128xf32>
    %max3A_2570 = arith.maximumf %min3A_2565, %min3A_2567 : vector<8x128xf32>
    %min3A_2571 = arith.minimumf %max3A_2566, %max3A_2568 : vector<8x128xf32>
    %max3A_2572 = arith.maximumf %max3A_2566, %max3A_2568 : vector<8x128xf32>
    %slice3A_2573 = vector.extract_strided_slice %concatenate3A_2412 {offsets = [192, 0], sizes = [8, 128], strides = [1, 1]} : vector<200x128xf32> to vector<8x128xf32>
    %min3A_2574 = arith.minimumf %min3A_2569, %slice3A_2573 : vector<8x128xf32>
    %max3A_2575 = arith.maximumf %min3A_2569, %slice3A_2573 : vector<8x128xf32>
    %min3A_2576 = arith.minimumf %max3A_2570, %max3A_2575 : vector<8x128xf32>
    %max3A_2577 = arith.maximumf %max3A_2570, %max3A_2575 : vector<8x128xf32>
    %min3A_2578 = arith.minimumf %min3A_2571, %max3A_2577 : vector<8x128xf32>
    %max3A_2579 = arith.maximumf %min3A_2571, %max3A_2577 : vector<8x128xf32>
    %min3A_2580 = arith.minimumf %max3A_2572, %max3A_2579 : vector<8x128xf32>
    %min3A_2581 = arith.minimumf %min3A_2489, %min3A_2580 : vector<8x128xf32>
    %min3A_2582 = arith.minimumf %max3A_2490, %min3A_2578 : vector<8x128xf32>
    %min3A_2583 = arith.minimumf %min3A_2491, %min3A_2576 : vector<8x128xf32>
    %min3A_2584 = arith.minimumf %max3A_2492, %min3A_2574 : vector<8x128xf32>
    %min3A_2585 = arith.minimumf %min3A_2581, %min3A_2583 : vector<8x128xf32>
    %max3A_2586 = arith.maximumf %min3A_2581, %min3A_2583 : vector<8x128xf32>
    %min3A_2587 = arith.minimumf %min3A_2582, %min3A_2584 : vector<8x128xf32>
    %max3A_2588 = arith.maximumf %min3A_2582, %min3A_2584 : vector<8x128xf32>
    %min3A_2589 = arith.minimumf %min3A_2585, %min3A_2587 : vector<8x128xf32>
    %max3A_2590 = arith.maximumf %min3A_2585, %min3A_2587 : vector<8x128xf32>
    %min3A_2591 = arith.minimumf %max3A_2586, %max3A_2588 : vector<8x128xf32>
    %max3A_2592 = arith.maximumf %max3A_2586, %max3A_2588 : vector<8x128xf32>
    %slice3A_2593 = vector.extract_strided_slice %min3A_2589 {offsets = [4, 0], sizes = [4, 128], strides = [1, 1]} : vector<8x128xf32> to vector<4x128xf32>
    %slice3A_2594 = vector.extract_strided_slice %min3A_2589 {offsets = [0, 0], sizes = [4, 128], strides = [1, 1]} : vector<8x128xf32> to vector<4x128xf32>
    %concatenate3A_2595 = tpu.concatenate %slice3A_2593, %slice3A_2594 in 0 : vector<4x128xf32>, vector<4x128xf32> -> vector<8x128xf32>
    %slice3A_2596 = vector.extract_strided_slice %max3A_2590 {offsets = [4, 0], sizes = [4, 128], strides = [1, 1]} : vector<8x128xf32> to vector<4x128xf32>
    %slice3A_2597 = vector.extract_strided_slice %max3A_2590 {offsets = [0, 0], sizes = [4, 128], strides = [1, 1]} : vector<8x128xf32> to vector<4x128xf32>
    %concatenate3A_2598 = tpu.concatenate %slice3A_2596, %slice3A_2597 in 0 : vector<4x128xf32>, vector<4x128xf32> -> vector<8x128xf32>
    %slice3A_2599 = vector.extract_strided_slice %min3A_2591 {offsets = [4, 0], sizes = [4, 128], strides = [1, 1]} : vector<8x128xf32> to vector<4x128xf32>
    %slice3A_2600 = vector.extract_strided_slice %min3A_2591 {offsets = [0, 0], sizes = [4, 128], strides = [1, 1]} : vector<8x128xf32> to vector<4x128xf32>
    %concatenate3A_2601 = tpu.concatenate %slice3A_2599, %slice3A_2600 in 0 : vector<4x128xf32>, vector<4x128xf32> -> vector<8x128xf32>
    %slice3A_2602 = vector.extract_strided_slice %max3A_2592 {offsets = [4, 0], sizes = [4, 128], strides = [1, 1]} : vector<8x128xf32> to vector<4x128xf32>
    %slice3A_2603 = vector.extract_strided_slice %max3A_2592 {offsets = [0, 0], sizes = [4, 128], strides = [1, 1]} : vector<8x128xf32> to vector<4x128xf32>
    %concatenate3A_2604 = tpu.concatenate %slice3A_2602, %slice3A_2603 in 0 : vector<4x128xf32>, vector<4x128xf32> -> vector<8x128xf32>
    %min3A_2605 = arith.minimumf %min3A_2589, %concatenate3A_2604 : vector<8x128xf32>
    %min3A_2606 = arith.minimumf %max3A_2590, %concatenate3A_2601 : vector<8x128xf32>
    %min3A_2607 = arith.minimumf %min3A_2591, %concatenate3A_2598 : vector<8x128xf32>
    %min3A_2608 = arith.minimumf %max3A_2592, %concatenate3A_2595 : vector<8x128xf32>
    %min3A_2609 = arith.minimumf %min3A_2605, %min3A_2607 : vector<8x128xf32>
    %max3A_2610 = arith.maximumf %min3A_2605, %min3A_2607 : vector<8x128xf32>
    %min3A_2611 = arith.minimumf %min3A_2606, %min3A_2608 : vector<8x128xf32>
    %max3A_2612 = arith.maximumf %min3A_2606, %min3A_2608 : vector<8x128xf32>
    %min3A_2613 = arith.minimumf %min3A_2609, %min3A_2611 : vector<8x128xf32>
    %max3A_2614 = arith.maximumf %min3A_2609, %min3A_2611 : vector<8x128xf32>
    %min3A_2615 = arith.minimumf %max3A_2610, %max3A_2612 : vector<8x128xf32>
    %max3A_2616 = arith.maximumf %max3A_2610, %max3A_2612 : vector<8x128xf32>
    %slice3A_2617 = vector.extract_strided_slice %min3A_2613 {offsets = [2, 0], sizes = [6, 128], strides = [1, 1]} : vector<8x128xf32> to vector<6x128xf32>
    %slice3A_2618 = vector.extract_strided_slice %min3A_2613 {offsets = [0, 0], sizes = [2, 128], strides = [1, 1]} : vector<8x128xf32> to vector<2x128xf32>
    %concatenate3A_2619 = tpu.concatenate %slice3A_2617, %slice3A_2618 in 0 : vector<6x128xf32>, vector<2x128xf32> -> vector<8x128xf32>
    %slice3A_2620 = vector.extract_strided_slice %max3A_2614 {offsets = [2, 0], sizes = [6, 128], strides = [1, 1]} : vector<8x128xf32> to vector<6x128xf32>
    %slice3A_2621 = vector.extract_strided_slice %max3A_2614 {offsets = [0, 0], sizes = [2, 128], strides = [1, 1]} : vector<8x128xf32> to vector<2x128xf32>
    %concatenate3A_2622 = tpu.concatenate %slice3A_2620, %slice3A_2621 in 0 : vector<6x128xf32>, vector<2x128xf32> -> vector<8x128xf32>
    %slice3A_2623 = vector.extract_strided_slice %min3A_2615 {offsets = [2, 0], sizes = [6, 128], strides = [1, 1]} : vector<8x128xf32> to vector<6x128xf32>
    %slice3A_2624 = vector.extract_strided_slice %min3A_2615 {offsets = [0, 0], sizes = [2, 128], strides = [1, 1]} : vector<8x128xf32> to vector<2x128xf32>
    %concatenate3A_2625 = tpu.concatenate %slice3A_2623, %slice3A_2624 in 0 : vector<6x128xf32>, vector<2x128xf32> -> vector<8x128xf32>
    %slice3A_2626 = vector.extract_strided_slice %max3A_2616 {offsets = [2, 0], sizes = [6, 128], strides = [1, 1]} : vector<8x128xf32> to vector<6x128xf32>
    %slice3A_2627 = vector.extract_strided_slice %max3A_2616 {offsets = [0, 0], sizes = [2, 128], strides = [1, 1]} : vector<8x128xf32> to vector<2x128xf32>
    %concatenate3A_2628 = tpu.concatenate %slice3A_2626, %slice3A_2627 in 0 : vector<6x128xf32>, vector<2x128xf32> -> vector<8x128xf32>
    %min3A_2629 = arith.minimumf %min3A_2613, %concatenate3A_2628 : vector<8x128xf32>
    %min3A_2630 = arith.minimumf %max3A_2614, %concatenate3A_2625 : vector<8x128xf32>
    %min3A_2631 = arith.minimumf %min3A_2615, %concatenate3A_2622 : vector<8x128xf32>
    %min3A_2632 = arith.minimumf %max3A_2616, %concatenate3A_2619 : vector<8x128xf32>
    %min3A_2633 = arith.minimumf %min3A_2629, %min3A_2631 : vector<8x128xf32>
    %max3A_2634 = arith.maximumf %min3A_2629, %min3A_2631 : vector<8x128xf32>
    %min3A_2635 = arith.minimumf %min3A_2630, %min3A_2632 : vector<8x128xf32>
    %max3A_2636 = arith.maximumf %min3A_2630, %min3A_2632 : vector<8x128xf32>
    %min3A_2637 = arith.minimumf %min3A_2633, %min3A_2635 : vector<8x128xf32>
    %max3A_2638 = arith.maximumf %min3A_2633, %min3A_2635 : vector<8x128xf32>
    %min3A_2639 = arith.minimumf %max3A_2634, %max3A_2636 : vector<8x128xf32>
    %max3A_2640 = arith.maximumf %max3A_2634, %max3A_2636 : vector<8x128xf32>
    %slice3A_2641 = vector.extract_strided_slice %min3A_2637 {offsets = [1, 0], sizes = [7, 128], strides = [1, 1]} : vector<8x128xf32> to vector<7x128xf32>
    %slice3A_2642 = vector.extract_strided_slice %min3A_2637 {offsets = [0, 0], sizes = [1, 128], strides = [1, 1]} : vector<8x128xf32> to vector<1x128xf32>
    %concatenate3A_2643 = tpu.concatenate %slice3A_2641, %slice3A_2642 in 0 : vector<7x128xf32>, vector<1x128xf32> -> vector<8x128xf32>
    %slice3A_2644 = vector.extract_strided_slice %max3A_2638 {offsets = [1, 0], sizes = [7, 128], strides = [1, 1]} : vector<8x128xf32> to vector<7x128xf32>
    %slice3A_2645 = vector.extract_strided_slice %max3A_2638 {offsets = [0, 0], sizes = [1, 128], strides = [1, 1]} : vector<8x128xf32> to vector<1x128xf32>
    %concatenate3A_2646 = tpu.concatenate %slice3A_2644, %slice3A_2645 in 0 : vector<7x128xf32>, vector<1x128xf32> -> vector<8x128xf32>
    %slice3A_2647 = vector.extract_strided_slice %min3A_2639 {offsets = [1, 0], sizes = [7, 128], strides = [1, 1]} : vector<8x128xf32> to vector<7x128xf32>
    %slice3A_2648 = vector.extract_strided_slice %min3A_2639 {offsets = [0, 0], sizes = [1, 128], strides = [1, 1]} : vector<8x128xf32> to vector<1x128xf32>
    %concatenate3A_2649 = tpu.concatenate %slice3A_2647, %slice3A_2648 in 0 : vector<7x128xf32>, vector<1x128xf32> -> vector<8x128xf32>
    %slice3A_2650 = vector.extract_strided_slice %max3A_2640 {offsets = [1, 0], sizes = [7, 128], strides = [1, 1]} : vector<8x128xf32> to vector<7x128xf32>
    %slice3A_2651 = vector.extract_strided_slice %max3A_2640 {offsets = [0, 0], sizes = [1, 128], strides = [1, 1]} : vector<8x128xf32> to vector<1x128xf32>
    %concatenate3A_2652 = tpu.concatenate %slice3A_2650, %slice3A_2651 in 0 : vector<7x128xf32>, vector<1x128xf32> -> vector<8x128xf32>
    %min3A_2653 = arith.minimumf %min3A_2637, %concatenate3A_2652 : vector<8x128xf32>
    %min3A_2654 = arith.minimumf %max3A_2638, %concatenate3A_2649 : vector<8x128xf32>
    %min3A_2655 = arith.minimumf %min3A_2639, %concatenate3A_2646 : vector<8x128xf32>
    %min3A_2656 = arith.minimumf %max3A_2640, %concatenate3A_2643 : vector<8x128xf32>
    %min3A_2657 = arith.minimumf %min3A_2653, %min3A_2655 : vector<8x128xf32>
    %max3A_2658 = arith.maximumf %min3A_2653, %min3A_2655 : vector<8x128xf32>
    %min3A_2659 = arith.minimumf %min3A_2654, %min3A_2656 : vector<8x128xf32>
    %max3A_2660 = arith.maximumf %min3A_2654, %min3A_2656 : vector<8x128xf32>
    %min3A_2661 = arith.minimumf %min3A_2657, %min3A_2659 : vector<8x128xf32>
    %max3A_2662 = arith.maximumf %min3A_2657, %min3A_2659 : vector<8x128xf32>
    %min3A_2663 = arith.minimumf %max3A_2658, %max3A_2660 : vector<8x128xf32>
    %max3A_2664 = arith.maximumf %max3A_2658, %max3A_2660 : vector<8x128xf32>
    %slice3A_2665 = vector.extract_strided_slice %min3A_2661 {offsets = [0, 0], sizes = [1, 128], strides = [1, 1]} : vector<8x128xf32> to vector<1x128xf32>
    %sqrt3A_2666 = math.sqrt %slice3A_2665 : vector<1x128xf32>
    %swap3A_2667 = arith.constant 6 : index
    %swap3A_2668 = arith.constant 0 : index
    %swap3A_2669 = arith.constant 0 : index
    %swap3A_2670 = vector.load %arg3[%swap3A_2667, %swap3A_2668, %swap3A_2669] : memref<8x4x128xf32, #tpu.memory_space<vmem>>, vector<1x1x128xf32>
    %swap3A_2671 = vector.shape_cast %swap3A_2670 : vector<1x1x128xf32> to vector<1x128xf32>
    %swap3A_2672 = vector.shape_cast %sqrt3A_2666 : vector<1x128xf32> to vector<1x1x128xf32>
    tpu.vector_store %arg3[%swap3A_2667, %swap3A_2668, %swap3A_2669], %swap3A_2672 {strides = array<i32>} : memref<8x4x128xf32, #tpu.memory_space<vmem>>, vector<1x1x128xf32>,
    %slice3A_2673 = vector.extract_strided_slice %max3A_2662 {offsets = [0, 0], sizes = [1, 128], strides = [1, 1]} : vector<8x128xf32> to vector<1x128xf32>
    %sqrt3A_2674 = math.sqrt %slice3A_2673 : vector<1x128xf32>
    %swap3A_2675 = arith.constant 6 : index
    %swap3A_2676 = arith.constant 1 : index
    %swap3A_2677 = arith.constant 0 : index
    %swap3A_2678 = vector.load %arg3[%swap3A_2675, %swap3A_2676, %swap3A_2677] : memref<8x4x128xf32, #tpu.memory_space<vmem>>, vector<1x1x128xf32>
    %swap3A_2679 = vector.shape_cast %swap3A_2678 : vector<1x1x128xf32> to vector<1x128xf32>
    %swap3A_2680 = vector.shape_cast %sqrt3A_2674 : vector<1x128xf32> to vector<1x1x128xf32>
    tpu.vector_store %arg3[%swap3A_2675, %swap3A_2676, %swap3A_2677], %swap3A_2680 {strides = array<i32>} : memref<8x4x128xf32, #tpu.memory_space<vmem>>, vector<1x1x128xf32>,
    %slice3A_2681 = vector.extract_strided_slice %min3A_2663 {offsets = [0, 0], sizes = [1, 128], strides = [1, 1]} : vector<8x128xf32> to vector<1x128xf32>
    %sqrt3A_2682 = math.sqrt %slice3A_2681 : vector<1x128xf32>
    %swap3A_2683 = arith.constant 6 : index
    %swap3A_2684 = arith.constant 2 : index
    %swap3A_2685 = arith.constant 0 : index
    %swap3A_2686 = vector.load %arg3[%swap3A_2683, %swap3A_2684, %swap3A_2685] : memref<8x4x128xf32, #tpu.memory_space<vmem>>, vector<1x1x128xf32>
    %swap3A_2687 = vector.shape_cast %swap3A_2686 : vector<1x1x128xf32> to vector<1x128xf32>
    %swap3A_2688 = vector.shape_cast %sqrt3A_2682 : vector<1x128xf32> to vector<1x1x128xf32>
    tpu.vector_store %arg3[%swap3A_2683, %swap3A_2684, %swap3A_2685], %swap3A_2688 {strides = array<i32>} : memref<8x4x128xf32, #tpu.memory_space<vmem>>, vector<1x1x128xf32>,
    %slice3A_2689 = vector.extract_strided_slice %max3A_2664 {offsets = [0, 0], sizes = [1, 128], strides = [1, 1]} : vector<8x128xf32> to vector<1x128xf32>
    %sqrt3A_2690 = math.sqrt %slice3A_2689 : vector<1x128xf32>
    %swap3A_2691 = arith.constant 6 : index
    %swap3A_2692 = arith.constant 3 : index
    %swap3A_2693 = arith.constant 0 : index
    %swap3A_2694 = vector.load %arg3[%swap3A_2691, %swap3A_2692, %swap3A_2693] : memref<8x4x128xf32, #tpu.memory_space<vmem>>, vector<1x1x128xf32>
    %swap3A_2695 = vector.shape_cast %swap3A_2694 : vector<1x1x128xf32> to vector<1x128xf32>
    %swap3A_2696 = vector.shape_cast %sqrt3A_2690 : vector<1x128xf32> to vector<1x1x128xf32>
    tpu.vector_store %arg3[%swap3A_2691, %swap3A_2692, %swap3A_2693], %swap3A_2696 {strides = array<i32>} : memref<8x4x128xf32, #tpu.memory_space<vmem>>, vector<1x1x128xf32>,
    %get3A_2697 = arith.constant 14 : index
    %get3A_2698 = arith.constant 0 : index
    %get3A_2699 = arith.constant 0 : index
    %get3A_2700 = vector.load %arg1[%get3A_2697, %get3A_2698, %get3A_2699] : memref<16x200x128xf32, #tpu.memory_space<vmem>>, vector<1x200x128xf32>
    %get3A_2701 = vector.shape_cast %get3A_2700 : vector<1x200x128xf32> to vector<200x128xf32>
    %get3A_2702 = arith.constant 14 : index
    %get3A_2703 = arith.constant 0 : index
    %get3A_2704 = arith.constant 0 : index
    %get3A_2705 = vector.load %arg2[%get3A_2702, %get3A_2703, %get3A_2704] : memref<16x64x128xf32, #tpu.memory_space<vmem>>, vector<1x64x128xf32>
    %get3A_2706 = vector.shape_cast %get3A_2705 : vector<1x64x128xf32> to vector<64x128xf32>
    %broadcast_in_dim3A_2707 = arith.constant 1.000000e+00 : f32
    %broadcast_in_dim3A_2708 = vector.broadcast %broadcast_in_dim3A_2707 : f32 to vector<1x128xf32>
    %mul3A_2709 = arith.mulf %get3A_2701, %get3A_2701 : vector<200x128xf32>
    %dot_general3A_2710 = arith.constant dense<0.000000e+00> : vector<200x1xf32>
    %dot_general3A_2711 = tpu.matmul %mul3A_2709, %broadcast_in_dim3A_2708, %dot_general3A_2710 {dimension_numbers = #tpu.dot_dimension_numbers<[1], [1], [0], [0], [0, 0, 1, 0], [], []>, transpose_lhs_hint = false} : vector<200x128xf32>, vector<1x128xf32>, vector<200x1xf32> -> vector<200x1xf32>
    %max3A_2712 = arith.constant 1.000000e-24 : f32
    %max3A_2713 = vector.broadcast %max3A_2712 : f32 to vector<200x1xf32>
    %max3A_2714 = arith.maximumf %dot_general3A_2711, %max3A_2713 : vector<200x1xf32>
    %rsqrt3A_2715 = math.rsqrt %max3A_2714 : vector<200x1xf32>
    %mul3A_2716 = arith.mulf %dot_general3A_2711, %rsqrt3A_2715 : vector<200x1xf32>
    %mul3A_2717 = arith.mulf %mul3A_2716, %rsqrt3A_2715 : vector<200x1xf32>
    %mul3A_2718 = arith.mulf %get3A_2706, %get3A_2706 : vector<64x128xf32>
    %dot_general3A_2719 = arith.constant dense<0.000000e+00> : vector<64x1xf32>
    %dot_general3A_2720 = tpu.matmul %mul3A_2718, %broadcast_in_dim3A_2708, %dot_general3A_2719 {dimension_numbers = #tpu.dot_dimension_numbers<[1], [1], [0], [0], [0, 0, 1, 0], [], []>, transpose_lhs_hint = false} : vector<64x128xf32>, vector<1x128xf32>, vector<64x1xf32> -> vector<64x1xf32>
    %max3A_2721 = arith.constant 1.000000e-24 : f32
    %max3A_2722 = vector.broadcast %max3A_2721 : f32 to vector<64x1xf32>
    %max3A_2723 = arith.maximumf %dot_general3A_2720, %max3A_2722 : vector<64x1xf32>
    %rsqrt3A_2724 = math.rsqrt %max3A_2723 : vector<64x1xf32>
    %mul3A_2725 = arith.mulf %dot_general3A_2720, %rsqrt3A_2724 : vector<64x1xf32>
    %mul3A_2726 = arith.mulf %mul3A_2725, %rsqrt3A_2724 : vector<64x1xf32>
    %mul3A_2727 = arith.constant -2.000000e+00 : f32
    %mul3A_2728 = vector.broadcast %mul3A_2727 : f32 to vector<64x1xf32>
    %mul3A_2729 = arith.mulf %mul3A_2728, %rsqrt3A_2724 : vector<64x1xf32>
    %mul3A_2730 = vector.broadcast %mul3A_2729 : vector<64x1xf32> to vector<64x128xf32>
    %mul3A_2731 = arith.mulf %get3A_2706, %mul3A_2730 : vector<64x128xf32>
    %dot_general3A_2732 = arith.constant dense<0.000000e+00> : vector<200x64xf32>
    %dot_general3A_2733 = tpu.matmul %get3A_2701, %mul3A_2731, %dot_general3A_2732 {dimension_numbers = #tpu.dot_dimension_numbers<[1], [1], [0], [0], [0, 0, 1, 0], [], []>, transpose_lhs_hint = false} : vector<200x128xf32>, vector<64x128xf32>, vector<200x64xf32> -> vector<200x64xf32>
    %broadcast_in_dim3A_2734 = arith.constant 1.000000e+00 : f32
    %broadcast_in_dim3A_2735 = vector.broadcast %broadcast_in_dim3A_2734 : f32 to vector<200x1xf32>
    %concatenate3A_2736 = tpu.concatenate %mul3A_2717, %broadcast_in_dim3A_2735 in 1 : vector<200x1xf32>, vector<200x1xf32> -> vector<200x2xf32>
    %broadcast_in_dim3A_2737 = arith.constant 1.000000e+00 : f32
    %broadcast_in_dim3A_2738 = vector.broadcast %broadcast_in_dim3A_2737 : f32 to vector<64x1xf32>
    %concatenate3A_2739 = tpu.concatenate %broadcast_in_dim3A_2738, %mul3A_2726 in 1 : vector<64x1xf32>, vector<64x1xf32> -> vector<64x2xf32>
    %dot_general3A_2740 = arith.constant dense<0.000000e+00> : vector<200x64xf32>
    %dot_general3A_2741 = tpu.matmul %concatenate3A_2736, %concatenate3A_2739, %dot_general3A_2740 {dimension_numbers = #tpu.dot_dimension_numbers<[1], [1], [0], [0], [0, 0, 1, 0], [], []>, transpose_lhs_hint = false} : vector<200x2xf32>, vector<64x2xf32>, vector<200x64xf32> -> vector<200x64xf32>
    %mul3A_2742 = vector.broadcast %rsqrt3A_2715 : vector<200x1xf32> to vector<200x64xf32>
    %mul3A_2743 = arith.mulf %dot_general3A_2733, %mul3A_2742 : vector<200x64xf32>
    %add3A_2744 = arith.addf %mul3A_2743, %dot_general3A_2741 : vector<200x64xf32>
    %max3A_2745 = arith.constant 0.000000e+00 : f32
    %max3A_2746 = vector.broadcast %max3A_2745 : f32 to vector<200x64xf32>
    %max3A_2747 = arith.maximumf %add3A_2744, %max3A_2746 : vector<200x64xf32>
    %get3A_2748 = arith.constant 15 : index
    %get3A_2749 = arith.constant 0 : index
    %get3A_2750 = arith.constant 0 : index
    %get3A_2751 = vector.load %arg1[%get3A_2748, %get3A_2749, %get3A_2750] : memref<16x200x128xf32, #tpu.memory_space<vmem>>, vector<1x200x128xf32>
    %get3A_2752 = vector.shape_cast %get3A_2751 : vector<1x200x128xf32> to vector<200x128xf32>
    %get3A_2753 = arith.constant 15 : index
    %get3A_2754 = arith.constant 0 : index
    %get3A_2755 = arith.constant 0 : index
    %get3A_2756 = vector.load %arg2[%get3A_2753, %get3A_2754, %get3A_2755] : memref<16x64x128xf32, #tpu.memory_space<vmem>>, vector<1x64x128xf32>
    %get3A_2757 = vector.shape_cast %get3A_2756 : vector<1x64x128xf32> to vector<64x128xf32>
    %broadcast_in_dim3A_2758 = arith.constant 1.000000e+00 : f32
    %broadcast_in_dim3A_2759 = vector.broadcast %broadcast_in_dim3A_2758 : f32 to vector<1x128xf32>
    %mul3A_2760 = arith.mulf %get3A_2752, %get3A_2752 : vector<200x128xf32>
    %dot_general3A_2761 = arith.constant dense<0.000000e+00> : vector<200x1xf32>
    %dot_general3A_2762 = tpu.matmul %mul3A_2760, %broadcast_in_dim3A_2759, %dot_general3A_2761 {dimension_numbers = #tpu.dot_dimension_numbers<[1], [1], [0], [0], [0, 0, 1, 0], [], []>, transpose_lhs_hint = false} : vector<200x128xf32>, vector<1x128xf32>, vector<200x1xf32> -> vector<200x1xf32>
    %max3A_2763 = arith.constant 1.000000e-24 : f32
    %max3A_2764 = vector.broadcast %max3A_2763 : f32 to vector<200x1xf32>
    %max3A_2765 = arith.maximumf %dot_general3A_2762, %max3A_2764 : vector<200x1xf32>
    %rsqrt3A_2766 = math.rsqrt %max3A_2765 : vector<200x1xf32>
    %mul3A_2767 = arith.mulf %dot_general3A_2762, %rsqrt3A_2766 : vector<200x1xf32>
    %mul3A_2768 = arith.mulf %mul3A_2767, %rsqrt3A_2766 : vector<200x1xf32>
    %mul3A_2769 = arith.mulf %get3A_2757, %get3A_2757 : vector<64x128xf32>
    %dot_general3A_2770 = arith.constant dense<0.000000e+00> : vector<64x1xf32>
    %dot_general3A_2771 = tpu.matmul %mul3A_2769, %broadcast_in_dim3A_2759, %dot_general3A_2770 {dimension_numbers = #tpu.dot_dimension_numbers<[1], [1], [0], [0], [0, 0, 1, 0], [], []>, transpose_lhs_hint = false} : vector<64x128xf32>, vector<1x128xf32>, vector<64x1xf32> -> vector<64x1xf32>
    %max3A_2772 = arith.constant 1.000000e-24 : f32
    %max3A_2773 = vector.broadcast %max3A_2772 : f32 to vector<64x1xf32>
    %max3A_2774 = arith.maximumf %dot_general3A_2771, %max3A_2773 : vector<64x1xf32>
    %rsqrt3A_2775 = math.rsqrt %max3A_2774 : vector<64x1xf32>
    %mul3A_2776 = arith.mulf %dot_general3A_2771, %rsqrt3A_2775 : vector<64x1xf32>
    %mul3A_2777 = arith.mulf %mul3A_2776, %rsqrt3A_2775 : vector<64x1xf32>
    %mul3A_2778 = arith.constant -2.000000e+00 : f32
    %mul3A_2779 = vector.broadcast %mul3A_2778 : f32 to vector<64x1xf32>
    %mul3A_2780 = arith.mulf %mul3A_2779, %rsqrt3A_2775 : vector<64x1xf32>
    %mul3A_2781 = vector.broadcast %mul3A_2780 : vector<64x1xf32> to vector<64x128xf32>
    %mul3A_2782 = arith.mulf %get3A_2757, %mul3A_2781 : vector<64x128xf32>
    %dot_general3A_2783 = arith.constant dense<0.000000e+00> : vector<200x64xf32>
    %dot_general3A_2784 = tpu.matmul %get3A_2752, %mul3A_2782, %dot_general3A_2783 {dimension_numbers = #tpu.dot_dimension_numbers<[1], [1], [0], [0], [0, 0, 1, 0], [], []>, transpose_lhs_hint = false} : vector<200x128xf32>, vector<64x128xf32>, vector<200x64xf32> -> vector<200x64xf32>
    %broadcast_in_dim3A_2785 = arith.constant 1.000000e+00 : f32
    %broadcast_in_dim3A_2786 = vector.broadcast %broadcast_in_dim3A_2785 : f32 to vector<200x1xf32>
    %concatenate3A_2787 = tpu.concatenate %mul3A_2768, %broadcast_in_dim3A_2786 in 1 : vector<200x1xf32>, vector<200x1xf32> -> vector<200x2xf32>
    %broadcast_in_dim3A_2788 = arith.constant 1.000000e+00 : f32
    %broadcast_in_dim3A_2789 = vector.broadcast %broadcast_in_dim3A_2788 : f32 to vector<64x1xf32>
    %concatenate3A_2790 = tpu.concatenate %broadcast_in_dim3A_2789, %mul3A_2777 in 1 : vector<64x1xf32>, vector<64x1xf32> -> vector<64x2xf32>
    %dot_general3A_2791 = arith.constant dense<0.000000e+00> : vector<200x64xf32>
    %dot_general3A_2792 = tpu.matmul %concatenate3A_2787, %concatenate3A_2790, %dot_general3A_2791 {dimension_numbers = #tpu.dot_dimension_numbers<[1], [1], [0], [0], [0, 0, 1, 0], [], []>, transpose_lhs_hint = false} : vector<200x2xf32>, vector<64x2xf32>, vector<200x64xf32> -> vector<200x64xf32>
    %mul3A_2793 = vector.broadcast %rsqrt3A_2766 : vector<200x1xf32> to vector<200x64xf32>
    %mul3A_2794 = arith.mulf %dot_general3A_2784, %mul3A_2793 : vector<200x64xf32>
    %add3A_2795 = arith.addf %mul3A_2794, %dot_general3A_2792 : vector<200x64xf32>
    %max3A_2796 = arith.constant 0.000000e+00 : f32
    %max3A_2797 = vector.broadcast %max3A_2796 : f32 to vector<200x64xf32>
    %max3A_2798 = arith.maximumf %add3A_2795, %max3A_2797 : vector<200x64xf32>
    %concatenate3A_2799 = tpu.concatenate %max3A_2747, %max3A_2798 in 1 : vector<200x64xf32>, vector<200x64xf32> -> vector<200x128xf32>
    %slice3A_2800 = vector.extract_strided_slice %concatenate3A_2799 {offsets = [0, 0], sizes = [8, 128], strides = [1, 1]} : vector<200x128xf32> to vector<8x128xf32>
    %slice3A_2801 = vector.extract_strided_slice %concatenate3A_2799 {offsets = [8, 0], sizes = [8, 128], strides = [1, 1]} : vector<200x128xf32> to vector<8x128xf32>
    %min3A_2802 = arith.minimumf %slice3A_2800, %slice3A_2801 : vector<8x128xf32>
    %slice3A_2803 = vector.extract_strided_slice %concatenate3A_2799 {offsets = [0, 0], sizes = [8, 128], strides = [1, 1]} : vector<200x128xf32> to vector<8x128xf32>
    %slice3A_2804 = vector.extract_strided_slice %concatenate3A_2799 {offsets = [8, 0], sizes = [8, 128], strides = [1, 1]} : vector<200x128xf32> to vector<8x128xf32>
    %max3A_2805 = arith.maximumf %slice3A_2803, %slice3A_2804 : vector<8x128xf32>
    %broadcast_in_dim3A_2806 = arith.constant 3.000000e+38 : f32
    %broadcast_in_dim3A_2807 = vector.broadcast %broadcast_in_dim3A_2806 : f32 to vector<8x128xf32>
    %broadcast_in_dim3A_2808 = arith.constant 3.000000e+38 : f32
    %broadcast_in_dim3A_2809 = vector.broadcast %broadcast_in_dim3A_2808 : f32 to vector<8x128xf32>
    %slice3A_2810 = vector.extract_strided_slice %concatenate3A_2799 {offsets = [16, 0], sizes = [8, 128], strides = [1, 1]} : vector<200x128xf32> to vector<8x128xf32>
    %slice3A_2811 = vector.extract_strided_slice %concatenate3A_2799 {offsets = [24, 0], sizes = [8, 128], strides = [1, 1]} : vector<200x128xf32> to vector<8x128xf32>
    %min3A_2812 = arith.minimumf %slice3A_2810, %slice3A_2811 : vector<8x128xf32>
    %max3A_2813 = arith.maximumf %slice3A_2810, %slice3A_2811 : vector<8x128xf32>
    %min3A_2814 = arith.minimumf %broadcast_in_dim3A_2807, %max3A_2813 : vector<8x128xf32>
    %min3A_2815 = arith.minimumf %broadcast_in_dim3A_2809, %min3A_2812 : vector<8x128xf32>
    %min3A_2816 = arith.minimumf %min3A_2802, %min3A_2814 : vector<8x128xf32>
    %max3A_2817 = arith.maximumf %min3A_2802, %min3A_2814 : vector<8x128xf32>
    %min3A_2818 = arith.minimumf %max3A_2805, %min3A_2815 : vector<8x128xf32>
    %max3A_2819 = arith.maximumf %max3A_2805, %min3A_2815 : vector<8x128xf32>
    %min3A_2820 = arith.minimumf %min3A_2816, %min3A_2818 : vector<8x128xf32>
    %max3A_2821 = arith.maximumf %min3A_2816, %min3A_2818 : vector<8x128xf32>
    %min3A_2822 = arith.minimumf %max3A_2817, %max3A_2819 : vector<8x128xf32>
    %max3A_2823 = arith.maximumf %max3A_2817, %max3A_2819 : vector<8x128xf32>
    %slice3A_2824 = vector.extract_strided_slice %concatenate3A_2799 {offsets = [32, 0], sizes = [8, 128], strides = [1, 1]} : vector<200x128xf32> to vector<8x128xf32>
    %slice3A_2825 = vector.extract_strided_slice %concatenate3A_2799 {offsets = [40, 0], sizes = [8, 128], strides = [1, 1]} : vector<200x128xf32> to vector<8x128xf32>
    %min3A_2826 = arith.minimumf %slice3A_2824, %slice3A_2825 : vector<8x128xf32>
    %max3A_2827 = arith.maximumf %slice3A_2824, %slice3A_2825 : vector<8x128xf32>
    %min3A_2828 = arith.minimumf %min3A_2822, %max3A_2827 : vector<8x128xf32>
    %min3A_2829 = arith.minimumf %max3A_2823, %min3A_2826 : vector<8x128xf32>
    %min3A_2830 = arith.minimumf %min3A_2820, %min3A_2828 : vector<8x128xf32>
    %max3A_2831 = arith.maximumf %min3A_2820, %min3A_2828 : vector<8x128xf32>
    %min3A_2832 = arith.minimumf %max3A_2821, %min3A_2829 : vector<8x128xf32>
    %max3A_2833 = arith.maximumf %max3A_2821, %min3A_2829 : vector<8x128xf32>
    %min3A_2834 = arith.minimumf %min3A_2830, %min3A_2832 : vector<8x128xf32>
    %max3A_2835 = arith.maximumf %min3A_2830, %min3A_2832 : vector<8x128xf32>
    %min3A_2836 = arith.minimumf %max3A_2831, %max3A_2833 : vector<8x128xf32>
    %max3A_2837 = arith.maximumf %max3A_2831, %max3A_2833 : vector<8x128xf32>
    %slice3A_2838 = vector.extract_strided_slice %concatenate3A_2799 {offsets = [48, 0], sizes = [8, 128], strides = [1, 1]} : vector<200x128xf32> to vector<8x128xf32>
    %slice3A_2839 = vector.extract_strided_slice %concatenate3A_2799 {offsets = [56, 0], sizes = [8, 128], strides = [1, 1]} : vector<200x128xf32> to vector<8x128xf32>
    %min3A_2840 = arith.minimumf %slice3A_2838, %slice3A_2839 : vector<8x128xf32>
    %max3A_2841 = arith.maximumf %slice3A_2838, %slice3A_2839 : vector<8x128xf32>
    %min3A_2842 = arith.minimumf %min3A_2836, %max3A_2841 : vector<8x128xf32>
    %min3A_2843 = arith.minimumf %max3A_2837, %min3A_2840 : vector<8x128xf32>
    %min3A_2844 = arith.minimumf %min3A_2834, %min3A_2842 : vector<8x128xf32>
    %max3A_2845 = arith.maximumf %min3A_2834, %min3A_2842 : vector<8x128xf32>
    %min3A_2846 = arith.minimumf %max3A_2835, %min3A_2843 : vector<8x128xf32>
    %max3A_2847 = arith.maximumf %max3A_2835, %min3A_2843 : vector<8x128xf32>
    %min3A_2848 = arith.minimumf %min3A_2844, %min3A_2846 : vector<8x128xf32>
    %max3A_2849 = arith.maximumf %min3A_2844, %min3A_2846 : vector<8x128xf32>
    %min3A_2850 = arith.minimumf %max3A_2845, %max3A_2847 : vector<8x128xf32>
    %max3A_2851 = arith.maximumf %max3A_2845, %max3A_2847 : vector<8x128xf32>
    %slice3A_2852 = vector.extract_strided_slice %concatenate3A_2799 {offsets = [64, 0], sizes = [8, 128], strides = [1, 1]} : vector<200x128xf32> to vector<8x128xf32>
    %slice3A_2853 = vector.extract_strided_slice %concatenate3A_2799 {offsets = [72, 0], sizes = [8, 128], strides = [1, 1]} : vector<200x128xf32> to vector<8x128xf32>
    %min3A_2854 = arith.minimumf %slice3A_2852, %slice3A_2853 : vector<8x128xf32>
    %max3A_2855 = arith.maximumf %slice3A_2852, %slice3A_2853 : vector<8x128xf32>
    %min3A_2856 = arith.minimumf %min3A_2850, %max3A_2855 : vector<8x128xf32>
    %min3A_2857 = arith.minimumf %max3A_2851, %min3A_2854 : vector<8x128xf32>
    %min3A_2858 = arith.minimumf %min3A_2848, %min3A_2856 : vector<8x128xf32>
    %max3A_2859 = arith.maximumf %min3A_2848, %min3A_2856 : vector<8x128xf32>
    %min3A_2860 = arith.minimumf %max3A_2849, %min3A_2857 : vector<8x128xf32>
    %max3A_2861 = arith.maximumf %max3A_2849, %min3A_2857 : vector<8x128xf32>
    %min3A_2862 = arith.minimumf %min3A_2858, %min3A_2860 : vector<8x128xf32>
    %max3A_2863 = arith.maximumf %min3A_2858, %min3A_2860 : vector<8x128xf32>
    %min3A_2864 = arith.minimumf %max3A_2859, %max3A_2861 : vector<8x128xf32>
    %max3A_2865 = arith.maximumf %max3A_2859, %max3A_2861 : vector<8x128xf32>
    %slice3A_2866 = vector.extract_strided_slice %concatenate3A_2799 {offsets = [80, 0], sizes = [8, 128], strides = [1, 1]} : vector<200x128xf32> to vector<8x128xf32>
    %slice3A_2867 = vector.extract_strided_slice %concatenate3A_2799 {offsets = [88, 0], sizes = [8, 128], strides = [1, 1]} : vector<200x128xf32> to vector<8x128xf32>
    %min3A_2868 = arith.minimumf %slice3A_2866, %slice3A_2867 : vector<8x128xf32>
    %max3A_2869 = arith.maximumf %slice3A_2866, %slice3A_2867 : vector<8x128xf32>
    %min3A_2870 = arith.minimumf %min3A_2864, %max3A_2869 : vector<8x128xf32>
    %min3A_2871 = arith.minimumf %max3A_2865, %min3A_2868 : vector<8x128xf32>
    %min3A_2872 = arith.minimumf %min3A_2862, %min3A_2870 : vector<8x128xf32>
    %max3A_2873 = arith.maximumf %min3A_2862, %min3A_2870 : vector<8x128xf32>
    %min3A_2874 = arith.minimumf %max3A_2863, %min3A_2871 : vector<8x128xf32>
    %max3A_2875 = arith.maximumf %max3A_2863, %min3A_2871 : vector<8x128xf32>
    %min3A_2876 = arith.minimumf %min3A_2872, %min3A_2874 : vector<8x128xf32>
    %max3A_2877 = arith.maximumf %min3A_2872, %min3A_2874 : vector<8x128xf32>
    %min3A_2878 = arith.minimumf %max3A_2873, %max3A_2875 : vector<8x128xf32>
    %max3A_2879 = arith.maximumf %max3A_2873, %max3A_2875 : vector<8x128xf32>
    %slice3A_2880 = vector.extract_strided_slice %concatenate3A_2799 {offsets = [96, 0], sizes = [8, 128], strides = [1, 1]} : vector<200x128xf32> to vector<8x128xf32>
    %slice3A_2881 = vector.extract_strided_slice %concatenate3A_2799 {offsets = [104, 0], sizes = [8, 128], strides = [1, 1]} : vector<200x128xf32> to vector<8x128xf32>
    %min3A_2882 = arith.minimumf %slice3A_2880, %slice3A_2881 : vector<8x128xf32>
    %slice3A_2883 = vector.extract_strided_slice %concatenate3A_2799 {offsets = [96, 0], sizes = [8, 128], strides = [1, 1]} : vector<200x128xf32> to vector<8x128xf32>
    %slice3A_2884 = vector.extract_strided_slice %concatenate3A_2799 {offsets = [104, 0], sizes = [8, 128], strides = [1, 1]} : vector<200x128xf32> to vector<8x128xf32>
    %max3A_2885 = arith.maximumf %slice3A_2883, %slice3A_2884 : vector<8x128xf32>
    %broadcast_in_dim3A_2886 = arith.constant 3.000000e+38 : f32
    %broadcast_in_dim3A_2887 = vector.broadcast %broadcast_in_dim3A_2886 : f32 to vector<8x128xf32>
    %broadcast_in_dim3A_2888 = arith.constant 3.000000e+38 : f32
    %broadcast_in_dim3A_2889 = vector.broadcast %broadcast_in_dim3A_2888 : f32 to vector<8x128xf32>
    %slice3A_2890 = vector.extract_strided_slice %concatenate3A_2799 {offsets = [112, 0], sizes = [8, 128], strides = [1, 1]} : vector<200x128xf32> to vector<8x128xf32>
    %slice3A_2891 = vector.extract_strided_slice %concatenate3A_2799 {offsets = [120, 0], sizes = [8, 128], strides = [1, 1]} : vector<200x128xf32> to vector<8x128xf32>
    %min3A_2892 = arith.minimumf %slice3A_2890, %slice3A_2891 : vector<8x128xf32>
    %max3A_2893 = arith.maximumf %slice3A_2890, %slice3A_2891 : vector<8x128xf32>
    %min3A_2894 = arith.minimumf %broadcast_in_dim3A_2887, %max3A_2893 : vector<8x128xf32>
    %min3A_2895 = arith.minimumf %broadcast_in_dim3A_2889, %min3A_2892 : vector<8x128xf32>
    %min3A_2896 = arith.minimumf %min3A_2882, %min3A_2894 : vector<8x128xf32>
    %max3A_2897 = arith.maximumf %min3A_2882, %min3A_2894 : vector<8x128xf32>
    %min3A_2898 = arith.minimumf %max3A_2885, %min3A_2895 : vector<8x128xf32>
    %max3A_2899 = arith.maximumf %max3A_2885, %min3A_2895 : vector<8x128xf32>
    %min3A_2900 = arith.minimumf %min3A_2896, %min3A_2898 : vector<8x128xf32>
    %max3A_2901 = arith.maximumf %min3A_2896, %min3A_2898 : vector<8x128xf32>
    %min3A_2902 = arith.minimumf %max3A_2897, %max3A_2899 : vector<8x128xf32>
    %max3A_2903 = arith.maximumf %max3A_2897, %max3A_2899 : vector<8x128xf32>
    %slice3A_2904 = vector.extract_strided_slice %concatenate3A_2799 {offsets = [128, 0], sizes = [8, 128], strides = [1, 1]} : vector<200x128xf32> to vector<8x128xf32>
    %slice3A_2905 = vector.extract_strided_slice %concatenate3A_2799 {offsets = [136, 0], sizes = [8, 128], strides = [1, 1]} : vector<200x128xf32> to vector<8x128xf32>
    %min3A_2906 = arith.minimumf %slice3A_2904, %slice3A_2905 : vector<8x128xf32>
    %max3A_2907 = arith.maximumf %slice3A_2904, %slice3A_2905 : vector<8x128xf32>
    %min3A_2908 = arith.minimumf %min3A_2902, %max3A_2907 : vector<8x128xf32>
    %min3A_2909 = arith.minimumf %max3A_2903, %min3A_2906 : vector<8x128xf32>
    %min3A_2910 = arith.minimumf %min3A_2900, %min3A_2908 : vector<8x128xf32>
    %max3A_2911 = arith.maximumf %min3A_2900, %min3A_2908 : vector<8x128xf32>
    %min3A_2912 = arith.minimumf %max3A_2901, %min3A_2909 : vector<8x128xf32>
    %max3A_2913 = arith.maximumf %max3A_2901, %min3A_2909 : vector<8x128xf32>
    %min3A_2914 = arith.minimumf %min3A_2910, %min3A_2912 : vector<8x128xf32>
    %max3A_2915 = arith.maximumf %min3A_2910, %min3A_2912 : vector<8x128xf32>
    %min3A_2916 = arith.minimumf %max3A_2911, %max3A_2913 : vector<8x128xf32>
    %max3A_2917 = arith.maximumf %max3A_2911, %max3A_2913 : vector<8x128xf32>
    %slice3A_2918 = vector.extract_strided_slice %concatenate3A_2799 {offsets = [144, 0], sizes = [8, 128], strides = [1, 1]} : vector<200x128xf32> to vector<8x128xf32>
    %slice3A_2919 = vector.extract_strided_slice %concatenate3A_2799 {offsets = [152, 0], sizes = [8, 128], strides = [1, 1]} : vector<200x128xf32> to vector<8x128xf32>
    %min3A_2920 = arith.minimumf %slice3A_2918, %slice3A_2919 : vector<8x128xf32>
    %max3A_2921 = arith.maximumf %slice3A_2918, %slice3A_2919 : vector<8x128xf32>
    %min3A_2922 = arith.minimumf %min3A_2916, %max3A_2921 : vector<8x128xf32>
    %min3A_2923 = arith.minimumf %max3A_2917, %min3A_2920 : vector<8x128xf32>
    %min3A_2924 = arith.minimumf %min3A_2914, %min3A_2922 : vector<8x128xf32>
    %max3A_2925 = arith.maximumf %min3A_2914, %min3A_2922 : vector<8x128xf32>
    %min3A_2926 = arith.minimumf %max3A_2915, %min3A_2923 : vector<8x128xf32>
    %max3A_2927 = arith.maximumf %max3A_2915, %min3A_2923 : vector<8x128xf32>
    %min3A_2928 = arith.minimumf %min3A_2924, %min3A_2926 : vector<8x128xf32>
    %max3A_2929 = arith.maximumf %min3A_2924, %min3A_2926 : vector<8x128xf32>
    %min3A_2930 = arith.minimumf %max3A_2925, %max3A_2927 : vector<8x128xf32>
    %max3A_2931 = arith.maximumf %max3A_2925, %max3A_2927 : vector<8x128xf32>
    %slice3A_2932 = vector.extract_strided_slice %concatenate3A_2799 {offsets = [160, 0], sizes = [8, 128], strides = [1, 1]} : vector<200x128xf32> to vector<8x128xf32>
    %slice3A_2933 = vector.extract_strided_slice %concatenate3A_2799 {offsets = [168, 0], sizes = [8, 128], strides = [1, 1]} : vector<200x128xf32> to vector<8x128xf32>
    %min3A_2934 = arith.minimumf %slice3A_2932, %slice3A_2933 : vector<8x128xf32>
    %max3A_2935 = arith.maximumf %slice3A_2932, %slice3A_2933 : vector<8x128xf32>
    %min3A_2936 = arith.minimumf %min3A_2930, %max3A_2935 : vector<8x128xf32>
    %min3A_2937 = arith.minimumf %max3A_2931, %min3A_2934 : vector<8x128xf32>
    %min3A_2938 = arith.minimumf %min3A_2928, %min3A_2936 : vector<8x128xf32>
    %max3A_2939 = arith.maximumf %min3A_2928, %min3A_2936 : vector<8x128xf32>
    %min3A_2940 = arith.minimumf %max3A_2929, %min3A_2937 : vector<8x128xf32>
    %max3A_2941 = arith.maximumf %max3A_2929, %min3A_2937 : vector<8x128xf32>
    %min3A_2942 = arith.minimumf %min3A_2938, %min3A_2940 : vector<8x128xf32>
    %max3A_2943 = arith.maximumf %min3A_2938, %min3A_2940 : vector<8x128xf32>
    %min3A_2944 = arith.minimumf %max3A_2939, %max3A_2941 : vector<8x128xf32>
    %max3A_2945 = arith.maximumf %max3A_2939, %max3A_2941 : vector<8x128xf32>
    %slice3A_2946 = vector.extract_strided_slice %concatenate3A_2799 {offsets = [176, 0], sizes = [8, 128], strides = [1, 1]} : vector<200x128xf32> to vector<8x128xf32>
    %slice3A_2947 = vector.extract_strided_slice %concatenate3A_2799 {offsets = [184, 0], sizes = [8, 128], strides = [1, 1]} : vector<200x128xf32> to vector<8x128xf32>
    %min3A_2948 = arith.minimumf %slice3A_2946, %slice3A_2947 : vector<8x128xf32>
    %max3A_2949 = arith.maximumf %slice3A_2946, %slice3A_2947 : vector<8x128xf32>
    %min3A_2950 = arith.minimumf %min3A_2944, %max3A_2949 : vector<8x128xf32>
    %min3A_2951 = arith.minimumf %max3A_2945, %min3A_2948 : vector<8x128xf32>
    %min3A_2952 = arith.minimumf %min3A_2942, %min3A_2950 : vector<8x128xf32>
    %max3A_2953 = arith.maximumf %min3A_2942, %min3A_2950 : vector<8x128xf32>
    %min3A_2954 = arith.minimumf %max3A_2943, %min3A_2951 : vector<8x128xf32>
    %max3A_2955 = arith.maximumf %max3A_2943, %min3A_2951 : vector<8x128xf32>
    %min3A_2956 = arith.minimumf %min3A_2952, %min3A_2954 : vector<8x128xf32>
    %max3A_2957 = arith.maximumf %min3A_2952, %min3A_2954 : vector<8x128xf32>
    %min3A_2958 = arith.minimumf %max3A_2953, %max3A_2955 : vector<8x128xf32>
    %max3A_2959 = arith.maximumf %max3A_2953, %max3A_2955 : vector<8x128xf32>
    %slice3A_2960 = vector.extract_strided_slice %concatenate3A_2799 {offsets = [192, 0], sizes = [8, 128], strides = [1, 1]} : vector<200x128xf32> to vector<8x128xf32>
    %min3A_2961 = arith.minimumf %min3A_2956, %slice3A_2960 : vector<8x128xf32>
    %max3A_2962 = arith.maximumf %min3A_2956, %slice3A_2960 : vector<8x128xf32>
    %min3A_2963 = arith.minimumf %max3A_2957, %max3A_2962 : vector<8x128xf32>
    %max3A_2964 = arith.maximumf %max3A_2957, %max3A_2962 : vector<8x128xf32>
    %min3A_2965 = arith.minimumf %min3A_2958, %max3A_2964 : vector<8x128xf32>
    %max3A_2966 = arith.maximumf %min3A_2958, %max3A_2964 : vector<8x128xf32>
    %min3A_2967 = arith.minimumf %max3A_2959, %max3A_2966 : vector<8x128xf32>
    %min3A_2968 = arith.minimumf %min3A_2876, %min3A_2967 : vector<8x128xf32>
    %min3A_2969 = arith.minimumf %max3A_2877, %min3A_2965 : vector<8x128xf32>
    %min3A_2970 = arith.minimumf %min3A_2878, %min3A_2963 : vector<8x128xf32>
    %min3A_2971 = arith.minimumf %max3A_2879, %min3A_2961 : vector<8x128xf32>
    %min3A_2972 = arith.minimumf %min3A_2968, %min3A_2970 : vector<8x128xf32>
    %max3A_2973 = arith.maximumf %min3A_2968, %min3A_2970 : vector<8x128xf32>
    %min3A_2974 = arith.minimumf %min3A_2969, %min3A_2971 : vector<8x128xf32>
    %max3A_2975 = arith.maximumf %min3A_2969, %min3A_2971 : vector<8x128xf32>
    %min3A_2976 = arith.minimumf %min3A_2972, %min3A_2974 : vector<8x128xf32>
    %max3A_2977 = arith.maximumf %min3A_2972, %min3A_2974 : vector<8x128xf32>
    %min3A_2978 = arith.minimumf %max3A_2973, %max3A_2975 : vector<8x128xf32>
    %max3A_2979 = arith.maximumf %max3A_2973, %max3A_2975 : vector<8x128xf32>
    %slice3A_2980 = vector.extract_strided_slice %min3A_2976 {offsets = [4, 0], sizes = [4, 128], strides = [1, 1]} : vector<8x128xf32> to vector<4x128xf32>
    %slice3A_2981 = vector.extract_strided_slice %min3A_2976 {offsets = [0, 0], sizes = [4, 128], strides = [1, 1]} : vector<8x128xf32> to vector<4x128xf32>
    %concatenate3A_2982 = tpu.concatenate %slice3A_2980, %slice3A_2981 in 0 : vector<4x128xf32>, vector<4x128xf32> -> vector<8x128xf32>
    %slice3A_2983 = vector.extract_strided_slice %max3A_2977 {offsets = [4, 0], sizes = [4, 128], strides = [1, 1]} : vector<8x128xf32> to vector<4x128xf32>
    %slice3A_2984 = vector.extract_strided_slice %max3A_2977 {offsets = [0, 0], sizes = [4, 128], strides = [1, 1]} : vector<8x128xf32> to vector<4x128xf32>
    %concatenate3A_2985 = tpu.concatenate %slice3A_2983, %slice3A_2984 in 0 : vector<4x128xf32>, vector<4x128xf32> -> vector<8x128xf32>
    %slice3A_2986 = vector.extract_strided_slice %min3A_2978 {offsets = [4, 0], sizes = [4, 128], strides = [1, 1]} : vector<8x128xf32> to vector<4x128xf32>
    %slice3A_2987 = vector.extract_strided_slice %min3A_2978 {offsets = [0, 0], sizes = [4, 128], strides = [1, 1]} : vector<8x128xf32> to vector<4x128xf32>
    %concatenate3A_2988 = tpu.concatenate %slice3A_2986, %slice3A_2987 in 0 : vector<4x128xf32>, vector<4x128xf32> -> vector<8x128xf32>
    %slice3A_2989 = vector.extract_strided_slice %max3A_2979 {offsets = [4, 0], sizes = [4, 128], strides = [1, 1]} : vector<8x128xf32> to vector<4x128xf32>
    %slice3A_2990 = vector.extract_strided_slice %max3A_2979 {offsets = [0, 0], sizes = [4, 128], strides = [1, 1]} : vector<8x128xf32> to vector<4x128xf32>
    %concatenate3A_2991 = tpu.concatenate %slice3A_2989, %slice3A_2990 in 0 : vector<4x128xf32>, vector<4x128xf32> -> vector<8x128xf32>
    %min3A_2992 = arith.minimumf %min3A_2976, %concatenate3A_2991 : vector<8x128xf32>
    %min3A_2993 = arith.minimumf %max3A_2977, %concatenate3A_2988 : vector<8x128xf32>
    %min3A_2994 = arith.minimumf %min3A_2978, %concatenate3A_2985 : vector<8x128xf32>
    %min3A_2995 = arith.minimumf %max3A_2979, %concatenate3A_2982 : vector<8x128xf32>
    %min3A_2996 = arith.minimumf %min3A_2992, %min3A_2994 : vector<8x128xf32>
    %max3A_2997 = arith.maximumf %min3A_2992, %min3A_2994 : vector<8x128xf32>
    %min3A_2998 = arith.minimumf %min3A_2993, %min3A_2995 : vector<8x128xf32>
    %max3A_2999 = arith.maximumf %min3A_2993, %min3A_2995 : vector<8x128xf32>
    %min3A_3000 = arith.minimumf %min3A_2996, %min3A_2998 : vector<8x128xf32>
    %max3A_3001 = arith.maximumf %min3A_2996, %min3A_2998 : vector<8x128xf32>
    %min3A_3002 = arith.minimumf %max3A_2997, %max3A_2999 : vector<8x128xf32>
    %max3A_3003 = arith.maximumf %max3A_2997, %max3A_2999 : vector<8x128xf32>
    %slice3A_3004 = vector.extract_strided_slice %min3A_3000 {offsets = [2, 0], sizes = [6, 128], strides = [1, 1]} : vector<8x128xf32> to vector<6x128xf32>
    %slice3A_3005 = vector.extract_strided_slice %min3A_3000 {offsets = [0, 0], sizes = [2, 128], strides = [1, 1]} : vector<8x128xf32> to vector<2x128xf32>
    %concatenate3A_3006 = tpu.concatenate %slice3A_3004, %slice3A_3005 in 0 : vector<6x128xf32>, vector<2x128xf32> -> vector<8x128xf32>
    %slice3A_3007 = vector.extract_strided_slice %max3A_3001 {offsets = [2, 0], sizes = [6, 128], strides = [1, 1]} : vector<8x128xf32> to vector<6x128xf32>
    %slice3A_3008 = vector.extract_strided_slice %max3A_3001 {offsets = [0, 0], sizes = [2, 128], strides = [1, 1]} : vector<8x128xf32> to vector<2x128xf32>
    %concatenate3A_3009 = tpu.concatenate %slice3A_3007, %slice3A_3008 in 0 : vector<6x128xf32>, vector<2x128xf32> -> vector<8x128xf32>
    %slice3A_3010 = vector.extract_strided_slice %min3A_3002 {offsets = [2, 0], sizes = [6, 128], strides = [1, 1]} : vector<8x128xf32> to vector<6x128xf32>
    %slice3A_3011 = vector.extract_strided_slice %min3A_3002 {offsets = [0, 0], sizes = [2, 128], strides = [1, 1]} : vector<8x128xf32> to vector<2x128xf32>
    %concatenate3A_3012 = tpu.concatenate %slice3A_3010, %slice3A_3011 in 0 : vector<6x128xf32>, vector<2x128xf32> -> vector<8x128xf32>
    %slice3A_3013 = vector.extract_strided_slice %max3A_3003 {offsets = [2, 0], sizes = [6, 128], strides = [1, 1]} : vector<8x128xf32> to vector<6x128xf32>
    %slice3A_3014 = vector.extract_strided_slice %max3A_3003 {offsets = [0, 0], sizes = [2, 128], strides = [1, 1]} : vector<8x128xf32> to vector<2x128xf32>
    %concatenate3A_3015 = tpu.concatenate %slice3A_3013, %slice3A_3014 in 0 : vector<6x128xf32>, vector<2x128xf32> -> vector<8x128xf32>
    %min3A_3016 = arith.minimumf %min3A_3000, %concatenate3A_3015 : vector<8x128xf32>
    %min3A_3017 = arith.minimumf %max3A_3001, %concatenate3A_3012 : vector<8x128xf32>
    %min3A_3018 = arith.minimumf %min3A_3002, %concatenate3A_3009 : vector<8x128xf32>
    %min3A_3019 = arith.minimumf %max3A_3003, %concatenate3A_3006 : vector<8x128xf32>
    %min3A_3020 = arith.minimumf %min3A_3016, %min3A_3018 : vector<8x128xf32>
    %max3A_3021 = arith.maximumf %min3A_3016, %min3A_3018 : vector<8x128xf32>
    %min3A_3022 = arith.minimumf %min3A_3017, %min3A_3019 : vector<8x128xf32>
    %max3A_3023 = arith.maximumf %min3A_3017, %min3A_3019 : vector<8x128xf32>
    %min3A_3024 = arith.minimumf %min3A_3020, %min3A_3022 : vector<8x128xf32>
    %max3A_3025 = arith.maximumf %min3A_3020, %min3A_3022 : vector<8x128xf32>
    %min3A_3026 = arith.minimumf %max3A_3021, %max3A_3023 : vector<8x128xf32>
    %max3A_3027 = arith.maximumf %max3A_3021, %max3A_3023 : vector<8x128xf32>
    %slice3A_3028 = vector.extract_strided_slice %min3A_3024 {offsets = [1, 0], sizes = [7, 128], strides = [1, 1]} : vector<8x128xf32> to vector<7x128xf32>
    %slice3A_3029 = vector.extract_strided_slice %min3A_3024 {offsets = [0, 0], sizes = [1, 128], strides = [1, 1]} : vector<8x128xf32> to vector<1x128xf32>
    %concatenate3A_3030 = tpu.concatenate %slice3A_3028, %slice3A_3029 in 0 : vector<7x128xf32>, vector<1x128xf32> -> vector<8x128xf32>
    %slice3A_3031 = vector.extract_strided_slice %max3A_3025 {offsets = [1, 0], sizes = [7, 128], strides = [1, 1]} : vector<8x128xf32> to vector<7x128xf32>
    %slice3A_3032 = vector.extract_strided_slice %max3A_3025 {offsets = [0, 0], sizes = [1, 128], strides = [1, 1]} : vector<8x128xf32> to vector<1x128xf32>
    %concatenate3A_3033 = tpu.concatenate %slice3A_3031, %slice3A_3032 in 0 : vector<7x128xf32>, vector<1x128xf32> -> vector<8x128xf32>
    %slice3A_3034 = vector.extract_strided_slice %min3A_3026 {offsets = [1, 0], sizes = [7, 128], strides = [1, 1]} : vector<8x128xf32> to vector<7x128xf32>
    %slice3A_3035 = vector.extract_strided_slice %min3A_3026 {offsets = [0, 0], sizes = [1, 128], strides = [1, 1]} : vector<8x128xf32> to vector<1x128xf32>
    %concatenate3A_3036 = tpu.concatenate %slice3A_3034, %slice3A_3035 in 0 : vector<7x128xf32>, vector<1x128xf32> -> vector<8x128xf32>
    %slice3A_3037 = vector.extract_strided_slice %max3A_3027 {offsets = [1, 0], sizes = [7, 128], strides = [1, 1]} : vector<8x128xf32> to vector<7x128xf32>
    %slice3A_3038 = vector.extract_strided_slice %max3A_3027 {offsets = [0, 0], sizes = [1, 128], strides = [1, 1]} : vector<8x128xf32> to vector<1x128xf32>
    %concatenate3A_3039 = tpu.concatenate %slice3A_3037, %slice3A_3038 in 0 : vector<7x128xf32>, vector<1x128xf32> -> vector<8x128xf32>
    %min3A_3040 = arith.minimumf %min3A_3024, %concatenate3A_3039 : vector<8x128xf32>
    %min3A_3041 = arith.minimumf %max3A_3025, %concatenate3A_3036 : vector<8x128xf32>
    %min3A_3042 = arith.minimumf %min3A_3026, %concatenate3A_3033 : vector<8x128xf32>
    %min3A_3043 = arith.minimumf %max3A_3027, %concatenate3A_3030 : vector<8x128xf32>
    %min3A_3044 = arith.minimumf %min3A_3040, %min3A_3042 : vector<8x128xf32>
    %max3A_3045 = arith.maximumf %min3A_3040, %min3A_3042 : vector<8x128xf32>
    %min3A_3046 = arith.minimumf %min3A_3041, %min3A_3043 : vector<8x128xf32>
    %max3A_3047 = arith.maximumf %min3A_3041, %min3A_3043 : vector<8x128xf32>
    %min3A_3048 = arith.minimumf %min3A_3044, %min3A_3046 : vector<8x128xf32>
    %max3A_3049 = arith.maximumf %min3A_3044, %min3A_3046 : vector<8x128xf32>
    %min3A_3050 = arith.minimumf %max3A_3045, %max3A_3047 : vector<8x128xf32>
    %max3A_3051 = arith.maximumf %max3A_3045, %max3A_3047 : vector<8x128xf32>
    %slice3A_3052 = vector.extract_strided_slice %min3A_3048 {offsets = [0, 0], sizes = [1, 128], strides = [1, 1]} : vector<8x128xf32> to vector<1x128xf32>
    %sqrt3A_3053 = math.sqrt %slice3A_3052 : vector<1x128xf32>
    %swap3A_3054 = arith.constant 7 : index
    %swap3A_3055 = arith.constant 0 : index
    %swap3A_3056 = arith.constant 0 : index
    %swap3A_3057 = vector.load %arg3[%swap3A_3054, %swap3A_3055, %swap3A_3056] : memref<8x4x128xf32, #tpu.memory_space<vmem>>, vector<1x1x128xf32>
    %swap3A_3058 = vector.shape_cast %swap3A_3057 : vector<1x1x128xf32> to vector<1x128xf32>
    %swap3A_3059 = vector.shape_cast %sqrt3A_3053 : vector<1x128xf32> to vector<1x1x128xf32>
    tpu.vector_store %arg3[%swap3A_3054, %swap3A_3055, %swap3A_3056], %swap3A_3059 {strides = array<i32>} : memref<8x4x128xf32, #tpu.memory_space<vmem>>, vector<1x1x128xf32>,
    %slice3A_3060 = vector.extract_strided_slice %max3A_3049 {offsets = [0, 0], sizes = [1, 128], strides = [1, 1]} : vector<8x128xf32> to vector<1x128xf32>
    %sqrt3A_3061 = math.sqrt %slice3A_3060 : vector<1x128xf32>
    %swap3A_3062 = arith.constant 7 : index
    %swap3A_3063 = arith.constant 1 : index
    %swap3A_3064 = arith.constant 0 : index
    %swap3A_3065 = vector.load %arg3[%swap3A_3062, %swap3A_3063, %swap3A_3064] : memref<8x4x128xf32, #tpu.memory_space<vmem>>, vector<1x1x128xf32>
    %swap3A_3066 = vector.shape_cast %swap3A_3065 : vector<1x1x128xf32> to vector<1x128xf32>
    %swap3A_3067 = vector.shape_cast %sqrt3A_3061 : vector<1x128xf32> to vector<1x1x128xf32>
    tpu.vector_store %arg3[%swap3A_3062, %swap3A_3063, %swap3A_3064], %swap3A_3067 {strides = array<i32>} : memref<8x4x128xf32, #tpu.memory_space<vmem>>, vector<1x1x128xf32>,
    %slice3A_3068 = vector.extract_strided_slice %min3A_3050 {offsets = [0, 0], sizes = [1, 128], strides = [1, 1]} : vector<8x128xf32> to vector<1x128xf32>
    %sqrt3A_3069 = math.sqrt %slice3A_3068 : vector<1x128xf32>
    %swap3A_3070 = arith.constant 7 : index
    %swap3A_3071 = arith.constant 2 : index
    %swap3A_3072 = arith.constant 0 : index
    %swap3A_3073 = vector.load %arg3[%swap3A_3070, %swap3A_3071, %swap3A_3072] : memref<8x4x128xf32, #tpu.memory_space<vmem>>, vector<1x1x128xf32>
    %swap3A_3074 = vector.shape_cast %swap3A_3073 : vector<1x1x128xf32> to vector<1x128xf32>
    %swap3A_3075 = vector.shape_cast %sqrt3A_3069 : vector<1x128xf32> to vector<1x1x128xf32>
    tpu.vector_store %arg3[%swap3A_3070, %swap3A_3071, %swap3A_3072], %swap3A_3075 {strides = array<i32>} : memref<8x4x128xf32, #tpu.memory_space<vmem>>, vector<1x1x128xf32>,
    %slice3A_3076 = vector.extract_strided_slice %max3A_3051 {offsets = [0, 0], sizes = [1, 128], strides = [1, 1]} : vector<8x128xf32> to vector<1x128xf32>
    %sqrt3A_3077 = math.sqrt %slice3A_3076 : vector<1x128xf32>
    %swap3A_3078 = arith.constant 7 : index
    %swap3A_3079 = arith.constant 3 : index
    %swap3A_3080 = arith.constant 0 : index
    %swap3A_3081 = vector.load %arg3[%swap3A_3078, %swap3A_3079, %swap3A_3080] : memref<8x4x128xf32, #tpu.memory_space<vmem>>, vector<1x1x128xf32>
    %swap3A_3082 = vector.shape_cast %swap3A_3081 : vector<1x1x128xf32> to vector<1x128xf32>
    %swap3A_3083 = vector.shape_cast %sqrt3A_3077 : vector<1x128xf32> to vector<1x1x128xf32>
    tpu.vector_store %arg3[%swap3A_3078, %swap3A_3079, %swap3A_3080], %swap3A_3083 {strides = array<i32>} : memref<8x4x128xf32, #tpu.memory_space<vmem>>, vector<1x1x128xf32>,
    return
  }
  func.func @transform_0(%arg0: i32) -> (i32, i32, i32) {
    %c0_i32 = arith.constant 0 : i32
    %c0_i32_0 = arith.constant 0 : i32
    %c0_i32_1 = arith.constant 0 : i32
    return %arg0, %c0_i32, %c0_i32_0 : i32, i32, i32
  }
  func.func @transform_1(%arg0: i32) -> (i32, i32, i32) {
    %c0_i32 = arith.constant 0 : i32
    %c0_i32_0 = arith.constant 0 : i32
    %c0_i32_1 = arith.constant 0 : i32
    return %arg0, %c0_i32, %c0_i32_0 : i32, i32, i32
  }
  func.func @transform_2(%arg0: i32) -> (i32, i32, i32) {
    %c0_i32 = arith.constant 0 : i32
    %c0_i32_0 = arith.constant 0 : i32
    %c0_i32_1 = arith.constant 0 : i32
    return %arg0, %c0_i32, %c0_i32_0 : i32, i32, i32
  }
}

</mosaic_0001>

<sc_bundles>
// kernel: kernel.4.cloned.1.call-start
scs
__scs_entry_jumppad:
0x0: {  	(pc) =	sbr.rel $0x88, $3  }
0x1: {  	(tag) =	ssettag $0x0;
	lr =	simm.s32 $0x1  }
0x2: {  	[smem:$0x3F9F] =	sst lr;
	_ =	strace $0xD0000000  }
0x3: {  	_ = 	snop  }
0x4: {  	_ = 	snop  }
0x5: {  	_ = 	snop  }
0x6: {  	_ = 	snop  }
0x7: {  	_ = 	snop  }
__scs_overlays_trampoline_lowered:
0x8: {  	[smem:$0x3FAE] =	sst s0  }
0x9: {  	[smem:$0x3FAF] =	sst s1  }
0xa: {  	[smem:$0x3FB0] =	sst s2  }
0xb: {  	[smem:$0x3FB1] =	sst s3  }
0xc: {  	[smem:$0x3FB2] =	sst s4  }
0xd: {  	[smem:$0x3FB3] =	sst s5  }
0xe: {  	[smem:$0x3FB4] =	sst s6  }
0xf: {  	[smem:$0x3FB5] =	sst s7  }
0x10: {  	[smem:$0x3FB6] =	sst s8  }
0x11: {  	[smem:$0x3FB7] =	sst s9;
	s0 =	simm.s32 @!p0 $0x0  }
0x12: {  	s1 =	sld [smem:$0x3F9D];
	s0 =	simm.s32 @p0 $0x1  }
0x13: {  	[smem:$0x3FB8] =	sst s0;
	s0 =	simm.s32 @!p1 $0x0  }
0x14: {  	s2 =	sld [smem:$0x3F9C];
	s0 =	simm.s32 @p1 $0x1  }
0x15: {  	[smem:$0x3FB9] =	sst s0;
	s0 =	simm.s32 @!p2 $0x0  }
0x16: {  	s3 =	sld [smem:$0x3FDB];
	s0 =	simm.s32 @p2 $0x1  }
0x17: {  	s4 =	simm.s32 $0x1BF5;
	[smem:$0x3FBB] =	sst s0  }
0x18: {  	s0 =	sld [smem:$0x3F9E];
	_ =	swait.ge [sflag:s4], $0x0  }
0x19: {  	s7 =	sld [smem:$0x3F9F]  }
0x1a: {  	s8 =	sadd.s32 $0xFFFFE003, lr  }
0x1b: {  	s9 =	sadd.s32 $0xFFFFFEF7, lr;
	s5 =	simm.s32 $0xFFFFFFFF;
	p2 =	slt.u32 s8, $0xFFFFF086  }
0x1c: {  	p1 =	slt.u32 s9, $0xF7A;
	s5 =	simm.s32 @!p2 $0x0  }
0x1d: {  	s5 =	simm.s32 @p1 $0x1;
	p0 =	seq.s32 s7, s2  }
0x1e: {  	s7 =	smul.u32 @!p0 $0xF7A, s2;
	p2 =	seq.s32 @!p0 s5, $0x0  }
0x1f: {  	s9 =	smul.u32 $0xF7A, s1;
	s8 =	simm.s32 @!p0 $0x1BF5;
	p2 =	por !p2, p0  }
0x20: {  	[sflag:s8] =	ssyncset.s32 @!p0 $0xFFFFF086;
	s6 =	sadd.s32 @!p0 s3, s7;
	s7 =	simm.s32 @!p0 $0x108  }
0x21: {  	s3 =	sadd.s32 s3, s9;
	s6 =	sadd.s32 @!p0 $0x88, s6;
	s7 =	simm.s32 @p2 $0x1082  }
0x22: {  	[simem:s7], [sflag:s8] =	dma.local @!p0 [hbm:s6], $0xF7A  }
0x23: {  	s9 =	sor.u32 $0xD0000000, s2;
	s6 =	simm.s32 $0x108;
	_ =	swait.ge @!p0 [sflag:s8], $0x0  }
0x24: {  	s3 =	sadd.s32 $0x88, s3;
	s6 =	simm.s32 @!p1 $0x1082;
	[sflag:s4] =	ssyncset.s32 $0xFFFFF086  }
0x25: {  	[simem:s6], [sflag:s4] =	dma.local [hbm:s3], $0xF7A  }
0x26: {  	[smem:$0x3F9F] =	sst s1;
	(tag) =	ssettag s2;
	_ =	strace s9  }
0x27: {  	s1 =	sld [smem:$0x3FAF]  }
0x28: {  	s2 =	sld [smem:$0x3FB0]  }
0x29: {  	s4 =	sld [smem:$0x3FB2]  }
0x2a: {  	p0 =	seq.s32 s5, $0x0;
	s5 =	sld [smem:$0x3FB3]  }
0x2b: {  	s6 =	sld [smem:$0x3FB4]  }
0x2c: {  	s7 =	sld [smem:$0x3FB5]  }
0x2d: {  	s3 =	simm.s32 $0x108;
	s8 =	sld [smem:$0x3FB6]  }
0x2e: {  	s3 =	simm.s32 @!p0 $0x1082;
	s9 =	sld [smem:$0x3FB7]  }
0x2f: {  	lr =	sadd.s32 s0, s3;
	s0 =	sld [smem:$0x3FAE]  }
0x30: {  	s3 =	sld [smem:$0x3FB1]  }
0x31: {  	[smem:$0x3FBA] =	sst s10  }
0x32: {  	s10 =	sld [smem:$0x3FB8];
	_ =	sdelay $0x3  }
0x33: {  	p0 =	seq.s32 s10, $0x1;
	s10 =	sld [smem:$0x3FBA];
	_ =	sdelay $0x3  }
0x34: {  	[smem:$0x3FBA] =	sst s10  }
0x35: {  	s10 =	sld [smem:$0x3FB9];
	_ =	sdelay $0x3  }
0x36: {  	p1 =	seq.s32 s10, $0x1;
	s10 =	sld [smem:$0x3FBA];
	_ =	sdelay $0x3  }
0x37: {  	[smem:$0x3FBA] =	sst s10  }
0x38: {  	s10 =	sld [smem:$0x3FBB]  }
0x39: {  	_ = 	snop;
	(pc) =	sbr.ind lr, $3  }
0x3a: {  	_ = 	snop  }
0x3b: {  	_ = 	snop  }
0x3c: {  	p2 =	seq.s32 s10, $0x1;
	s10 =	sld [smem:$0x3FBA]  }
0x3d: {  	_ =	shalt  }
0x3e: {  	_ =	shalt  }
0x3f: {  	_ =	shalt  }
0x40: {  	_ =	shalt  }
0x41: {  	_ =	shalt  }
0x42: {  	_ =	shalt  }
0x43: {  	_ =	shalt  }
0x44: {  	_ =	shalt  }
0x45: {  	_ =	shalt  }
0x46: {  	_ =	shalt  }
0x47: {  	_ =	shalt  }
0x48: {  	_ =	shalt  }
0x49: {  	_ =	shalt  }
0x4a: {  	_ =	shalt  }
0x4b: {  	_ =	shalt  }
0x4c: {  	_ =	shalt  }
0x4d: {  	_ =	shalt  }
0x4e: {  	_ =	shalt  }
0x4f: {  	_ =	shalt  }
0x50: {  	_ =	shalt  }
0x51: {  	_ =	shalt  }
0x52: {  	_ =	shalt  }
0x53: {  	_ =	shalt  }
0x54: {  	_ =	shalt  }
0x55: {  	_ =	shalt  }
0x56: {  	_ =	shalt  }
0x57: {  	_ =	shalt  }
0x58: {  	_ =	shalt  }
0x59: {  	_ =	shalt  }
0x5a: {  	_ =	shalt  }
0x5b: {  	_ =	shalt  }
0x5c: {  	_ =	shalt  }
0x5d: {  	_ =	shalt  }
0x5e: {  	_ =	shalt  }
0x5f: {  	_ =	shalt  }
0x60: {  	_ =	shalt  }
0x61: {  	_ =	shalt  }
0x62: {  	_ =	shalt  }
0x63: {  	_ =	shalt  }
0x64: {  	_ =	shalt  }
0x65: {  	_ =	shalt  }
0x66: {  	_ =	shalt  }
0x67: {  	_ =	shalt  }
0x68: {  	_ =	shalt  }
0x69: {  	_ =	shalt  }
0x6a: {  	_ =	shalt  }
0x6b: {  	_ =	shalt  }
0x6c: {  	_ =	shalt  }
0x6d: {  	_ =	shalt  }
0x6e: {  	_ =	shalt  }
0x6f: {  	_ =	shalt  }
0x70: {  	_ =	shalt  }
0x71: {  	_ =	shalt  }
0x72: {  	_ =	shalt  }
0x73: {  	_ =	shalt  }
0x74: {  	_ =	shalt  }
0x75: {  	_ =	shalt  }
0x76: {  	_ =	shalt  }
0x77: {  	_ =	shalt  }
0x78: {  	_ =	shalt  }
0x79: {  	_ =	shalt  }
0x7a: {  	_ =	shalt  }
0x7b: {  	_ =	shalt  }
0x7c: {  	_ =	shalt  }
0x7d: {  	_ =	shalt  }
0x7e: {  	_ =	shalt  }
0x7f: {  	_ =	shalt  }
0x80: {  	_ =	shalt  }
0x81: {  	_ =	shalt  }
0x82: {  	_ =	shalt  }
0x83: {  	_ =	shalt  }
0x84: {  	_ =	shalt  }
0x85: {  	_ =	shalt  }
0x86: {  	_ =	shalt  }
0x87: {  	_ =	shalt  }
.Lfunc_end0:
.L_simem_size_0:
called_computation_lowered:
.L_overlay_start_0:
0x88: {  	s2 =	sld [smem:$0x3FD9]  }
0x89: {  	s3 =	sld [smem:$0x3FFE];
	_ =	sdelay $0x1  }
0x8a: {  	s1 =	srdreg.scid  }
0x8b: {  	s0 =	sand.u32 $0x1, s1  }
0x8c: {  	s16 =	sshll.u32 s0, $0xA;
	s2 =	sadd.s32 s3, s2  }
0x8d: {  	s2 =	sadd.s32 s2, s16  }
0x8e: {  	[smem:$0x3FC6] =	sst s2  }
0x8f: {  	_ = 	snop  }
0x90: {  	(tm) =	ssettm $0x1  }
0x91: {  	s17 =	sld [smem:$0x3FFB];
	_ =	sdelay $0x3  }
0x92: {  	_ =	strace s17  }
0x93: {  	s2 =	sld [smem:$0x3FFC];
	_ =	sdelay $0x3  }
0x94: {  	_ =	strace s2  }
0x95: {  	s2 =	sld [smem:$0x3FFD];
	_ =	sdelay $0x3  }
0x96: {  	_ =	strace s2  }
0x97: {  	_ =	strace $0x8FFFFFFF  }
0x98: {  	s18 =	sld [smem:$0x3FDB];
	_ =	sdelay $0x1  }
0x99: {  	s19 =	simm.s32 $_scs_section_size  }
0x9a: {  	s4 =	simm.s32 $_size__tile_overlayer_lowered;
	s5 =	simm.s32 $_tile_overlayer_lowered  }
0x9b: {  	s22 =	simm.s32 $0x1BFF;
	s21 =	sshll.u32 s5, $0x1;
	s2 =	sadd.s32 s19, s18  }
0x9c: {  	s6 =	simm.s32 $0x0;
	s20 =	sshll.u32 s4, $0x1;
	s4 =	sadd.s32 s21, s2  }
0x9d: {  	[timem:s6], [sflag:s22] =	dma.local [hbm:s4], s20  }
0x9e: {  	_ =	swait.ge [sflag:s22], s20  }
0x9f: {  	s3 =	ssub.s32 $0x0, s20;
	[sflag:s22] =	ssyncset.done $0x0  }
0xa0: {  	[sflag:s22] =	ssyncadd.s32 s3;
	_ =	sdelay $0x1  }
0xa1: {  	s23 =	simm.s32 $0x1B8B  }
0xa2: {  	_ =	swait.ge [sflag:s23], $0x1  }
0xa3: {  	[sflag:s23] =	ssyncset.done $0x0  }
0xa4: {  	s25 =	simm.s32 $0x1B8E;
	s24 =	sld [smem:$0x3FFE];
	[sflag:s23] =	ssyncadd.s32 $0xFFFFFFFF  }
0xa5: {  	s26 =	simm.s32 $execute0_lowered;
	[smem:$0x3FD2] =	sst s25  }
0xa6: {  	s4 =	sshll.u32 s26, $0x1;
	_ =	strace $0x80000046;
	[dreg:$0x1] =	wrdreg $0xFFFFFFFF  }
0xa7: {  	s28 =	simm.s32 $_size_execute0_lowered;
	s2 =	sadd.s32 s2, s4;
	[dreg:$0x0] =	wrdreg $0x0  }
0xa8: {  	s4 =	sshll.u32 s28, $0x1;
	[dreg:$0x2] =	wrdreg s2  }
0xa9: {  	[dreg:$0x3] =	wrdreg s4  }
0xaa: {  	[dreg:$0x4] =	wrdreg $0xC0  }
0xab: {  	_ =	task [dreg:s6], $0x5FFFF  }
0xac: {  	[dreg:$0x1] =	wrdreg $0xFFFFFFFF  }
0xad: {  	[dreg:$0x0] =	wrdreg $0x60  }
0xae: {  	[dreg:$0x2] =	wrdreg s24  }
0xaf: {  	[dreg:$0x3] =	wrdreg $0x9  }
0xb0: {  	_ =	task.clear_ibuf [dreg:s6], $0x4FFFF;
	_ =	strace $0x90000046  }
0xb1: {  	s29 =	simm.s32 $0x9;
	_ =	strace $0x80000048  }
0xb2: {  	_ =	swait.ge [sflag:s29], $0x1  }
0xb3: {  	[sflag:s29] =	ssyncadd.s32 $0xFFFFFFFF  }
0xb4: {  	_ =	strace $0x90000048  }
0xb5: {  	_ =	sfence  }
0xb6: {  	s30 =	sld [smem:$0x0];
	_ =	sdelay $0x2  }
0xb7: {  	s31 =	sshll.u32 s1, $0xD;
	s1 =	sshrl.u32 s1, $0x2  }
0xb8: {  	s3 =	sand.u32 $0x4000, s31;
	s1 =	sadd.s32 s1, s30  }
0xb9: {  	s0 =	sor.u32 s3, s0;
	s1 =	sshll.u32 s1, $0x11  }
0xba: {  	s0 =	sor.u32 s1, s0  }
0xbb: {  	s0 =	sadd.s32 $0x8F2B, s0  }
0xbc: {  	[sflag:s0] =	ssyncadd.remote.s32 $0x1  }
0xbd: {  	_ =	sfence.sel $0xFFFF  }
0xbe: {  	[dreg:$0x0] =	wrdreg $0xFFFFFFFF;
	(pc) =	sbr.abs _section_cstart, $3  }
0xbf: {  	[dreg:$0x1] =	wrdreg $0xFFFFFFFF  }
0xc0: {  	_ =	task.clear_ibuf [dreg:s6], $0x2FFFF;
	_ =	strace $0x9FFFFFFF  }
0xc1: {  	(tm) =	ssettm $0x7FFFFFFF  }
tec
execute0_lowered:
.L_overlay_start_1:
0x0: {  	(tag) =	ssettag $0x1  }
0x1: {  	s3 =	rddreg [dreg:$0x0]  }
0x2: {  	s0 =	rddreg [dreg:$0x1];
	s2 =	simm.s32 $0x0;
	s1 =	stileid.u32  }
0x3: {  	s5 =	srdreg.scid;
	[smem:$0x7FF] =	sst s2;
	s4 =	sshll.u32 s1, $0xB  }
0x4: {  	s5 =	sand.u32 $0x1, s5;
	s6 =	sshll.u32 s1, $0x5;
	_ =	strace $0x80000047  }
0x5: {  	s4 =	sadd.s32 s4, s3;
	s7 =	sshll.u32 s5, $0x4;
	s8 =	ssub.s32 $0x2, s5  }
0x6: {  	v0 =	vlaneseq.u32;
	s5 =	sshll.u32 s5, $0xA;
	s6 =	sor.u32 s7, s6;
	s30 =	sshrl.u32 s8, $0x1  }
0x7: {  	v0 =	vmul.u32 $0xFFFFFFFF, v0;
	s5 =	sadd.s32 s5, s4;
	s7 =	simm.s32 $0x200;
	s3 =	sadd.s32 s6, s3  }
0x8: {  	s31 =	ssub.s32 s8, s30;
	s5 =	sadd.s32 $0x200, s5;
	s6 =	simm.s32 $0x1  }
0x9: {  	vm0 =	vmmov $0xf;
	v0 =	vadd.s32 $0xF, v0;
	s8 =	simm.s32 $0x0;
	s3 =	sadd.s32 $0x8200, s3;
	s4 =	smax.u32 s31, $0x1  }
.LBB2_1:
0xa: {  	s9 =	sadd.s32 $0x0, s5  }
0xb: {  	[tilespmem:s2], [sflag:$0x1] =	stream.linear.gather [hbm4b:s9+s2], $0x200, $0x38;
	[tilespmem:$0x280] =	vst v63  }
0xc: {  	_ =	swait.ge [sflag:s6], $0x200  }
0xd: {  	[sflag:s6] =	ssyncset.done $0x0  }
0xe: {  	[sflag:s6] =	ssyncadd.s32 $0xFFFFFE00  }
0xf: {  	v2 =	vld [tilespmem:$0xE0]  }
0x10: {  	v3 =	vld [tilespmem:$0xA0]  }
0x11: {  	v4 =	vld [tilespmem:$0x60]  }
0x12: {  	v5 =	vld [tilespmem:$0x1E0]  }
0x13: {  	v1 =	vld [tilespmem:$0x1D0]  }
0x14: {  	v6 =	vld [tilespmem:$0x140]  }
0x15: {  	v7 =	vld [tilespmem:$0x1C0]  }
0x16: {  	v8 =	vld [tilespmem:$0x40]  }
0x17: {  	v9 =	vld [tilespmem:$0x150]  }
0x18: {  	v10 =	vld [tilespmem:$0x190]  }
0x19: {  	v11 =	vld [tilespmem:$0xD0]  }
0x1a: {  	v12 =	vld [tilespmem:$0xC0]  }
0x1b: {  	v13 =	vld [tilespmem:$0x50]  }
0x1c: {  	v14 =	vld [tilespmem:$0x180]  }
0x1d: {  	v15 =	vld [tilespmem:$0x110]  }
0x1e: {  	v16 =	vld [tilespmem:$0x100]  }
0x1f: {  	v17 =	vld [tilespmem:$0x80]  }
0x20: {  	v18 =	vld [tilespmem:$0x90]  }
0x21: {  	v19 =	vld [tilespmem:$0x10]  }
0x22: {  	v20 =	vld [tilespmem:$0x0]  }
0x23: {  	v21 =	vld [tilespmem:$0x1F0]  }
0x24: {  	v22 =	vld [tilespmem:$0x120]  }
0x25: {  	v23 =	vld [tilespmem:$0x20]  }
0x26: {  	v24 =	vld [tilespmem:$0x130]  }
0x27: {  	v25 =	vld [tilespmem:$0x1A0]  }
0x28: {  	v26 =	vld [tilespmem:$0x30]  }
0x29: {  	v27 =	vld [tilespmem:$0xB0]  }
0x2a: {  	v28 =	vld [tilespmem:$0x1B0]  }
0x2b: {  	v29 =	vld [tilespmem:$0x70]  }
0x2c: {  	v30 =	vld [tilespmem:$0xF0]  }
0x2d: {  	s30 =	sadd.s32 $0x40, s5;
	v31 =	vld [tilespmem:$0x160]  }
0x2e: {  	v32 =	vld [tilespmem:$0x170];
	[tilespmem:s2], [sflag:$0x1] =	stream.linear.gather [hbm4b:s30+s2], $0x200, $0x38  }
0x2f: {  	_ =	swait.ge [sflag:s6], $0x200  }
0x30: {  	[sflag:s6] =	ssyncset.done $0x0  }
0x31: {  	[sflag:s6] =	ssyncadd.s32 $0xFFFFFE00;
	v9 =	vmin.f32 v12, v9;
	v7 =	vmin.f32 v7, v13  }
0x32: {  	v33 =	vld [tilespmem:$0x60];
	v8 =	vmin.f32 v8, v1;
	v6 =	vmin.f32 v6, v11;
	v14 =	vmin.f32 v14, v19  }
0x33: {  	v34 =	vld [tilespmem:$0x1E0];
	v10 =	vmin.f32 v20, v10;
	v11 =	vmax.f32 v8, v6;
	v13 =	vmax.f32 v9, v7  }
0x34: {  	v63 =	vld [tilespmem:$0x100];
	v7 =	vmin.f32 v9, v7;
	v6 =	vmin.f32 v8, v6;
	v9 =	vmax.f32 v11, v13  }
0x35: {  	v12 =	vld [tilespmem:$0xE0];
	v11 =	vmin.f32 v11, v13;
	v4 =	vmin.f32 v9, v4;
	v9 =	vmin.f32 v6, v7  }
0x36: {  	v1 =	vld [tilespmem:$0xA0];
	v2 =	vmin.f32 v11, v2;
	v11 =	vmin.f32 v17, v15;
	v15 =	vmin.f32 v16, v18  }
0x37: {  	v19 =	vld [tilespmem:$0x190];
	v6 =	vmax.f32 v6, v7;
	v7 =	vmin.f32 v10, v15;
	v10 =	vmax.f32 v10, v15  }
0x38: {  	v8 =	vld [tilespmem:$0x1D0];
	v17 =	vmax.f32 v11, v14;
	v5 =	vmin.f32 v9, v5;
	v6 =	vmin.f32 v6, v31  }
0x39: {  	v13 =	vld [tilespmem:$0x140];
	v11 =	vmin.f32 v11, v14;
	v18 =	vmin.f32 v5, v2;
	v2 =	vmax.f32 v5, v2  }
0x3a: {  	v16 =	vld [tilespmem:$0x1C0];
	v5 =	vmin.f32 v6, v4;
	v4 =	vmax.f32 v6, v4;
	v31 =	vmax.f32 v10, v17  }
0x3b: {  	v15 =	vld [tilespmem:$0x40];
	v10 =	vmin.f32 v10, v17;
	v6 =	vmin.f32 v18, v5;
	v5 =	vmax.f32 v18, v5  }
0x3c: {  	v9 =	vld [tilespmem:$0x150];
	v20 =	vmax.f32 v2, v4;
	v2 =	vmin.f32 v2, v4;
	v6 =	vmin.f32 v6, v21  }
0x3d: {  	v18 =	vld [tilespmem:$0xD0];
	v20 =	vmin.f32 v20, v29;
	v5 =	vmin.f32 v5, v32;
	v2 =	vmin.f32 v2, v30  }
0x3e: {  	v4 =	vld [tilespmem:$0xC0];
	v3 =	vmin.f32 v10, v3;
	v14 =	vmax.f32 v6, v2;
	v29 =	vmax.f32 v5, v20  }
0x3f: {  	v10 =	vld [tilespmem:$0x0];
	v2 =	vmin.f32 v6, v2;
	v5 =	vmin.f32 v5, v20;
	v6 =	vmax.f32 v14, v29  }
0x40: {  	v21 =	vld [tilespmem:$0x50];
	(xrf1) =	vsort.ascd.msk.f32 $0xffff, v6, v6;
	v6 =	vmax.f32 v2, v5  }
0x41: {  	v17 =	vmin.f32 v31, v23;
	v30 =	vld [tilespmem:$0x180];
	v14 =	vmin.f32 v14, v29;
	(xrf1) =	vsort.ascd.msk.f32 $0xffff, v6, v6  }
0x42: {  	v20 =	vld [tilespmem:$0x110];
	v8 =	vmin.f32 v15, v8;
	v2 =	vmin.f32 v2, v5;
	(xrf1) =	vsort.ascd.msk.f32 $0xffff, v14, v14  }
0x43: {  	v5 =	vld [tilespmem:$0x90];
	v14 =	vmin.f32 v7, v11;
	v7 =	vmax.f32 v7, v11;
	(xrf1) =	vsort.ascd.msk.f32 $0xffff, v2, v2  }
0x44: {  	v29 =	vld [tilespmem:$0x170];
	v4 =	vmin.f32 v4, v9;
	v10 =	vmin.f32 v10, v19;
	v7 =	vmin.f32 v7, v22  }
0x45: {  	v6 =	vld [tilespmem:$0x80];
	v16 =	vmin.f32 v16, v21;
	v11 =	vmin.f32 v14, v25;
	v14 =	vmin.f32 v7, v17  }
0x46: {  	v9 =	vld [tilespmem:$0x130];
	v7 =	vmax.f32 v7, v17;
	v17 =	vmin.f32 v11, v3;
	v3 =	vmax.f32 v11, v3  }
0x47: {  	v2 =	vld [tilespmem:$0x10];
	v11 =	vmin.f32 v17, v14;
	v14 =	vmax.f32 v17, v14;
	v23 =	vmax.f32 v3, v7  }
0x48: {  	v19 =	vld [tilespmem:$0xF0];
	v3 =	vmin.f32 v3, v7;
	v5 =	vmin.f32 v63, v5;
	v11 =	vmin.f32 v11, v28  }
0x49: {  	v21 =	vld [tilespmem:$0x1A0];
	v23 =	vmin.f32 v23, v26;
	v3 =	vmin.f32 v3, v27;
	v14 =	vmin.f32 v14, v24  }
0x4a: {  	v22 =	vld [tilespmem:$0x1F0];
	v6 =	vmin.f32 v6, v20;
	v25 =	vmax.f32 v11, v3;
	v3 =	vmin.f32 v11, v3  }
0x4b: {  	v17 =	vld [tilespmem:$0x120];
	v11 =	vmin.f32 v13, v18;
	v18 =	vmin.f32 v4, v16;
	v4 =	vmax.f32 v4, v16  }
0x4c: {  	v7 =	vld [tilespmem:$0x20];
	v15 =	vmax.f32 v8, v11;
	v8 =	vmin.f32 v8, v11;
	v2 =	vmin.f32 v30, v2  }
0x4d: {  	v27 =	vld [tilespmem:$0x160];
	v24 =	vmin.f32 v15, v4;
	v4 =	vmax.f32 v15, v4;
	v15 =	vmin.f32 v8, v18  }
0x4e: {  	v13 =	vld [tilespmem:$0x30];
	v8 =	vmax.f32 v8, v18;
	v18 =	vmin.f32 v10, v5;
	v5 =	vmax.f32 v10, v5;
	v20, _, _ =	vpop (xrf1)  }
0x4f: {  	v16 =	vld [tilespmem:$0xB0];
	v10 =	vmax.f32 v6, v2;
	v2 =	vmin.f32 v6, v2;
	v4 =	vmin.f32 v4, v33;
	v26, _, _ =	vpop (xrf1)  }
0x50: {  	s31 =	sadd.s32 $0x80, s5;
	v11 =	vld [tilespmem:$0x1B0];
	v12 =	vmin.f32 v24, v12;
	v15 =	vmin.f32 v15, v34;
	v6 =	vmax.f32 v5, v10;
	v28, _, _ =	vpop (xrf1)  }
0x51: {  	v24 =	vld [tilespmem:$0x70];
	[tilespmem:s2], [sflag:$0x1] =	stream.linear.gather [hbm4b:s31+s2], $0x200, $0x38;
	v5 =	vmin.f32 v5, v10;
	v10 =	vmax.f32 v14, v23;
	v14 =	vmin.f32 v14, v23;
	v30, _, _ =	vpop (xrf1)  }
0x52: {  	v6 =	vmin.f32 v6, v7;
	v7 =	vmin.f32 v18, v2;
	v20 =	vperm.xlane v20, v0;
	_ =	swait.ge [sflag:s6], $0x200  }
0x53: {  	v2 =	vmax.f32 v18, v2;
	v1 =	vmin.f32 v5, v1;
	v8 =	vmin.f32 v8, v27;
	[sflag:s6] =	ssyncset.done $0x0  }
0x54: {  	v7 =	vmin.f32 v7, v21;
	v18 =	vmin.f32 v28, v20;
	v20 =	vmax.f32 v25, v10;
	[sflag:s6] =	ssyncadd.s32 $0xFFFFFE00  }
0x55: {  	v17 =	vmin.f32 v2, v17;
	v2 =	vmax.f32 v3, v14;
	(xrf1) =	vsort.ascd.msk.f32 $0xffff, v20, v20;
	v20 =	vld [tilespmem:$0xE0]  }
0x56: {  	v3 =	vmin.f32 v3, v14;
	v21 =	vmin.f32 v17, v6;
	(xrf1) =	vsort.ascd.msk.f32 $0xffff, v2, v2;
	v2 =	vld [tilespmem:$0xA0]  }
0x57: {  	v5 =	vmax.f32 v17, v6;
	v6 =	vmin.f32 v15, v12;
	v17 =	vmin.f32 v7, v1;
	v23 =	vld [tilespmem:$0x60]  }
0x58: {  	v1 =	vmax.f32 v7, v1;
	v7 =	vmax.f32 v15, v12;
	v12 =	vmin.f32 v17, v21;
	v15 =	vld [tilespmem:$0x1E0]  }
0x59: {  	v17 =	vmax.f32 v17, v21;
	v21 =	vmax.f32 v1, v5;
	v11 =	vmin.f32 v12, v11;
	v14 =	vld [tilespmem:$0x1D0]  }
0x5a: {  	v12 =	vmin.f32 v8, v4;
	(xrf1) =	vsort.ascd.msk.f32 $0xffff, v3, v3;
	v3 =	vmin.f32 v25, v10;
	v10 =	vld [tilespmem:$0x140]  }
0x5b: {  	v4 =	vmax.f32 v8, v4;
	v8 =	vmin.f32 v6, v12;
	v6 =	vmax.f32 v6, v12;
	v12 =	vld [tilespmem:$0x40]  }
0x5c: {  	v25 =	vmax.f32 v7, v4;
	v4 =	vmin.f32 v7, v4;
	v7 =	vld [tilespmem:$0x150];
	(xrf1) =	vsort.ascd.msk.f32 $0xffff, v3, v3  }
0x5d: {  	v1 =	vmin.f32 v1, v5;
	v8 =	vmin.f32 v8, v22;
	v6 =	vmin.f32 v6, v29;
	v27 =	vld [tilespmem:$0x80]  }
0x5e: {  	v28 =	vmin.f32 v17, v9;
	v9 =	vld [tilespmem:$0x10];
	v22 =	vmin.f32 v25, v24;
	v4 =	vmin.f32 v4, v19  }
0x5f: {  	v3 =	vld [tilespmem:$0x1C0];
	(xrf1) =	vsort.ascd.msk.f32 $0xffff, v18, v18;
	v18 =	vmax.f32 v8, v4;
	v19 =	vmax.f32 v6, v22  }
0x60: {  	v4 =	vmin.f32 v8, v4;
	v6 =	vmin.f32 v6, v22;
	v22 =	vld [tilespmem:$0xC0];
	v8 =	vmax.f32 v18, v19  }
0x61: {  	v21 =	vmin.f32 v21, v13;
	v25 =	vld [tilespmem:$0xD0];
	v5 =	vmax.f32 v4, v6;
	(xrf1) =	vsort.ascd.msk.f32 $0xffff, v8, v8  }
0x62: {  	v18 =	vmin.f32 v18, v19;
	v19 =	vperm.xlane v26, v0;
	v8 =	vld [tilespmem:$0x50];
	(xrf1) =	vsort.ascd.msk.f32 $0xffff, v5, v5  }
0x63: {  	v1 =	vmin.f32 v1, v16;
	v24 =	vld [tilespmem:$0x190];
	v4 =	vmin.f32 v4, v6;
	(xrf1) =	vsort.ascd.msk.f32 $0xffff, v18, v18  }
0x64: {  	v26 =	vld [tilespmem:$0x180];
	v13 =	vmin.f32 v30, v19;
	v5, _, _ =	vpop (xrf1);
	(xrf1) =	vsort.ascd.msk.f32 $0xffff, v4, v4;
	v4 =	vmax.f32 v11, v1  }
0x65: {  	v16, _, _ =	vpop (xrf1);
	v19 =	vperm.xlane v5, v0;
	v5 =	vmin.f32 v22, v7;
	v7 =	vmin.f32 v11, v1;
	v1 =	vld [tilespmem:$0x0]  }
0x66: {  	v6 =	vld [tilespmem:$0x110];
	(xrf1) =	vsort.ascd.msk.f32 $0xffff, v13, v13;
	v16 =	vperm.xlane v16, v0  }
0x67: {  	v18 =	vld [tilespmem:$0x100];
	v10 =	vmin.f32 v10, v25;
	v3 =	vmin.f32 v3, v8;
	v8 =	vmin.f32 v12, v14  }
0x68: {  	v13 =	vld [tilespmem:$0x90];
	v11 =	vmax.f32 v8, v10;
	v14 =	vmax.f32 v5, v3  }
0x69: {  	v29 =	vld [tilespmem:$0x20];
	v9 =	vmin.f32 v26, v9;
	v12, _, _ =	vpop (xrf1);
	v17 =	vmin.f32 v5, v3;
	v3 =	vmin.f32 v11, v14  }
0x6a: {  	v25 =	vld [tilespmem:$0x120];
	v11 =	vmax.f32 v11, v14;
	v12 =	vmin.f32 v12, v16;
	v16, _, _ =	vpop (xrf1);
	v1 =	vmin.f32 v1, v24  }
0x6b: {  	v5 =	vld [tilespmem:$0x1F0];
	v14 =	vmin.f32 v16, v19;
	v16 =	vmin.f32 v8, v10;
	v10 =	vmin.f32 v11, v23  }
0x6c: {  	v8 =	vmax.f32 v28, v21;
	v19 =	vmin.f32 v3, v20;
	v3 =	vld [tilespmem:$0x130];
	(xrf1) =	vsort.ascd.msk.f32 $0xffff, v14, v14  }
0x6d: {  	v11 =	vld [tilespmem:$0x30];
	v22 =	vmin.f32 v16, v17;
	v14 =	vmin.f32 v27, v6;
	v6 =	vmin.f32 v18, v13  }
0x6e: {  	v27 =	vld [tilespmem:$0x1A0];
	v18, _, _ =	vpop (xrf1);
	v16 =	vmax.f32 v16, v17;
	v20 =	vmin.f32 v1, v6;
	v17 =	vmax.f32 v1, v6  }
0x6f: {  	v13 =	vld [tilespmem:$0xB0];
	v1 =	vimm.f32 $0.0e+00;
	v24, _, _ =	vpop (xrf1);
	(xrf1) =	vsort.ascd.msk.f32 $0xffff, v12, v12;
	v12 =	vmax.f32 v14, v9;
	v23 =	vmin.f32 v22, v15  }
0x70: {  	v22 =	vld [tilespmem:$0x1B0];
	v9 =	vmin.f32 v14, v9;
	v14 =	vmax.f32 v17, v12;
	v15 =	vperm.xlane v24, v0  }
0x71: {  	v26 =	vmin.f32 v17, v12;
	v17 =	vld [tilespmem:$0x70];
	v12 =	vperm.xlane v18, v0;
	v30 =	vmax.f32 v20, v9;
	v6, _, _ =	vpop (xrf1)  }
0x72: {  	v18 =	vld [tilespmem:$0xF0];
	v14 =	vmin.f32 v14, v29;
	v30 =	vmin.f32 v30, v25;
	v25 =	vmin.f32 v28, v21;
	v24, _, _ =	vpop (xrf1)  }
0x73: {  	v29 =	vmin.f32 v20, v9;
	v21 =	vld [tilespmem:$0x170];
	v28 =	vmax.f32 v7, v25;
	v20 =	vmin.f32 v24, v15;
	v9, _, _ =	vpop (xrf1)  }
0x74: {  	s10 =	sadd.s32 $0xC0, s5;
	s9 =	simm.s32 $0x100;
	v27 =	vmin.f32 v29, v27;
	v24 =	vld [tilespmem:$0x160];
	v29 =	vmin.f32 v30, v14;
	v14 =	vmax.f32 v30, v14;
	v15, _, _ =	vpop (xrf1)  }
.LBB2_2:
0x75: {  	[tilespmem:s2], [sflag:$0x1] =	stream.linear.gather [hbm4b:s10+s2], $0x200, $0x38;
	[tilespmem:$0x280] =	vst v63  }
0x76: {  	v2 =	vmin.f32 v26, v2;
	v26 =	vmin.f32 v23, v19;
	v30 =	vmax.f32 v4, v8;
	s10 =	smov.u32 s9  }
0x77: {  	p0 =	sne.s32 s9, $0x3C0;
	s9 =	sadd.s32 $0x40, s9;
	v19 =	vmax.f32 v23, v19;
	_ =	swait.ge [sflag:s6], $0x200;
	v31 =	vmin.f32 v27, v2;
	v2 =	vmax.f32 v27, v2  }
0x78: {  	[sflag:s6] =	ssyncset.done $0x0;
	v23 =	vmin.f32 v31, v29;
	v27 =	vmax.f32 v31, v29;
	(xrf1) =	vsort.ascd.msk.f32 $0xffff, v30, v30  }
0x79: {  	v7 =	vmin.f32 v7, v25;
	v29 =	vmax.f32 v2, v14;
	[sflag:s6] =	ssyncadd.s32 $0xFFFFFE00;
	v22 =	vmin.f32 v23, v22  }
0x7a: {  	v25 =	vmin.f32 v2, v14;
	v14 =	vmin.f32 v29, v11;
	v23 =	vld [tilespmem:$0xE0];
	(xrf1) =	vsort.ascd.msk.f32 $0xffff, v28, v28;
	v11, _, _ =	vpop (xrf1)  }
0x7b: {  	v13 =	vmin.f32 v25, v13;
	v16 =	vmin.f32 v16, v24;
	v2 =	vld [tilespmem:$0xA0];
	v11 =	vperm.xlane v11, v0  }
0x7c: {  	v25 =	vmin.f32 v16, v10;
	v10 =	vmax.f32 v16, v10;
	v24 =	vld [tilespmem:$0x60];
	(xrf1) =	vsort.ascd.msk.f32 $0xffff, v7, v7  }
0x7d: {  	v4 =	vmin.f32 v4, v8;
	v16 =	vmax.f32 v26, v25;
	v7 =	vmin.f32 v26, v25;
	v28 =	vld [tilespmem:$0x1E0];
	v8, _, _ =	vpop (xrf1)  }
0x7e: {  	v26 =	vmax.f32 v19, v10;
	v5 =	vmin.f32 v7, v5;
	v25 =	vld [tilespmem:$0x1D0];
	(xrf1) =	vsort.ascd.msk.f32 $0xffff, v4, v4  }
0x7f: {  	v7 =	vmin.f32 v26, v17;
	v4 =	vmin.f32 v19, v10;
	v29 =	vld [tilespmem:$0x140];
	(xrf1) =	vsort.ascd.msk.f32 $0xffff, v20, v20  }
0x80: {  	v16 =	vmin.f32 v16, v21;
	v8 =	vmin.f32 v8, v11;
	v4 =	vmin.f32 v4, v18;
	v10 =	vld [tilespmem:$0x1C0]  }
0x81: {  	v18 =	vmax.f32 v16, v7;
	v17 =	vmax.f32 v5, v4;
	v11 =	vld [tilespmem:$0x40];
	(xrf1) =	vsort.ascd.msk.f32 $0xffff, v8, v8  }
0x82: {  	v4 =	vmin.f32 v5, v4;
	v5 =	vmin.f32 v17, v18;
	v17 =	vmax.f32 v17, v18;
	v8 =	vld [tilespmem:$0x150]  }
0x83: {  	v12 =	vmin.f32 v15, v12;
	v7 =	vmin.f32 v16, v7;
	v18 =	vld [tilespmem:$0x190];
	(xrf1) =	vsort.ascd.msk.f32 $0xffff, v17, v17  }
0x84: {  	v6 =	vperm.xlane v6, v0;
	v16 =	vmax.f32 v4, v7;
	v15 =	vld [tilespmem:$0xD0];
	(xrf1) =	vsort.ascd.msk.f32 $0xffff, v12, v12  }
0x85: {  	v4 =	vmin.f32 v4, v7;
	v12 =	vld [tilespmem:$0xC0];
	(xrf1) =	vsort.ascd.msk.f32 $0xffff, v16, v16  }
0x86: {  	v6 =	vmin.f32 v9, v6;
	v7 =	vld [tilespmem:$0x50];
	v9, _, _ =	vpop (xrf1)  }
0x87: {  	v16 =	vld [tilespmem:$0x180]  }
0x88: {  	v17 =	vld [tilespmem:$0x110];
	(xrf1) =	vsort.ascd.msk.f32 $0xffff, v5, v5;
	v5, _, _ =	vpop (xrf1)  }
0x89: {  	v9 =	vperm.xlane v9, v0;
	v20 =	vld [tilespmem:$0x100];
	(xrf1) =	vsort.ascd.msk.f32 $0xffff, v4, v4;
	v5 =	vperm.xlane v5, v0  }
0x8a: {  	v4 =	vmax.f32 v22, v13;
	v21 =	vld [tilespmem:$0x80];
	v8 =	vmin.f32 v12, v8;
	v12, _, _ =	vpop (xrf1);
	(xrf1) =	vsort.ascd.msk.f32 $0xffff, v6, v6  }
0x8b: {  	v30 =	vmin.f32 v27, v3;
	v6 =	vld [tilespmem:$0x90];
	v10 =	vmin.f32 v10, v7;
	v7 =	vmin.f32 v22, v13  }
0x8c: {  	v3 =	vmin.f32 v11, v25;
	v11 =	vmin.f32 v29, v15;
	v12 =	vmin.f32 v12, v5;
	v13 =	vld [tilespmem:$0x10];
	v15, _, _ =	vpop (xrf1)  }
0x8d: {  	v19 =	vmax.f32 v3, v11;
	v25 =	vmin.f32 v8, v10;
	v8 =	vmax.f32 v8, v10;
	v22 =	vld [tilespmem:$0x0];
	v27, _, _ =	vpop (xrf1)  }
0x8e: {  	v26 =	vmin.f32 v19, v8;
	v8 =	vmax.f32 v19, v8;
	v9 =	vmin.f32 v15, v9;
	v5 =	vld [tilespmem:$0x1F0]  }
0x8f: {  	v11 =	vmin.f32 v3, v11;
	v10 =	vmin.f32 v8, v24;
	v8 =	vmax.f32 v30, v14;
	v15 =	vld [tilespmem:$0x120];
	v3, _, _ =	vpop (xrf1)  }
0x90: {  	v29 =	vmin.f32 v11, v25;
	v19 =	vmin.f32 v26, v23;
	v24 =	vld [tilespmem:$0x20];
	(xrf1) =	vsort.ascd.msk.f32 $0xffff, v9, v9;
	v9 =	vnsel vm0, $0x0, v3  }
0x91: {  	v17 =	vmin.f32 v21, v17;
	v3 =	vld [tilespmem:$0x130];
	v21 =	vmin.f32 v16, v13;
	v26, _, _ =	vpop (xrf1);
	v1 =	vadd.f32 v9, v1  }
0x92: {  	v20 =	vmin.f32 v20, v6;
	v16 =	vmax.f32 v11, v25;
	v31 =	vld [tilespmem:$0x1A0];
	v9 =	vmin.f32 v22, v18;
	v13, _, _ =	vpop (xrf1)  }
0x93: {  	v11 =	vld [tilespmem:$0x30];
	v18 =	vmin.f32 v9, v20;
	v9 =	vmax.f32 v9, v20;
	v6, _, _ =	vpop (xrf1);
	(xrf1) =	vsort.ascd.msk.f32 $0xffff, v12, v12;
	v12 =	vnsel vm0, $0x0, v13  }
0x94: {  	v23 =	vmin.f32 v29, v28;
	v20 =	vmax.f32 v17, v21;
	v13 =	vld [tilespmem:$0xB0];
	v1 =	vadd.f32 v12, v1  }
.Ltmp0:
0x95: {  	v25 =	vperm.xlane v26, v0;
	v21 =	vmin.f32 v17, v21;
	v12 =	vmax.f32 v9, v20;
	v22 =	vld [tilespmem:$0x1B0];
	(pc) =	sbr.rel @p0 .LBB2_2-.Ltmp0, $4  }
0x96: {  	v26 =	vmin.f32 v9, v20;
	v28 =	vmin.f32 v12, v24;
	v12 =	vperm.xlane v27, v0;
	v17 =	vld [tilespmem:$0x70];
	v9, _, _ =	vpop (xrf1)  }
0x97: {  	v24 =	vmin.f32 v18, v21;
	v21 =	vmax.f32 v18, v21;
	v18 =	vld [tilespmem:$0xF0];
	v20 =	vmin.f32 v9, v25;
	v9, _, _ =	vpop (xrf1)  }
0x98: {  	v21 =	vmin.f32 v21, v15;
	v27 =	vmin.f32 v24, v31;
	v25 =	vmin.f32 v30, v14;
	v24 =	vld [tilespmem:$0x160];
	v15, _, _ =	vpop (xrf1)  }
0x99: {  	s10 =	sadd.s32 s10, s5;
	v29 =	vmin.f32 v21, v28;
	v14 =	vmax.f32 v21, v28;
	v28 =	vmax.f32 v7, v25;
	v21 =	vld [tilespmem:$0x170]  }
0x9a: {  	[tilespmem:s2], [sflag:$0x1] =	stream.linear.gather [hbm4b:s10+s2], $0x200, $0x38;
	[tilespmem:$0x280] =	vst v63  }
0x9b: {  	v2 =	vmin.f32 v26, v2;
	v44 =	vmax.f32 v4, v8;
	_ =	swait.ge [sflag:s6], $0x200  }
0x9c: {  	v30 =	vmin.f32 v23, v19;
	v45 =	vmax.f32 v23, v19;
	v7 =	vmin.f32 v7, v25;
	[sflag:s6] =	ssyncset.done $0x0  }
0x9d: {  	v53 =	vmin.f32 v4, v8;
	v33 =	vmin.f32 v15, v12;
	v6 =	vperm.xlane v6, v0;
	[sflag:s6] =	ssyncadd.s32 $0xFFFFFE00  }
0x9e: {  	v31 =	vmin.f32 v27, v2;
	v2 =	vmax.f32 v27, v2;
	(xrf1) =	vsort.ascd.msk.f32 $0xffff, v44, v44;
	v51 =	vld [tilespmem:$0x1D0]  }
0x9f: {  	v46 =	vmin.f32 v31, v29;
	v47 =	vmax.f32 v31, v29;
	v27 =	vmax.f32 v2, v14;
	v54 =	vld [tilespmem:$0x140]  }
0xa0: {  	v2 =	vmin.f32 v2, v14;
	v6 =	vmin.f32 v9, v6;
	(xrf1) =	vsort.ascd.msk.f32 $0xffff, v28, v28;
	v56 =	vld [tilespmem:$0x1C0]  }
0xa1: {  	v22 =	vmin.f32 v46, v22;
	v16 =	vmin.f32 v16, v24;
	v11 =	vmin.f32 v27, v11;
	v59 =	vld [tilespmem:$0x40]  }
0xa2: {  	v2 =	vmin.f32 v2, v13;
	v48, _, _ =	vpop (xrf1);
	v49 =	vmin.f32 v16, v10;
	v50 =	vmax.f32 v16, v10;
	v62 =	vld [tilespmem:$0x150]  }
0xa3: {  	(xrf1) =	vsort.ascd.msk.f32 $0xffff, v7, v7;
	v32 =	vld [tilespmem:$0xD0];
	v23 =	vperm.xlane v48, v0;
	v52 =	vmin.f32 v30, v49  }
0xa4: {  	v34 =	vld [tilespmem:$0xC0];
	v25 =	vmax.f32 v30, v49;
	v55 =	vmax.f32 v45, v50;
	(xrf1) =	vsort.ascd.msk.f32 $0xffff, v53, v53  }
0xa5: {  	v36 =	vld [tilespmem:$0x50];
	v57 =	vmin.f32 v45, v50;
	v5 =	vmin.f32 v52, v5;
	v58 =	vmin.f32 v55, v17  }
0xa6: {  	v38 =	vld [tilespmem:$0x180];
	(xrf1) =	vsort.ascd.msk.f32 $0xffff, v20, v20;
	v61 =	vmin.f32 v25, v21;
	v7 =	vmin.f32 v57, v18;
	v60, _, _ =	vpop (xrf1)  }
0xa7: {  	v40 =	vld [tilespmem:$0x110];
	v63 =	vmax.f32 v5, v7;
	v29 =	vmax.f32 v61, v58;
	v19 =	vmin.f32 v60, v23  }
0xa8: {  	v47 =	vmin.f32 v47, v3;
	v3 =	vld [tilespmem:$0x10];
	v31 =	vmax.f32 v63, v29;
	(xrf1) =	vsort.ascd.msk.f32 $0xffff, v19, v19  }
0xa9: {  	v15 =	vmax.f32 v22, v2;
	v30 =	vld [tilespmem:$0x190];
	v49 =	vmin.f32 v22, v2;
	(xrf1) =	vsort.ascd.msk.f32 $0xffff, v31, v31  }
0xaa: {  	v45 =	vld [tilespmem:$0x80];
	v55 =	vmax.f32 v47, v11;
	v5 =	vmin.f32 v5, v7;
	(xrf1) =	vsort.ascd.msk.f32 $0xffff, v33, v33  }
0xab: {  	v50 =	vld [tilespmem:$0x0];
	v10 =	vmin.f32 v61, v58;
	v7 =	vmin.f32 v47, v11;
	v47 =	vmin.f32 v15, v55  }
0xac: {  	v35 =	vmax.f32 v5, v10;
	v37 =	vmin.f32 v63, v29;
	v5 =	vmin.f32 v5, v10  }
0xad: {  	v24 =	vld [tilespmem:$0x60];
	v12 =	vmin.f32 v34, v62;
	v4 =	vmin.f32 v56, v36;
	v16 =	vmin.f32 v59, v51  }
0xae: {  	v28 =	vld [tilespmem:$0xE0];
	v8 =	vmin.f32 v54, v32;
	v14 =	vmin.f32 v38, v3;
	(xrf1) =	vsort.ascd.msk.f32 $0xffff, v35, v35  }
0xaf: {  	v54 =	vld [tilespmem:$0x1E0];
	v2 =	vmax.f32 v16, v8;
	v51 =	vmax.f32 v12, v4;
	v4 =	vmin.f32 v12, v4  }
0xb0: {  	v42 =	vld [tilespmem:$0x100];
	v8 =	vmin.f32 v16, v8;
	v59 =	vmin.f32 v45, v40;
	v3 =	vmin.f32 v50, v30  }
0xb1: {  	v46 =	vld [tilespmem:$0x90];
	v40 =	vmax.f32 v15, v55;
	v53 =	vmin.f32 v2, v51;
	v2 =	vmax.f32 v2, v51;
	v39, _, _ =	vpop (xrf1)  }
0xb2: {  	v56 =	vmin.f32 v8, v4;
	v4 =	vmax.f32 v8, v4;
	v16 =	vmin.f32 v2, v24;
	v41, _, _ =	vpop (xrf1)  }
0xb3: {  	v12 =	vmin.f32 v53, v28;
	(xrf1) =	vsort.ascd.msk.f32 $0xffff, v37, v37;
	v44 =	vperm.xlane v39, v0;
	v48, _, _ =	vpop (xrf1)  }
0xb4: {  	v58 =	vld [tilespmem:$0x20];
	v28 =	vmax.f32 v59, v14;
	(xrf1) =	vsort.ascd.msk.f32 $0xffff, v5, v5;
	v29 =	vmin.f32 v56, v54;
	v52, _, _ =	vpop (xrf1)  }
0xb5: {  	v60 =	vld [tilespmem:$0x120];
	(xrf1) =	vsort.ascd.msk.f32 $0xffff, v6, v6;
	v43 =	vperm.xlane v41, v0;
	v9 =	vmin.f32 v52, v44;
	v57, _, _ =	vpop (xrf1)  }
0xb6: {  	v62 =	vld [tilespmem:$0x1A0];
	v6 =	vmin.f32 v42, v46;
	v42 =	vmax.f32 v49, v7;
	(xrf1) =	vsort.ascd.msk.f32 $0xffff, v9, v9;
	v2, _, _ =	vpop (xrf1)  }
0xb7: {  	v63 =	vmin.f32 v3, v6;
	v6 =	vmax.f32 v3, v6;
	v41 =	vld [tilespmem:$0x160];
	v5 =	vmin.f32 v48, v43;
	v61, _, _ =	vpop (xrf1)  }
0xb8: {  	v7 =	vmin.f32 v49, v7;
	v32 =	vmax.f32 v6, v28;
	v3, _, _ =	vpop (xrf1);
	(xrf1) =	vsort.ascd.msk.f32 $0xffff, v5, v5  }
0xb9: {  	v30 =	vld [tilespmem:$0xA0];
	v33 =	vmin.f32 v32, v58;
	v44 =	vmin.f32 v29, v12;
	v9 =	vmin.f32 v59, v14  }
0xba: {  	v45 =	vld [tilespmem:$0x70];
	v12 =	vmax.f32 v29, v12;
	v35 =	vmin.f32 v63, v9;
	v8 =	vmax.f32 v63, v9  }
0xbb: {  	v51 =	vld [tilespmem:$0x170];
	v23 =	vperm.xlane v57, v0;
	v37 =	vmin.f32 v35, v62;
	v8 =	vmin.f32 v8, v60  }
0xbc: {  	v43 =	vld [tilespmem:$0x1F0];
	v4 =	vmin.f32 v4, v41;
	v39 =	vmin.f32 v8, v33;
	v31, _, _ =	vpop (xrf1);
	(xrf1) =	vsort.ascd.msk.f32 $0xffff, v40, v40  }
0xbd: {  	v48 =	vld [tilespmem:$0xF0];
	v14 =	vmin.f32 v4, v16;
	v4 =	vmax.f32 v4, v16;
	(xrf1) =	vsort.ascd.msk.f32 $0xffff, v42, v42  }
0xbe: {  	v13 =	vperm.xlane v61, v0;
	v5 =	vmin.f32 v6, v28;
	(xrf1) =	vsort.ascd.msk.f32 $0xffff, v7, v7  }
0xbf: {  	v6 =	vmax.f32 v8, v33;
	v55 =	vmin.f32 v44, v14;
	(xrf1) =	vsort.ascd.msk.f32 $0xffff, v47, v47  }
0xc0: {  	v14 =	vmax.f32 v44, v14;
	v56 =	vmax.f32 v12, v4;
	v4 =	vmin.f32 v12, v4  }
0xc1: {  	v5 =	vmin.f32 v5, v30;
	v8 =	vmin.f32 v55, v43;
	v58 =	vmin.f32 v56, v45;
	v34, _, _ =	vpop (xrf1)  }
0xc2: {  	v60 =	vmin.f32 v14, v51;
	v4 =	vmin.f32 v4, v48;
	v46 =	vmin.f32 v37, v5;
	v49, _, _ =	vpop (xrf1)  }
0xc3: {  	v5 =	vmax.f32 v37, v5;
	v62 =	vmax.f32 v8, v4;
	v63 =	vmax.f32 v60, v58;
	v50, _, _ =	vpop (xrf1)  }
0xc4: {  	v38 =	vld [tilespmem:$0x1B0];
	v4 =	vmin.f32 v8, v4;
	v20 =	vmin.f32 v60, v58;
	v27 =	vperm.xlane v31, v0;
	v54, _, _ =	vpop (xrf1)  }
0xc5: {  	v57 =	vld [tilespmem:$0x30];
	v53 =	vmax.f32 v5, v6;
	v5 =	vmin.f32 v5, v6;
	v6 =	vperm.xlane v54, v0  }
0xc6: {  	v24 =	vld [tilespmem:$0x130];
	v36 =	vmin.f32 v34, v13;
	v52 =	vmin.f32 v46, v39;
	v11 =	vmax.f32 v46, v39;
	v59, _, _ =	vpop (xrf1)  }
0xc7: {  	v61 =	vld [tilespmem:$0xB0];
	v18 =	vmax.f32 v62, v63;
	(xrf1) =	vsort.ascd.msk.f32 $0xffff, v36, v36;
	v6 =	vmin.f32 v59, v6  }
0xc8: {  	v12 =	vmax.f32 v4, v20;
	v26 =	vmin.f32 v62, v63;
	(xrf1) =	vsort.ascd.msk.f32 $0xffff, v6, v6  }
0xc9: {  	v4 =	vmin.f32 v4, v20;
	v23 =	vmin.f32 v50, v23;
	(xrf1) =	vsort.ascd.msk.f32 $0xffff, v18, v18  }
0xca: {  	v10 =	vmin.f32 v52, v38;
	v25 =	vmin.f32 v53, v57;
	v28, _, _ =	vpop (xrf1);
	(xrf1) =	vsort.ascd.msk.f32 $0xffff, v23, v23  }
0xcb: {  	v30 =	vmin.f32 v49, v27;
	v7 =	vmin.f32 v11, v24;
	v29, _, _ =	vpop (xrf1);
	(xrf1) =	vsort.ascd.msk.f32 $0xffff, v12, v12  }
0xcc: {  	v5 =	vmin.f32 v5, v61;
	v31 =	vperm.xlane v28, v0;
	v32, _, _ =	vpop (xrf1);
	(xrf1) =	vsort.ascd.msk.f32 $0xffff, v26, v26  }
0xcd: {  	v34 =	vmax.f32 v7, v25;
	v6 =	vperm.xlane v29, v0;
	v33, _, _ =	vpop (xrf1);
	(xrf1) =	vsort.ascd.msk.f32 $0xffff, v4, v4  }
0xce: {  	v35 =	vmin.f32 v7, v25;
	v4 =	vmin.f32 v33, v31;
	(xrf1) =	vsort.ascd.msk.f32 $0xffff, v30, v30  }
0xcf: {  	v13 =	vmax.f32 v10, v5;
	v6 =	vmin.f32 v32, v6;
	(xrf1) =	vsort.ascd.msk.f32 $0xffff, v4, v4  }
0xd0: {  	v5 =	vmin.f32 v10, v5;
	v36 =	vmax.f32 v13, v34;
	(xrf1) =	vsort.ascd.msk.f32 $0xffff, v6, v6  }
0xd1: {  	v7 =	vmax.f32 v5, v35;
	(xrf1) =	vsort.ascd.msk.f32 $0xffff, v36, v36  }
0xd2: {  	v4 =	vmin.f32 v5, v35;
	(xrf1) =	vsort.ascd.msk.f32 $0xffff, v7, v7  }
0xd3: {  	v37 =	vmin.f32 v13, v34;
	(xrf1) =	vsort.ascd.msk.f32 $0xffff, v4, v4  }
0xd4: {  	(xrf1) =	vsort.ascd.msk.f32 $0xffff, v37, v37  }
0xd5: {  	v38, _, _ =	vpop (xrf1)  }
0xd6: {  	v39, _, _ =	vpop (xrf1)  }
0xd7: {  	v40, _, _ =	vpop (xrf1)  }
0xd8: {  	v41, _, _ =	vpop (xrf1)  }
0xd9: {  	v42, _, _ =	vpop (xrf1)  }
0xda: {  	v43, _, _ =	vpop (xrf1)  }
0xdb: {  	v44, _, _ =	vpop (xrf1)  }
0xdc: {  	v45, _, _ =	vpop (xrf1)  }
0xdd: {  	v6 =	vperm.xlane v40, v0;
	v46, _, _ =	vpop (xrf1)  }
0xde: {  	v12 =	vperm.xlane v46, v0;
	v47, _, _ =	vpop (xrf1)  }
0xdf: {  	v4 =	vperm.xlane v38, v0;
	v6 =	vmin.f32 v43, v6;
	v48, _, _ =	vpop (xrf1)  }
0xe0: {  	v8 =	vperm.xlane v42, v0;
	(xrf1) =	vsort.ascd.msk.f32 $0xffff, v6, v6;
	v49 =	vmin.f32 v47, v12;
	v50, _, _ =	vpop (xrf1)  }
0xe1: {  	v4 =	vmin.f32 v45, v4;
	v51 =	vperm.xlane v48, v0;
	(xrf1) =	vsort.ascd.msk.f32 $0xffff, v49, v49;
	v52, _, _ =	vpop (xrf1)  }
0xe2: {  	v53 =	vmin.f32 v44, v8;
	(xrf1) =	vsort.ascd.msk.f32 $0xffff, v4, v4;
	v54, _, _ =	vpop (xrf1)  }
0xe3: {  	v55 =	vperm.xlane v50, v0;
	(xrf1) =	vsort.ascd.msk.f32 $0xffff, v53, v53;
	v56 =	vmin.f32 v54, v51  }
0xe4: {  	(xrf1) =	vsort.ascd.msk.f32 $0xffff, v56, v56  }
0xe5: {  	v57 =	vmin.f32 v52, v55  }
0xe6: {  	(xrf1) =	vsort.ascd.msk.f32 $0xffff, v57, v57;
	_ =	sdelay $0x7  }
0xe7: {  	v58, _, _ =	vpop (xrf1)  }
0xe8: {  	v59, _, _ =	vpop (xrf1)  }
0xe9: {  	v60, _, _ =	vpop (xrf1)  }
0xea: {  	v61, _, _ =	vpop (xrf1)  }
0xeb: {  	v62, _, _ =	vpop (xrf1)  }
0xec: {  	v10 =	vperm.xlane v62, v0  }
0xed: {  	v63, _, _ =	vpop (xrf1)  }
0xee: {  	v10 =	vmin.f32 v63, v10  }
0xef: {  	(xrf1) =	vsort.ascd.msk.f32 $0xffff, v10, v10  }
0xf0: {  	v4 =	vperm.xlane v58, v0  }
0xf1: {  	v2 =	vnsel vm0, $0x0, v2  }
0xf2: {  	v1 =	vadd.f32 v2, v1;
	v4 =	vmin.f32 v61, v4  }
0xf3: {  	v2 =	vnsel vm0, $0x0, v3;
	(xrf1) =	vsort.ascd.msk.f32 $0xffff, v4, v4  }
0xf4: {  	v1 =	vadd.f32 v2, v1  }
0xf5: {  	v2 =	vnsel vm0, $0x0, v39  }
0xf6: {  	v1 =	vadd.f32 v2, v1  }
0xf7: {  	v2 =	vnsel vm0, $0x0, v41  }
0xf8: {  	v1 =	vadd.f32 v2, v1  }
0xf9: {  	v2 =	vnsel vm0, $0x0, v59  }
0xfa: {  	v1 =	vadd.f32 v2, v1;
	v2 =	vnsel vm0, $0x0, v60;
	_ =	sdelay $0x2  }
0xfb: {  	v1 =	vadd.f32 v2, v1;
	v2, _, _ =	vpop (xrf1)  }
0xfc: {  	v2 =	vnsel vm0, $0x0, v2;
	_ =	sdelay $0x2  }
0xfd: {  	v1 =	vadd.f32 v2, v1;
	v2, _, _ =	vpop (xrf1)  }
0xfe: {  	v2 =	vnsel vm0, $0x0, v2  }
0xff: {  	s8 =	sadd.s32 $0x1, s8;
	v1 =	vadd.f32 v2, v1  }
0x100: {  	p0 =	sne.s32 s8, s4  }
.Ltmp1:
0x101: {  	[tilespmem:$0x200] =	vst v1;
	(pc) =	sbr.rel @p0 .LBB2_1-.Ltmp1, $4  }
0x102: {  	[hbm4b:s3+s2] =	stream.linear.scatter [tilespmem:s7], [sflag:$0x1], $0x80, $0x38;
	[tilespmem:$0x280] =	vst v63  }
0x103: {  	_ =	swait.ge [sflag:s6], $0x80  }
0x104: {  	[sflag:s6] =	ssyncset.done $0x0  }
0x105: {  	[sflag:s6] =	ssyncadd.s32 $0xFFFFFF80  }
0x106: {  	_ =	sfence.sel $0x180000  }
0x107: {  	[bflag:$0x0] =	sbarrier.arrive $0xFFFF  }
0x108: {  	p0 =	sne.s32 s1, $0x0;
	_ =	strace $0x90000047  }
0x109: {  	s0 =	sadd.s32 @!p0 $0x100000, s0;
	[bflag:$0x2] =	sbarrier.arrive $0xFFFF  }
0x10a: {  	[sflag:s0] =	ssyncadd.tile.s32 @!p0 $0x1;
	_ =	shalt  }
.Lfunc_end2:
_tile_overlayer_lowered:
.L_overlay_start_2:
0x10b: {  	(tag) =	ssettag $0x2  }
0x10c: {  	s0 =	rddreg [dreg:$0x0];
	s2 =	stileid.u32  }
0x10d: {  	s1 =	rddreg [dreg:$0x1];
	p0 =	sne.s32 s2, $0x0  }
0x10e: {  	s3 =	rddreg [dreg:$0x2];
	[bflag:$0x3] =	sbarrier.arrive $0xFFFF;
	s2 =	simm.s32 @!p0 $0x1C01  }
0x10f: {  	[timem:s3], [sflag:s2] =	dma.local @!p0 [hbm:s0], s1  }
0x110: {  	s0 =	simm.s32 @!p0 $0x1  }
0x111: {  	_ =	swait.ge @!p0 [sflag:s0], s1  }
0x112: {  	s1 =	ssub.s32 @!p0 $0x0, s1;
	[sflag:s0] =	ssyncset.done @!p0 $0x0  }
0x113: {  	[sflag:s0] =	ssyncadd.s32 @!p0 s1  }
0x114: {  	[bflag:$0x3] =	sbarrier.arrive $0xFFFF  }
0x115: {  	_ =	shalt  }

</sc_bundles>
